<compile_context>
chip_gen: v7x
topology: tpu7x:2x2x1
jax: 0.10.2.dev20260603
libtpu: 0.0.44.dev20260713+nightly
codegen_flags: <defaults>
</compile_context>

<pallas_src>
import functools

import jax
import jax.numpy as jnp
from jax import lax
from jax.experimental import pallas as pl
from jax.experimental.pallas import tpu as pltpu
from jax.experimental.pallas import tpu_sc as plsc

_MAX_ITERS = 4
_C_HID = 16
_K = 5


def _shift(x, d):
    if d == 0:
        return x
    if d > 0:
        return jnp.pad(x[:, :-d], ((0, 0), (d, 0)))
    return jnp.pad(x[:, -d:], ((0, 0), (0, -d)))


def _ml_correction(res, w1_ref, b1_ref, w2_ref, b2_ref):
    xs = [_shift(res, 2 - k) for k in range(_K)]
    g = [None] * _K
    for c in range(_C_HID):
        h_c = b1_ref[c] + w1_ref[c, 0] * xs[0]
        for k in range(1, _K):
            h_c = h_c + w1_ref[c, k] * xs[k]
        h_c = jnp.maximum(h_c, 0.0)
        for k in range(_K):
            term = w2_ref[c, k] * h_c
            g[k] = term if g[k] is None else g[k] + term
    out = b2_ref[0] + _shift(g[0], 2)
    for k in range(1, _K):
        out = out + _shift(g[k], 2 - k)
    return out


def _solver_kernel(rl_ref, w1_ref, b1_ref, w2_ref, b2_ref, f_ref,
                   pred_ref, *, n, rows):
    f = f_ref[...]
    h2 = (1.0 / (n - 1)) ** 2
    inv_h2 = 1.0 / h2
    inv_diag = h2 / 2.0
    u = jnp.zeros_like(f)
    for it in range(_MAX_ITERS):
        if it == 0:
            residual = f
        else:
            stencil = 2.0 * u - _shift(u, 1) - _shift(u, -1)
            residual = f - stencil * inv_h2

        l0 = rl_ref[it, 0]
        l1 = rl_ref[it, 1]

        u = jax.lax.cond(
            l1 > l0,
            lambda r=residual: u + _ml_correction(r, w1_ref, b1_ref,
                                                  w2_ref, b2_ref),
            lambda r=residual: u + r * inv_diag,
        )
        pred_ref[it] = u


def _sc_scores_kernel(lg_hbm, out_hbm, lg_v, out_v):
    cid = lax.axis_index("c")
    sid = lax.axis_index("s")

    @pl.when(jnp.logical_and(cid == 0, sid == 0))
    def _():
        pltpu.sync_copy(lg_hbm, lg_v)
        for it in range(_MAX_ITERS):
            v = lg_v[it]
            pair = lg_v[it + _MAX_ITERS]
            m = jnp.maximum(v, pair)
            e = jnp.exp(v - m)
            s = e / (e + jnp.exp(pair - m))
            for j in range(16):
                out_v[pl.ds(it * 256 + j * 16, 16)] = s
        pltpu.sync_copy(out_v, out_hbm)


def _sc_scores(router_logits):
    b = 128
    lg = jnp.concatenate(
        [jnp.tile(router_logits, (1, 8)),
         jnp.tile(router_logits[:, ::-1], (1, 8))], axis=0)
    mesh = plsc.VectorSubcoreMesh(core_axis_name="c", subcore_axis_name="s")
    flat = pl.kernel(
        _sc_scores_kernel,
        mesh=mesh,
        out_type=jax.ShapeDtypeStruct((_MAX_ITERS * b * 2,), jnp.float32),
        scratch_types=[
            pltpu.VMEM((2 * _MAX_ITERS, 16), jnp.float32),
            pltpu.VMEM((_MAX_ITERS * b * 2,), jnp.float32),
        ],
    )(lg)
    return flat.reshape(_MAX_ITERS, b, 2)


def kernel(f, W1, b1, W2, b2, router_logits):
    B, N = f.shape
    rows = 16
    grid = (B // rows,)
    w1 = W1.reshape(_C_HID, _K)
    w2 = W2.reshape(_C_HID, _K)

    smem = functools.partial(pl.BlockSpec, memory_space=pltpu.SMEM)
    preds = pl.pallas_call(
        functools.partial(_solver_kernel, n=N, rows=rows),
        grid=grid,
        in_specs=[
            smem(router_logits.shape, lambda i: (0, 0)),
            smem(w1.shape, lambda i: (0, 0)),
            smem(b1.shape, lambda i: (0,)),
            smem(w2.shape, lambda i: (0, 0)),
            smem(b2.shape, lambda i: (0,)),
            pl.BlockSpec((rows, N), lambda i: (i, 0)),
        ],
        out_specs=pl.BlockSpec((_MAX_ITERS, rows, N), lambda i: (0, i, 0)),
        out_shape=jax.ShapeDtypeStruct((_MAX_ITERS, B, N), f.dtype),
        compiler_params=pltpu.CompilerParams(
            dimension_semantics=("parallel",)),
    )(router_logits, w1, b1, w2, b2, f)
    scores = _sc_scores(router_logits)
    return preds, scores

# --- scband reference (transcript-rebuilt; emitter-appended) ---
"""Pipeline reference for scband-hybrid-solver-89189290869206 (READ-ONLY COPY).

The authoritative reference and input builder live on the scoring server;
editing this copy changes nothing except your own understanding.
"""

import jax, jax.numpy as jnp
import numpy as np

MAX_ITERS = 4


def conv1d(x, W, b):
    # x: [B, C_in, N], W: [C_out, C_in, K]
    out = jax.lax.conv_general_dilated(
        x, W, window_strides=(1,), padding='SAME',
        dimension_numbers=('NCH', 'OIH', 'NCH'))
    return out + b[None, :, None]


def setup_inputs(seed: int = 0) -> dict:
    key = jax.random.key(seed)
    k1, k2, k3, k4 = jax.random.split(key, 4)
    B, N = 128, 8192
    f = jax.random.normal(k1, (B, N), dtype=jnp.float32)
    W1 = jax.random.normal(k2, (16, 1, 5), dtype=jnp.float32) * 0.1
    b1 = jnp.zeros((16,), dtype=jnp.float32)
    W2 = jax.random.normal(k3, (1, 16, 5), dtype=jnp.float32) * 0.1
    b2 = jnp.zeros((1,), dtype=jnp.float32)
    router_logits = jax.random.normal(k4, (MAX_ITERS, 2), dtype=jnp.float32)
    return {"f": f, "W1": W1, "b1": b1, "W2": W2, "b2": b2,
            "router_logits": router_logits}


def _apply_A(u, h2):
    # 1D Poisson operator -u'' with Dirichlet (u=0 outside), tridiagonal A
    left = jnp.pad(u[:, :-1], ((0, 0), (1, 0)))
    right = jnp.pad(u[:, 1:], ((0, 0), (0, 1)))
    return (2.0 * u - left - right) / h2


def _ml_solver(res, W1, b1, W2, b2):
    x = res[:, None, :]
    h = jax.nn.relu(conv1d(x, W1, b1))
    out = conv1d(h, W2, b2)
    return out[:, 0, :]


def reference(f, W1, b1, W2, b2, router_logits):
    B, N = f.shape
    h = 1.0 / (N - 1)
    h2 = h * h
    diag = 2.0 / h2
    u = jnp.zeros_like(f)  # u0
    preds = []
    scores_list = []
    for it in range(MAX_ITERS):
        # residual computed from detached u (original uses .detach().numpy())
        u_det = jax.lax.stop_gradient(u)
        residual = f - _apply_A(u_det, h2)
        # HINTS router: per-iteration scores over the 2 solvers
        scores = jax.nn.softmax(router_logits[it])
        choice = jnp.argmax(scores)
        # expert 1: ML solver -> u + correction(residual)
        ml_pred = u + _ml_solver(residual, W1, b1, W2, b2)
        # expert 0: numerical Jacobi iteration (runs in numpy -> detached)
        num_pred = jax.lax.stop_gradient(u_det + residual / diag)
        u = jnp.where(choice == 1, ml_pred, num_pred)
        preds.append(u)
        scores_list.append(jnp.broadcast_to(scores[None, :], (B, 2)))
    predictions = jnp.stack(preds, axis=0)          # [max_iters, B, N]
    routing_scores = jnp.stack(scores_list, axis=0)  # [max_iters, B, 2]
    return predictions, routing_scores

if __name__ == "__main__":
    import jax
    _d = setup_inputs()
    print(jax.jit(kernel)(*tuple(_d.values())))

</pallas_src>

<mosaic_0001>
#map = affine_map<(d0, d1) -> (0, 0)>
#map1 = affine_map<(d0, d1) -> (0)>
module attributes {stable_mosaic.version = 14 : i64} {
  func.func @_sc_scores_kernel(%arg0: i32, %arg1: i32, %arg2: memref<8x16xf32, #tpu.memory_space<hbm>>, %arg3: memref<1024xf32, #tpu.memory_space<hbm>>, %arg4: memref<8x16xf32, #tpu.memory_space<vmem>>, %arg5: memref<1024xf32, #tpu.memory_space<vmem>>) attributes {dimension_semantics = [#tpu.dimension_semantics<core_parallel>, #tpu.dimension_semantics<subcore_parallel>], iteration_bounds = array<i64: 2, 16>, scalar_prefetch = 0 : i64, scratch_operands = 2 : i64, tpu.core_type = #tpu.core_type<sc_vector_subcore>, window_params = [{transform_indices = #map}, {transform_indices = #map1}]} {
    %eq3A = arith.constant 0 : i32
    %eq3A_0 = arith.cmpi eq, %arg0, %eq3A : i32
    %eq3A_1 = arith.constant 0 : i32
    %eq3A_2 = arith.cmpi eq, %arg1, %eq3A_1 : i32
    %and3A = arith.andi %eq3A_0, %eq3A_2 : i1
    %convert_element_type3A = arith.extui %and3A : i1 to i32
    %cond3A = arith.constant 0 : i32
    %cond3A_3 = arith.cmpi ne, %convert_element_type3A, %cond3A : i32
    scf.if %cond3A_3 {
      "tpu.region"() ({
        %run_scoped3A = tpu.sem_alloc : memref<!tpu.dma_semaphore, #tpu.memory_space<semaphore_mem>>
        tpu.enqueue_dma source(%arg2 : memref<8x16xf32, #tpu.memory_space<hbm>>) target(%arg4 : memref<8x16xf32, #tpu.memory_space<vmem>>) target_semaphore(%run_scoped3A : memref<!tpu.dma_semaphore, #tpu.memory_space<semaphore_mem>>)
        tpu.wait_dma2 semaphore(%run_scoped3A : memref<!tpu.dma_semaphore, #tpu.memory_space<semaphore_mem>>) src(%arg2 : memref<8x16xf32, #tpu.memory_space<hbm>>) dst(%arg4 : memref<8x16xf32, #tpu.memory_space<vmem>>)
        tpu.yield
      }) : () -> ()
      %get3A = arith.constant 0 : i32
      %get3A_4 = arith.index_cast %get3A : i32 to index
      %get3A_5 = arith.constant 0 : index
      %get3A_6 = tpu.vector_load %arg4[%get3A_4, %get3A_5] {strides = array<i32>} : memref<8x16xf32, #tpu.memory_space<vmem>>, vector<1x16xf32>,
      %get3A_7 = vector.shape_cast %get3A_6 : vector<1x16xf32> to vector<16xf32>
      %get3A_8 = arith.constant 4 : i32
      %get3A_9 = arith.index_cast %get3A_8 : i32 to index
      %get3A_10 = arith.constant 0 : index
      %get3A_11 = tpu.vector_load %arg4[%get3A_9, %get3A_10] {strides = array<i32>} : memref<8x16xf32, #tpu.memory_space<vmem>>, vector<1x16xf32>,
      %get3A_12 = vector.shape_cast %get3A_11 : vector<1x16xf32> to vector<16xf32>
      %max3A = arith.maximumf %get3A_7, %get3A_12 : vector<16xf32>
      %sub3A = arith.subf %get3A_7, %max3A : vector<16xf32>
      %exp3A = math.exp %sub3A : vector<16xf32>
      %sub3A_13 = arith.subf %get3A_12, %max3A : vector<16xf32>
      %exp3A_14 = math.exp %sub3A_13 : vector<16xf32>
      %add3A = arith.addf %exp3A, %exp3A_14 : vector<16xf32>
      %div3A = arith.divf %exp3A, %add3A : vector<16xf32>
      %swap3A = arith.constant 0 : index
      %swap3A_15 = tpu.vector_load %arg5[%swap3A] {strides = array<i32>} : memref<1024xf32, #tpu.memory_space<vmem>>, vector<16xf32>,
      %swap3A_16 = vector.shape_cast %swap3A_15 : vector<16xf32> to vector<16xf32>
      %swap3A_17 = vector.shape_cast %div3A : vector<16xf32> to vector<16xf32>
      tpu.vector_store %arg5[%swap3A], %swap3A_17 {strides = array<i32>} : memref<1024xf32, #tpu.memory_space<vmem>>, vector<16xf32>,
      %swap3A_18 = arith.constant 16 : index
      %swap3A_19 = tpu.vector_load %arg5[%swap3A_18] {strides = array<i32>} : memref<1024xf32, #tpu.memory_space<vmem>>, vector<16xf32>,
      %swap3A_20 = vector.shape_cast %swap3A_19 : vector<16xf32> to vector<16xf32>
      %swap3A_21 = vector.shape_cast %div3A : vector<16xf32> to vector<16xf32>
      tpu.vector_store %arg5[%swap3A_18], %swap3A_21 {strides = array<i32>} : memref<1024xf32, #tpu.memory_space<vmem>>, vector<16xf32>,
      %swap3A_22 = arith.constant 32 : index
      %swap3A_23 = tpu.vector_load %arg5[%swap3A_22] {strides = array<i32>} : memref<1024xf32, #tpu.memory_space<vmem>>, vector<16xf32>,
      %swap3A_24 = vector.shape_cast %swap3A_23 : vector<16xf32> to vector<16xf32>
      %swap3A_25 = vector.shape_cast %div3A : vector<16xf32> to vector<16xf32>
      tpu.vector_store %arg5[%swap3A_22], %swap3A_25 {strides = array<i32>} : memref<1024xf32, #tpu.memory_space<vmem>>, vector<16xf32>,
      %swap3A_26 = arith.constant 48 : index
      %swap3A_27 = tpu.vector_load %arg5[%swap3A_26] {strides = array<i32>} : memref<1024xf32, #tpu.memory_space<vmem>>, vector<16xf32>,
      %swap3A_28 = vector.shape_cast %swap3A_27 : vector<16xf32> to vector<16xf32>
      %swap3A_29 = vector.shape_cast %div3A : vector<16xf32> to vector<16xf32>
      tpu.vector_store %arg5[%swap3A_26], %swap3A_29 {strides = array<i32>} : memref<1024xf32, #tpu.memory_space<vmem>>, vector<16xf32>,
      %swap3A_30 = arith.constant 64 : index
      %swap3A_31 = tpu.vector_load %arg5[%swap3A_30] {strides = array<i32>} : memref<1024xf32, #tpu.memory_space<vmem>>, vector<16xf32>,
      %swap3A_32 = vector.shape_cast %swap3A_31 : vector<16xf32> to vector<16xf32>
      %swap3A_33 = vector.shape_cast %div3A : vector<16xf32> to vector<16xf32>
      tpu.vector_store %arg5[%swap3A_30], %swap3A_33 {strides = array<i32>} : memref<1024xf32, #tpu.memory_space<vmem>>, vector<16xf32>,
      %swap3A_34 = arith.constant 80 : index
      %swap3A_35 = tpu.vector_load %arg5[%swap3A_34] {strides = array<i32>} : memref<1024xf32, #tpu.memory_space<vmem>>, vector<16xf32>,
      %swap3A_36 = vector.shape_cast %swap3A_35 : vector<16xf32> to vector<16xf32>
      %swap3A_37 = vector.shape_cast %div3A : vector<16xf32> to vector<16xf32>
      tpu.vector_store %arg5[%swap3A_34], %swap3A_37 {strides = array<i32>} : memref<1024xf32, #tpu.memory_space<vmem>>, vector<16xf32>,
      %swap3A_38 = arith.constant 96 : index
      %swap3A_39 = tpu.vector_load %arg5[%swap3A_38] {strides = array<i32>} : memref<1024xf32, #tpu.memory_space<vmem>>, vector<16xf32>,
      %swap3A_40 = vector.shape_cast %swap3A_39 : vector<16xf32> to vector<16xf32>
      %swap3A_41 = vector.shape_cast %div3A : vector<16xf32> to vector<16xf32>
      tpu.vector_store %arg5[%swap3A_38], %swap3A_41 {strides = array<i32>} : memref<1024xf32, #tpu.memory_space<vmem>>, vector<16xf32>,
      %swap3A_42 = arith.constant 112 : index
      %swap3A_43 = tpu.vector_load %arg5[%swap3A_42] {strides = array<i32>} : memref<1024xf32, #tpu.memory_space<vmem>>, vector<16xf32>,
      %swap3A_44 = vector.shape_cast %swap3A_43 : vector<16xf32> to vector<16xf32>
      %swap3A_45 = vector.shape_cast %div3A : vector<16xf32> to vector<16xf32>
      tpu.vector_store %arg5[%swap3A_42], %swap3A_45 {strides = array<i32>} : memref<1024xf32, #tpu.memory_space<vmem>>, vector<16xf32>,
      %swap3A_46 = arith.constant 128 : index
      %swap3A_47 = tpu.vector_load %arg5[%swap3A_46] {strides = array<i32>} : memref<1024xf32, #tpu.memory_space<vmem>>, vector<16xf32>,
      %swap3A_48 = vector.shape_cast %swap3A_47 : vector<16xf32> to vector<16xf32>
      %swap3A_49 = vector.shape_cast %div3A : vector<16xf32> to vector<16xf32>
      tpu.vector_store %arg5[%swap3A_46], %swap3A_49 {strides = array<i32>} : memref<1024xf32, #tpu.memory_space<vmem>>, vector<16xf32>,
      %swap3A_50 = arith.constant 144 : index
      %swap3A_51 = tpu.vector_load %arg5[%swap3A_50] {strides = array<i32>} : memref<1024xf32, #tpu.memory_space<vmem>>, vector<16xf32>,
      %swap3A_52 = vector.shape_cast %swap3A_51 : vector<16xf32> to vector<16xf32>
      %swap3A_53 = vector.shape_cast %div3A : vector<16xf32> to vector<16xf32>
      tpu.vector_store %arg5[%swap3A_50], %swap3A_53 {strides = array<i32>} : memref<1024xf32, #tpu.memory_space<vmem>>, vector<16xf32>,
      %swap3A_54 = arith.constant 160 : index
      %swap3A_55 = tpu.vector_load %arg5[%swap3A_54] {strides = array<i32>} : memref<1024xf32, #tpu.memory_space<vmem>>, vector<16xf32>,
      %swap3A_56 = vector.shape_cast %swap3A_55 : vector<16xf32> to vector<16xf32>
      %swap3A_57 = vector.shape_cast %div3A : vector<16xf32> to vector<16xf32>
      tpu.vector_store %arg5[%swap3A_54], %swap3A_57 {strides = array<i32>} : memref<1024xf32, #tpu.memory_space<vmem>>, vector<16xf32>,
      %swap3A_58 = arith.constant 176 : index
      %swap3A_59 = tpu.vector_load %arg5[%swap3A_58] {strides = array<i32>} : memref<1024xf32, #tpu.memory_space<vmem>>, vector<16xf32>,
      %swap3A_60 = vector.shape_cast %swap3A_59 : vector<16xf32> to vector<16xf32>
      %swap3A_61 = vector.shape_cast %div3A : vector<16xf32> to vector<16xf32>
      tpu.vector_store %arg5[%swap3A_58], %swap3A_61 {strides = array<i32>} : memref<1024xf32, #tpu.memory_space<vmem>>, vector<16xf32>,
      %swap3A_62 = arith.constant 192 : index
      %swap3A_63 = tpu.vector_load %arg5[%swap3A_62] {strides = array<i32>} : memref<1024xf32, #tpu.memory_space<vmem>>, vector<16xf32>,
      %swap3A_64 = vector.shape_cast %swap3A_63 : vector<16xf32> to vector<16xf32>
      %swap3A_65 = vector.shape_cast %div3A : vector<16xf32> to vector<16xf32>
      tpu.vector_store %arg5[%swap3A_62], %swap3A_65 {strides = array<i32>} : memref<1024xf32, #tpu.memory_space<vmem>>, vector<16xf32>,
      %swap3A_66 = arith.constant 208 : index
      %swap3A_67 = tpu.vector_load %arg5[%swap3A_66] {strides = array<i32>} : memref<1024xf32, #tpu.memory_space<vmem>>, vector<16xf32>,
      %swap3A_68 = vector.shape_cast %swap3A_67 : vector<16xf32> to vector<16xf32>
      %swap3A_69 = vector.shape_cast %div3A : vector<16xf32> to vector<16xf32>
      tpu.vector_store %arg5[%swap3A_66], %swap3A_69 {strides = array<i32>} : memref<1024xf32, #tpu.memory_space<vmem>>, vector<16xf32>,
      %swap3A_70 = arith.constant 224 : index
      %swap3A_71 = tpu.vector_load %arg5[%swap3A_70] {strides = array<i32>} : memref<1024xf32, #tpu.memory_space<vmem>>, vector<16xf32>,
      %swap3A_72 = vector.shape_cast %swap3A_71 : vector<16xf32> to vector<16xf32>
      %swap3A_73 = vector.shape_cast %div3A : vector<16xf32> to vector<16xf32>
      tpu.vector_store %arg5[%swap3A_70], %swap3A_73 {strides = array<i32>} : memref<1024xf32, #tpu.memory_space<vmem>>, vector<16xf32>,
      %swap3A_74 = arith.constant 240 : index
      %swap3A_75 = tpu.vector_load %arg5[%swap3A_74] {strides = array<i32>} : memref<1024xf32, #tpu.memory_space<vmem>>, vector<16xf32>,
      %swap3A_76 = vector.shape_cast %swap3A_75 : vector<16xf32> to vector<16xf32>
      %swap3A_77 = vector.shape_cast %div3A : vector<16xf32> to vector<16xf32>
      tpu.vector_store %arg5[%swap3A_74], %swap3A_77 {strides = array<i32>} : memref<1024xf32, #tpu.memory_space<vmem>>, vector<16xf32>,
      %get3A_78 = arith.constant 1 : i32
      %get3A_79 = arith.index_cast %get3A_78 : i32 to index
      %get3A_80 = arith.constant 0 : index
      %get3A_81 = tpu.vector_load %arg4[%get3A_79, %get3A_80] {strides = array<i32>} : memref<8x16xf32, #tpu.memory_space<vmem>>, vector<1x16xf32>,
      %get3A_82 = vector.shape_cast %get3A_81 : vector<1x16xf32> to vector<16xf32>
      %get3A_83 = arith.constant 5 : i32
      %get3A_84 = arith.index_cast %get3A_83 : i32 to index
      %get3A_85 = arith.constant 0 : index
      %get3A_86 = tpu.vector_load %arg4[%get3A_84, %get3A_85] {strides = array<i32>} : memref<8x16xf32, #tpu.memory_space<vmem>>, vector<1x16xf32>,
      %get3A_87 = vector.shape_cast %get3A_86 : vector<1x16xf32> to vector<16xf32>
      %max3A_88 = arith.maximumf %get3A_82, %get3A_87 : vector<16xf32>
      %sub3A_89 = arith.subf %get3A_82, %max3A_88 : vector<16xf32>
      %exp3A_90 = math.exp %sub3A_89 : vector<16xf32>
      %sub3A_91 = arith.subf %get3A_87, %max3A_88 : vector<16xf32>
      %exp3A_92 = math.exp %sub3A_91 : vector<16xf32>
      %add3A_93 = arith.addf %exp3A_90, %exp3A_92 : vector<16xf32>
      %div3A_94 = arith.divf %exp3A_90, %add3A_93 : vector<16xf32>
      %swap3A_95 = arith.constant 256 : index
      %swap3A_96 = tpu.vector_load %arg5[%swap3A_95] {strides = array<i32>} : memref<1024xf32, #tpu.memory_space<vmem>>, vector<16xf32>,
      %swap3A_97 = vector.shape_cast %swap3A_96 : vector<16xf32> to vector<16xf32>
      %swap3A_98 = vector.shape_cast %div3A_94 : vector<16xf32> to vector<16xf32>
      tpu.vector_store %arg5[%swap3A_95], %swap3A_98 {strides = array<i32>} : memref<1024xf32, #tpu.memory_space<vmem>>, vector<16xf32>,
      %swap3A_99 = arith.constant 272 : index
      %swap3A_100 = tpu.vector_load %arg5[%swap3A_99] {strides = array<i32>} : memref<1024xf32, #tpu.memory_space<vmem>>, vector<16xf32>,
      %swap3A_101 = vector.shape_cast %swap3A_100 : vector<16xf32> to vector<16xf32>
      %swap3A_102 = vector.shape_cast %div3A_94 : vector<16xf32> to vector<16xf32>
      tpu.vector_store %arg5[%swap3A_99], %swap3A_102 {strides = array<i32>} : memref<1024xf32, #tpu.memory_space<vmem>>, vector<16xf32>,
      %swap3A_103 = arith.constant 288 : index
      %swap3A_104 = tpu.vector_load %arg5[%swap3A_103] {strides = array<i32>} : memref<1024xf32, #tpu.memory_space<vmem>>, vector<16xf32>,
      %swap3A_105 = vector.shape_cast %swap3A_104 : vector<16xf32> to vector<16xf32>
      %swap3A_106 = vector.shape_cast %div3A_94 : vector<16xf32> to vector<16xf32>
      tpu.vector_store %arg5[%swap3A_103], %swap3A_106 {strides = array<i32>} : memref<1024xf32, #tpu.memory_space<vmem>>, vector<16xf32>,
      %swap3A_107 = arith.constant 304 : index
      %swap3A_108 = tpu.vector_load %arg5[%swap3A_107] {strides = array<i32>} : memref<1024xf32, #tpu.memory_space<vmem>>, vector<16xf32>,
      %swap3A_109 = vector.shape_cast %swap3A_108 : vector<16xf32> to vector<16xf32>
      %swap3A_110 = vector.shape_cast %div3A_94 : vector<16xf32> to vector<16xf32>
      tpu.vector_store %arg5[%swap3A_107], %swap3A_110 {strides = array<i32>} : memref<1024xf32, #tpu.memory_space<vmem>>, vector<16xf32>,
      %swap3A_111 = arith.constant 320 : index
      %swap3A_112 = tpu.vector_load %arg5[%swap3A_111] {strides = array<i32>} : memref<1024xf32, #tpu.memory_space<vmem>>, vector<16xf32>,
      %swap3A_113 = vector.shape_cast %swap3A_112 : vector<16xf32> to vector<16xf32>
      %swap3A_114 = vector.shape_cast %div3A_94 : vector<16xf32> to vector<16xf32>
      tpu.vector_store %arg5[%swap3A_111], %swap3A_114 {strides = array<i32>} : memref<1024xf32, #tpu.memory_space<vmem>>, vector<16xf32>,
      %swap3A_115 = arith.constant 336 : index
      %swap3A_116 = tpu.vector_load %arg5[%swap3A_115] {strides = array<i32>} : memref<1024xf32, #tpu.memory_space<vmem>>, vector<16xf32>,
      %swap3A_117 = vector.shape_cast %swap3A_116 : vector<16xf32> to vector<16xf32>
      %swap3A_118 = vector.shape_cast %div3A_94 : vector<16xf32> to vector<16xf32>
      tpu.vector_store %arg5[%swap3A_115], %swap3A_118 {strides = array<i32>} : memref<1024xf32, #tpu.memory_space<vmem>>, vector<16xf32>,
      %swap3A_119 = arith.constant 352 : index
      %swap3A_120 = tpu.vector_load %arg5[%swap3A_119] {strides = array<i32>} : memref<1024xf32, #tpu.memory_space<vmem>>, vector<16xf32>,
      %swap3A_121 = vector.shape_cast %swap3A_120 : vector<16xf32> to vector<16xf32>
      %swap3A_122 = vector.shape_cast %div3A_94 : vector<16xf32> to vector<16xf32>
      tpu.vector_store %arg5[%swap3A_119], %swap3A_122 {strides = array<i32>} : memref<1024xf32, #tpu.memory_space<vmem>>, vector<16xf32>,
      %swap3A_123 = arith.constant 368 : index
      %swap3A_124 = tpu.vector_load %arg5[%swap3A_123] {strides = array<i32>} : memref<1024xf32, #tpu.memory_space<vmem>>, vector<16xf32>,
      %swap3A_125 = vector.shape_cast %swap3A_124 : vector<16xf32> to vector<16xf32>
      %swap3A_126 = vector.shape_cast %div3A_94 : vector<16xf32> to vector<16xf32>
      tpu.vector_store %arg5[%swap3A_123], %swap3A_126 {strides = array<i32>} : memref<1024xf32, #tpu.memory_space<vmem>>, vector<16xf32>,
      %swap3A_127 = arith.constant 384 : index
      %swap3A_128 = tpu.vector_load %arg5[%swap3A_127] {strides = array<i32>} : memref<1024xf32, #tpu.memory_space<vmem>>, vector<16xf32>,
      %swap3A_129 = vector.shape_cast %swap3A_128 : vector<16xf32> to vector<16xf32>
      %swap3A_130 = vector.shape_cast %div3A_94 : vector<16xf32> to vector<16xf32>
      tpu.vector_store %arg5[%swap3A_127], %swap3A_130 {strides = array<i32>} : memref<1024xf32, #tpu.memory_space<vmem>>, vector<16xf32>,
      %swap3A_131 = arith.constant 400 : index
      %swap3A_132 = tpu.vector_load %arg5[%swap3A_131] {strides = array<i32>} : memref<1024xf32, #tpu.memory_space<vmem>>, vector<16xf32>,
      %swap3A_133 = vector.shape_cast %swap3A_132 : vector<16xf32> to vector<16xf32>
      %swap3A_134 = vector.shape_cast %div3A_94 : vector<16xf32> to vector<16xf32>
      tpu.vector_store %arg5[%swap3A_131], %swap3A_134 {strides = array<i32>} : memref<1024xf32, #tpu.memory_space<vmem>>, vector<16xf32>,
      %swap3A_135 = arith.constant 416 : index
      %swap3A_136 = tpu.vector_load %arg5[%swap3A_135] {strides = array<i32>} : memref<1024xf32, #tpu.memory_space<vmem>>, vector<16xf32>,
      %swap3A_137 = vector.shape_cast %swap3A_136 : vector<16xf32> to vector<16xf32>
      %swap3A_138 = vector.shape_cast %div3A_94 : vector<16xf32> to vector<16xf32>
      tpu.vector_store %arg5[%swap3A_135], %swap3A_138 {strides = array<i32>} : memref<1024xf32, #tpu.memory_space<vmem>>, vector<16xf32>,
      %swap3A_139 = arith.constant 432 : index
      %swap3A_140 = tpu.vector_load %arg5[%swap3A_139] {strides = array<i32>} : memref<1024xf32, #tpu.memory_space<vmem>>, vector<16xf32>,
      %swap3A_141 = vector.shape_cast %swap3A_140 : vector<16xf32> to vector<16xf32>
      %swap3A_142 = vector.shape_cast %div3A_94 : vector<16xf32> to vector<16xf32>
      tpu.vector_store %arg5[%swap3A_139], %swap3A_142 {strides = array<i32>} : memref<1024xf32, #tpu.memory_space<vmem>>, vector<16xf32>,
      %swap3A_143 = arith.constant 448 : index
      %swap3A_144 = tpu.vector_load %arg5[%swap3A_143] {strides = array<i32>} : memref<1024xf32, #tpu.memory_space<vmem>>, vector<16xf32>,
      %swap3A_145 = vector.shape_cast %swap3A_144 : vector<16xf32> to vector<16xf32>
      %swap3A_146 = vector.shape_cast %div3A_94 : vector<16xf32> to vector<16xf32>
      tpu.vector_store %arg5[%swap3A_143], %swap3A_146 {strides = array<i32>} : memref<1024xf32, #tpu.memory_space<vmem>>, vector<16xf32>,
      %swap3A_147 = arith.constant 464 : index
      %swap3A_148 = tpu.vector_load %arg5[%swap3A_147] {strides = array<i32>} : memref<1024xf32, #tpu.memory_space<vmem>>, vector<16xf32>,
      %swap3A_149 = vector.shape_cast %swap3A_148 : vector<16xf32> to vector<16xf32>
      %swap3A_150 = vector.shape_cast %div3A_94 : vector<16xf32> to vector<16xf32>
      tpu.vector_store %arg5[%swap3A_147], %swap3A_150 {strides = array<i32>} : memref<1024xf32, #tpu.memory_space<vmem>>, vector<16xf32>,
      %swap3A_151 = arith.constant 480 : index
      %swap3A_152 = tpu.vector_load %arg5[%swap3A_151] {strides = array<i32>} : memref<1024xf32, #tpu.memory_space<vmem>>, vector<16xf32>,
      %swap3A_153 = vector.shape_cast %swap3A_152 : vector<16xf32> to vector<16xf32>
      %swap3A_154 = vector.shape_cast %div3A_94 : vector<16xf32> to vector<16xf32>
      tpu.vector_store %arg5[%swap3A_151], %swap3A_154 {strides = array<i32>} : memref<1024xf32, #tpu.memory_space<vmem>>, vector<16xf32>,
      %swap3A_155 = arith.constant 496 : index
      %swap3A_156 = tpu.vector_load %arg5[%swap3A_155] {strides = array<i32>} : memref<1024xf32, #tpu.memory_space<vmem>>, vector<16xf32>,
      %swap3A_157 = vector.shape_cast %swap3A_156 : vector<16xf32> to vector<16xf32>
      %swap3A_158 = vector.shape_cast %div3A_94 : vector<16xf32> to vector<16xf32>
      tpu.vector_store %arg5[%swap3A_155], %swap3A_158 {strides = array<i32>} : memref<1024xf32, #tpu.memory_space<vmem>>, vector<16xf32>,
      %get3A_159 = arith.constant 2 : i32
      %get3A_160 = arith.index_cast %get3A_159 : i32 to index
      %get3A_161 = arith.constant 0 : index
      %get3A_162 = tpu.vector_load %arg4[%get3A_160, %get3A_161] {strides = array<i32>} : memref<8x16xf32, #tpu.memory_space<vmem>>, vector<1x16xf32>,
      %get3A_163 = vector.shape_cast %get3A_162 : vector<1x16xf32> to vector<16xf32>
      %get3A_164 = arith.constant 6 : i32
      %get3A_165 = arith.index_cast %get3A_164 : i32 to index
      %get3A_166 = arith.constant 0 : index
      %get3A_167 = tpu.vector_load %arg4[%get3A_165, %get3A_166] {strides = array<i32>} : memref<8x16xf32, #tpu.memory_space<vmem>>, vector<1x16xf32>,
      %get3A_168 = vector.shape_cast %get3A_167 : vector<1x16xf32> to vector<16xf32>
      %max3A_169 = arith.maximumf %get3A_163, %get3A_168 : vector<16xf32>
      %sub3A_170 = arith.subf %get3A_163, %max3A_169 : vector<16xf32>
      %exp3A_171 = math.exp %sub3A_170 : vector<16xf32>
      %sub3A_172 = arith.subf %get3A_168, %max3A_169 : vector<16xf32>
      %exp3A_173 = math.exp %sub3A_172 : vector<16xf32>
      %add3A_174 = arith.addf %exp3A_171, %exp3A_173 : vector<16xf32>
      %div3A_175 = arith.divf %exp3A_171, %add3A_174 : vector<16xf32>
      %swap3A_176 = arith.constant 512 : index
      %swap3A_177 = tpu.vector_load %arg5[%swap3A_176] {strides = array<i32>} : memref<1024xf32, #tpu.memory_space<vmem>>, vector<16xf32>,
      %swap3A_178 = vector.shape_cast %swap3A_177 : vector<16xf32> to vector<16xf32>
      %swap3A_179 = vector.shape_cast %div3A_175 : vector<16xf32> to vector<16xf32>
      tpu.vector_store %arg5[%swap3A_176], %swap3A_179 {strides = array<i32>} : memref<1024xf32, #tpu.memory_space<vmem>>, vector<16xf32>,
      %swap3A_180 = arith.constant 528 : index
      %swap3A_181 = tpu.vector_load %arg5[%swap3A_180] {strides = array<i32>} : memref<1024xf32, #tpu.memory_space<vmem>>, vector<16xf32>,
      %swap3A_182 = vector.shape_cast %swap3A_181 : vector<16xf32> to vector<16xf32>
      %swap3A_183 = vector.shape_cast %div3A_175 : vector<16xf32> to vector<16xf32>
      tpu.vector_store %arg5[%swap3A_180], %swap3A_183 {strides = array<i32>} : memref<1024xf32, #tpu.memory_space<vmem>>, vector<16xf32>,
      %swap3A_184 = arith.constant 544 : index
      %swap3A_185 = tpu.vector_load %arg5[%swap3A_184] {strides = array<i32>} : memref<1024xf32, #tpu.memory_space<vmem>>, vector<16xf32>,
      %swap3A_186 = vector.shape_cast %swap3A_185 : vector<16xf32> to vector<16xf32>
      %swap3A_187 = vector.shape_cast %div3A_175 : vector<16xf32> to vector<16xf32>
      tpu.vector_store %arg5[%swap3A_184], %swap3A_187 {strides = array<i32>} : memref<1024xf32, #tpu.memory_space<vmem>>, vector<16xf32>,
      %swap3A_188 = arith.constant 560 : index
      %swap3A_189 = tpu.vector_load %arg5[%swap3A_188] {strides = array<i32>} : memref<1024xf32, #tpu.memory_space<vmem>>, vector<16xf32>,
      %swap3A_190 = vector.shape_cast %swap3A_189 : vector<16xf32> to vector<16xf32>
      %swap3A_191 = vector.shape_cast %div3A_175 : vector<16xf32> to vector<16xf32>
      tpu.vector_store %arg5[%swap3A_188], %swap3A_191 {strides = array<i32>} : memref<1024xf32, #tpu.memory_space<vmem>>, vector<16xf32>,
      %swap3A_192 = arith.constant 576 : index
      %swap3A_193 = tpu.vector_load %arg5[%swap3A_192] {strides = array<i32>} : memref<1024xf32, #tpu.memory_space<vmem>>, vector<16xf32>,
      %swap3A_194 = vector.shape_cast %swap3A_193 : vector<16xf32> to vector<16xf32>
      %swap3A_195 = vector.shape_cast %div3A_175 : vector<16xf32> to vector<16xf32>
      tpu.vector_store %arg5[%swap3A_192], %swap3A_195 {strides = array<i32>} : memref<1024xf32, #tpu.memory_space<vmem>>, vector<16xf32>,
      %swap3A_196 = arith.constant 592 : index
      %swap3A_197 = tpu.vector_load %arg5[%swap3A_196] {strides = array<i32>} : memref<1024xf32, #tpu.memory_space<vmem>>, vector<16xf32>,
      %swap3A_198 = vector.shape_cast %swap3A_197 : vector<16xf32> to vector<16xf32>
      %swap3A_199 = vector.shape_cast %div3A_175 : vector<16xf32> to vector<16xf32>
      tpu.vector_store %arg5[%swap3A_196], %swap3A_199 {strides = array<i32>} : memref<1024xf32, #tpu.memory_space<vmem>>, vector<16xf32>,
      %swap3A_200 = arith.constant 608 : index
      %swap3A_201 = tpu.vector_load %arg5[%swap3A_200] {strides = array<i32>} : memref<1024xf32, #tpu.memory_space<vmem>>, vector<16xf32>,
      %swap3A_202 = vector.shape_cast %swap3A_201 : vector<16xf32> to vector<16xf32>
      %swap3A_203 = vector.shape_cast %div3A_175 : vector<16xf32> to vector<16xf32>
      tpu.vector_store %arg5[%swap3A_200], %swap3A_203 {strides = array<i32>} : memref<1024xf32, #tpu.memory_space<vmem>>, vector<16xf32>,
      %swap3A_204 = arith.constant 624 : index
      %swap3A_205 = tpu.vector_load %arg5[%swap3A_204] {strides = array<i32>} : memref<1024xf32, #tpu.memory_space<vmem>>, vector<16xf32>,
      %swap3A_206 = vector.shape_cast %swap3A_205 : vector<16xf32> to vector<16xf32>
      %swap3A_207 = vector.shape_cast %div3A_175 : vector<16xf32> to vector<16xf32>
      tpu.vector_store %arg5[%swap3A_204], %swap3A_207 {strides = array<i32>} : memref<1024xf32, #tpu.memory_space<vmem>>, vector<16xf32>,
      %swap3A_208 = arith.constant 640 : index
      %swap3A_209 = tpu.vector_load %arg5[%swap3A_208] {strides = array<i32>} : memref<1024xf32, #tpu.memory_space<vmem>>, vector<16xf32>,
      %swap3A_210 = vector.shape_cast %swap3A_209 : vector<16xf32> to vector<16xf32>
      %swap3A_211 = vector.shape_cast %div3A_175 : vector<16xf32> to vector<16xf32>
      tpu.vector_store %arg5[%swap3A_208], %swap3A_211 {strides = array<i32>} : memref<1024xf32, #tpu.memory_space<vmem>>, vector<16xf32>,
      %swap3A_212 = arith.constant 656 : index
      %swap3A_213 = tpu.vector_load %arg5[%swap3A_212] {strides = array<i32>} : memref<1024xf32, #tpu.memory_space<vmem>>, vector<16xf32>,
      %swap3A_214 = vector.shape_cast %swap3A_213 : vector<16xf32> to vector<16xf32>
      %swap3A_215 = vector.shape_cast %div3A_175 : vector<16xf32> to vector<16xf32>
      tpu.vector_store %arg5[%swap3A_212], %swap3A_215 {strides = array<i32>} : memref<1024xf32, #tpu.memory_space<vmem>>, vector<16xf32>,
      %swap3A_216 = arith.constant 672 : index
      %swap3A_217 = tpu.vector_load %arg5[%swap3A_216] {strides = array<i32>} : memref<1024xf32, #tpu.memory_space<vmem>>, vector<16xf32>,
      %swap3A_218 = vector.shape_cast %swap3A_217 : vector<16xf32> to vector<16xf32>
      %swap3A_219 = vector.shape_cast %div3A_175 : vector<16xf32> to vector<16xf32>
      tpu.vector_store %arg5[%swap3A_216], %swap3A_219 {strides = array<i32>} : memref<1024xf32, #tpu.memory_space<vmem>>, vector<16xf32>,
      %swap3A_220 = arith.constant 688 : index
      %swap3A_221 = tpu.vector_load %arg5[%swap3A_220] {strides = array<i32>} : memref<1024xf32, #tpu.memory_space<vmem>>, vector<16xf32>,
      %swap3A_222 = vector.shape_cast %swap3A_221 : vector<16xf32> to vector<16xf32>
      %swap3A_223 = vector.shape_cast %div3A_175 : vector<16xf32> to vector<16xf32>
      tpu.vector_store %arg5[%swap3A_220], %swap3A_223 {strides = array<i32>} : memref<1024xf32, #tpu.memory_space<vmem>>, vector<16xf32>,
      %swap3A_224 = arith.constant 704 : index
      %swap3A_225 = tpu.vector_load %arg5[%swap3A_224] {strides = array<i32>} : memref<1024xf32, #tpu.memory_space<vmem>>, vector<16xf32>,
      %swap3A_226 = vector.shape_cast %swap3A_225 : vector<16xf32> to vector<16xf32>
      %swap3A_227 = vector.shape_cast %div3A_175 : vector<16xf32> to vector<16xf32>
      tpu.vector_store %arg5[%swap3A_224], %swap3A_227 {strides = array<i32>} : memref<1024xf32, #tpu.memory_space<vmem>>, vector<16xf32>,
      %swap3A_228 = arith.constant 720 : index
      %swap3A_229 = tpu.vector_load %arg5[%swap3A_228] {strides = array<i32>} : memref<1024xf32, #tpu.memory_space<vmem>>, vector<16xf32>,
      %swap3A_230 = vector.shape_cast %swap3A_229 : vector<16xf32> to vector<16xf32>
      %swap3A_231 = vector.shape_cast %div3A_175 : vector<16xf32> to vector<16xf32>
      tpu.vector_store %arg5[%swap3A_228], %swap3A_231 {strides = array<i32>} : memref<1024xf32, #tpu.memory_space<vmem>>, vector<16xf32>,
      %swap3A_232 = arith.constant 736 : index
      %swap3A_233 = tpu.vector_load %arg5[%swap3A_232] {strides = array<i32>} : memref<1024xf32, #tpu.memory_space<vmem>>, vector<16xf32>,
      %swap3A_234 = vector.shape_cast %swap3A_233 : vector<16xf32> to vector<16xf32>
      %swap3A_235 = vector.shape_cast %div3A_175 : vector<16xf32> to vector<16xf32>
      tpu.vector_store %arg5[%swap3A_232], %swap3A_235 {strides = array<i32>} : memref<1024xf32, #tpu.memory_space<vmem>>, vector<16xf32>,
      %swap3A_236 = arith.constant 752 : index
      %swap3A_237 = tpu.vector_load %arg5[%swap3A_236] {strides = array<i32>} : memref<1024xf32, #tpu.memory_space<vmem>>, vector<16xf32>,
      %swap3A_238 = vector.shape_cast %swap3A_237 : vector<16xf32> to vector<16xf32>
      %swap3A_239 = vector.shape_cast %div3A_175 : vector<16xf32> to vector<16xf32>
      tpu.vector_store %arg5[%swap3A_236], %swap3A_239 {strides = array<i32>} : memref<1024xf32, #tpu.memory_space<vmem>>, vector<16xf32>,
      %get3A_240 = arith.constant 3 : i32
      %get3A_241 = arith.index_cast %get3A_240 : i32 to index
      %get3A_242 = arith.constant 0 : index
      %get3A_243 = tpu.vector_load %arg4[%get3A_241, %get3A_242] {strides = array<i32>} : memref<8x16xf32, #tpu.memory_space<vmem>>, vector<1x16xf32>,
      %get3A_244 = vector.shape_cast %get3A_243 : vector<1x16xf32> to vector<16xf32>
      %get3A_245 = arith.constant 7 : i32
      %get3A_246 = arith.index_cast %get3A_245 : i32 to index
      %get3A_247 = arith.constant 0 : index
      %get3A_248 = tpu.vector_load %arg4[%get3A_246, %get3A_247] {strides = array<i32>} : memref<8x16xf32, #tpu.memory_space<vmem>>, vector<1x16xf32>,
      %get3A_249 = vector.shape_cast %get3A_248 : vector<1x16xf32> to vector<16xf32>
      %max3A_250 = arith.maximumf %get3A_244, %get3A_249 : vector<16xf32>
      %sub3A_251 = arith.subf %get3A_244, %max3A_250 : vector<16xf32>
      %exp3A_252 = math.exp %sub3A_251 : vector<16xf32>
      %sub3A_253 = arith.subf %get3A_249, %max3A_250 : vector<16xf32>
      %exp3A_254 = math.exp %sub3A_253 : vector<16xf32>
      %add3A_255 = arith.addf %exp3A_252, %exp3A_254 : vector<16xf32>
      %div3A_256 = arith.divf %exp3A_252, %add3A_255 : vector<16xf32>
      %swap3A_257 = arith.constant 768 : index
      %swap3A_258 = tpu.vector_load %arg5[%swap3A_257] {strides = array<i32>} : memref<1024xf32, #tpu.memory_space<vmem>>, vector<16xf32>,
      %swap3A_259 = vector.shape_cast %swap3A_258 : vector<16xf32> to vector<16xf32>
      %swap3A_260 = vector.shape_cast %div3A_256 : vector<16xf32> to vector<16xf32>
      tpu.vector_store %arg5[%swap3A_257], %swap3A_260 {strides = array<i32>} : memref<1024xf32, #tpu.memory_space<vmem>>, vector<16xf32>,
      %swap3A_261 = arith.constant 784 : index
      %swap3A_262 = tpu.vector_load %arg5[%swap3A_261] {strides = array<i32>} : memref<1024xf32, #tpu.memory_space<vmem>>, vector<16xf32>,
      %swap3A_263 = vector.shape_cast %swap3A_262 : vector<16xf32> to vector<16xf32>
      %swap3A_264 = vector.shape_cast %div3A_256 : vector<16xf32> to vector<16xf32>
      tpu.vector_store %arg5[%swap3A_261], %swap3A_264 {strides = array<i32>} : memref<1024xf32, #tpu.memory_space<vmem>>, vector<16xf32>,
      %swap3A_265 = arith.constant 800 : index
      %swap3A_266 = tpu.vector_load %arg5[%swap3A_265] {strides = array<i32>} : memref<1024xf32, #tpu.memory_space<vmem>>, vector<16xf32>,
      %swap3A_267 = vector.shape_cast %swap3A_266 : vector<16xf32> to vector<16xf32>
      %swap3A_268 = vector.shape_cast %div3A_256 : vector<16xf32> to vector<16xf32>
      tpu.vector_store %arg5[%swap3A_265], %swap3A_268 {strides = array<i32>} : memref<1024xf32, #tpu.memory_space<vmem>>, vector<16xf32>,
      %swap3A_269 = arith.constant 816 : index
      %swap3A_270 = tpu.vector_load %arg5[%swap3A_269] {strides = array<i32>} : memref<1024xf32, #tpu.memory_space<vmem>>, vector<16xf32>,
      %swap3A_271 = vector.shape_cast %swap3A_270 : vector<16xf32> to vector<16xf32>
      %swap3A_272 = vector.shape_cast %div3A_256 : vector<16xf32> to vector<16xf32>
      tpu.vector_store %arg5[%swap3A_269], %swap3A_272 {strides = array<i32>} : memref<1024xf32, #tpu.memory_space<vmem>>, vector<16xf32>,
      %swap3A_273 = arith.constant 832 : index
      %swap3A_274 = tpu.vector_load %arg5[%swap3A_273] {strides = array<i32>} : memref<1024xf32, #tpu.memory_space<vmem>>, vector<16xf32>,
      %swap3A_275 = vector.shape_cast %swap3A_274 : vector<16xf32> to vector<16xf32>
      %swap3A_276 = vector.shape_cast %div3A_256 : vector<16xf32> to vector<16xf32>
      tpu.vector_store %arg5[%swap3A_273], %swap3A_276 {strides = array<i32>} : memref<1024xf32, #tpu.memory_space<vmem>>, vector<16xf32>,
      %swap3A_277 = arith.constant 848 : index
      %swap3A_278 = tpu.vector_load %arg5[%swap3A_277] {strides = array<i32>} : memref<1024xf32, #tpu.memory_space<vmem>>, vector<16xf32>,
      %swap3A_279 = vector.shape_cast %swap3A_278 : vector<16xf32> to vector<16xf32>
      %swap3A_280 = vector.shape_cast %div3A_256 : vector<16xf32> to vector<16xf32>
      tpu.vector_store %arg5[%swap3A_277], %swap3A_280 {strides = array<i32>} : memref<1024xf32, #tpu.memory_space<vmem>>, vector<16xf32>,
      %swap3A_281 = arith.constant 864 : index
      %swap3A_282 = tpu.vector_load %arg5[%swap3A_281] {strides = array<i32>} : memref<1024xf32, #tpu.memory_space<vmem>>, vector<16xf32>,
      %swap3A_283 = vector.shape_cast %swap3A_282 : vector<16xf32> to vector<16xf32>
      %swap3A_284 = vector.shape_cast %div3A_256 : vector<16xf32> to vector<16xf32>
      tpu.vector_store %arg5[%swap3A_281], %swap3A_284 {strides = array<i32>} : memref<1024xf32, #tpu.memory_space<vmem>>, vector<16xf32>,
      %swap3A_285 = arith.constant 880 : index
      %swap3A_286 = tpu.vector_load %arg5[%swap3A_285] {strides = array<i32>} : memref<1024xf32, #tpu.memory_space<vmem>>, vector<16xf32>,
      %swap3A_287 = vector.shape_cast %swap3A_286 : vector<16xf32> to vector<16xf32>
      %swap3A_288 = vector.shape_cast %div3A_256 : vector<16xf32> to vector<16xf32>
      tpu.vector_store %arg5[%swap3A_285], %swap3A_288 {strides = array<i32>} : memref<1024xf32, #tpu.memory_space<vmem>>, vector<16xf32>,
      %swap3A_289 = arith.constant 896 : index
      %swap3A_290 = tpu.vector_load %arg5[%swap3A_289] {strides = array<i32>} : memref<1024xf32, #tpu.memory_space<vmem>>, vector<16xf32>,
      %swap3A_291 = vector.shape_cast %swap3A_290 : vector<16xf32> to vector<16xf32>
      %swap3A_292 = vector.shape_cast %div3A_256 : vector<16xf32> to vector<16xf32>
      tpu.vector_store %arg5[%swap3A_289], %swap3A_292 {strides = array<i32>} : memref<1024xf32, #tpu.memory_space<vmem>>, vector<16xf32>,
      %swap3A_293 = arith.constant 912 : index
      %swap3A_294 = tpu.vector_load %arg5[%swap3A_293] {strides = array<i32>} : memref<1024xf32, #tpu.memory_space<vmem>>, vector<16xf32>,
      %swap3A_295 = vector.shape_cast %swap3A_294 : vector<16xf32> to vector<16xf32>
      %swap3A_296 = vector.shape_cast %div3A_256 : vector<16xf32> to vector<16xf32>
      tpu.vector_store %arg5[%swap3A_293], %swap3A_296 {strides = array<i32>} : memref<1024xf32, #tpu.memory_space<vmem>>, vector<16xf32>,
      %swap3A_297 = arith.constant 928 : index
      %swap3A_298 = tpu.vector_load %arg5[%swap3A_297] {strides = array<i32>} : memref<1024xf32, #tpu.memory_space<vmem>>, vector<16xf32>,
      %swap3A_299 = vector.shape_cast %swap3A_298 : vector<16xf32> to vector<16xf32>
      %swap3A_300 = vector.shape_cast %div3A_256 : vector<16xf32> to vector<16xf32>
      tpu.vector_store %arg5[%swap3A_297], %swap3A_300 {strides = array<i32>} : memref<1024xf32, #tpu.memory_space<vmem>>, vector<16xf32>,
      %swap3A_301 = arith.constant 944 : index
      %swap3A_302 = tpu.vector_load %arg5[%swap3A_301] {strides = array<i32>} : memref<1024xf32, #tpu.memory_space<vmem>>, vector<16xf32>,
      %swap3A_303 = vector.shape_cast %swap3A_302 : vector<16xf32> to vector<16xf32>
      %swap3A_304 = vector.shape_cast %div3A_256 : vector<16xf32> to vector<16xf32>
      tpu.vector_store %arg5[%swap3A_301], %swap3A_304 {strides = array<i32>} : memref<1024xf32, #tpu.memory_space<vmem>>, vector<16xf32>,
      %swap3A_305 = arith.constant 960 : index
      %swap3A_306 = tpu.vector_load %arg5[%swap3A_305] {strides = array<i32>} : memref<1024xf32, #tpu.memory_space<vmem>>, vector<16xf32>,
      %swap3A_307 = vector.shape_cast %swap3A_306 : vector<16xf32> to vector<16xf32>
      %swap3A_308 = vector.shape_cast %div3A_256 : vector<16xf32> to vector<16xf32>
      tpu.vector_store %arg5[%swap3A_305], %swap3A_308 {strides = array<i32>} : memref<1024xf32, #tpu.memory_space<vmem>>, vector<16xf32>,
      %swap3A_309 = arith.constant 976 : index
      %swap3A_310 = tpu.vector_load %arg5[%swap3A_309] {strides = array<i32>} : memref<1024xf32, #tpu.memory_space<vmem>>, vector<16xf32>,
      %swap3A_311 = vector.shape_cast %swap3A_310 : vector<16xf32> to vector<16xf32>
      %swap3A_312 = vector.shape_cast %div3A_256 : vector<16xf32> to vector<16xf32>
      tpu.vector_store %arg5[%swap3A_309], %swap3A_312 {strides = array<i32>} : memref<1024xf32, #tpu.memory_space<vmem>>, vector<16xf32>,
      %swap3A_313 = arith.constant 992 : index
      %swap3A_314 = tpu.vector_load %arg5[%swap3A_313] {strides = array<i32>} : memref<1024xf32, #tpu.memory_space<vmem>>, vector<16xf32>,
      %swap3A_315 = vector.shape_cast %swap3A_314 : vector<16xf32> to vector<16xf32>
      %swap3A_316 = vector.shape_cast %div3A_256 : vector<16xf32> to vector<16xf32>
      tpu.vector_store %arg5[%swap3A_313], %swap3A_316 {strides = array<i32>} : memref<1024xf32, #tpu.memory_space<vmem>>, vector<16xf32>,
      %swap3A_317 = arith.constant 1008 : index
      %swap3A_318 = tpu.vector_load %arg5[%swap3A_317] {strides = array<i32>} : memref<1024xf32, #tpu.memory_space<vmem>>, vector<16xf32>,
      %swap3A_319 = vector.shape_cast %swap3A_318 : vector<16xf32> to vector<16xf32>
      %swap3A_320 = vector.shape_cast %div3A_256 : vector<16xf32> to vector<16xf32>
      tpu.vector_store %arg5[%swap3A_317], %swap3A_320 {strides = array<i32>} : memref<1024xf32, #tpu.memory_space<vmem>>, vector<16xf32>,
      "tpu.region"() ({
        %run_scoped3A = tpu.sem_alloc : memref<!tpu.dma_semaphore, #tpu.memory_space<semaphore_mem>>
        tpu.enqueue_dma source(%arg5 : memref<1024xf32, #tpu.memory_space<vmem>>) target(%arg3 : memref<1024xf32, #tpu.memory_space<hbm>>) target_semaphore(%run_scoped3A : memref<!tpu.dma_semaphore, #tpu.memory_space<semaphore_mem>>)
        tpu.wait_dma2 semaphore(%run_scoped3A : memref<!tpu.dma_semaphore, #tpu.memory_space<semaphore_mem>>) src(%arg5 : memref<1024xf32, #tpu.memory_space<vmem>>) dst(%arg3 : memref<1024xf32, #tpu.memory_space<hbm>>)
        tpu.yield
      }) : () -> ()
    } else {
    }
    return
  }
}

module attributes {stable_mosaic.version = 14 : i64} {
  func.func @_solver_kernel(%arg0: i32, %arg1: memref<4x2xf32, #tpu.memory_space<smem>>, %arg2: memref<16x5xf32, #tpu.memory_space<smem>>, %arg3: memref<16xf32, #tpu.memory_space<smem>>, %arg4: memref<16x5xf32, #tpu.memory_space<smem>>, %arg5: memref<1xf32, #tpu.memory_space<smem>>, %arg6: memref<16x8192xf32, #tpu.memory_space<vmem>>, %arg7: memref<4x16x8192xf32, #tpu.memory_space<vmem>>) attributes {dimension_semantics = [#tpu.dimension_semantics<parallel>], iteration_bounds = array<i64: 8>, scalar_prefetch = 0 : i64, scratch_operands = 0 : i64, tpu.core_type = #tpu.core_type<tc>, window_params = [{transform_indices = @transform_0, window_bounds = array<i64: 4, 2>}, {transform_indices = @transform_1, window_bounds = array<i64: 16, 5>}, {transform_indices = @transform_2, window_bounds = array<i64: 16>}, {transform_indices = @transform_3, window_bounds = array<i64: 16, 5>}, {transform_indices = @transform_4, window_bounds = array<i64: 1>}, {transform_indices = @transform_5, window_bounds = array<i64: 16, 8192>}, {transform_indices = @transform_6, window_bounds = array<i64: 4, 16, 8192>}]} {
    %get3A = arith.constant 0 : index
    %get3A_0 = arith.constant 0 : index
    %get3A_1 = vector.load %arg6[%get3A, %get3A_0] : memref<16x8192xf32, #tpu.memory_space<vmem>>, vector<16x8192xf32>
    %broadcast_in_dim3A = arith.constant 0.000000e+00 : f32
    %broadcast_in_dim3A_2 = vector.broadcast %broadcast_in_dim3A : f32 to vector<16x8192xf32>
    %get3A_3 = arith.constant 0 : index
    %get3A_4 = arith.constant 0 : index
    %get3A_5 = memref.load %arg1[%get3A_3, %get3A_4] : memref<4x2xf32, #tpu.memory_space<smem>>
    %get3A_6 = arith.constant 0 : index
    %get3A_7 = arith.constant 1 : index
    %get3A_8 = memref.load %arg1[%get3A_6, %get3A_7] : memref<4x2xf32, #tpu.memory_space<smem>>
    %gt3A = arith.cmpf ogt, %get3A_8, %get3A_5 : f32
    %convert_element_type3A = arith.extui %gt3A : i1 to i32
    %cond3A = arith.constant 0 : i32
    %cond3A_9 = arith.cmpi ne, %convert_element_type3A, %cond3A : i32
    %cond3A_10 = scf.if %cond3A_9 -> (vector<16x8192xf32>) {
      %slice3A_119 = vector.extract_strided_slice %get3A_1 {offsets = [0, 0], sizes = [16, 8190], strides = [1, 1]} : vector<16x8192xf32> to vector<16x8190xf32>
      %jit3A_120 = arith.constant 0 : i32
      %convert_element_type3A_121 = arith.sitofp %jit3A_120 : i32 to f32
      %pad3A_122 = vector.broadcast %convert_element_type3A_121 : f32 to vector<16x2xf32>
      %pad3A_123 = tpu.concatenate %pad3A_122, %slice3A_119 in 1 : vector<16x2xf32>, vector<16x8190xf32> -> vector<16x8192xf32>
      %slice3A_124 = vector.extract_strided_slice %get3A_1 {offsets = [0, 0], sizes = [16, 8191], strides = [1, 1]} : vector<16x8192xf32> to vector<16x8191xf32>
      %jit3A_125 = arith.constant 0 : i32
      %convert_element_type3A_126 = arith.sitofp %jit3A_125 : i32 to f32
      %pad3A_127 = vector.broadcast %convert_element_type3A_126 : f32 to vector<16x1xf32>
      %pad3A_128 = tpu.concatenate %pad3A_127, %slice3A_124 in 1 : vector<16x1xf32>, vector<16x8191xf32> -> vector<16x8192xf32>
      %slice3A_129 = vector.extract_strided_slice %get3A_1 {offsets = [0, 1], sizes = [16, 8191], strides = [1, 1]} : vector<16x8192xf32> to vector<16x8191xf32>
      %jit3A_130 = arith.constant 0 : i32
      %convert_element_type3A_131 = arith.sitofp %jit3A_130 : i32 to f32
      %pad3A_132 = vector.broadcast %convert_element_type3A_131 : f32 to vector<16x1xf32>
      %pad3A_133 = tpu.concatenate %slice3A_129, %pad3A_132 in 1 : vector<16x8191xf32>, vector<16x1xf32> -> vector<16x8192xf32>
      %slice3A_134 = vector.extract_strided_slice %get3A_1 {offsets = [0, 2], sizes = [16, 8190], strides = [1, 1]} : vector<16x8192xf32> to vector<16x8190xf32>
      %jit3A_135 = arith.constant 0 : i32
      %convert_element_type3A_136 = arith.sitofp %jit3A_135 : i32 to f32
      %pad3A_137 = vector.broadcast %convert_element_type3A_136 : f32 to vector<16x2xf32>
      %pad3A_138 = tpu.concatenate %slice3A_134, %pad3A_137 in 1 : vector<16x8190xf32>, vector<16x2xf32> -> vector<16x8192xf32>
      %get3A_139 = arith.constant 0 : index
      %get3A_140 = memref.load %arg3[%get3A_139] : memref<16xf32, #tpu.memory_space<smem>>
      %get3A_141 = arith.constant 0 : index
      %get3A_142 = arith.constant 0 : index
      %get3A_143 = memref.load %arg2[%get3A_141, %get3A_142] : memref<16x5xf32, #tpu.memory_space<smem>>
      %mul3A_144 = vector.broadcast %get3A_143 : f32 to vector<16x8192xf32>
      %mul3A_145 = arith.mulf %mul3A_144, %pad3A_123 : vector<16x8192xf32>
      %add3A = vector.broadcast %get3A_140 : f32 to vector<16x8192xf32>
      %add3A_146 = arith.addf %add3A, %mul3A_145 : vector<16x8192xf32>
      %get3A_147 = arith.constant 0 : index
      %get3A_148 = arith.constant 1 : index
      %get3A_149 = memref.load %arg2[%get3A_147, %get3A_148] : memref<16x5xf32, #tpu.memory_space<smem>>
      %mul3A_150 = vector.broadcast %get3A_149 : f32 to vector<16x8192xf32>
      %mul3A_151 = arith.mulf %mul3A_150, %pad3A_128 : vector<16x8192xf32>
      %add3A_152 = arith.addf %add3A_146, %mul3A_151 : vector<16x8192xf32>
      %get3A_153 = arith.constant 0 : index
      %get3A_154 = arith.constant 2 : index
      %get3A_155 = memref.load %arg2[%get3A_153, %get3A_154] : memref<16x5xf32, #tpu.memory_space<smem>>
      %mul3A_156 = vector.broadcast %get3A_155 : f32 to vector<16x8192xf32>
      %mul3A_157 = arith.mulf %mul3A_156, %get3A_1 : vector<16x8192xf32>
      %add3A_158 = arith.addf %add3A_152, %mul3A_157 : vector<16x8192xf32>
      %get3A_159 = arith.constant 0 : index
      %get3A_160 = arith.constant 3 : index
      %get3A_161 = memref.load %arg2[%get3A_159, %get3A_160] : memref<16x5xf32, #tpu.memory_space<smem>>
      %mul3A_162 = vector.broadcast %get3A_161 : f32 to vector<16x8192xf32>
      %mul3A_163 = arith.mulf %mul3A_162, %pad3A_133 : vector<16x8192xf32>
      %add3A_164 = arith.addf %add3A_158, %mul3A_163 : vector<16x8192xf32>
      %get3A_165 = arith.constant 0 : index
      %get3A_166 = arith.constant 4 : index
      %get3A_167 = memref.load %arg2[%get3A_165, %get3A_166] : memref<16x5xf32, #tpu.memory_space<smem>>
      %mul3A_168 = vector.broadcast %get3A_167 : f32 to vector<16x8192xf32>
      %mul3A_169 = arith.mulf %mul3A_168, %pad3A_138 : vector<16x8192xf32>
      %add3A_170 = arith.addf %add3A_164, %mul3A_169 : vector<16x8192xf32>
      %max3A = arith.constant 0.000000e+00 : f32
      %max3A_171 = vector.broadcast %max3A : f32 to vector<16x8192xf32>
      %max3A_172 = arith.maximumf %add3A_170, %max3A_171 : vector<16x8192xf32>
      %get3A_173 = arith.constant 0 : index
      %get3A_174 = arith.constant 0 : index
      %get3A_175 = memref.load %arg4[%get3A_173, %get3A_174] : memref<16x5xf32, #tpu.memory_space<smem>>
      %mul3A_176 = vector.broadcast %get3A_175 : f32 to vector<16x8192xf32>
      %mul3A_177 = arith.mulf %mul3A_176, %max3A_172 : vector<16x8192xf32>
      %get3A_178 = arith.constant 0 : index
      %get3A_179 = arith.constant 1 : index
      %get3A_180 = memref.load %arg4[%get3A_178, %get3A_179] : memref<16x5xf32, #tpu.memory_space<smem>>
      %mul3A_181 = vector.broadcast %get3A_180 : f32 to vector<16x8192xf32>
      %mul3A_182 = arith.mulf %mul3A_181, %max3A_172 : vector<16x8192xf32>
      %get3A_183 = arith.constant 0 : index
      %get3A_184 = arith.constant 2 : index
      %get3A_185 = memref.load %arg4[%get3A_183, %get3A_184] : memref<16x5xf32, #tpu.memory_space<smem>>
      %mul3A_186 = vector.broadcast %get3A_185 : f32 to vector<16x8192xf32>
      %mul3A_187 = arith.mulf %mul3A_186, %max3A_172 : vector<16x8192xf32>
      %get3A_188 = arith.constant 0 : index
      %get3A_189 = arith.constant 3 : index
      %get3A_190 = memref.load %arg4[%get3A_188, %get3A_189] : memref<16x5xf32, #tpu.memory_space<smem>>
      %mul3A_191 = vector.broadcast %get3A_190 : f32 to vector<16x8192xf32>
      %mul3A_192 = arith.mulf %mul3A_191, %max3A_172 : vector<16x8192xf32>
      %get3A_193 = arith.constant 0 : index
      %get3A_194 = arith.constant 4 : index
      %get3A_195 = memref.load %arg4[%get3A_193, %get3A_194] : memref<16x5xf32, #tpu.memory_space<smem>>
      %mul3A_196 = vector.broadcast %get3A_195 : f32 to vector<16x8192xf32>
      %mul3A_197 = arith.mulf %mul3A_196, %max3A_172 : vector<16x8192xf32>
      %get3A_198 = arith.constant 1 : index
      %get3A_199 = memref.load %arg3[%get3A_198] : memref<16xf32, #tpu.memory_space<smem>>
      %get3A_200 = arith.constant 1 : index
      %get3A_201 = arith.constant 0 : index
      %get3A_202 = memref.load %arg2[%get3A_200, %get3A_201] : memref<16x5xf32, #tpu.memory_space<smem>>
      %mul3A_203 = vector.broadcast %get3A_202 : f32 to vector<16x8192xf32>
      %mul3A_204 = arith.mulf %mul3A_203, %pad3A_123 : vector<16x8192xf32>
      %add3A_205 = vector.broadcast %get3A_199 : f32 to vector<16x8192xf32>
      %add3A_206 = arith.addf %add3A_205, %mul3A_204 : vector<16x8192xf32>
      %get3A_207 = arith.constant 1 : index
      %get3A_208 = arith.constant 1 : index
      %get3A_209 = memref.load %arg2[%get3A_207, %get3A_208] : memref<16x5xf32, #tpu.memory_space<smem>>
      %mul3A_210 = vector.broadcast %get3A_209 : f32 to vector<16x8192xf32>
      %mul3A_211 = arith.mulf %mul3A_210, %pad3A_128 : vector<16x8192xf32>
      %add3A_212 = arith.addf %add3A_206, %mul3A_211 : vector<16x8192xf32>
      %get3A_213 = arith.constant 1 : index
      %get3A_214 = arith.constant 2 : index
      %get3A_215 = memref.load %arg2[%get3A_213, %get3A_214] : memref<16x5xf32, #tpu.memory_space<smem>>
      %mul3A_216 = vector.broadcast %get3A_215 : f32 to vector<16x8192xf32>
      %mul3A_217 = arith.mulf %mul3A_216, %get3A_1 : vector<16x8192xf32>
      %add3A_218 = arith.addf %add3A_212, %mul3A_217 : vector<16x8192xf32>
      %get3A_219 = arith.constant 1 : index
      %get3A_220 = arith.constant 3 : index
      %get3A_221 = memref.load %arg2[%get3A_219, %get3A_220] : memref<16x5xf32, #tpu.memory_space<smem>>
      %mul3A_222 = vector.broadcast %get3A_221 : f32 to vector<16x8192xf32>
      %mul3A_223 = arith.mulf %mul3A_222, %pad3A_133 : vector<16x8192xf32>
      %add3A_224 = arith.addf %add3A_218, %mul3A_223 : vector<16x8192xf32>
      %get3A_225 = arith.constant 1 : index
      %get3A_226 = arith.constant 4 : index
      %get3A_227 = memref.load %arg2[%get3A_225, %get3A_226] : memref<16x5xf32, #tpu.memory_space<smem>>
      %mul3A_228 = vector.broadcast %get3A_227 : f32 to vector<16x8192xf32>
      %mul3A_229 = arith.mulf %mul3A_228, %pad3A_138 : vector<16x8192xf32>
      %add3A_230 = arith.addf %add3A_224, %mul3A_229 : vector<16x8192xf32>
      %max3A_231 = arith.constant 0.000000e+00 : f32
      %max3A_232 = vector.broadcast %max3A_231 : f32 to vector<16x8192xf32>
      %max3A_233 = arith.maximumf %add3A_230, %max3A_232 : vector<16x8192xf32>
      %get3A_234 = arith.constant 1 : index
      %get3A_235 = arith.constant 0 : index
      %get3A_236 = memref.load %arg4[%get3A_234, %get3A_235] : memref<16x5xf32, #tpu.memory_space<smem>>
      %mul3A_237 = vector.broadcast %get3A_236 : f32 to vector<16x8192xf32>
      %mul3A_238 = arith.mulf %mul3A_237, %max3A_233 : vector<16x8192xf32>
      %add3A_239 = arith.addf %mul3A_177, %mul3A_238 : vector<16x8192xf32>
      %get3A_240 = arith.constant 1 : index
      %get3A_241 = arith.constant 1 : index
      %get3A_242 = memref.load %arg4[%get3A_240, %get3A_241] : memref<16x5xf32, #tpu.memory_space<smem>>
      %mul3A_243 = vector.broadcast %get3A_242 : f32 to vector<16x8192xf32>
      %mul3A_244 = arith.mulf %mul3A_243, %max3A_233 : vector<16x8192xf32>
      %add3A_245 = arith.addf %mul3A_182, %mul3A_244 : vector<16x8192xf32>
      %get3A_246 = arith.constant 1 : index
      %get3A_247 = arith.constant 2 : index
      %get3A_248 = memref.load %arg4[%get3A_246, %get3A_247] : memref<16x5xf32, #tpu.memory_space<smem>>
      %mul3A_249 = vector.broadcast %get3A_248 : f32 to vector<16x8192xf32>
      %mul3A_250 = arith.mulf %mul3A_249, %max3A_233 : vector<16x8192xf32>
      %add3A_251 = arith.addf %mul3A_187, %mul3A_250 : vector<16x8192xf32>
      %get3A_252 = arith.constant 1 : index
      %get3A_253 = arith.constant 3 : index
      %get3A_254 = memref.load %arg4[%get3A_252, %get3A_253] : memref<16x5xf32, #tpu.memory_space<smem>>
      %mul3A_255 = vector.broadcast %get3A_254 : f32 to vector<16x8192xf32>
      %mul3A_256 = arith.mulf %mul3A_255, %max3A_233 : vector<16x8192xf32>
      %add3A_257 = arith.addf %mul3A_192, %mul3A_256 : vector<16x8192xf32>
      %get3A_258 = arith.constant 1 : index
      %get3A_259 = arith.constant 4 : index
      %get3A_260 = memref.load %arg4[%get3A_258, %get3A_259] : memref<16x5xf32, #tpu.memory_space<smem>>
      %mul3A_261 = vector.broadcast %get3A_260 : f32 to vector<16x8192xf32>
      %mul3A_262 = arith.mulf %mul3A_261, %max3A_233 : vector<16x8192xf32>
      %add3A_263 = arith.addf %mul3A_197, %mul3A_262 : vector<16x8192xf32>
      %get3A_264 = arith.constant 2 : index
      %get3A_265 = memref.load %arg3[%get3A_264] : memref<16xf32, #tpu.memory_space<smem>>
      %get3A_266 = arith.constant 2 : index
      %get3A_267 = arith.constant 0 : index
      %get3A_268 = memref.load %arg2[%get3A_266, %get3A_267] : memref<16x5xf32, #tpu.memory_space<smem>>
      %mul3A_269 = vector.broadcast %get3A_268 : f32 to vector<16x8192xf32>
      %mul3A_270 = arith.mulf %mul3A_269, %pad3A_123 : vector<16x8192xf32>
      %add3A_271 = vector.broadcast %get3A_265 : f32 to vector<16x8192xf32>
      %add3A_272 = arith.addf %add3A_271, %mul3A_270 : vector<16x8192xf32>
      %get3A_273 = arith.constant 2 : index
      %get3A_274 = arith.constant 1 : index
      %get3A_275 = memref.load %arg2[%get3A_273, %get3A_274] : memref<16x5xf32, #tpu.memory_space<smem>>
      %mul3A_276 = vector.broadcast %get3A_275 : f32 to vector<16x8192xf32>
      %mul3A_277 = arith.mulf %mul3A_276, %pad3A_128 : vector<16x8192xf32>
      %add3A_278 = arith.addf %add3A_272, %mul3A_277 : vector<16x8192xf32>
      %get3A_279 = arith.constant 2 : index
      %get3A_280 = arith.constant 2 : index
      %get3A_281 = memref.load %arg2[%get3A_279, %get3A_280] : memref<16x5xf32, #tpu.memory_space<smem>>
      %mul3A_282 = vector.broadcast %get3A_281 : f32 to vector<16x8192xf32>
      %mul3A_283 = arith.mulf %mul3A_282, %get3A_1 : vector<16x8192xf32>
      %add3A_284 = arith.addf %add3A_278, %mul3A_283 : vector<16x8192xf32>
      %get3A_285 = arith.constant 2 : index
      %get3A_286 = arith.constant 3 : index
      %get3A_287 = memref.load %arg2[%get3A_285, %get3A_286] : memref<16x5xf32, #tpu.memory_space<smem>>
      %mul3A_288 = vector.broadcast %get3A_287 : f32 to vector<16x8192xf32>
      %mul3A_289 = arith.mulf %mul3A_288, %pad3A_133 : vector<16x8192xf32>
      %add3A_290 = arith.addf %add3A_284, %mul3A_289 : vector<16x8192xf32>
      %get3A_291 = arith.constant 2 : index
      %get3A_292 = arith.constant 4 : index
      %get3A_293 = memref.load %arg2[%get3A_291, %get3A_292] : memref<16x5xf32, #tpu.memory_space<smem>>
      %mul3A_294 = vector.broadcast %get3A_293 : f32 to vector<16x8192xf32>
      %mul3A_295 = arith.mulf %mul3A_294, %pad3A_138 : vector<16x8192xf32>
      %add3A_296 = arith.addf %add3A_290, %mul3A_295 : vector<16x8192xf32>
      %max3A_297 = arith.constant 0.000000e+00 : f32
      %max3A_298 = vector.broadcast %max3A_297 : f32 to vector<16x8192xf32>
      %max3A_299 = arith.maximumf %add3A_296, %max3A_298 : vector<16x8192xf32>
      %get3A_300 = arith.constant 2 : index
      %get3A_301 = arith.constant 0 : index
      %get3A_302 = memref.load %arg4[%get3A_300, %get3A_301] : memref<16x5xf32, #tpu.memory_space<smem>>
      %mul3A_303 = vector.broadcast %get3A_302 : f32 to vector<16x8192xf32>
      %mul3A_304 = arith.mulf %mul3A_303, %max3A_299 : vector<16x8192xf32>
      %add3A_305 = arith.addf %add3A_239, %mul3A_304 : vector<16x8192xf32>
      %get3A_306 = arith.constant 2 : index
      %get3A_307 = arith.constant 1 : index
      %get3A_308 = memref.load %arg4[%get3A_306, %get3A_307] : memref<16x5xf32, #tpu.memory_space<smem>>
      %mul3A_309 = vector.broadcast %get3A_308 : f32 to vector<16x8192xf32>
      %mul3A_310 = arith.mulf %mul3A_309, %max3A_299 : vector<16x8192xf32>
      %add3A_311 = arith.addf %add3A_245, %mul3A_310 : vector<16x8192xf32>
      %get3A_312 = arith.constant 2 : index
      %get3A_313 = arith.constant 2 : index
      %get3A_314 = memref.load %arg4[%get3A_312, %get3A_313] : memref<16x5xf32, #tpu.memory_space<smem>>
      %mul3A_315 = vector.broadcast %get3A_314 : f32 to vector<16x8192xf32>
      %mul3A_316 = arith.mulf %mul3A_315, %max3A_299 : vector<16x8192xf32>
      %add3A_317 = arith.addf %add3A_251, %mul3A_316 : vector<16x8192xf32>
      %get3A_318 = arith.constant 2 : index
      %get3A_319 = arith.constant 3 : index
      %get3A_320 = memref.load %arg4[%get3A_318, %get3A_319] : memref<16x5xf32, #tpu.memory_space<smem>>
      %mul3A_321 = vector.broadcast %get3A_320 : f32 to vector<16x8192xf32>
      %mul3A_322 = arith.mulf %mul3A_321, %max3A_299 : vector<16x8192xf32>
      %add3A_323 = arith.addf %add3A_257, %mul3A_322 : vector<16x8192xf32>
      %get3A_324 = arith.constant 2 : index
      %get3A_325 = arith.constant 4 : index
      %get3A_326 = memref.load %arg4[%get3A_324, %get3A_325] : memref<16x5xf32, #tpu.memory_space<smem>>
      %mul3A_327 = vector.broadcast %get3A_326 : f32 to vector<16x8192xf32>
      %mul3A_328 = arith.mulf %mul3A_327, %max3A_299 : vector<16x8192xf32>
      %add3A_329 = arith.addf %add3A_263, %mul3A_328 : vector<16x8192xf32>
      %get3A_330 = arith.constant 3 : index
      %get3A_331 = memref.load %arg3[%get3A_330] : memref<16xf32, #tpu.memory_space<smem>>
      %get3A_332 = arith.constant 3 : index
      %get3A_333 = arith.constant 0 : index
      %get3A_334 = memref.load %arg2[%get3A_332, %get3A_333] : memref<16x5xf32, #tpu.memory_space<smem>>
      %mul3A_335 = vector.broadcast %get3A_334 : f32 to vector<16x8192xf32>
      %mul3A_336 = arith.mulf %mul3A_335, %pad3A_123 : vector<16x8192xf32>
      %add3A_337 = vector.broadcast %get3A_331 : f32 to vector<16x8192xf32>
      %add3A_338 = arith.addf %add3A_337, %mul3A_336 : vector<16x8192xf32>
      %get3A_339 = arith.constant 3 : index
      %get3A_340 = arith.constant 1 : index
      %get3A_341 = memref.load %arg2[%get3A_339, %get3A_340] : memref<16x5xf32, #tpu.memory_space<smem>>
      %mul3A_342 = vector.broadcast %get3A_341 : f32 to vector<16x8192xf32>
      %mul3A_343 = arith.mulf %mul3A_342, %pad3A_128 : vector<16x8192xf32>
      %add3A_344 = arith.addf %add3A_338, %mul3A_343 : vector<16x8192xf32>
      %get3A_345 = arith.constant 3 : index
      %get3A_346 = arith.constant 2 : index
      %get3A_347 = memref.load %arg2[%get3A_345, %get3A_346] : memref<16x5xf32, #tpu.memory_space<smem>>
      %mul3A_348 = vector.broadcast %get3A_347 : f32 to vector<16x8192xf32>
      %mul3A_349 = arith.mulf %mul3A_348, %get3A_1 : vector<16x8192xf32>
      %add3A_350 = arith.addf %add3A_344, %mul3A_349 : vector<16x8192xf32>
      %get3A_351 = arith.constant 3 : index
      %get3A_352 = arith.constant 3 : index
      %get3A_353 = memref.load %arg2[%get3A_351, %get3A_352] : memref<16x5xf32, #tpu.memory_space<smem>>
      %mul3A_354 = vector.broadcast %get3A_353 : f32 to vector<16x8192xf32>
      %mul3A_355 = arith.mulf %mul3A_354, %pad3A_133 : vector<16x8192xf32>
      %add3A_356 = arith.addf %add3A_350, %mul3A_355 : vector<16x8192xf32>
      %get3A_357 = arith.constant 3 : index
      %get3A_358 = arith.constant 4 : index
      %get3A_359 = memref.load %arg2[%get3A_357, %get3A_358] : memref<16x5xf32, #tpu.memory_space<smem>>
      %mul3A_360 = vector.broadcast %get3A_359 : f32 to vector<16x8192xf32>
      %mul3A_361 = arith.mulf %mul3A_360, %pad3A_138 : vector<16x8192xf32>
      %add3A_362 = arith.addf %add3A_356, %mul3A_361 : vector<16x8192xf32>
      %max3A_363 = arith.constant 0.000000e+00 : f32
      %max3A_364 = vector.broadcast %max3A_363 : f32 to vector<16x8192xf32>
      %max3A_365 = arith.maximumf %add3A_362, %max3A_364 : vector<16x8192xf32>
      %get3A_366 = arith.constant 3 : index
      %get3A_367 = arith.constant 0 : index
      %get3A_368 = memref.load %arg4[%get3A_366, %get3A_367] : memref<16x5xf32, #tpu.memory_space<smem>>
      %mul3A_369 = vector.broadcast %get3A_368 : f32 to vector<16x8192xf32>
      %mul3A_370 = arith.mulf %mul3A_369, %max3A_365 : vector<16x8192xf32>
      %add3A_371 = arith.addf %add3A_305, %mul3A_370 : vector<16x8192xf32>
      %get3A_372 = arith.constant 3 : index
      %get3A_373 = arith.constant 1 : index
      %get3A_374 = memref.load %arg4[%get3A_372, %get3A_373] : memref<16x5xf32, #tpu.memory_space<smem>>
      %mul3A_375 = vector.broadcast %get3A_374 : f32 to vector<16x8192xf32>
      %mul3A_376 = arith.mulf %mul3A_375, %max3A_365 : vector<16x8192xf32>
      %add3A_377 = arith.addf %add3A_311, %mul3A_376 : vector<16x8192xf32>
      %get3A_378 = arith.constant 3 : index
      %get3A_379 = arith.constant 2 : index
      %get3A_380 = memref.load %arg4[%get3A_378, %get3A_379] : memref<16x5xf32, #tpu.memory_space<smem>>
      %mul3A_381 = vector.broadcast %get3A_380 : f32 to vector<16x8192xf32>
      %mul3A_382 = arith.mulf %mul3A_381, %max3A_365 : vector<16x8192xf32>
      %add3A_383 = arith.addf %add3A_317, %mul3A_382 : vector<16x8192xf32>
      %get3A_384 = arith.constant 3 : index
      %get3A_385 = arith.constant 3 : index
      %get3A_386 = memref.load %arg4[%get3A_384, %get3A_385] : memref<16x5xf32, #tpu.memory_space<smem>>
      %mul3A_387 = vector.broadcast %get3A_386 : f32 to vector<16x8192xf32>
      %mul3A_388 = arith.mulf %mul3A_387, %max3A_365 : vector<16x8192xf32>
      %add3A_389 = arith.addf %add3A_323, %mul3A_388 : vector<16x8192xf32>
      %get3A_390 = arith.constant 3 : index
      %get3A_391 = arith.constant 4 : index
      %get3A_392 = memref.load %arg4[%get3A_390, %get3A_391] : memref<16x5xf32, #tpu.memory_space<smem>>
      %mul3A_393 = vector.broadcast %get3A_392 : f32 to vector<16x8192xf32>
      %mul3A_394 = arith.mulf %mul3A_393, %max3A_365 : vector<16x8192xf32>
      %add3A_395 = arith.addf %add3A_329, %mul3A_394 : vector<16x8192xf32>
      %get3A_396 = arith.constant 4 : index
      %get3A_397 = memref.load %arg3[%get3A_396] : memref<16xf32, #tpu.memory_space<smem>>
      %get3A_398 = arith.constant 4 : index
      %get3A_399 = arith.constant 0 : index
      %get3A_400 = memref.load %arg2[%get3A_398, %get3A_399] : memref<16x5xf32, #tpu.memory_space<smem>>
      %mul3A_401 = vector.broadcast %get3A_400 : f32 to vector<16x8192xf32>
      %mul3A_402 = arith.mulf %mul3A_401, %pad3A_123 : vector<16x8192xf32>
      %add3A_403 = vector.broadcast %get3A_397 : f32 to vector<16x8192xf32>
      %add3A_404 = arith.addf %add3A_403, %mul3A_402 : vector<16x8192xf32>
      %get3A_405 = arith.constant 4 : index
      %get3A_406 = arith.constant 1 : index
      %get3A_407 = memref.load %arg2[%get3A_405, %get3A_406] : memref<16x5xf32, #tpu.memory_space<smem>>
      %mul3A_408 = vector.broadcast %get3A_407 : f32 to vector<16x8192xf32>
      %mul3A_409 = arith.mulf %mul3A_408, %pad3A_128 : vector<16x8192xf32>
      %add3A_410 = arith.addf %add3A_404, %mul3A_409 : vector<16x8192xf32>
      %get3A_411 = arith.constant 4 : index
      %get3A_412 = arith.constant 2 : index
      %get3A_413 = memref.load %arg2[%get3A_411, %get3A_412] : memref<16x5xf32, #tpu.memory_space<smem>>
      %mul3A_414 = vector.broadcast %get3A_413 : f32 to vector<16x8192xf32>
      %mul3A_415 = arith.mulf %mul3A_414, %get3A_1 : vector<16x8192xf32>
      %add3A_416 = arith.addf %add3A_410, %mul3A_415 : vector<16x8192xf32>
      %get3A_417 = arith.constant 4 : index
      %get3A_418 = arith.constant 3 : index
      %get3A_419 = memref.load %arg2[%get3A_417, %get3A_418] : memref<16x5xf32, #tpu.memory_space<smem>>
      %mul3A_420 = vector.broadcast %get3A_419 : f32 to vector<16x8192xf32>
      %mul3A_421 = arith.mulf %mul3A_420, %pad3A_133 : vector<16x8192xf32>
      %add3A_422 = arith.addf %add3A_416, %mul3A_421 : vector<16x8192xf32>
      %get3A_423 = arith.constant 4 : index
      %get3A_424 = arith.constant 4 : index
      %get3A_425 = memref.load %arg2[%get3A_423, %get3A_424] : memref<16x5xf32, #tpu.memory_space<smem>>
      %mul3A_426 = vector.broadcast %get3A_425 : f32 to vector<16x8192xf32>
      %mul3A_427 = arith.mulf %mul3A_426, %pad3A_138 : vector<16x8192xf32>
      %add3A_428 = arith.addf %add3A_422, %mul3A_427 : vector<16x8192xf32>
      %max3A_429 = arith.constant 0.000000e+00 : f32
      %max3A_430 = vector.broadcast %max3A_429 : f32 to vector<16x8192xf32>
      %max3A_431 = arith.maximumf %add3A_428, %max3A_430 : vector<16x8192xf32>
      %get3A_432 = arith.constant 4 : index
      %get3A_433 = arith.constant 0 : index
      %get3A_434 = memref.load %arg4[%get3A_432, %get3A_433] : memref<16x5xf32, #tpu.memory_space<smem>>
      %mul3A_435 = vector.broadcast %get3A_434 : f32 to vector<16x8192xf32>
      %mul3A_436 = arith.mulf %mul3A_435, %max3A_431 : vector<16x8192xf32>
      %add3A_437 = arith.addf %add3A_371, %mul3A_436 : vector<16x8192xf32>
      %get3A_438 = arith.constant 4 : index
      %get3A_439 = arith.constant 1 : index
      %get3A_440 = memref.load %arg4[%get3A_438, %get3A_439] : memref<16x5xf32, #tpu.memory_space<smem>>
      %mul3A_441 = vector.broadcast %get3A_440 : f32 to vector<16x8192xf32>
      %mul3A_442 = arith.mulf %mul3A_441, %max3A_431 : vector<16x8192xf32>
      %add3A_443 = arith.addf %add3A_377, %mul3A_442 : vector<16x8192xf32>
      %get3A_444 = arith.constant 4 : index
      %get3A_445 = arith.constant 2 : index
      %get3A_446 = memref.load %arg4[%get3A_444, %get3A_445] : memref<16x5xf32, #tpu.memory_space<smem>>
      %mul3A_447 = vector.broadcast %get3A_446 : f32 to vector<16x8192xf32>
      %mul3A_448 = arith.mulf %mul3A_447, %max3A_431 : vector<16x8192xf32>
      %add3A_449 = arith.addf %add3A_383, %mul3A_448 : vector<16x8192xf32>
      %get3A_450 = arith.constant 4 : index
      %get3A_451 = arith.constant 3 : index
      %get3A_452 = memref.load %arg4[%get3A_450, %get3A_451] : memref<16x5xf32, #tpu.memory_space<smem>>
      %mul3A_453 = vector.broadcast %get3A_452 : f32 to vector<16x8192xf32>
      %mul3A_454 = arith.mulf %mul3A_453, %max3A_431 : vector<16x8192xf32>
      %add3A_455 = arith.addf %add3A_389, %mul3A_454 : vector<16x8192xf32>
      %get3A_456 = arith.constant 4 : index
      %get3A_457 = arith.constant 4 : index
      %get3A_458 = memref.load %arg4[%get3A_456, %get3A_457] : memref<16x5xf32, #tpu.memory_space<smem>>
      %mul3A_459 = vector.broadcast %get3A_458 : f32 to vector<16x8192xf32>
      %mul3A_460 = arith.mulf %mul3A_459, %max3A_431 : vector<16x8192xf32>
      %add3A_461 = arith.addf %add3A_395, %mul3A_460 : vector<16x8192xf32>
      %get3A_462 = arith.constant 5 : index
      %get3A_463 = memref.load %arg3[%get3A_462] : memref<16xf32, #tpu.memory_space<smem>>
      %get3A_464 = arith.constant 5 : index
      %get3A_465 = arith.constant 0 : index
      %get3A_466 = memref.load %arg2[%get3A_464, %get3A_465] : memref<16x5xf32, #tpu.memory_space<smem>>
      %mul3A_467 = vector.broadcast %get3A_466 : f32 to vector<16x8192xf32>
      %mul3A_468 = arith.mulf %mul3A_467, %pad3A_123 : vector<16x8192xf32>
      %add3A_469 = vector.broadcast %get3A_463 : f32 to vector<16x8192xf32>
      %add3A_470 = arith.addf %add3A_469, %mul3A_468 : vector<16x8192xf32>
      %get3A_471 = arith.constant 5 : index
      %get3A_472 = arith.constant 1 : index
      %get3A_473 = memref.load %arg2[%get3A_471, %get3A_472] : memref<16x5xf32, #tpu.memory_space<smem>>
      %mul3A_474 = vector.broadcast %get3A_473 : f32 to vector<16x8192xf32>
      %mul3A_475 = arith.mulf %mul3A_474, %pad3A_128 : vector<16x8192xf32>
      %add3A_476 = arith.addf %add3A_470, %mul3A_475 : vector<16x8192xf32>
      %get3A_477 = arith.constant 5 : index
      %get3A_478 = arith.constant 2 : index
      %get3A_479 = memref.load %arg2[%get3A_477, %get3A_478] : memref<16x5xf32, #tpu.memory_space<smem>>
      %mul3A_480 = vector.broadcast %get3A_479 : f32 to vector<16x8192xf32>
      %mul3A_481 = arith.mulf %mul3A_480, %get3A_1 : vector<16x8192xf32>
      %add3A_482 = arith.addf %add3A_476, %mul3A_481 : vector<16x8192xf32>
      %get3A_483 = arith.constant 5 : index
      %get3A_484 = arith.constant 3 : index
      %get3A_485 = memref.load %arg2[%get3A_483, %get3A_484] : memref<16x5xf32, #tpu.memory_space<smem>>
      %mul3A_486 = vector.broadcast %get3A_485 : f32 to vector<16x8192xf32>
      %mul3A_487 = arith.mulf %mul3A_486, %pad3A_133 : vector<16x8192xf32>
      %add3A_488 = arith.addf %add3A_482, %mul3A_487 : vector<16x8192xf32>
      %get3A_489 = arith.constant 5 : index
      %get3A_490 = arith.constant 4 : index
      %get3A_491 = memref.load %arg2[%get3A_489, %get3A_490] : memref<16x5xf32, #tpu.memory_space<smem>>
      %mul3A_492 = vector.broadcast %get3A_491 : f32 to vector<16x8192xf32>
      %mul3A_493 = arith.mulf %mul3A_492, %pad3A_138 : vector<16x8192xf32>
      %add3A_494 = arith.addf %add3A_488, %mul3A_493 : vector<16x8192xf32>
      %max3A_495 = arith.constant 0.000000e+00 : f32
      %max3A_496 = vector.broadcast %max3A_495 : f32 to vector<16x8192xf32>
      %max3A_497 = arith.maximumf %add3A_494, %max3A_496 : vector<16x8192xf32>
      %get3A_498 = arith.constant 5 : index
      %get3A_499 = arith.constant 0 : index
      %get3A_500 = memref.load %arg4[%get3A_498, %get3A_499] : memref<16x5xf32, #tpu.memory_space<smem>>
      %mul3A_501 = vector.broadcast %get3A_500 : f32 to vector<16x8192xf32>
      %mul3A_502 = arith.mulf %mul3A_501, %max3A_497 : vector<16x8192xf32>
      %add3A_503 = arith.addf %add3A_437, %mul3A_502 : vector<16x8192xf32>
      %get3A_504 = arith.constant 5 : index
      %get3A_505 = arith.constant 1 : index
      %get3A_506 = memref.load %arg4[%get3A_504, %get3A_505] : memref<16x5xf32, #tpu.memory_space<smem>>
      %mul3A_507 = vector.broadcast %get3A_506 : f32 to vector<16x8192xf32>
      %mul3A_508 = arith.mulf %mul3A_507, %max3A_497 : vector<16x8192xf32>
      %add3A_509 = arith.addf %add3A_443, %mul3A_508 : vector<16x8192xf32>
      %get3A_510 = arith.constant 5 : index
      %get3A_511 = arith.constant 2 : index
      %get3A_512 = memref.load %arg4[%get3A_510, %get3A_511] : memref<16x5xf32, #tpu.memory_space<smem>>
      %mul3A_513 = vector.broadcast %get3A_512 : f32 to vector<16x8192xf32>
      %mul3A_514 = arith.mulf %mul3A_513, %max3A_497 : vector<16x8192xf32>
      %add3A_515 = arith.addf %add3A_449, %mul3A_514 : vector<16x8192xf32>
      %get3A_516 = arith.constant 5 : index
      %get3A_517 = arith.constant 3 : index
      %get3A_518 = memref.load %arg4[%get3A_516, %get3A_517] : memref<16x5xf32, #tpu.memory_space<smem>>
      %mul3A_519 = vector.broadcast %get3A_518 : f32 to vector<16x8192xf32>
      %mul3A_520 = arith.mulf %mul3A_519, %max3A_497 : vector<16x8192xf32>
      %add3A_521 = arith.addf %add3A_455, %mul3A_520 : vector<16x8192xf32>
      %get3A_522 = arith.constant 5 : index
      %get3A_523 = arith.constant 4 : index
      %get3A_524 = memref.load %arg4[%get3A_522, %get3A_523] : memref<16x5xf32, #tpu.memory_space<smem>>
      %mul3A_525 = vector.broadcast %get3A_524 : f32 to vector<16x8192xf32>
      %mul3A_526 = arith.mulf %mul3A_525, %max3A_497 : vector<16x8192xf32>
      %add3A_527 = arith.addf %add3A_461, %mul3A_526 : vector<16x8192xf32>
      %get3A_528 = arith.constant 6 : index
      %get3A_529 = memref.load %arg3[%get3A_528] : memref<16xf32, #tpu.memory_space<smem>>
      %get3A_530 = arith.constant 6 : index
      %get3A_531 = arith.constant 0 : index
      %get3A_532 = memref.load %arg2[%get3A_530, %get3A_531] : memref<16x5xf32, #tpu.memory_space<smem>>
      %mul3A_533 = vector.broadcast %get3A_532 : f32 to vector<16x8192xf32>
      %mul3A_534 = arith.mulf %mul3A_533, %pad3A_123 : vector<16x8192xf32>
      %add3A_535 = vector.broadcast %get3A_529 : f32 to vector<16x8192xf32>
      %add3A_536 = arith.addf %add3A_535, %mul3A_534 : vector<16x8192xf32>
      %get3A_537 = arith.constant 6 : index
      %get3A_538 = arith.constant 1 : index
      %get3A_539 = memref.load %arg2[%get3A_537, %get3A_538] : memref<16x5xf32, #tpu.memory_space<smem>>
      %mul3A_540 = vector.broadcast %get3A_539 : f32 to vector<16x8192xf32>
      %mul3A_541 = arith.mulf %mul3A_540, %pad3A_128 : vector<16x8192xf32>
      %add3A_542 = arith.addf %add3A_536, %mul3A_541 : vector<16x8192xf32>
      %get3A_543 = arith.constant 6 : index
      %get3A_544 = arith.constant 2 : index
      %get3A_545 = memref.load %arg2[%get3A_543, %get3A_544] : memref<16x5xf32, #tpu.memory_space<smem>>
      %mul3A_546 = vector.broadcast %get3A_545 : f32 to vector<16x8192xf32>
      %mul3A_547 = arith.mulf %mul3A_546, %get3A_1 : vector<16x8192xf32>
      %add3A_548 = arith.addf %add3A_542, %mul3A_547 : vector<16x8192xf32>
      %get3A_549 = arith.constant 6 : index
      %get3A_550 = arith.constant 3 : index
      %get3A_551 = memref.load %arg2[%get3A_549, %get3A_550] : memref<16x5xf32, #tpu.memory_space<smem>>
      %mul3A_552 = vector.broadcast %get3A_551 : f32 to vector<16x8192xf32>
      %mul3A_553 = arith.mulf %mul3A_552, %pad3A_133 : vector<16x8192xf32>
      %add3A_554 = arith.addf %add3A_548, %mul3A_553 : vector<16x8192xf32>
      %get3A_555 = arith.constant 6 : index
      %get3A_556 = arith.constant 4 : index
      %get3A_557 = memref.load %arg2[%get3A_555, %get3A_556] : memref<16x5xf32, #tpu.memory_space<smem>>
      %mul3A_558 = vector.broadcast %get3A_557 : f32 to vector<16x8192xf32>
      %mul3A_559 = arith.mulf %mul3A_558, %pad3A_138 : vector<16x8192xf32>
      %add3A_560 = arith.addf %add3A_554, %mul3A_559 : vector<16x8192xf32>
      %max3A_561 = arith.constant 0.000000e+00 : f32
      %max3A_562 = vector.broadcast %max3A_561 : f32 to vector<16x8192xf32>
      %max3A_563 = arith.maximumf %add3A_560, %max3A_562 : vector<16x8192xf32>
      %get3A_564 = arith.constant 6 : index
      %get3A_565 = arith.constant 0 : index
      %get3A_566 = memref.load %arg4[%get3A_564, %get3A_565] : memref<16x5xf32, #tpu.memory_space<smem>>
      %mul3A_567 = vector.broadcast %get3A_566 : f32 to vector<16x8192xf32>
      %mul3A_568 = arith.mulf %mul3A_567, %max3A_563 : vector<16x8192xf32>
      %add3A_569 = arith.addf %add3A_503, %mul3A_568 : vector<16x8192xf32>
      %get3A_570 = arith.constant 6 : index
      %get3A_571 = arith.constant 1 : index
      %get3A_572 = memref.load %arg4[%get3A_570, %get3A_571] : memref<16x5xf32, #tpu.memory_space<smem>>
      %mul3A_573 = vector.broadcast %get3A_572 : f32 to vector<16x8192xf32>
      %mul3A_574 = arith.mulf %mul3A_573, %max3A_563 : vector<16x8192xf32>
      %add3A_575 = arith.addf %add3A_509, %mul3A_574 : vector<16x8192xf32>
      %get3A_576 = arith.constant 6 : index
      %get3A_577 = arith.constant 2 : index
      %get3A_578 = memref.load %arg4[%get3A_576, %get3A_577] : memref<16x5xf32, #tpu.memory_space<smem>>
      %mul3A_579 = vector.broadcast %get3A_578 : f32 to vector<16x8192xf32>
      %mul3A_580 = arith.mulf %mul3A_579, %max3A_563 : vector<16x8192xf32>
      %add3A_581 = arith.addf %add3A_515, %mul3A_580 : vector<16x8192xf32>
      %get3A_582 = arith.constant 6 : index
      %get3A_583 = arith.constant 3 : index
      %get3A_584 = memref.load %arg4[%get3A_582, %get3A_583] : memref<16x5xf32, #tpu.memory_space<smem>>
      %mul3A_585 = vector.broadcast %get3A_584 : f32 to vector<16x8192xf32>
      %mul3A_586 = arith.mulf %mul3A_585, %max3A_563 : vector<16x8192xf32>
      %add3A_587 = arith.addf %add3A_521, %mul3A_586 : vector<16x8192xf32>
      %get3A_588 = arith.constant 6 : index
      %get3A_589 = arith.constant 4 : index
      %get3A_590 = memref.load %arg4[%get3A_588, %get3A_589] : memref<16x5xf32, #tpu.memory_space<smem>>
      %mul3A_591 = vector.broadcast %get3A_590 : f32 to vector<16x8192xf32>
      %mul3A_592 = arith.mulf %mul3A_591, %max3A_563 : vector<16x8192xf32>
      %add3A_593 = arith.addf %add3A_527, %mul3A_592 : vector<16x8192xf32>
      %get3A_594 = arith.constant 7 : index
      %get3A_595 = memref.load %arg3[%get3A_594] : memref<16xf32, #tpu.memory_space<smem>>
      %get3A_596 = arith.constant 7 : index
      %get3A_597 = arith.constant 0 : index
      %get3A_598 = memref.load %arg2[%get3A_596, %get3A_597] : memref<16x5xf32, #tpu.memory_space<smem>>
      %mul3A_599 = vector.broadcast %get3A_598 : f32 to vector<16x8192xf32>
      %mul3A_600 = arith.mulf %mul3A_599, %pad3A_123 : vector<16x8192xf32>
      %add3A_601 = vector.broadcast %get3A_595 : f32 to vector<16x8192xf32>
      %add3A_602 = arith.addf %add3A_601, %mul3A_600 : vector<16x8192xf32>
      %get3A_603 = arith.constant 7 : index
      %get3A_604 = arith.constant 1 : index
      %get3A_605 = memref.load %arg2[%get3A_603, %get3A_604] : memref<16x5xf32, #tpu.memory_space<smem>>
      %mul3A_606 = vector.broadcast %get3A_605 : f32 to vector<16x8192xf32>
      %mul3A_607 = arith.mulf %mul3A_606, %pad3A_128 : vector<16x8192xf32>
      %add3A_608 = arith.addf %add3A_602, %mul3A_607 : vector<16x8192xf32>
      %get3A_609 = arith.constant 7 : index
      %get3A_610 = arith.constant 2 : index
      %get3A_611 = memref.load %arg2[%get3A_609, %get3A_610] : memref<16x5xf32, #tpu.memory_space<smem>>
      %mul3A_612 = vector.broadcast %get3A_611 : f32 to vector<16x8192xf32>
      %mul3A_613 = arith.mulf %mul3A_612, %get3A_1 : vector<16x8192xf32>
      %add3A_614 = arith.addf %add3A_608, %mul3A_613 : vector<16x8192xf32>
      %get3A_615 = arith.constant 7 : index
      %get3A_616 = arith.constant 3 : index
      %get3A_617 = memref.load %arg2[%get3A_615, %get3A_616] : memref<16x5xf32, #tpu.memory_space<smem>>
      %mul3A_618 = vector.broadcast %get3A_617 : f32 to vector<16x8192xf32>
      %mul3A_619 = arith.mulf %mul3A_618, %pad3A_133 : vector<16x8192xf32>
      %add3A_620 = arith.addf %add3A_614, %mul3A_619 : vector<16x8192xf32>
      %get3A_621 = arith.constant 7 : index
      %get3A_622 = arith.constant 4 : index
      %get3A_623 = memref.load %arg2[%get3A_621, %get3A_622] : memref<16x5xf32, #tpu.memory_space<smem>>
      %mul3A_624 = vector.broadcast %get3A_623 : f32 to vector<16x8192xf32>
      %mul3A_625 = arith.mulf %mul3A_624, %pad3A_138 : vector<16x8192xf32>
      %add3A_626 = arith.addf %add3A_620, %mul3A_625 : vector<16x8192xf32>
      %max3A_627 = arith.constant 0.000000e+00 : f32
      %max3A_628 = vector.broadcast %max3A_627 : f32 to vector<16x8192xf32>
      %max3A_629 = arith.maximumf %add3A_626, %max3A_628 : vector<16x8192xf32>
      %get3A_630 = arith.constant 7 : index
      %get3A_631 = arith.constant 0 : index
      %get3A_632 = memref.load %arg4[%get3A_630, %get3A_631] : memref<16x5xf32, #tpu.memory_space<smem>>
      %mul3A_633 = vector.broadcast %get3A_632 : f32 to vector<16x8192xf32>
      %mul3A_634 = arith.mulf %mul3A_633, %max3A_629 : vector<16x8192xf32>
      %add3A_635 = arith.addf %add3A_569, %mul3A_634 : vector<16x8192xf32>
      %get3A_636 = arith.constant 7 : index
      %get3A_637 = arith.constant 1 : index
      %get3A_638 = memref.load %arg4[%get3A_636, %get3A_637] : memref<16x5xf32, #tpu.memory_space<smem>>
      %mul3A_639 = vector.broadcast %get3A_638 : f32 to vector<16x8192xf32>
      %mul3A_640 = arith.mulf %mul3A_639, %max3A_629 : vector<16x8192xf32>
      %add3A_641 = arith.addf %add3A_575, %mul3A_640 : vector<16x8192xf32>
      %get3A_642 = arith.constant 7 : index
      %get3A_643 = arith.constant 2 : index
      %get3A_644 = memref.load %arg4[%get3A_642, %get3A_643] : memref<16x5xf32, #tpu.memory_space<smem>>
      %mul3A_645 = vector.broadcast %get3A_644 : f32 to vector<16x8192xf32>
      %mul3A_646 = arith.mulf %mul3A_645, %max3A_629 : vector<16x8192xf32>
      %add3A_647 = arith.addf %add3A_581, %mul3A_646 : vector<16x8192xf32>
      %get3A_648 = arith.constant 7 : index
      %get3A_649 = arith.constant 3 : index
      %get3A_650 = memref.load %arg4[%get3A_648, %get3A_649] : memref<16x5xf32, #tpu.memory_space<smem>>
      %mul3A_651 = vector.broadcast %get3A_650 : f32 to vector<16x8192xf32>
      %mul3A_652 = arith.mulf %mul3A_651, %max3A_629 : vector<16x8192xf32>
      %add3A_653 = arith.addf %add3A_587, %mul3A_652 : vector<16x8192xf32>
      %get3A_654 = arith.constant 7 : index
      %get3A_655 = arith.constant 4 : index
      %get3A_656 = memref.load %arg4[%get3A_654, %get3A_655] : memref<16x5xf32, #tpu.memory_space<smem>>
      %mul3A_657 = vector.broadcast %get3A_656 : f32 to vector<16x8192xf32>
      %mul3A_658 = arith.mulf %mul3A_657, %max3A_629 : vector<16x8192xf32>
      %add3A_659 = arith.addf %add3A_593, %mul3A_658 : vector<16x8192xf32>
      %get3A_660 = arith.constant 8 : index
      %get3A_661 = memref.load %arg3[%get3A_660] : memref<16xf32, #tpu.memory_space<smem>>
      %get3A_662 = arith.constant 8 : index
      %get3A_663 = arith.constant 0 : index
      %get3A_664 = memref.load %arg2[%get3A_662, %get3A_663] : memref<16x5xf32, #tpu.memory_space<smem>>
      %mul3A_665 = vector.broadcast %get3A_664 : f32 to vector<16x8192xf32>
      %mul3A_666 = arith.mulf %mul3A_665, %pad3A_123 : vector<16x8192xf32>
      %add3A_667 = vector.broadcast %get3A_661 : f32 to vector<16x8192xf32>
      %add3A_668 = arith.addf %add3A_667, %mul3A_666 : vector<16x8192xf32>
      %get3A_669 = arith.constant 8 : index
      %get3A_670 = arith.constant 1 : index
      %get3A_671 = memref.load %arg2[%get3A_669, %get3A_670] : memref<16x5xf32, #tpu.memory_space<smem>>
      %mul3A_672 = vector.broadcast %get3A_671 : f32 to vector<16x8192xf32>
      %mul3A_673 = arith.mulf %mul3A_672, %pad3A_128 : vector<16x8192xf32>
      %add3A_674 = arith.addf %add3A_668, %mul3A_673 : vector<16x8192xf32>
      %get3A_675 = arith.constant 8 : index
      %get3A_676 = arith.constant 2 : index
      %get3A_677 = memref.load %arg2[%get3A_675, %get3A_676] : memref<16x5xf32, #tpu.memory_space<smem>>
      %mul3A_678 = vector.broadcast %get3A_677 : f32 to vector<16x8192xf32>
      %mul3A_679 = arith.mulf %mul3A_678, %get3A_1 : vector<16x8192xf32>
      %add3A_680 = arith.addf %add3A_674, %mul3A_679 : vector<16x8192xf32>
      %get3A_681 = arith.constant 8 : index
      %get3A_682 = arith.constant 3 : index
      %get3A_683 = memref.load %arg2[%get3A_681, %get3A_682] : memref<16x5xf32, #tpu.memory_space<smem>>
      %mul3A_684 = vector.broadcast %get3A_683 : f32 to vector<16x8192xf32>
      %mul3A_685 = arith.mulf %mul3A_684, %pad3A_133 : vector<16x8192xf32>
      %add3A_686 = arith.addf %add3A_680, %mul3A_685 : vector<16x8192xf32>
      %get3A_687 = arith.constant 8 : index
      %get3A_688 = arith.constant 4 : index
      %get3A_689 = memref.load %arg2[%get3A_687, %get3A_688] : memref<16x5xf32, #tpu.memory_space<smem>>
      %mul3A_690 = vector.broadcast %get3A_689 : f32 to vector<16x8192xf32>
      %mul3A_691 = arith.mulf %mul3A_690, %pad3A_138 : vector<16x8192xf32>
      %add3A_692 = arith.addf %add3A_686, %mul3A_691 : vector<16x8192xf32>
      %max3A_693 = arith.constant 0.000000e+00 : f32
      %max3A_694 = vector.broadcast %max3A_693 : f32 to vector<16x8192xf32>
      %max3A_695 = arith.maximumf %add3A_692, %max3A_694 : vector<16x8192xf32>
      %get3A_696 = arith.constant 8 : index
      %get3A_697 = arith.constant 0 : index
      %get3A_698 = memref.load %arg4[%get3A_696, %get3A_697] : memref<16x5xf32, #tpu.memory_space<smem>>
      %mul3A_699 = vector.broadcast %get3A_698 : f32 to vector<16x8192xf32>
      %mul3A_700 = arith.mulf %mul3A_699, %max3A_695 : vector<16x8192xf32>
      %add3A_701 = arith.addf %add3A_635, %mul3A_700 : vector<16x8192xf32>
      %get3A_702 = arith.constant 8 : index
      %get3A_703 = arith.constant 1 : index
      %get3A_704 = memref.load %arg4[%get3A_702, %get3A_703] : memref<16x5xf32, #tpu.memory_space<smem>>
      %mul3A_705 = vector.broadcast %get3A_704 : f32 to vector<16x8192xf32>
      %mul3A_706 = arith.mulf %mul3A_705, %max3A_695 : vector<16x8192xf32>
      %add3A_707 = arith.addf %add3A_641, %mul3A_706 : vector<16x8192xf32>
      %get3A_708 = arith.constant 8 : index
      %get3A_709 = arith.constant 2 : index
      %get3A_710 = memref.load %arg4[%get3A_708, %get3A_709] : memref<16x5xf32, #tpu.memory_space<smem>>
      %mul3A_711 = vector.broadcast %get3A_710 : f32 to vector<16x8192xf32>
      %mul3A_712 = arith.mulf %mul3A_711, %max3A_695 : vector<16x8192xf32>
      %add3A_713 = arith.addf %add3A_647, %mul3A_712 : vector<16x8192xf32>
      %get3A_714 = arith.constant 8 : index
      %get3A_715 = arith.constant 3 : index
      %get3A_716 = memref.load %arg4[%get3A_714, %get3A_715] : memref<16x5xf32, #tpu.memory_space<smem>>
      %mul3A_717 = vector.broadcast %get3A_716 : f32 to vector<16x8192xf32>
      %mul3A_718 = arith.mulf %mul3A_717, %max3A_695 : vector<16x8192xf32>
      %add3A_719 = arith.addf %add3A_653, %mul3A_718 : vector<16x8192xf32>
      %get3A_720 = arith.constant 8 : index
      %get3A_721 = arith.constant 4 : index
      %get3A_722 = memref.load %arg4[%get3A_720, %get3A_721] : memref<16x5xf32, #tpu.memory_space<smem>>
      %mul3A_723 = vector.broadcast %get3A_722 : f32 to vector<16x8192xf32>
      %mul3A_724 = arith.mulf %mul3A_723, %max3A_695 : vector<16x8192xf32>
      %add3A_725 = arith.addf %add3A_659, %mul3A_724 : vector<16x8192xf32>
      %get3A_726 = arith.constant 9 : index
      %get3A_727 = memref.load %arg3[%get3A_726] : memref<16xf32, #tpu.memory_space<smem>>
      %get3A_728 = arith.constant 9 : index
      %get3A_729 = arith.constant 0 : index
      %get3A_730 = memref.load %arg2[%get3A_728, %get3A_729] : memref<16x5xf32, #tpu.memory_space<smem>>
      %mul3A_731 = vector.broadcast %get3A_730 : f32 to vector<16x8192xf32>
      %mul3A_732 = arith.mulf %mul3A_731, %pad3A_123 : vector<16x8192xf32>
      %add3A_733 = vector.broadcast %get3A_727 : f32 to vector<16x8192xf32>
      %add3A_734 = arith.addf %add3A_733, %mul3A_732 : vector<16x8192xf32>
      %get3A_735 = arith.constant 9 : index
      %get3A_736 = arith.constant 1 : index
      %get3A_737 = memref.load %arg2[%get3A_735, %get3A_736] : memref<16x5xf32, #tpu.memory_space<smem>>
      %mul3A_738 = vector.broadcast %get3A_737 : f32 to vector<16x8192xf32>
      %mul3A_739 = arith.mulf %mul3A_738, %pad3A_128 : vector<16x8192xf32>
      %add3A_740 = arith.addf %add3A_734, %mul3A_739 : vector<16x8192xf32>
      %get3A_741 = arith.constant 9 : index
      %get3A_742 = arith.constant 2 : index
      %get3A_743 = memref.load %arg2[%get3A_741, %get3A_742] : memref<16x5xf32, #tpu.memory_space<smem>>
      %mul3A_744 = vector.broadcast %get3A_743 : f32 to vector<16x8192xf32>
      %mul3A_745 = arith.mulf %mul3A_744, %get3A_1 : vector<16x8192xf32>
      %add3A_746 = arith.addf %add3A_740, %mul3A_745 : vector<16x8192xf32>
      %get3A_747 = arith.constant 9 : index
      %get3A_748 = arith.constant 3 : index
      %get3A_749 = memref.load %arg2[%get3A_747, %get3A_748] : memref<16x5xf32, #tpu.memory_space<smem>>
      %mul3A_750 = vector.broadcast %get3A_749 : f32 to vector<16x8192xf32>
      %mul3A_751 = arith.mulf %mul3A_750, %pad3A_133 : vector<16x8192xf32>
      %add3A_752 = arith.addf %add3A_746, %mul3A_751 : vector<16x8192xf32>
      %get3A_753 = arith.constant 9 : index
      %get3A_754 = arith.constant 4 : index
      %get3A_755 = memref.load %arg2[%get3A_753, %get3A_754] : memref<16x5xf32, #tpu.memory_space<smem>>
      %mul3A_756 = vector.broadcast %get3A_755 : f32 to vector<16x8192xf32>
      %mul3A_757 = arith.mulf %mul3A_756, %pad3A_138 : vector<16x8192xf32>
      %add3A_758 = arith.addf %add3A_752, %mul3A_757 : vector<16x8192xf32>
      %max3A_759 = arith.constant 0.000000e+00 : f32
      %max3A_760 = vector.broadcast %max3A_759 : f32 to vector<16x8192xf32>
      %max3A_761 = arith.maximumf %add3A_758, %max3A_760 : vector<16x8192xf32>
      %get3A_762 = arith.constant 9 : index
      %get3A_763 = arith.constant 0 : index
      %get3A_764 = memref.load %arg4[%get3A_762, %get3A_763] : memref<16x5xf32, #tpu.memory_space<smem>>
      %mul3A_765 = vector.broadcast %get3A_764 : f32 to vector<16x8192xf32>
      %mul3A_766 = arith.mulf %mul3A_765, %max3A_761 : vector<16x8192xf32>
      %add3A_767 = arith.addf %add3A_701, %mul3A_766 : vector<16x8192xf32>
      %get3A_768 = arith.constant 9 : index
      %get3A_769 = arith.constant 1 : index
      %get3A_770 = memref.load %arg4[%get3A_768, %get3A_769] : memref<16x5xf32, #tpu.memory_space<smem>>
      %mul3A_771 = vector.broadcast %get3A_770 : f32 to vector<16x8192xf32>
      %mul3A_772 = arith.mulf %mul3A_771, %max3A_761 : vector<16x8192xf32>
      %add3A_773 = arith.addf %add3A_707, %mul3A_772 : vector<16x8192xf32>
      %get3A_774 = arith.constant 9 : index
      %get3A_775 = arith.constant 2 : index
      %get3A_776 = memref.load %arg4[%get3A_774, %get3A_775] : memref<16x5xf32, #tpu.memory_space<smem>>
      %mul3A_777 = vector.broadcast %get3A_776 : f32 to vector<16x8192xf32>
      %mul3A_778 = arith.mulf %mul3A_777, %max3A_761 : vector<16x8192xf32>
      %add3A_779 = arith.addf %add3A_713, %mul3A_778 : vector<16x8192xf32>
      %get3A_780 = arith.constant 9 : index
      %get3A_781 = arith.constant 3 : index
      %get3A_782 = memref.load %arg4[%get3A_780, %get3A_781] : memref<16x5xf32, #tpu.memory_space<smem>>
      %mul3A_783 = vector.broadcast %get3A_782 : f32 to vector<16x8192xf32>
      %mul3A_784 = arith.mulf %mul3A_783, %max3A_761 : vector<16x8192xf32>
      %add3A_785 = arith.addf %add3A_719, %mul3A_784 : vector<16x8192xf32>
      %get3A_786 = arith.constant 9 : index
      %get3A_787 = arith.constant 4 : index
      %get3A_788 = memref.load %arg4[%get3A_786, %get3A_787] : memref<16x5xf32, #tpu.memory_space<smem>>
      %mul3A_789 = vector.broadcast %get3A_788 : f32 to vector<16x8192xf32>
      %mul3A_790 = arith.mulf %mul3A_789, %max3A_761 : vector<16x8192xf32>
      %add3A_791 = arith.addf %add3A_725, %mul3A_790 : vector<16x8192xf32>
      %get3A_792 = arith.constant 10 : index
      %get3A_793 = memref.load %arg3[%get3A_792] : memref<16xf32, #tpu.memory_space<smem>>
      %get3A_794 = arith.constant 10 : index
      %get3A_795 = arith.constant 0 : index
      %get3A_796 = memref.load %arg2[%get3A_794, %get3A_795] : memref<16x5xf32, #tpu.memory_space<smem>>
      %mul3A_797 = vector.broadcast %get3A_796 : f32 to vector<16x8192xf32>
      %mul3A_798 = arith.mulf %mul3A_797, %pad3A_123 : vector<16x8192xf32>
      %add3A_799 = vector.broadcast %get3A_793 : f32 to vector<16x8192xf32>
      %add3A_800 = arith.addf %add3A_799, %mul3A_798 : vector<16x8192xf32>
      %get3A_801 = arith.constant 10 : index
      %get3A_802 = arith.constant 1 : index
      %get3A_803 = memref.load %arg2[%get3A_801, %get3A_802] : memref<16x5xf32, #tpu.memory_space<smem>>
      %mul3A_804 = vector.broadcast %get3A_803 : f32 to vector<16x8192xf32>
      %mul3A_805 = arith.mulf %mul3A_804, %pad3A_128 : vector<16x8192xf32>
      %add3A_806 = arith.addf %add3A_800, %mul3A_805 : vector<16x8192xf32>
      %get3A_807 = arith.constant 10 : index
      %get3A_808 = arith.constant 2 : index
      %get3A_809 = memref.load %arg2[%get3A_807, %get3A_808] : memref<16x5xf32, #tpu.memory_space<smem>>
      %mul3A_810 = vector.broadcast %get3A_809 : f32 to vector<16x8192xf32>
      %mul3A_811 = arith.mulf %mul3A_810, %get3A_1 : vector<16x8192xf32>
      %add3A_812 = arith.addf %add3A_806, %mul3A_811 : vector<16x8192xf32>
      %get3A_813 = arith.constant 10 : index
      %get3A_814 = arith.constant 3 : index
      %get3A_815 = memref.load %arg2[%get3A_813, %get3A_814] : memref<16x5xf32, #tpu.memory_space<smem>>
      %mul3A_816 = vector.broadcast %get3A_815 : f32 to vector<16x8192xf32>
      %mul3A_817 = arith.mulf %mul3A_816, %pad3A_133 : vector<16x8192xf32>
      %add3A_818 = arith.addf %add3A_812, %mul3A_817 : vector<16x8192xf32>
      %get3A_819 = arith.constant 10 : index
      %get3A_820 = arith.constant 4 : index
      %get3A_821 = memref.load %arg2[%get3A_819, %get3A_820] : memref<16x5xf32, #tpu.memory_space<smem>>
      %mul3A_822 = vector.broadcast %get3A_821 : f32 to vector<16x8192xf32>
      %mul3A_823 = arith.mulf %mul3A_822, %pad3A_138 : vector<16x8192xf32>
      %add3A_824 = arith.addf %add3A_818, %mul3A_823 : vector<16x8192xf32>
      %max3A_825 = arith.constant 0.000000e+00 : f32
      %max3A_826 = vector.broadcast %max3A_825 : f32 to vector<16x8192xf32>
      %max3A_827 = arith.maximumf %add3A_824, %max3A_826 : vector<16x8192xf32>
      %get3A_828 = arith.constant 10 : index
      %get3A_829 = arith.constant 0 : index
      %get3A_830 = memref.load %arg4[%get3A_828, %get3A_829] : memref<16x5xf32, #tpu.memory_space<smem>>
      %mul3A_831 = vector.broadcast %get3A_830 : f32 to vector<16x8192xf32>
      %mul3A_832 = arith.mulf %mul3A_831, %max3A_827 : vector<16x8192xf32>
      %add3A_833 = arith.addf %add3A_767, %mul3A_832 : vector<16x8192xf32>
      %get3A_834 = arith.constant 10 : index
      %get3A_835 = arith.constant 1 : index
      %get3A_836 = memref.load %arg4[%get3A_834, %get3A_835] : memref<16x5xf32, #tpu.memory_space<smem>>
      %mul3A_837 = vector.broadcast %get3A_836 : f32 to vector<16x8192xf32>
      %mul3A_838 = arith.mulf %mul3A_837, %max3A_827 : vector<16x8192xf32>
      %add3A_839 = arith.addf %add3A_773, %mul3A_838 : vector<16x8192xf32>
      %get3A_840 = arith.constant 10 : index
      %get3A_841 = arith.constant 2 : index
      %get3A_842 = memref.load %arg4[%get3A_840, %get3A_841] : memref<16x5xf32, #tpu.memory_space<smem>>
      %mul3A_843 = vector.broadcast %get3A_842 : f32 to vector<16x8192xf32>
      %mul3A_844 = arith.mulf %mul3A_843, %max3A_827 : vector<16x8192xf32>
      %add3A_845 = arith.addf %add3A_779, %mul3A_844 : vector<16x8192xf32>
      %get3A_846 = arith.constant 10 : index
      %get3A_847 = arith.constant 3 : index
      %get3A_848 = memref.load %arg4[%get3A_846, %get3A_847] : memref<16x5xf32, #tpu.memory_space<smem>>
      %mul3A_849 = vector.broadcast %get3A_848 : f32 to vector<16x8192xf32>
      %mul3A_850 = arith.mulf %mul3A_849, %max3A_827 : vector<16x8192xf32>
      %add3A_851 = arith.addf %add3A_785, %mul3A_850 : vector<16x8192xf32>
      %get3A_852 = arith.constant 10 : index
      %get3A_853 = arith.constant 4 : index
      %get3A_854 = memref.load %arg4[%get3A_852, %get3A_853] : memref<16x5xf32, #tpu.memory_space<smem>>
      %mul3A_855 = vector.broadcast %get3A_854 : f32 to vector<16x8192xf32>
      %mul3A_856 = arith.mulf %mul3A_855, %max3A_827 : vector<16x8192xf32>
      %add3A_857 = arith.addf %add3A_791, %mul3A_856 : vector<16x8192xf32>
      %get3A_858 = arith.constant 11 : index
      %get3A_859 = memref.load %arg3[%get3A_858] : memref<16xf32, #tpu.memory_space<smem>>
      %get3A_860 = arith.constant 11 : index
      %get3A_861 = arith.constant 0 : index
      %get3A_862 = memref.load %arg2[%get3A_860, %get3A_861] : memref<16x5xf32, #tpu.memory_space<smem>>
      %mul3A_863 = vector.broadcast %get3A_862 : f32 to vector<16x8192xf32>
      %mul3A_864 = arith.mulf %mul3A_863, %pad3A_123 : vector<16x8192xf32>
      %add3A_865 = vector.broadcast %get3A_859 : f32 to vector<16x8192xf32>
      %add3A_866 = arith.addf %add3A_865, %mul3A_864 : vector<16x8192xf32>
      %get3A_867 = arith.constant 11 : index
      %get3A_868 = arith.constant 1 : index
      %get3A_869 = memref.load %arg2[%get3A_867, %get3A_868] : memref<16x5xf32, #tpu.memory_space<smem>>
      %mul3A_870 = vector.broadcast %get3A_869 : f32 to vector<16x8192xf32>
      %mul3A_871 = arith.mulf %mul3A_870, %pad3A_128 : vector<16x8192xf32>
      %add3A_872 = arith.addf %add3A_866, %mul3A_871 : vector<16x8192xf32>
      %get3A_873 = arith.constant 11 : index
      %get3A_874 = arith.constant 2 : index
      %get3A_875 = memref.load %arg2[%get3A_873, %get3A_874] : memref<16x5xf32, #tpu.memory_space<smem>>
      %mul3A_876 = vector.broadcast %get3A_875 : f32 to vector<16x8192xf32>
      %mul3A_877 = arith.mulf %mul3A_876, %get3A_1 : vector<16x8192xf32>
      %add3A_878 = arith.addf %add3A_872, %mul3A_877 : vector<16x8192xf32>
      %get3A_879 = arith.constant 11 : index
      %get3A_880 = arith.constant 3 : index
      %get3A_881 = memref.load %arg2[%get3A_879, %get3A_880] : memref<16x5xf32, #tpu.memory_space<smem>>
      %mul3A_882 = vector.broadcast %get3A_881 : f32 to vector<16x8192xf32>
      %mul3A_883 = arith.mulf %mul3A_882, %pad3A_133 : vector<16x8192xf32>
      %add3A_884 = arith.addf %add3A_878, %mul3A_883 : vector<16x8192xf32>
      %get3A_885 = arith.constant 11 : index
      %get3A_886 = arith.constant 4 : index
      %get3A_887 = memref.load %arg2[%get3A_885, %get3A_886] : memref<16x5xf32, #tpu.memory_space<smem>>
      %mul3A_888 = vector.broadcast %get3A_887 : f32 to vector<16x8192xf32>
      %mul3A_889 = arith.mulf %mul3A_888, %pad3A_138 : vector<16x8192xf32>
      %add3A_890 = arith.addf %add3A_884, %mul3A_889 : vector<16x8192xf32>
      %max3A_891 = arith.constant 0.000000e+00 : f32
      %max3A_892 = vector.broadcast %max3A_891 : f32 to vector<16x8192xf32>
      %max3A_893 = arith.maximumf %add3A_890, %max3A_892 : vector<16x8192xf32>
      %get3A_894 = arith.constant 11 : index
      %get3A_895 = arith.constant 0 : index
      %get3A_896 = memref.load %arg4[%get3A_894, %get3A_895] : memref<16x5xf32, #tpu.memory_space<smem>>
      %mul3A_897 = vector.broadcast %get3A_896 : f32 to vector<16x8192xf32>
      %mul3A_898 = arith.mulf %mul3A_897, %max3A_893 : vector<16x8192xf32>
      %add3A_899 = arith.addf %add3A_833, %mul3A_898 : vector<16x8192xf32>
      %get3A_900 = arith.constant 11 : index
      %get3A_901 = arith.constant 1 : index
      %get3A_902 = memref.load %arg4[%get3A_900, %get3A_901] : memref<16x5xf32, #tpu.memory_space<smem>>
      %mul3A_903 = vector.broadcast %get3A_902 : f32 to vector<16x8192xf32>
      %mul3A_904 = arith.mulf %mul3A_903, %max3A_893 : vector<16x8192xf32>
      %add3A_905 = arith.addf %add3A_839, %mul3A_904 : vector<16x8192xf32>
      %get3A_906 = arith.constant 11 : index
      %get3A_907 = arith.constant 2 : index
      %get3A_908 = memref.load %arg4[%get3A_906, %get3A_907] : memref<16x5xf32, #tpu.memory_space<smem>>
      %mul3A_909 = vector.broadcast %get3A_908 : f32 to vector<16x8192xf32>
      %mul3A_910 = arith.mulf %mul3A_909, %max3A_893 : vector<16x8192xf32>
      %add3A_911 = arith.addf %add3A_845, %mul3A_910 : vector<16x8192xf32>
      %get3A_912 = arith.constant 11 : index
      %get3A_913 = arith.constant 3 : index
      %get3A_914 = memref.load %arg4[%get3A_912, %get3A_913] : memref<16x5xf32, #tpu.memory_space<smem>>
      %mul3A_915 = vector.broadcast %get3A_914 : f32 to vector<16x8192xf32>
      %mul3A_916 = arith.mulf %mul3A_915, %max3A_893 : vector<16x8192xf32>
      %add3A_917 = arith.addf %add3A_851, %mul3A_916 : vector<16x8192xf32>
      %get3A_918 = arith.constant 11 : index
      %get3A_919 = arith.constant 4 : index
      %get3A_920 = memref.load %arg4[%get3A_918, %get3A_919] : memref<16x5xf32, #tpu.memory_space<smem>>
      %mul3A_921 = vector.broadcast %get3A_920 : f32 to vector<16x8192xf32>
      %mul3A_922 = arith.mulf %mul3A_921, %max3A_893 : vector<16x8192xf32>
      %add3A_923 = arith.addf %add3A_857, %mul3A_922 : vector<16x8192xf32>
      %get3A_924 = arith.constant 12 : index
      %get3A_925 = memref.load %arg3[%get3A_924] : memref<16xf32, #tpu.memory_space<smem>>
      %get3A_926 = arith.constant 12 : index
      %get3A_927 = arith.constant 0 : index
      %get3A_928 = memref.load %arg2[%get3A_926, %get3A_927] : memref<16x5xf32, #tpu.memory_space<smem>>
      %mul3A_929 = vector.broadcast %get3A_928 : f32 to vector<16x8192xf32>
      %mul3A_930 = arith.mulf %mul3A_929, %pad3A_123 : vector<16x8192xf32>
      %add3A_931 = vector.broadcast %get3A_925 : f32 to vector<16x8192xf32>
      %add3A_932 = arith.addf %add3A_931, %mul3A_930 : vector<16x8192xf32>
      %get3A_933 = arith.constant 12 : index
      %get3A_934 = arith.constant 1 : index
      %get3A_935 = memref.load %arg2[%get3A_933, %get3A_934] : memref<16x5xf32, #tpu.memory_space<smem>>
      %mul3A_936 = vector.broadcast %get3A_935 : f32 to vector<16x8192xf32>
      %mul3A_937 = arith.mulf %mul3A_936, %pad3A_128 : vector<16x8192xf32>
      %add3A_938 = arith.addf %add3A_932, %mul3A_937 : vector<16x8192xf32>
      %get3A_939 = arith.constant 12 : index
      %get3A_940 = arith.constant 2 : index
      %get3A_941 = memref.load %arg2[%get3A_939, %get3A_940] : memref<16x5xf32, #tpu.memory_space<smem>>
      %mul3A_942 = vector.broadcast %get3A_941 : f32 to vector<16x8192xf32>
      %mul3A_943 = arith.mulf %mul3A_942, %get3A_1 : vector<16x8192xf32>
      %add3A_944 = arith.addf %add3A_938, %mul3A_943 : vector<16x8192xf32>
      %get3A_945 = arith.constant 12 : index
      %get3A_946 = arith.constant 3 : index
      %get3A_947 = memref.load %arg2[%get3A_945, %get3A_946] : memref<16x5xf32, #tpu.memory_space<smem>>
      %mul3A_948 = vector.broadcast %get3A_947 : f32 to vector<16x8192xf32>
      %mul3A_949 = arith.mulf %mul3A_948, %pad3A_133 : vector<16x8192xf32>
      %add3A_950 = arith.addf %add3A_944, %mul3A_949 : vector<16x8192xf32>
      %get3A_951 = arith.constant 12 : index
      %get3A_952 = arith.constant 4 : index
      %get3A_953 = memref.load %arg2[%get3A_951, %get3A_952] : memref<16x5xf32, #tpu.memory_space<smem>>
      %mul3A_954 = vector.broadcast %get3A_953 : f32 to vector<16x8192xf32>
      %mul3A_955 = arith.mulf %mul3A_954, %pad3A_138 : vector<16x8192xf32>
      %add3A_956 = arith.addf %add3A_950, %mul3A_955 : vector<16x8192xf32>
      %max3A_957 = arith.constant 0.000000e+00 : f32
      %max3A_958 = vector.broadcast %max3A_957 : f32 to vector<16x8192xf32>
      %max3A_959 = arith.maximumf %add3A_956, %max3A_958 : vector<16x8192xf32>
      %get3A_960 = arith.constant 12 : index
      %get3A_961 = arith.constant 0 : index
      %get3A_962 = memref.load %arg4[%get3A_960, %get3A_961] : memref<16x5xf32, #tpu.memory_space<smem>>
      %mul3A_963 = vector.broadcast %get3A_962 : f32 to vector<16x8192xf32>
      %mul3A_964 = arith.mulf %mul3A_963, %max3A_959 : vector<16x8192xf32>
      %add3A_965 = arith.addf %add3A_899, %mul3A_964 : vector<16x8192xf32>
      %get3A_966 = arith.constant 12 : index
      %get3A_967 = arith.constant 1 : index
      %get3A_968 = memref.load %arg4[%get3A_966, %get3A_967] : memref<16x5xf32, #tpu.memory_space<smem>>
      %mul3A_969 = vector.broadcast %get3A_968 : f32 to vector<16x8192xf32>
      %mul3A_970 = arith.mulf %mul3A_969, %max3A_959 : vector<16x8192xf32>
      %add3A_971 = arith.addf %add3A_905, %mul3A_970 : vector<16x8192xf32>
      %get3A_972 = arith.constant 12 : index
      %get3A_973 = arith.constant 2 : index
      %get3A_974 = memref.load %arg4[%get3A_972, %get3A_973] : memref<16x5xf32, #tpu.memory_space<smem>>
      %mul3A_975 = vector.broadcast %get3A_974 : f32 to vector<16x8192xf32>
      %mul3A_976 = arith.mulf %mul3A_975, %max3A_959 : vector<16x8192xf32>
      %add3A_977 = arith.addf %add3A_911, %mul3A_976 : vector<16x8192xf32>
      %get3A_978 = arith.constant 12 : index
      %get3A_979 = arith.constant 3 : index
      %get3A_980 = memref.load %arg4[%get3A_978, %get3A_979] : memref<16x5xf32, #tpu.memory_space<smem>>
      %mul3A_981 = vector.broadcast %get3A_980 : f32 to vector<16x8192xf32>
      %mul3A_982 = arith.mulf %mul3A_981, %max3A_959 : vector<16x8192xf32>
      %add3A_983 = arith.addf %add3A_917, %mul3A_982 : vector<16x8192xf32>
      %get3A_984 = arith.constant 12 : index
      %get3A_985 = arith.constant 4 : index
      %get3A_986 = memref.load %arg4[%get3A_984, %get3A_985] : memref<16x5xf32, #tpu.memory_space<smem>>
      %mul3A_987 = vector.broadcast %get3A_986 : f32 to vector<16x8192xf32>
      %mul3A_988 = arith.mulf %mul3A_987, %max3A_959 : vector<16x8192xf32>
      %add3A_989 = arith.addf %add3A_923, %mul3A_988 : vector<16x8192xf32>
      %get3A_990 = arith.constant 13 : index
      %get3A_991 = memref.load %arg3[%get3A_990] : memref<16xf32, #tpu.memory_space<smem>>
      %get3A_992 = arith.constant 13 : index
      %get3A_993 = arith.constant 0 : index
      %get3A_994 = memref.load %arg2[%get3A_992, %get3A_993] : memref<16x5xf32, #tpu.memory_space<smem>>
      %mul3A_995 = vector.broadcast %get3A_994 : f32 to vector<16x8192xf32>
      %mul3A_996 = arith.mulf %mul3A_995, %pad3A_123 : vector<16x8192xf32>
      %add3A_997 = vector.broadcast %get3A_991 : f32 to vector<16x8192xf32>
      %add3A_998 = arith.addf %add3A_997, %mul3A_996 : vector<16x8192xf32>
      %get3A_999 = arith.constant 13 : index
      %get3A_1000 = arith.constant 1 : index
      %get3A_1001 = memref.load %arg2[%get3A_999, %get3A_1000] : memref<16x5xf32, #tpu.memory_space<smem>>
      %mul3A_1002 = vector.broadcast %get3A_1001 : f32 to vector<16x8192xf32>
      %mul3A_1003 = arith.mulf %mul3A_1002, %pad3A_128 : vector<16x8192xf32>
      %add3A_1004 = arith.addf %add3A_998, %mul3A_1003 : vector<16x8192xf32>
      %get3A_1005 = arith.constant 13 : index
      %get3A_1006 = arith.constant 2 : index
      %get3A_1007 = memref.load %arg2[%get3A_1005, %get3A_1006] : memref<16x5xf32, #tpu.memory_space<smem>>
      %mul3A_1008 = vector.broadcast %get3A_1007 : f32 to vector<16x8192xf32>
      %mul3A_1009 = arith.mulf %mul3A_1008, %get3A_1 : vector<16x8192xf32>
      %add3A_1010 = arith.addf %add3A_1004, %mul3A_1009 : vector<16x8192xf32>
      %get3A_1011 = arith.constant 13 : index
      %get3A_1012 = arith.constant 3 : index
      %get3A_1013 = memref.load %arg2[%get3A_1011, %get3A_1012] : memref<16x5xf32, #tpu.memory_space<smem>>
      %mul3A_1014 = vector.broadcast %get3A_1013 : f32 to vector<16x8192xf32>
      %mul3A_1015 = arith.mulf %mul3A_1014, %pad3A_133 : vector<16x8192xf32>
      %add3A_1016 = arith.addf %add3A_1010, %mul3A_1015 : vector<16x8192xf32>
      %get3A_1017 = arith.constant 13 : index
      %get3A_1018 = arith.constant 4 : index
      %get3A_1019 = memref.load %arg2[%get3A_1017, %get3A_1018] : memref<16x5xf32, #tpu.memory_space<smem>>
      %mul3A_1020 = vector.broadcast %get3A_1019 : f32 to vector<16x8192xf32>
      %mul3A_1021 = arith.mulf %mul3A_1020, %pad3A_138 : vector<16x8192xf32>
      %add3A_1022 = arith.addf %add3A_1016, %mul3A_1021 : vector<16x8192xf32>
      %max3A_1023 = arith.constant 0.000000e+00 : f32
      %max3A_1024 = vector.broadcast %max3A_1023 : f32 to vector<16x8192xf32>
      %max3A_1025 = arith.maximumf %add3A_1022, %max3A_1024 : vector<16x8192xf32>
      %get3A_1026 = arith.constant 13 : index
      %get3A_1027 = arith.constant 0 : index
      %get3A_1028 = memref.load %arg4[%get3A_1026, %get3A_1027] : memref<16x5xf32, #tpu.memory_space<smem>>
      %mul3A_1029 = vector.broadcast %get3A_1028 : f32 to vector<16x8192xf32>
      %mul3A_1030 = arith.mulf %mul3A_1029, %max3A_1025 : vector<16x8192xf32>
      %add3A_1031 = arith.addf %add3A_965, %mul3A_1030 : vector<16x8192xf32>
      %get3A_1032 = arith.constant 13 : index
      %get3A_1033 = arith.constant 1 : index
      %get3A_1034 = memref.load %arg4[%get3A_1032, %get3A_1033] : memref<16x5xf32, #tpu.memory_space<smem>>
      %mul3A_1035 = vector.broadcast %get3A_1034 : f32 to vector<16x8192xf32>
      %mul3A_1036 = arith.mulf %mul3A_1035, %max3A_1025 : vector<16x8192xf32>
      %add3A_1037 = arith.addf %add3A_971, %mul3A_1036 : vector<16x8192xf32>
      %get3A_1038 = arith.constant 13 : index
      %get3A_1039 = arith.constant 2 : index
      %get3A_1040 = memref.load %arg4[%get3A_1038, %get3A_1039] : memref<16x5xf32, #tpu.memory_space<smem>>
      %mul3A_1041 = vector.broadcast %get3A_1040 : f32 to vector<16x8192xf32>
      %mul3A_1042 = arith.mulf %mul3A_1041, %max3A_1025 : vector<16x8192xf32>
      %add3A_1043 = arith.addf %add3A_977, %mul3A_1042 : vector<16x8192xf32>
      %get3A_1044 = arith.constant 13 : index
      %get3A_1045 = arith.constant 3 : index
      %get3A_1046 = memref.load %arg4[%get3A_1044, %get3A_1045] : memref<16x5xf32, #tpu.memory_space<smem>>
      %mul3A_1047 = vector.broadcast %get3A_1046 : f32 to vector<16x8192xf32>
      %mul3A_1048 = arith.mulf %mul3A_1047, %max3A_1025 : vector<16x8192xf32>
      %add3A_1049 = arith.addf %add3A_983, %mul3A_1048 : vector<16x8192xf32>
      %get3A_1050 = arith.constant 13 : index
      %get3A_1051 = arith.constant 4 : index
      %get3A_1052 = memref.load %arg4[%get3A_1050, %get3A_1051] : memref<16x5xf32, #tpu.memory_space<smem>>
      %mul3A_1053 = vector.broadcast %get3A_1052 : f32 to vector<16x8192xf32>
      %mul3A_1054 = arith.mulf %mul3A_1053, %max3A_1025 : vector<16x8192xf32>
      %add3A_1055 = arith.addf %add3A_989, %mul3A_1054 : vector<16x8192xf32>
      %get3A_1056 = arith.constant 14 : index
      %get3A_1057 = memref.load %arg3[%get3A_1056] : memref<16xf32, #tpu.memory_space<smem>>
      %get3A_1058 = arith.constant 14 : index
      %get3A_1059 = arith.constant 0 : index
      %get3A_1060 = memref.load %arg2[%get3A_1058, %get3A_1059] : memref<16x5xf32, #tpu.memory_space<smem>>
      %mul3A_1061 = vector.broadcast %get3A_1060 : f32 to vector<16x8192xf32>
      %mul3A_1062 = arith.mulf %mul3A_1061, %pad3A_123 : vector<16x8192xf32>
      %add3A_1063 = vector.broadcast %get3A_1057 : f32 to vector<16x8192xf32>
      %add3A_1064 = arith.addf %add3A_1063, %mul3A_1062 : vector<16x8192xf32>
      %get3A_1065 = arith.constant 14 : index
      %get3A_1066 = arith.constant 1 : index
      %get3A_1067 = memref.load %arg2[%get3A_1065, %get3A_1066] : memref<16x5xf32, #tpu.memory_space<smem>>
      %mul3A_1068 = vector.broadcast %get3A_1067 : f32 to vector<16x8192xf32>
      %mul3A_1069 = arith.mulf %mul3A_1068, %pad3A_128 : vector<16x8192xf32>
      %add3A_1070 = arith.addf %add3A_1064, %mul3A_1069 : vector<16x8192xf32>
      %get3A_1071 = arith.constant 14 : index
      %get3A_1072 = arith.constant 2 : index
      %get3A_1073 = memref.load %arg2[%get3A_1071, %get3A_1072] : memref<16x5xf32, #tpu.memory_space<smem>>
      %mul3A_1074 = vector.broadcast %get3A_1073 : f32 to vector<16x8192xf32>
      %mul3A_1075 = arith.mulf %mul3A_1074, %get3A_1 : vector<16x8192xf32>
      %add3A_1076 = arith.addf %add3A_1070, %mul3A_1075 : vector<16x8192xf32>
      %get3A_1077 = arith.constant 14 : index
      %get3A_1078 = arith.constant 3 : index
      %get3A_1079 = memref.load %arg2[%get3A_1077, %get3A_1078] : memref<16x5xf32, #tpu.memory_space<smem>>
      %mul3A_1080 = vector.broadcast %get3A_1079 : f32 to vector<16x8192xf32>
      %mul3A_1081 = arith.mulf %mul3A_1080, %pad3A_133 : vector<16x8192xf32>
      %add3A_1082 = arith.addf %add3A_1076, %mul3A_1081 : vector<16x8192xf32>
      %get3A_1083 = arith.constant 14 : index
      %get3A_1084 = arith.constant 4 : index
      %get3A_1085 = memref.load %arg2[%get3A_1083, %get3A_1084] : memref<16x5xf32, #tpu.memory_space<smem>>
      %mul3A_1086 = vector.broadcast %get3A_1085 : f32 to vector<16x8192xf32>
      %mul3A_1087 = arith.mulf %mul3A_1086, %pad3A_138 : vector<16x8192xf32>
      %add3A_1088 = arith.addf %add3A_1082, %mul3A_1087 : vector<16x8192xf32>
      %max3A_1089 = arith.constant 0.000000e+00 : f32
      %max3A_1090 = vector.broadcast %max3A_1089 : f32 to vector<16x8192xf32>
      %max3A_1091 = arith.maximumf %add3A_1088, %max3A_1090 : vector<16x8192xf32>
      %get3A_1092 = arith.constant 14 : index
      %get3A_1093 = arith.constant 0 : index
      %get3A_1094 = memref.load %arg4[%get3A_1092, %get3A_1093] : memref<16x5xf32, #tpu.memory_space<smem>>
      %mul3A_1095 = vector.broadcast %get3A_1094 : f32 to vector<16x8192xf32>
      %mul3A_1096 = arith.mulf %mul3A_1095, %max3A_1091 : vector<16x8192xf32>
      %add3A_1097 = arith.addf %add3A_1031, %mul3A_1096 : vector<16x8192xf32>
      %get3A_1098 = arith.constant 14 : index
      %get3A_1099 = arith.constant 1 : index
      %get3A_1100 = memref.load %arg4[%get3A_1098, %get3A_1099] : memref<16x5xf32, #tpu.memory_space<smem>>
      %mul3A_1101 = vector.broadcast %get3A_1100 : f32 to vector<16x8192xf32>
      %mul3A_1102 = arith.mulf %mul3A_1101, %max3A_1091 : vector<16x8192xf32>
      %add3A_1103 = arith.addf %add3A_1037, %mul3A_1102 : vector<16x8192xf32>
      %get3A_1104 = arith.constant 14 : index
      %get3A_1105 = arith.constant 2 : index
      %get3A_1106 = memref.load %arg4[%get3A_1104, %get3A_1105] : memref<16x5xf32, #tpu.memory_space<smem>>
      %mul3A_1107 = vector.broadcast %get3A_1106 : f32 to vector<16x8192xf32>
      %mul3A_1108 = arith.mulf %mul3A_1107, %max3A_1091 : vector<16x8192xf32>
      %add3A_1109 = arith.addf %add3A_1043, %mul3A_1108 : vector<16x8192xf32>
      %get3A_1110 = arith.constant 14 : index
      %get3A_1111 = arith.constant 3 : index
      %get3A_1112 = memref.load %arg4[%get3A_1110, %get3A_1111] : memref<16x5xf32, #tpu.memory_space<smem>>
      %mul3A_1113 = vector.broadcast %get3A_1112 : f32 to vector<16x8192xf32>
      %mul3A_1114 = arith.mulf %mul3A_1113, %max3A_1091 : vector<16x8192xf32>
      %add3A_1115 = arith.addf %add3A_1049, %mul3A_1114 : vector<16x8192xf32>
      %get3A_1116 = arith.constant 14 : index
      %get3A_1117 = arith.constant 4 : index
      %get3A_1118 = memref.load %arg4[%get3A_1116, %get3A_1117] : memref<16x5xf32, #tpu.memory_space<smem>>
      %mul3A_1119 = vector.broadcast %get3A_1118 : f32 to vector<16x8192xf32>
      %mul3A_1120 = arith.mulf %mul3A_1119, %max3A_1091 : vector<16x8192xf32>
      %add3A_1121 = arith.addf %add3A_1055, %mul3A_1120 : vector<16x8192xf32>
      %get3A_1122 = arith.constant 15 : index
      %get3A_1123 = memref.load %arg3[%get3A_1122] : memref<16xf32, #tpu.memory_space<smem>>
      %get3A_1124 = arith.constant 15 : index
      %get3A_1125 = arith.constant 0 : index
      %get3A_1126 = memref.load %arg2[%get3A_1124, %get3A_1125] : memref<16x5xf32, #tpu.memory_space<smem>>
      %mul3A_1127 = vector.broadcast %get3A_1126 : f32 to vector<16x8192xf32>
      %mul3A_1128 = arith.mulf %mul3A_1127, %pad3A_123 : vector<16x8192xf32>
      %add3A_1129 = vector.broadcast %get3A_1123 : f32 to vector<16x8192xf32>
      %add3A_1130 = arith.addf %add3A_1129, %mul3A_1128 : vector<16x8192xf32>
      %get3A_1131 = arith.constant 15 : index
      %get3A_1132 = arith.constant 1 : index
      %get3A_1133 = memref.load %arg2[%get3A_1131, %get3A_1132] : memref<16x5xf32, #tpu.memory_space<smem>>
      %mul3A_1134 = vector.broadcast %get3A_1133 : f32 to vector<16x8192xf32>
      %mul3A_1135 = arith.mulf %mul3A_1134, %pad3A_128 : vector<16x8192xf32>
      %add3A_1136 = arith.addf %add3A_1130, %mul3A_1135 : vector<16x8192xf32>
      %get3A_1137 = arith.constant 15 : index
      %get3A_1138 = arith.constant 2 : index
      %get3A_1139 = memref.load %arg2[%get3A_1137, %get3A_1138] : memref<16x5xf32, #tpu.memory_space<smem>>
      %mul3A_1140 = vector.broadcast %get3A_1139 : f32 to vector<16x8192xf32>
      %mul3A_1141 = arith.mulf %mul3A_1140, %get3A_1 : vector<16x8192xf32>
      %add3A_1142 = arith.addf %add3A_1136, %mul3A_1141 : vector<16x8192xf32>
      %get3A_1143 = arith.constant 15 : index
      %get3A_1144 = arith.constant 3 : index
      %get3A_1145 = memref.load %arg2[%get3A_1143, %get3A_1144] : memref<16x5xf32, #tpu.memory_space<smem>>
      %mul3A_1146 = vector.broadcast %get3A_1145 : f32 to vector<16x8192xf32>
      %mul3A_1147 = arith.mulf %mul3A_1146, %pad3A_133 : vector<16x8192xf32>
      %add3A_1148 = arith.addf %add3A_1142, %mul3A_1147 : vector<16x8192xf32>
      %get3A_1149 = arith.constant 15 : index
      %get3A_1150 = arith.constant 4 : index
      %get3A_1151 = memref.load %arg2[%get3A_1149, %get3A_1150] : memref<16x5xf32, #tpu.memory_space<smem>>
      %mul3A_1152 = vector.broadcast %get3A_1151 : f32 to vector<16x8192xf32>
      %mul3A_1153 = arith.mulf %mul3A_1152, %pad3A_138 : vector<16x8192xf32>
      %add3A_1154 = arith.addf %add3A_1148, %mul3A_1153 : vector<16x8192xf32>
      %max3A_1155 = arith.constant 0.000000e+00 : f32
      %max3A_1156 = vector.broadcast %max3A_1155 : f32 to vector<16x8192xf32>
      %max3A_1157 = arith.maximumf %add3A_1154, %max3A_1156 : vector<16x8192xf32>
      %get3A_1158 = arith.constant 15 : index
      %get3A_1159 = arith.constant 0 : index
      %get3A_1160 = memref.load %arg4[%get3A_1158, %get3A_1159] : memref<16x5xf32, #tpu.memory_space<smem>>
      %mul3A_1161 = vector.broadcast %get3A_1160 : f32 to vector<16x8192xf32>
      %mul3A_1162 = arith.mulf %mul3A_1161, %max3A_1157 : vector<16x8192xf32>
      %add3A_1163 = arith.addf %add3A_1097, %mul3A_1162 : vector<16x8192xf32>
      %get3A_1164 = arith.constant 15 : index
      %get3A_1165 = arith.constant 1 : index
      %get3A_1166 = memref.load %arg4[%get3A_1164, %get3A_1165] : memref<16x5xf32, #tpu.memory_space<smem>>
      %mul3A_1167 = vector.broadcast %get3A_1166 : f32 to vector<16x8192xf32>
      %mul3A_1168 = arith.mulf %mul3A_1167, %max3A_1157 : vector<16x8192xf32>
      %add3A_1169 = arith.addf %add3A_1103, %mul3A_1168 : vector<16x8192xf32>
      %get3A_1170 = arith.constant 15 : index
      %get3A_1171 = arith.constant 2 : index
      %get3A_1172 = memref.load %arg4[%get3A_1170, %get3A_1171] : memref<16x5xf32, #tpu.memory_space<smem>>
      %mul3A_1173 = vector.broadcast %get3A_1172 : f32 to vector<16x8192xf32>
      %mul3A_1174 = arith.mulf %mul3A_1173, %max3A_1157 : vector<16x8192xf32>
      %add3A_1175 = arith.addf %add3A_1109, %mul3A_1174 : vector<16x8192xf32>
      %get3A_1176 = arith.constant 15 : index
      %get3A_1177 = arith.constant 3 : index
      %get3A_1178 = memref.load %arg4[%get3A_1176, %get3A_1177] : memref<16x5xf32, #tpu.memory_space<smem>>
      %mul3A_1179 = vector.broadcast %get3A_1178 : f32 to vector<16x8192xf32>
      %mul3A_1180 = arith.mulf %mul3A_1179, %max3A_1157 : vector<16x8192xf32>
      %add3A_1181 = arith.addf %add3A_1115, %mul3A_1180 : vector<16x8192xf32>
      %get3A_1182 = arith.constant 15 : index
      %get3A_1183 = arith.constant 4 : index
      %get3A_1184 = memref.load %arg4[%get3A_1182, %get3A_1183] : memref<16x5xf32, #tpu.memory_space<smem>>
      %mul3A_1185 = vector.broadcast %get3A_1184 : f32 to vector<16x8192xf32>
      %mul3A_1186 = arith.mulf %mul3A_1185, %max3A_1157 : vector<16x8192xf32>
      %add3A_1187 = arith.addf %add3A_1121, %mul3A_1186 : vector<16x8192xf32>
      %get3A_1188 = arith.constant 0 : index
      %get3A_1189 = memref.load %arg5[%get3A_1188] : memref<1xf32, #tpu.memory_space<smem>>
      %slice3A_1190 = vector.extract_strided_slice %add3A_1163 {offsets = [0, 0], sizes = [16, 8190], strides = [1, 1]} : vector<16x8192xf32> to vector<16x8190xf32>
      %jit3A_1191 = arith.constant 0 : i32
      %convert_element_type3A_1192 = arith.sitofp %jit3A_1191 : i32 to f32
      %pad3A_1193 = vector.broadcast %convert_element_type3A_1192 : f32 to vector<16x2xf32>
      %pad3A_1194 = tpu.concatenate %pad3A_1193, %slice3A_1190 in 1 : vector<16x2xf32>, vector<16x8190xf32> -> vector<16x8192xf32>
      %add3A_1195 = vector.broadcast %get3A_1189 : f32 to vector<16x8192xf32>
      %add3A_1196 = arith.addf %add3A_1195, %pad3A_1194 : vector<16x8192xf32>
      %slice3A_1197 = vector.extract_strided_slice %add3A_1169 {offsets = [0, 0], sizes = [16, 8191], strides = [1, 1]} : vector<16x8192xf32> to vector<16x8191xf32>
      %jit3A_1198 = arith.constant 0 : i32
      %convert_element_type3A_1199 = arith.sitofp %jit3A_1198 : i32 to f32
      %pad3A_1200 = vector.broadcast %convert_element_type3A_1199 : f32 to vector<16x1xf32>
      %pad3A_1201 = tpu.concatenate %pad3A_1200, %slice3A_1197 in 1 : vector<16x1xf32>, vector<16x8191xf32> -> vector<16x8192xf32>
      %add3A_1202 = arith.addf %add3A_1196, %pad3A_1201 : vector<16x8192xf32>
      %add3A_1203 = arith.addf %add3A_1202, %add3A_1175 : vector<16x8192xf32>
      %slice3A_1204 = vector.extract_strided_slice %add3A_1181 {offsets = [0, 1], sizes = [16, 8191], strides = [1, 1]} : vector<16x8192xf32> to vector<16x8191xf32>
      %jit3A_1205 = arith.constant 0 : i32
      %convert_element_type3A_1206 = arith.sitofp %jit3A_1205 : i32 to f32
      %pad3A_1207 = vector.broadcast %convert_element_type3A_1206 : f32 to vector<16x1xf32>
      %pad3A_1208 = tpu.concatenate %slice3A_1204, %pad3A_1207 in 1 : vector<16x8191xf32>, vector<16x1xf32> -> vector<16x8192xf32>
      %add3A_1209 = arith.addf %add3A_1203, %pad3A_1208 : vector<16x8192xf32>
      %slice3A_1210 = vector.extract_strided_slice %add3A_1187 {offsets = [0, 2], sizes = [16, 8190], strides = [1, 1]} : vector<16x8192xf32> to vector<16x8190xf32>
      %jit3A_1211 = arith.constant 0 : i32
      %convert_element_type3A_1212 = arith.sitofp %jit3A_1211 : i32 to f32
      %pad3A_1213 = vector.broadcast %convert_element_type3A_1212 : f32 to vector<16x2xf32>
      %pad3A_1214 = tpu.concatenate %slice3A_1210, %pad3A_1213 in 1 : vector<16x8190xf32>, vector<16x2xf32> -> vector<16x8192xf32>
      %add3A_1215 = arith.addf %add3A_1209, %pad3A_1214 : vector<16x8192xf32>
      %add3A_1216 = arith.addf %broadcast_in_dim3A_2, %add3A_1215 : vector<16x8192xf32>
      scf.yield %add3A_1216 : vector<16x8192xf32>
    } else {
      %mul3A_119 = arith.constant 7.452400e-09 : f32
      %mul3A_120 = vector.broadcast %mul3A_119 : f32 to vector<16x8192xf32>
      %mul3A_121 = arith.mulf %get3A_1, %mul3A_120 : vector<16x8192xf32>
      %add3A = arith.addf %broadcast_in_dim3A_2, %mul3A_121 : vector<16x8192xf32>
      scf.yield %add3A : vector<16x8192xf32>
    }
    %swap3A = arith.constant 0 : index
    %swap3A_11 = arith.constant 0 : index
    %swap3A_12 = arith.constant 0 : index
    %swap3A_13 = vector.load %arg7[%swap3A, %swap3A_11, %swap3A_12] : memref<4x16x8192xf32, #tpu.memory_space<vmem>>, vector<1x16x8192xf32>
    %swap3A_14 = vector.shape_cast %swap3A_13 : vector<1x16x8192xf32> to vector<16x8192xf32>
    %swap3A_15 = vector.shape_cast %cond3A_10 : vector<16x8192xf32> to vector<1x16x8192xf32>
    tpu.vector_store %arg7[%swap3A, %swap3A_11, %swap3A_12], %swap3A_15 {strides = array<i32>} : memref<4x16x8192xf32, #tpu.memory_space<vmem>>, vector<1x16x8192xf32>,
    %mul3A = arith.constant 2.000000e+00 : f32
    %mul3A_16 = vector.broadcast %mul3A : f32 to vector<16x8192xf32>
    %mul3A_17 = arith.mulf %mul3A_16, %cond3A_10 : vector<16x8192xf32>
    %slice3A = vector.extract_strided_slice %cond3A_10 {offsets = [0, 0], sizes = [16, 8191], strides = [1, 1]} : vector<16x8192xf32> to vector<16x8191xf32>
    %jit3A = arith.constant 0 : i32
    %convert_element_type3A_18 = arith.sitofp %jit3A : i32 to f32
    %pad3A = vector.broadcast %convert_element_type3A_18 : f32 to vector<16x1xf32>
    %pad3A_19 = tpu.concatenate %pad3A, %slice3A in 1 : vector<16x1xf32>, vector<16x8191xf32> -> vector<16x8192xf32>
    %sub3A = arith.subf %mul3A_17, %pad3A_19 : vector<16x8192xf32>
    %slice3A_20 = vector.extract_strided_slice %cond3A_10 {offsets = [0, 1], sizes = [16, 8191], strides = [1, 1]} : vector<16x8192xf32> to vector<16x8191xf32>
    %jit3A_21 = arith.constant 0 : i32
    %convert_element_type3A_22 = arith.sitofp %jit3A_21 : i32 to f32
    %pad3A_23 = vector.broadcast %convert_element_type3A_22 : f32 to vector<16x1xf32>
    %pad3A_24 = tpu.concatenate %slice3A_20, %pad3A_23 in 1 : vector<16x8191xf32>, vector<16x1xf32> -> vector<16x8192xf32>
    %sub3A_25 = arith.subf %sub3A, %pad3A_24 : vector<16x8192xf32>
    %mul3A_26 = arith.constant 0x4C7FF000 : f32
    %mul3A_27 = vector.broadcast %mul3A_26 : f32 to vector<16x8192xf32>
    %mul3A_28 = arith.mulf %sub3A_25, %mul3A_27 : vector<16x8192xf32>
    %sub3A_29 = arith.subf %get3A_1, %mul3A_28 : vector<16x8192xf32>
    %get3A_30 = arith.constant 1 : index
    %get3A_31 = arith.constant 0 : index
    %get3A_32 = memref.load %arg1[%get3A_30, %get3A_31] : memref<4x2xf32, #tpu.memory_space<smem>>
    %get3A_33 = arith.constant 1 : index
    %get3A_34 = arith.constant 1 : index
    %get3A_35 = memref.load %arg1[%get3A_33, %get3A_34] : memref<4x2xf32, #tpu.memory_space<smem>>
    %gt3A_36 = arith.cmpf ogt, %get3A_35, %get3A_32 : f32
    %convert_element_type3A_37 = arith.extui %gt3A_36 : i1 to i32
    %cond3A_38 = arith.constant 0 : i32
    %cond3A_39 = arith.cmpi ne, %convert_element_type3A_37, %cond3A_38 : i32
    %cond3A_40 = scf.if %cond3A_39 -> (vector<16x8192xf32>) {
      %slice3A_119 = vector.extract_strided_slice %sub3A_29 {offsets = [0, 0], sizes = [16, 8190], strides = [1, 1]} : vector<16x8192xf32> to vector<16x8190xf32>
      %jit3A_120 = arith.constant 0 : i32
      %convert_element_type3A_121 = arith.sitofp %jit3A_120 : i32 to f32
      %pad3A_122 = vector.broadcast %convert_element_type3A_121 : f32 to vector<16x2xf32>
      %pad3A_123 = tpu.concatenate %pad3A_122, %slice3A_119 in 1 : vector<16x2xf32>, vector<16x8190xf32> -> vector<16x8192xf32>
      %slice3A_124 = vector.extract_strided_slice %sub3A_29 {offsets = [0, 0], sizes = [16, 8191], strides = [1, 1]} : vector<16x8192xf32> to vector<16x8191xf32>
      %jit3A_125 = arith.constant 0 : i32
      %convert_element_type3A_126 = arith.sitofp %jit3A_125 : i32 to f32
      %pad3A_127 = vector.broadcast %convert_element_type3A_126 : f32 to vector<16x1xf32>
      %pad3A_128 = tpu.concatenate %pad3A_127, %slice3A_124 in 1 : vector<16x1xf32>, vector<16x8191xf32> -> vector<16x8192xf32>
      %slice3A_129 = vector.extract_strided_slice %sub3A_29 {offsets = [0, 1], sizes = [16, 8191], strides = [1, 1]} : vector<16x8192xf32> to vector<16x8191xf32>
      %jit3A_130 = arith.constant 0 : i32
      %convert_element_type3A_131 = arith.sitofp %jit3A_130 : i32 to f32
      %pad3A_132 = vector.broadcast %convert_element_type3A_131 : f32 to vector<16x1xf32>
      %pad3A_133 = tpu.concatenate %slice3A_129, %pad3A_132 in 1 : vector<16x8191xf32>, vector<16x1xf32> -> vector<16x8192xf32>
      %slice3A_134 = vector.extract_strided_slice %sub3A_29 {offsets = [0, 2], sizes = [16, 8190], strides = [1, 1]} : vector<16x8192xf32> to vector<16x8190xf32>
      %jit3A_135 = arith.constant 0 : i32
      %convert_element_type3A_136 = arith.sitofp %jit3A_135 : i32 to f32
      %pad3A_137 = vector.broadcast %convert_element_type3A_136 : f32 to vector<16x2xf32>
      %pad3A_138 = tpu.concatenate %slice3A_134, %pad3A_137 in 1 : vector<16x8190xf32>, vector<16x2xf32> -> vector<16x8192xf32>
      %get3A_139 = arith.constant 0 : index
      %get3A_140 = memref.load %arg3[%get3A_139] : memref<16xf32, #tpu.memory_space<smem>>
      %get3A_141 = arith.constant 0 : index
      %get3A_142 = arith.constant 0 : index
      %get3A_143 = memref.load %arg2[%get3A_141, %get3A_142] : memref<16x5xf32, #tpu.memory_space<smem>>
      %mul3A_144 = vector.broadcast %get3A_143 : f32 to vector<16x8192xf32>
      %mul3A_145 = arith.mulf %mul3A_144, %pad3A_123 : vector<16x8192xf32>
      %add3A = vector.broadcast %get3A_140 : f32 to vector<16x8192xf32>
      %add3A_146 = arith.addf %add3A, %mul3A_145 : vector<16x8192xf32>
      %get3A_147 = arith.constant 0 : index
      %get3A_148 = arith.constant 1 : index
      %get3A_149 = memref.load %arg2[%get3A_147, %get3A_148] : memref<16x5xf32, #tpu.memory_space<smem>>
      %mul3A_150 = vector.broadcast %get3A_149 : f32 to vector<16x8192xf32>
      %mul3A_151 = arith.mulf %mul3A_150, %pad3A_128 : vector<16x8192xf32>
      %add3A_152 = arith.addf %add3A_146, %mul3A_151 : vector<16x8192xf32>
      %get3A_153 = arith.constant 0 : index
      %get3A_154 = arith.constant 2 : index
      %get3A_155 = memref.load %arg2[%get3A_153, %get3A_154] : memref<16x5xf32, #tpu.memory_space<smem>>
      %mul3A_156 = vector.broadcast %get3A_155 : f32 to vector<16x8192xf32>
      %mul3A_157 = arith.mulf %mul3A_156, %sub3A_29 : vector<16x8192xf32>
      %add3A_158 = arith.addf %add3A_152, %mul3A_157 : vector<16x8192xf32>
      %get3A_159 = arith.constant 0 : index
      %get3A_160 = arith.constant 3 : index
      %get3A_161 = memref.load %arg2[%get3A_159, %get3A_160] : memref<16x5xf32, #tpu.memory_space<smem>>
      %mul3A_162 = vector.broadcast %get3A_161 : f32 to vector<16x8192xf32>
      %mul3A_163 = arith.mulf %mul3A_162, %pad3A_133 : vector<16x8192xf32>
      %add3A_164 = arith.addf %add3A_158, %mul3A_163 : vector<16x8192xf32>
      %get3A_165 = arith.constant 0 : index
      %get3A_166 = arith.constant 4 : index
      %get3A_167 = memref.load %arg2[%get3A_165, %get3A_166] : memref<16x5xf32, #tpu.memory_space<smem>>
      %mul3A_168 = vector.broadcast %get3A_167 : f32 to vector<16x8192xf32>
      %mul3A_169 = arith.mulf %mul3A_168, %pad3A_138 : vector<16x8192xf32>
      %add3A_170 = arith.addf %add3A_164, %mul3A_169 : vector<16x8192xf32>
      %max3A = arith.constant 0.000000e+00 : f32
      %max3A_171 = vector.broadcast %max3A : f32 to vector<16x8192xf32>
      %max3A_172 = arith.maximumf %add3A_170, %max3A_171 : vector<16x8192xf32>
      %get3A_173 = arith.constant 0 : index
      %get3A_174 = arith.constant 0 : index
      %get3A_175 = memref.load %arg4[%get3A_173, %get3A_174] : memref<16x5xf32, #tpu.memory_space<smem>>
      %mul3A_176 = vector.broadcast %get3A_175 : f32 to vector<16x8192xf32>
      %mul3A_177 = arith.mulf %mul3A_176, %max3A_172 : vector<16x8192xf32>
      %get3A_178 = arith.constant 0 : index
      %get3A_179 = arith.constant 1 : index
      %get3A_180 = memref.load %arg4[%get3A_178, %get3A_179] : memref<16x5xf32, #tpu.memory_space<smem>>
      %mul3A_181 = vector.broadcast %get3A_180 : f32 to vector<16x8192xf32>
      %mul3A_182 = arith.mulf %mul3A_181, %max3A_172 : vector<16x8192xf32>
      %get3A_183 = arith.constant 0 : index
      %get3A_184 = arith.constant 2 : index
      %get3A_185 = memref.load %arg4[%get3A_183, %get3A_184] : memref<16x5xf32, #tpu.memory_space<smem>>
      %mul3A_186 = vector.broadcast %get3A_185 : f32 to vector<16x8192xf32>
      %mul3A_187 = arith.mulf %mul3A_186, %max3A_172 : vector<16x8192xf32>
      %get3A_188 = arith.constant 0 : index
      %get3A_189 = arith.constant 3 : index
      %get3A_190 = memref.load %arg4[%get3A_188, %get3A_189] : memref<16x5xf32, #tpu.memory_space<smem>>
      %mul3A_191 = vector.broadcast %get3A_190 : f32 to vector<16x8192xf32>
      %mul3A_192 = arith.mulf %mul3A_191, %max3A_172 : vector<16x8192xf32>
      %get3A_193 = arith.constant 0 : index
      %get3A_194 = arith.constant 4 : index
      %get3A_195 = memref.load %arg4[%get3A_193, %get3A_194] : memref<16x5xf32, #tpu.memory_space<smem>>
      %mul3A_196 = vector.broadcast %get3A_195 : f32 to vector<16x8192xf32>
      %mul3A_197 = arith.mulf %mul3A_196, %max3A_172 : vector<16x8192xf32>
      %get3A_198 = arith.constant 1 : index
      %get3A_199 = memref.load %arg3[%get3A_198] : memref<16xf32, #tpu.memory_space<smem>>
      %get3A_200 = arith.constant 1 : index
      %get3A_201 = arith.constant 0 : index
      %get3A_202 = memref.load %arg2[%get3A_200, %get3A_201] : memref<16x5xf32, #tpu.memory_space<smem>>
      %mul3A_203 = vector.broadcast %get3A_202 : f32 to vector<16x8192xf32>
      %mul3A_204 = arith.mulf %mul3A_203, %pad3A_123 : vector<16x8192xf32>
      %add3A_205 = vector.broadcast %get3A_199 : f32 to vector<16x8192xf32>
      %add3A_206 = arith.addf %add3A_205, %mul3A_204 : vector<16x8192xf32>
      %get3A_207 = arith.constant 1 : index
      %get3A_208 = arith.constant 1 : index
      %get3A_209 = memref.load %arg2[%get3A_207, %get3A_208] : memref<16x5xf32, #tpu.memory_space<smem>>
      %mul3A_210 = vector.broadcast %get3A_209 : f32 to vector<16x8192xf32>
      %mul3A_211 = arith.mulf %mul3A_210, %pad3A_128 : vector<16x8192xf32>
      %add3A_212 = arith.addf %add3A_206, %mul3A_211 : vector<16x8192xf32>
      %get3A_213 = arith.constant 1 : index
      %get3A_214 = arith.constant 2 : index
      %get3A_215 = memref.load %arg2[%get3A_213, %get3A_214] : memref<16x5xf32, #tpu.memory_space<smem>>
      %mul3A_216 = vector.broadcast %get3A_215 : f32 to vector<16x8192xf32>
      %mul3A_217 = arith.mulf %mul3A_216, %sub3A_29 : vector<16x8192xf32>
      %add3A_218 = arith.addf %add3A_212, %mul3A_217 : vector<16x8192xf32>
      %get3A_219 = arith.constant 1 : index
      %get3A_220 = arith.constant 3 : index
      %get3A_221 = memref.load %arg2[%get3A_219, %get3A_220] : memref<16x5xf32, #tpu.memory_space<smem>>
      %mul3A_222 = vector.broadcast %get3A_221 : f32 to vector<16x8192xf32>
      %mul3A_223 = arith.mulf %mul3A_222, %pad3A_133 : vector<16x8192xf32>
      %add3A_224 = arith.addf %add3A_218, %mul3A_223 : vector<16x8192xf32>
      %get3A_225 = arith.constant 1 : index
      %get3A_226 = arith.constant 4 : index
      %get3A_227 = memref.load %arg2[%get3A_225, %get3A_226] : memref<16x5xf32, #tpu.memory_space<smem>>
      %mul3A_228 = vector.broadcast %get3A_227 : f32 to vector<16x8192xf32>
      %mul3A_229 = arith.mulf %mul3A_228, %pad3A_138 : vector<16x8192xf32>
      %add3A_230 = arith.addf %add3A_224, %mul3A_229 : vector<16x8192xf32>
      %max3A_231 = arith.constant 0.000000e+00 : f32
      %max3A_232 = vector.broadcast %max3A_231 : f32 to vector<16x8192xf32>
      %max3A_233 = arith.maximumf %add3A_230, %max3A_232 : vector<16x8192xf32>
      %get3A_234 = arith.constant 1 : index
      %get3A_235 = arith.constant 0 : index
      %get3A_236 = memref.load %arg4[%get3A_234, %get3A_235] : memref<16x5xf32, #tpu.memory_space<smem>>
      %mul3A_237 = vector.broadcast %get3A_236 : f32 to vector<16x8192xf32>
      %mul3A_238 = arith.mulf %mul3A_237, %max3A_233 : vector<16x8192xf32>
      %add3A_239 = arith.addf %mul3A_177, %mul3A_238 : vector<16x8192xf32>
      %get3A_240 = arith.constant 1 : index
      %get3A_241 = arith.constant 1 : index
      %get3A_242 = memref.load %arg4[%get3A_240, %get3A_241] : memref<16x5xf32, #tpu.memory_space<smem>>
      %mul3A_243 = vector.broadcast %get3A_242 : f32 to vector<16x8192xf32>
      %mul3A_244 = arith.mulf %mul3A_243, %max3A_233 : vector<16x8192xf32>
      %add3A_245 = arith.addf %mul3A_182, %mul3A_244 : vector<16x8192xf32>
      %get3A_246 = arith.constant 1 : index
      %get3A_247 = arith.constant 2 : index
      %get3A_248 = memref.load %arg4[%get3A_246, %get3A_247] : memref<16x5xf32, #tpu.memory_space<smem>>
      %mul3A_249 = vector.broadcast %get3A_248 : f32 to vector<16x8192xf32>
      %mul3A_250 = arith.mulf %mul3A_249, %max3A_233 : vector<16x8192xf32>
      %add3A_251 = arith.addf %mul3A_187, %mul3A_250 : vector<16x8192xf32>
      %get3A_252 = arith.constant 1 : index
      %get3A_253 = arith.constant 3 : index
      %get3A_254 = memref.load %arg4[%get3A_252, %get3A_253] : memref<16x5xf32, #tpu.memory_space<smem>>
      %mul3A_255 = vector.broadcast %get3A_254 : f32 to vector<16x8192xf32>
      %mul3A_256 = arith.mulf %mul3A_255, %max3A_233 : vector<16x8192xf32>
      %add3A_257 = arith.addf %mul3A_192, %mul3A_256 : vector<16x8192xf32>
      %get3A_258 = arith.constant 1 : index
      %get3A_259 = arith.constant 4 : index
      %get3A_260 = memref.load %arg4[%get3A_258, %get3A_259] : memref<16x5xf32, #tpu.memory_space<smem>>
      %mul3A_261 = vector.broadcast %get3A_260 : f32 to vector<16x8192xf32>
      %mul3A_262 = arith.mulf %mul3A_261, %max3A_233 : vector<16x8192xf32>
      %add3A_263 = arith.addf %mul3A_197, %mul3A_262 : vector<16x8192xf32>
      %get3A_264 = arith.constant 2 : index
      %get3A_265 = memref.load %arg3[%get3A_264] : memref<16xf32, #tpu.memory_space<smem>>
      %get3A_266 = arith.constant 2 : index
      %get3A_267 = arith.constant 0 : index
      %get3A_268 = memref.load %arg2[%get3A_266, %get3A_267] : memref<16x5xf32, #tpu.memory_space<smem>>
      %mul3A_269 = vector.broadcast %get3A_268 : f32 to vector<16x8192xf32>
      %mul3A_270 = arith.mulf %mul3A_269, %pad3A_123 : vector<16x8192xf32>
      %add3A_271 = vector.broadcast %get3A_265 : f32 to vector<16x8192xf32>
      %add3A_272 = arith.addf %add3A_271, %mul3A_270 : vector<16x8192xf32>
      %get3A_273 = arith.constant 2 : index
      %get3A_274 = arith.constant 1 : index
      %get3A_275 = memref.load %arg2[%get3A_273, %get3A_274] : memref<16x5xf32, #tpu.memory_space<smem>>
      %mul3A_276 = vector.broadcast %get3A_275 : f32 to vector<16x8192xf32>
      %mul3A_277 = arith.mulf %mul3A_276, %pad3A_128 : vector<16x8192xf32>
      %add3A_278 = arith.addf %add3A_272, %mul3A_277 : vector<16x8192xf32>
      %get3A_279 = arith.constant 2 : index
      %get3A_280 = arith.constant 2 : index
      %get3A_281 = memref.load %arg2[%get3A_279, %get3A_280] : memref<16x5xf32, #tpu.memory_space<smem>>
      %mul3A_282 = vector.broadcast %get3A_281 : f32 to vector<16x8192xf32>
      %mul3A_283 = arith.mulf %mul3A_282, %sub3A_29 : vector<16x8192xf32>
      %add3A_284 = arith.addf %add3A_278, %mul3A_283 : vector<16x8192xf32>
      %get3A_285 = arith.constant 2 : index
      %get3A_286 = arith.constant 3 : index
      %get3A_287 = memref.load %arg2[%get3A_285, %get3A_286] : memref<16x5xf32, #tpu.memory_space<smem>>
      %mul3A_288 = vector.broadcast %get3A_287 : f32 to vector<16x8192xf32>
      %mul3A_289 = arith.mulf %mul3A_288, %pad3A_133 : vector<16x8192xf32>
      %add3A_290 = arith.addf %add3A_284, %mul3A_289 : vector<16x8192xf32>
      %get3A_291 = arith.constant 2 : index
      %get3A_292 = arith.constant 4 : index
      %get3A_293 = memref.load %arg2[%get3A_291, %get3A_292] : memref<16x5xf32, #tpu.memory_space<smem>>
      %mul3A_294 = vector.broadcast %get3A_293 : f32 to vector<16x8192xf32>
      %mul3A_295 = arith.mulf %mul3A_294, %pad3A_138 : vector<16x8192xf32>
      %add3A_296 = arith.addf %add3A_290, %mul3A_295 : vector<16x8192xf32>
      %max3A_297 = arith.constant 0.000000e+00 : f32
      %max3A_298 = vector.broadcast %max3A_297 : f32 to vector<16x8192xf32>
      %max3A_299 = arith.maximumf %add3A_296, %max3A_298 : vector<16x8192xf32>
      %get3A_300 = arith.constant 2 : index
      %get3A_301 = arith.constant 0 : index
      %get3A_302 = memref.load %arg4[%get3A_300, %get3A_301] : memref<16x5xf32, #tpu.memory_space<smem>>
      %mul3A_303 = vector.broadcast %get3A_302 : f32 to vector<16x8192xf32>
      %mul3A_304 = arith.mulf %mul3A_303, %max3A_299 : vector<16x8192xf32>
      %add3A_305 = arith.addf %add3A_239, %mul3A_304 : vector<16x8192xf32>
      %get3A_306 = arith.constant 2 : index
      %get3A_307 = arith.constant 1 : index
      %get3A_308 = memref.load %arg4[%get3A_306, %get3A_307] : memref<16x5xf32, #tpu.memory_space<smem>>
      %mul3A_309 = vector.broadcast %get3A_308 : f32 to vector<16x8192xf32>
      %mul3A_310 = arith.mulf %mul3A_309, %max3A_299 : vector<16x8192xf32>
      %add3A_311 = arith.addf %add3A_245, %mul3A_310 : vector<16x8192xf32>
      %get3A_312 = arith.constant 2 : index
      %get3A_313 = arith.constant 2 : index
      %get3A_314 = memref.load %arg4[%get3A_312, %get3A_313] : memref<16x5xf32, #tpu.memory_space<smem>>
      %mul3A_315 = vector.broadcast %get3A_314 : f32 to vector<16x8192xf32>
      %mul3A_316 = arith.mulf %mul3A_315, %max3A_299 : vector<16x8192xf32>
      %add3A_317 = arith.addf %add3A_251, %mul3A_316 : vector<16x8192xf32>
      %get3A_318 = arith.constant 2 : index
      %get3A_319 = arith.constant 3 : index
      %get3A_320 = memref.load %arg4[%get3A_318, %get3A_319] : memref<16x5xf32, #tpu.memory_space<smem>>
      %mul3A_321 = vector.broadcast %get3A_320 : f32 to vector<16x8192xf32>
      %mul3A_322 = arith.mulf %mul3A_321, %max3A_299 : vector<16x8192xf32>
      %add3A_323 = arith.addf %add3A_257, %mul3A_322 : vector<16x8192xf32>
      %get3A_324 = arith.constant 2 : index
      %get3A_325 = arith.constant 4 : index
      %get3A_326 = memref.load %arg4[%get3A_324, %get3A_325] : memref<16x5xf32, #tpu.memory_space<smem>>
      %mul3A_327 = vector.broadcast %get3A_326 : f32 to vector<16x8192xf32>
      %mul3A_328 = arith.mulf %mul3A_327, %max3A_299 : vector<16x8192xf32>
      %add3A_329 = arith.addf %add3A_263, %mul3A_328 : vector<16x8192xf32>
      %get3A_330 = arith.constant 3 : index
      %get3A_331 = memref.load %arg3[%get3A_330] : memref<16xf32, #tpu.memory_space<smem>>
      %get3A_332 = arith.constant 3 : index
      %get3A_333 = arith.constant 0 : index
      %get3A_334 = memref.load %arg2[%get3A_332, %get3A_333] : memref<16x5xf32, #tpu.memory_space<smem>>
      %mul3A_335 = vector.broadcast %get3A_334 : f32 to vector<16x8192xf32>
      %mul3A_336 = arith.mulf %mul3A_335, %pad3A_123 : vector<16x8192xf32>
      %add3A_337 = vector.broadcast %get3A_331 : f32 to vector<16x8192xf32>
      %add3A_338 = arith.addf %add3A_337, %mul3A_336 : vector<16x8192xf32>
      %get3A_339 = arith.constant 3 : index
      %get3A_340 = arith.constant 1 : index
      %get3A_341 = memref.load %arg2[%get3A_339, %get3A_340] : memref<16x5xf32, #tpu.memory_space<smem>>
      %mul3A_342 = vector.broadcast %get3A_341 : f32 to vector<16x8192xf32>
      %mul3A_343 = arith.mulf %mul3A_342, %pad3A_128 : vector<16x8192xf32>
      %add3A_344 = arith.addf %add3A_338, %mul3A_343 : vector<16x8192xf32>
      %get3A_345 = arith.constant 3 : index
      %get3A_346 = arith.constant 2 : index
      %get3A_347 = memref.load %arg2[%get3A_345, %get3A_346] : memref<16x5xf32, #tpu.memory_space<smem>>
      %mul3A_348 = vector.broadcast %get3A_347 : f32 to vector<16x8192xf32>
      %mul3A_349 = arith.mulf %mul3A_348, %sub3A_29 : vector<16x8192xf32>
      %add3A_350 = arith.addf %add3A_344, %mul3A_349 : vector<16x8192xf32>
      %get3A_351 = arith.constant 3 : index
      %get3A_352 = arith.constant 3 : index
      %get3A_353 = memref.load %arg2[%get3A_351, %get3A_352] : memref<16x5xf32, #tpu.memory_space<smem>>
      %mul3A_354 = vector.broadcast %get3A_353 : f32 to vector<16x8192xf32>
      %mul3A_355 = arith.mulf %mul3A_354, %pad3A_133 : vector<16x8192xf32>
      %add3A_356 = arith.addf %add3A_350, %mul3A_355 : vector<16x8192xf32>
      %get3A_357 = arith.constant 3 : index
      %get3A_358 = arith.constant 4 : index
      %get3A_359 = memref.load %arg2[%get3A_357, %get3A_358] : memref<16x5xf32, #tpu.memory_space<smem>>
      %mul3A_360 = vector.broadcast %get3A_359 : f32 to vector<16x8192xf32>
      %mul3A_361 = arith.mulf %mul3A_360, %pad3A_138 : vector<16x8192xf32>
      %add3A_362 = arith.addf %add3A_356, %mul3A_361 : vector<16x8192xf32>
      %max3A_363 = arith.constant 0.000000e+00 : f32
      %max3A_364 = vector.broadcast %max3A_363 : f32 to vector<16x8192xf32>
      %max3A_365 = arith.maximumf %add3A_362, %max3A_364 : vector<16x8192xf32>
      %get3A_366 = arith.constant 3 : index
      %get3A_367 = arith.constant 0 : index
      %get3A_368 = memref.load %arg4[%get3A_366, %get3A_367] : memref<16x5xf32, #tpu.memory_space<smem>>
      %mul3A_369 = vector.broadcast %get3A_368 : f32 to vector<16x8192xf32>
      %mul3A_370 = arith.mulf %mul3A_369, %max3A_365 : vector<16x8192xf32>
      %add3A_371 = arith.addf %add3A_305, %mul3A_370 : vector<16x8192xf32>
      %get3A_372 = arith.constant 3 : index
      %get3A_373 = arith.constant 1 : index
      %get3A_374 = memref.load %arg4[%get3A_372, %get3A_373] : memref<16x5xf32, #tpu.memory_space<smem>>
      %mul3A_375 = vector.broadcast %get3A_374 : f32 to vector<16x8192xf32>
      %mul3A_376 = arith.mulf %mul3A_375, %max3A_365 : vector<16x8192xf32>
      %add3A_377 = arith.addf %add3A_311, %mul3A_376 : vector<16x8192xf32>
      %get3A_378 = arith.constant 3 : index
      %get3A_379 = arith.constant 2 : index
      %get3A_380 = memref.load %arg4[%get3A_378, %get3A_379] : memref<16x5xf32, #tpu.memory_space<smem>>
      %mul3A_381 = vector.broadcast %get3A_380 : f32 to vector<16x8192xf32>
      %mul3A_382 = arith.mulf %mul3A_381, %max3A_365 : vector<16x8192xf32>
      %add3A_383 = arith.addf %add3A_317, %mul3A_382 : vector<16x8192xf32>
      %get3A_384 = arith.constant 3 : index
      %get3A_385 = arith.constant 3 : index
      %get3A_386 = memref.load %arg4[%get3A_384, %get3A_385] : memref<16x5xf32, #tpu.memory_space<smem>>
      %mul3A_387 = vector.broadcast %get3A_386 : f32 to vector<16x8192xf32>
      %mul3A_388 = arith.mulf %mul3A_387, %max3A_365 : vector<16x8192xf32>
      %add3A_389 = arith.addf %add3A_323, %mul3A_388 : vector<16x8192xf32>
      %get3A_390 = arith.constant 3 : index
      %get3A_391 = arith.constant 4 : index
      %get3A_392 = memref.load %arg4[%get3A_390, %get3A_391] : memref<16x5xf32, #tpu.memory_space<smem>>
      %mul3A_393 = vector.broadcast %get3A_392 : f32 to vector<16x8192xf32>
      %mul3A_394 = arith.mulf %mul3A_393, %max3A_365 : vector<16x8192xf32>
      %add3A_395 = arith.addf %add3A_329, %mul3A_394 : vector<16x8192xf32>
      %get3A_396 = arith.constant 4 : index
      %get3A_397 = memref.load %arg3[%get3A_396] : memref<16xf32, #tpu.memory_space<smem>>
      %get3A_398 = arith.constant 4 : index
      %get3A_399 = arith.constant 0 : index
      %get3A_400 = memref.load %arg2[%get3A_398, %get3A_399] : memref<16x5xf32, #tpu.memory_space<smem>>
      %mul3A_401 = vector.broadcast %get3A_400 : f32 to vector<16x8192xf32>
      %mul3A_402 = arith.mulf %mul3A_401, %pad3A_123 : vector<16x8192xf32>
      %add3A_403 = vector.broadcast %get3A_397 : f32 to vector<16x8192xf32>
      %add3A_404 = arith.addf %add3A_403, %mul3A_402 : vector<16x8192xf32>
      %get3A_405 = arith.constant 4 : index
      %get3A_406 = arith.constant 1 : index
      %get3A_407 = memref.load %arg2[%get3A_405, %get3A_406] : memref<16x5xf32, #tpu.memory_space<smem>>
      %mul3A_408 = vector.broadcast %get3A_407 : f32 to vector<16x8192xf32>
      %mul3A_409 = arith.mulf %mul3A_408, %pad3A_128 : vector<16x8192xf32>
      %add3A_410 = arith.addf %add3A_404, %mul3A_409 : vector<16x8192xf32>
      %get3A_411 = arith.constant 4 : index
      %get3A_412 = arith.constant 2 : index
      %get3A_413 = memref.load %arg2[%get3A_411, %get3A_412] : memref<16x5xf32, #tpu.memory_space<smem>>
      %mul3A_414 = vector.broadcast %get3A_413 : f32 to vector<16x8192xf32>
      %mul3A_415 = arith.mulf %mul3A_414, %sub3A_29 : vector<16x8192xf32>
      %add3A_416 = arith.addf %add3A_410, %mul3A_415 : vector<16x8192xf32>
      %get3A_417 = arith.constant 4 : index
      %get3A_418 = arith.constant 3 : index
      %get3A_419 = memref.load %arg2[%get3A_417, %get3A_418] : memref<16x5xf32, #tpu.memory_space<smem>>
      %mul3A_420 = vector.broadcast %get3A_419 : f32 to vector<16x8192xf32>
      %mul3A_421 = arith.mulf %mul3A_420, %pad3A_133 : vector<16x8192xf32>
      %add3A_422 = arith.addf %add3A_416, %mul3A_421 : vector<16x8192xf32>
      %get3A_423 = arith.constant 4 : index
      %get3A_424 = arith.constant 4 : index
      %get3A_425 = memref.load %arg2[%get3A_423, %get3A_424] : memref<16x5xf32, #tpu.memory_space<smem>>
      %mul3A_426 = vector.broadcast %get3A_425 : f32 to vector<16x8192xf32>
      %mul3A_427 = arith.mulf %mul3A_426, %pad3A_138 : vector<16x8192xf32>
      %add3A_428 = arith.addf %add3A_422, %mul3A_427 : vector<16x8192xf32>
      %max3A_429 = arith.constant 0.000000e+00 : f32
      %max3A_430 = vector.broadcast %max3A_429 : f32 to vector<16x8192xf32>
      %max3A_431 = arith.maximumf %add3A_428, %max3A_430 : vector<16x8192xf32>
      %get3A_432 = arith.constant 4 : index
      %get3A_433 = arith.constant 0 : index
      %get3A_434 = memref.load %arg4[%get3A_432, %get3A_433] : memref<16x5xf32, #tpu.memory_space<smem>>
      %mul3A_435 = vector.broadcast %get3A_434 : f32 to vector<16x8192xf32>
      %mul3A_436 = arith.mulf %mul3A_435, %max3A_431 : vector<16x8192xf32>
      %add3A_437 = arith.addf %add3A_371, %mul3A_436 : vector<16x8192xf32>
      %get3A_438 = arith.constant 4 : index
      %get3A_439 = arith.constant 1 : index
      %get3A_440 = memref.load %arg4[%get3A_438, %get3A_439] : memref<16x5xf32, #tpu.memory_space<smem>>
      %mul3A_441 = vector.broadcast %get3A_440 : f32 to vector<16x8192xf32>
      %mul3A_442 = arith.mulf %mul3A_441, %max3A_431 : vector<16x8192xf32>
      %add3A_443 = arith.addf %add3A_377, %mul3A_442 : vector<16x8192xf32>
      %get3A_444 = arith.constant 4 : index
      %get3A_445 = arith.constant 2 : index
      %get3A_446 = memref.load %arg4[%get3A_444, %get3A_445] : memref<16x5xf32, #tpu.memory_space<smem>>
      %mul3A_447 = vector.broadcast %get3A_446 : f32 to vector<16x8192xf32>
      %mul3A_448 = arith.mulf %mul3A_447, %max3A_431 : vector<16x8192xf32>
      %add3A_449 = arith.addf %add3A_383, %mul3A_448 : vector<16x8192xf32>
      %get3A_450 = arith.constant 4 : index
      %get3A_451 = arith.constant 3 : index
      %get3A_452 = memref.load %arg4[%get3A_450, %get3A_451] : memref<16x5xf32, #tpu.memory_space<smem>>
      %mul3A_453 = vector.broadcast %get3A_452 : f32 to vector<16x8192xf32>
      %mul3A_454 = arith.mulf %mul3A_453, %max3A_431 : vector<16x8192xf32>
      %add3A_455 = arith.addf %add3A_389, %mul3A_454 : vector<16x8192xf32>
      %get3A_456 = arith.constant 4 : index
      %get3A_457 = arith.constant 4 : index
      %get3A_458 = memref.load %arg4[%get3A_456, %get3A_457] : memref<16x5xf32, #tpu.memory_space<smem>>
      %mul3A_459 = vector.broadcast %get3A_458 : f32 to vector<16x8192xf32>
      %mul3A_460 = arith.mulf %mul3A_459, %max3A_431 : vector<16x8192xf32>
      %add3A_461 = arith.addf %add3A_395, %mul3A_460 : vector<16x8192xf32>
      %get3A_462 = arith.constant 5 : index
      %get3A_463 = memref.load %arg3[%get3A_462] : memref<16xf32, #tpu.memory_space<smem>>
      %get3A_464 = arith.constant 5 : index
      %get3A_465 = arith.constant 0 : index
      %get3A_466 = memref.load %arg2[%get3A_464, %get3A_465] : memref<16x5xf32, #tpu.memory_space<smem>>
      %mul3A_467 = vector.broadcast %get3A_466 : f32 to vector<16x8192xf32>
      %mul3A_468 = arith.mulf %mul3A_467, %pad3A_123 : vector<16x8192xf32>
      %add3A_469 = vector.broadcast %get3A_463 : f32 to vector<16x8192xf32>
      %add3A_470 = arith.addf %add3A_469, %mul3A_468 : vector<16x8192xf32>
      %get3A_471 = arith.constant 5 : index
      %get3A_472 = arith.constant 1 : index
      %get3A_473 = memref.load %arg2[%get3A_471, %get3A_472] : memref<16x5xf32, #tpu.memory_space<smem>>
      %mul3A_474 = vector.broadcast %get3A_473 : f32 to vector<16x8192xf32>
      %mul3A_475 = arith.mulf %mul3A_474, %pad3A_128 : vector<16x8192xf32>
      %add3A_476 = arith.addf %add3A_470, %mul3A_475 : vector<16x8192xf32>
      %get3A_477 = arith.constant 5 : index
      %get3A_478 = arith.constant 2 : index
      %get3A_479 = memref.load %arg2[%get3A_477, %get3A_478] : memref<16x5xf32, #tpu.memory_space<smem>>
      %mul3A_480 = vector.broadcast %get3A_479 : f32 to vector<16x8192xf32>
      %mul3A_481 = arith.mulf %mul3A_480, %sub3A_29 : vector<16x8192xf32>
      %add3A_482 = arith.addf %add3A_476, %mul3A_481 : vector<16x8192xf32>
      %get3A_483 = arith.constant 5 : index
      %get3A_484 = arith.constant 3 : index
      %get3A_485 = memref.load %arg2[%get3A_483, %get3A_484] : memref<16x5xf32, #tpu.memory_space<smem>>
      %mul3A_486 = vector.broadcast %get3A_485 : f32 to vector<16x8192xf32>
      %mul3A_487 = arith.mulf %mul3A_486, %pad3A_133 : vector<16x8192xf32>
      %add3A_488 = arith.addf %add3A_482, %mul3A_487 : vector<16x8192xf32>
      %get3A_489 = arith.constant 5 : index
      %get3A_490 = arith.constant 4 : index
      %get3A_491 = memref.load %arg2[%get3A_489, %get3A_490] : memref<16x5xf32, #tpu.memory_space<smem>>
      %mul3A_492 = vector.broadcast %get3A_491 : f32 to vector<16x8192xf32>
      %mul3A_493 = arith.mulf %mul3A_492, %pad3A_138 : vector<16x8192xf32>
      %add3A_494 = arith.addf %add3A_488, %mul3A_493 : vector<16x8192xf32>
      %max3A_495 = arith.constant 0.000000e+00 : f32
      %max3A_496 = vector.broadcast %max3A_495 : f32 to vector<16x8192xf32>
      %max3A_497 = arith.maximumf %add3A_494, %max3A_496 : vector<16x8192xf32>
      %get3A_498 = arith.constant 5 : index
      %get3A_499 = arith.constant 0 : index
      %get3A_500 = memref.load %arg4[%get3A_498, %get3A_499] : memref<16x5xf32, #tpu.memory_space<smem>>
      %mul3A_501 = vector.broadcast %get3A_500 : f32 to vector<16x8192xf32>
      %mul3A_502 = arith.mulf %mul3A_501, %max3A_497 : vector<16x8192xf32>
      %add3A_503 = arith.addf %add3A_437, %mul3A_502 : vector<16x8192xf32>
      %get3A_504 = arith.constant 5 : index
      %get3A_505 = arith.constant 1 : index
      %get3A_506 = memref.load %arg4[%get3A_504, %get3A_505] : memref<16x5xf32, #tpu.memory_space<smem>>
      %mul3A_507 = vector.broadcast %get3A_506 : f32 to vector<16x8192xf32>
      %mul3A_508 = arith.mulf %mul3A_507, %max3A_497 : vector<16x8192xf32>
      %add3A_509 = arith.addf %add3A_443, %mul3A_508 : vector<16x8192xf32>
      %get3A_510 = arith.constant 5 : index
      %get3A_511 = arith.constant 2 : index
      %get3A_512 = memref.load %arg4[%get3A_510, %get3A_511] : memref<16x5xf32, #tpu.memory_space<smem>>
      %mul3A_513 = vector.broadcast %get3A_512 : f32 to vector<16x8192xf32>
      %mul3A_514 = arith.mulf %mul3A_513, %max3A_497 : vector<16x8192xf32>
      %add3A_515 = arith.addf %add3A_449, %mul3A_514 : vector<16x8192xf32>
      %get3A_516 = arith.constant 5 : index
      %get3A_517 = arith.constant 3 : index
      %get3A_518 = memref.load %arg4[%get3A_516, %get3A_517] : memref<16x5xf32, #tpu.memory_space<smem>>
      %mul3A_519 = vector.broadcast %get3A_518 : f32 to vector<16x8192xf32>
      %mul3A_520 = arith.mulf %mul3A_519, %max3A_497 : vector<16x8192xf32>
      %add3A_521 = arith.addf %add3A_455, %mul3A_520 : vector<16x8192xf32>
      %get3A_522 = arith.constant 5 : index
      %get3A_523 = arith.constant 4 : index
      %get3A_524 = memref.load %arg4[%get3A_522, %get3A_523] : memref<16x5xf32, #tpu.memory_space<smem>>
      %mul3A_525 = vector.broadcast %get3A_524 : f32 to vector<16x8192xf32>
      %mul3A_526 = arith.mulf %mul3A_525, %max3A_497 : vector<16x8192xf32>
      %add3A_527 = arith.addf %add3A_461, %mul3A_526 : vector<16x8192xf32>
      %get3A_528 = arith.constant 6 : index
      %get3A_529 = memref.load %arg3[%get3A_528] : memref<16xf32, #tpu.memory_space<smem>>
      %get3A_530 = arith.constant 6 : index
      %get3A_531 = arith.constant 0 : index
      %get3A_532 = memref.load %arg2[%get3A_530, %get3A_531] : memref<16x5xf32, #tpu.memory_space<smem>>
      %mul3A_533 = vector.broadcast %get3A_532 : f32 to vector<16x8192xf32>
      %mul3A_534 = arith.mulf %mul3A_533, %pad3A_123 : vector<16x8192xf32>
      %add3A_535 = vector.broadcast %get3A_529 : f32 to vector<16x8192xf32>
      %add3A_536 = arith.addf %add3A_535, %mul3A_534 : vector<16x8192xf32>
      %get3A_537 = arith.constant 6 : index
      %get3A_538 = arith.constant 1 : index
      %get3A_539 = memref.load %arg2[%get3A_537, %get3A_538] : memref<16x5xf32, #tpu.memory_space<smem>>
      %mul3A_540 = vector.broadcast %get3A_539 : f32 to vector<16x8192xf32>
      %mul3A_541 = arith.mulf %mul3A_540, %pad3A_128 : vector<16x8192xf32>
      %add3A_542 = arith.addf %add3A_536, %mul3A_541 : vector<16x8192xf32>
      %get3A_543 = arith.constant 6 : index
      %get3A_544 = arith.constant 2 : index
      %get3A_545 = memref.load %arg2[%get3A_543, %get3A_544] : memref<16x5xf32, #tpu.memory_space<smem>>
      %mul3A_546 = vector.broadcast %get3A_545 : f32 to vector<16x8192xf32>
      %mul3A_547 = arith.mulf %mul3A_546, %sub3A_29 : vector<16x8192xf32>
      %add3A_548 = arith.addf %add3A_542, %mul3A_547 : vector<16x8192xf32>
      %get3A_549 = arith.constant 6 : index
      %get3A_550 = arith.constant 3 : index
      %get3A_551 = memref.load %arg2[%get3A_549, %get3A_550] : memref<16x5xf32, #tpu.memory_space<smem>>
      %mul3A_552 = vector.broadcast %get3A_551 : f32 to vector<16x8192xf32>
      %mul3A_553 = arith.mulf %mul3A_552, %pad3A_133 : vector<16x8192xf32>
      %add3A_554 = arith.addf %add3A_548, %mul3A_553 : vector<16x8192xf32>
      %get3A_555 = arith.constant 6 : index
      %get3A_556 = arith.constant 4 : index
      %get3A_557 = memref.load %arg2[%get3A_555, %get3A_556] : memref<16x5xf32, #tpu.memory_space<smem>>
      %mul3A_558 = vector.broadcast %get3A_557 : f32 to vector<16x8192xf32>
      %mul3A_559 = arith.mulf %mul3A_558, %pad3A_138 : vector<16x8192xf32>
      %add3A_560 = arith.addf %add3A_554, %mul3A_559 : vector<16x8192xf32>
      %max3A_561 = arith.constant 0.000000e+00 : f32
      %max3A_562 = vector.broadcast %max3A_561 : f32 to vector<16x8192xf32>
      %max3A_563 = arith.maximumf %add3A_560, %max3A_562 : vector<16x8192xf32>
      %get3A_564 = arith.constant 6 : index
      %get3A_565 = arith.constant 0 : index
      %get3A_566 = memref.load %arg4[%get3A_564, %get3A_565] : memref<16x5xf32, #tpu.memory_space<smem>>
      %mul3A_567 = vector.broadcast %get3A_566 : f32 to vector<16x8192xf32>
      %mul3A_568 = arith.mulf %mul3A_567, %max3A_563 : vector<16x8192xf32>
      %add3A_569 = arith.addf %add3A_503, %mul3A_568 : vector<16x8192xf32>
      %get3A_570 = arith.constant 6 : index
      %get3A_571 = arith.constant 1 : index
      %get3A_572 = memref.load %arg4[%get3A_570, %get3A_571] : memref<16x5xf32, #tpu.memory_space<smem>>
      %mul3A_573 = vector.broadcast %get3A_572 : f32 to vector<16x8192xf32>
      %mul3A_574 = arith.mulf %mul3A_573, %max3A_563 : vector<16x8192xf32>
      %add3A_575 = arith.addf %add3A_509, %mul3A_574 : vector<16x8192xf32>
      %get3A_576 = arith.constant 6 : index
      %get3A_577 = arith.constant 2 : index
      %get3A_578 = memref.load %arg4[%get3A_576, %get3A_577] : memref<16x5xf32, #tpu.memory_space<smem>>
      %mul3A_579 = vector.broadcast %get3A_578 : f32 to vector<16x8192xf32>
      %mul3A_580 = arith.mulf %mul3A_579, %max3A_563 : vector<16x8192xf32>
      %add3A_581 = arith.addf %add3A_515, %mul3A_580 : vector<16x8192xf32>
      %get3A_582 = arith.constant 6 : index
      %get3A_583 = arith.constant 3 : index
      %get3A_584 = memref.load %arg4[%get3A_582, %get3A_583] : memref<16x5xf32, #tpu.memory_space<smem>>
      %mul3A_585 = vector.broadcast %get3A_584 : f32 to vector<16x8192xf32>
      %mul3A_586 = arith.mulf %mul3A_585, %max3A_563 : vector<16x8192xf32>
      %add3A_587 = arith.addf %add3A_521, %mul3A_586 : vector<16x8192xf32>
      %get3A_588 = arith.constant 6 : index
      %get3A_589 = arith.constant 4 : index
      %get3A_590 = memref.load %arg4[%get3A_588, %get3A_589] : memref<16x5xf32, #tpu.memory_space<smem>>
      %mul3A_591 = vector.broadcast %get3A_590 : f32 to vector<16x8192xf32>
      %mul3A_592 = arith.mulf %mul3A_591, %max3A_563 : vector<16x8192xf32>
      %add3A_593 = arith.addf %add3A_527, %mul3A_592 : vector<16x8192xf32>
      %get3A_594 = arith.constant 7 : index
      %get3A_595 = memref.load %arg3[%get3A_594] : memref<16xf32, #tpu.memory_space<smem>>
      %get3A_596 = arith.constant 7 : index
      %get3A_597 = arith.constant 0 : index
      %get3A_598 = memref.load %arg2[%get3A_596, %get3A_597] : memref<16x5xf32, #tpu.memory_space<smem>>
      %mul3A_599 = vector.broadcast %get3A_598 : f32 to vector<16x8192xf32>
      %mul3A_600 = arith.mulf %mul3A_599, %pad3A_123 : vector<16x8192xf32>
      %add3A_601 = vector.broadcast %get3A_595 : f32 to vector<16x8192xf32>
      %add3A_602 = arith.addf %add3A_601, %mul3A_600 : vector<16x8192xf32>
      %get3A_603 = arith.constant 7 : index
      %get3A_604 = arith.constant 1 : index
      %get3A_605 = memref.load %arg2[%get3A_603, %get3A_604] : memref<16x5xf32, #tpu.memory_space<smem>>
      %mul3A_606 = vector.broadcast %get3A_605 : f32 to vector<16x8192xf32>
      %mul3A_607 = arith.mulf %mul3A_606, %pad3A_128 : vector<16x8192xf32>
      %add3A_608 = arith.addf %add3A_602, %mul3A_607 : vector<16x8192xf32>
      %get3A_609 = arith.constant 7 : index
      %get3A_610 = arith.constant 2 : index
      %get3A_611 = memref.load %arg2[%get3A_609, %get3A_610] : memref<16x5xf32, #tpu.memory_space<smem>>
      %mul3A_612 = vector.broadcast %get3A_611 : f32 to vector<16x8192xf32>
      %mul3A_613 = arith.mulf %mul3A_612, %sub3A_29 : vector<16x8192xf32>
      %add3A_614 = arith.addf %add3A_608, %mul3A_613 : vector<16x8192xf32>
      %get3A_615 = arith.constant 7 : index
      %get3A_616 = arith.constant 3 : index
      %get3A_617 = memref.load %arg2[%get3A_615, %get3A_616] : memref<16x5xf32, #tpu.memory_space<smem>>
      %mul3A_618 = vector.broadcast %get3A_617 : f32 to vector<16x8192xf32>
      %mul3A_619 = arith.mulf %mul3A_618, %pad3A_133 : vector<16x8192xf32>
      %add3A_620 = arith.addf %add3A_614, %mul3A_619 : vector<16x8192xf32>
      %get3A_621 = arith.constant 7 : index
      %get3A_622 = arith.constant 4 : index
      %get3A_623 = memref.load %arg2[%get3A_621, %get3A_622] : memref<16x5xf32, #tpu.memory_space<smem>>
      %mul3A_624 = vector.broadcast %get3A_623 : f32 to vector<16x8192xf32>
      %mul3A_625 = arith.mulf %mul3A_624, %pad3A_138 : vector<16x8192xf32>
      %add3A_626 = arith.addf %add3A_620, %mul3A_625 : vector<16x8192xf32>
      %max3A_627 = arith.constant 0.000000e+00 : f32
      %max3A_628 = vector.broadcast %max3A_627 : f32 to vector<16x8192xf32>
      %max3A_629 = arith.maximumf %add3A_626, %max3A_628 : vector<16x8192xf32>
      %get3A_630 = arith.constant 7 : index
      %get3A_631 = arith.constant 0 : index
      %get3A_632 = memref.load %arg4[%get3A_630, %get3A_631] : memref<16x5xf32, #tpu.memory_space<smem>>
      %mul3A_633 = vector.broadcast %get3A_632 : f32 to vector<16x8192xf32>
      %mul3A_634 = arith.mulf %mul3A_633, %max3A_629 : vector<16x8192xf32>
      %add3A_635 = arith.addf %add3A_569, %mul3A_634 : vector<16x8192xf32>
      %get3A_636 = arith.constant 7 : index
      %get3A_637 = arith.constant 1 : index
      %get3A_638 = memref.load %arg4[%get3A_636, %get3A_637] : memref<16x5xf32, #tpu.memory_space<smem>>
      %mul3A_639 = vector.broadcast %get3A_638 : f32 to vector<16x8192xf32>
      %mul3A_640 = arith.mulf %mul3A_639, %max3A_629 : vector<16x8192xf32>
      %add3A_641 = arith.addf %add3A_575, %mul3A_640 : vector<16x8192xf32>
      %get3A_642 = arith.constant 7 : index
      %get3A_643 = arith.constant 2 : index
      %get3A_644 = memref.load %arg4[%get3A_642, %get3A_643] : memref<16x5xf32, #tpu.memory_space<smem>>
      %mul3A_645 = vector.broadcast %get3A_644 : f32 to vector<16x8192xf32>
      %mul3A_646 = arith.mulf %mul3A_645, %max3A_629 : vector<16x8192xf32>
      %add3A_647 = arith.addf %add3A_581, %mul3A_646 : vector<16x8192xf32>
      %get3A_648 = arith.constant 7 : index
      %get3A_649 = arith.constant 3 : index
      %get3A_650 = memref.load %arg4[%get3A_648, %get3A_649] : memref<16x5xf32, #tpu.memory_space<smem>>
      %mul3A_651 = vector.broadcast %get3A_650 : f32 to vector<16x8192xf32>
      %mul3A_652 = arith.mulf %mul3A_651, %max3A_629 : vector<16x8192xf32>
      %add3A_653 = arith.addf %add3A_587, %mul3A_652 : vector<16x8192xf32>
      %get3A_654 = arith.constant 7 : index
      %get3A_655 = arith.constant 4 : index
      %get3A_656 = memref.load %arg4[%get3A_654, %get3A_655] : memref<16x5xf32, #tpu.memory_space<smem>>
      %mul3A_657 = vector.broadcast %get3A_656 : f32 to vector<16x8192xf32>
      %mul3A_658 = arith.mulf %mul3A_657, %max3A_629 : vector<16x8192xf32>
      %add3A_659 = arith.addf %add3A_593, %mul3A_658 : vector<16x8192xf32>
      %get3A_660 = arith.constant 8 : index
      %get3A_661 = memref.load %arg3[%get3A_660] : memref<16xf32, #tpu.memory_space<smem>>
      %get3A_662 = arith.constant 8 : index
      %get3A_663 = arith.constant 0 : index
      %get3A_664 = memref.load %arg2[%get3A_662, %get3A_663] : memref<16x5xf32, #tpu.memory_space<smem>>
      %mul3A_665 = vector.broadcast %get3A_664 : f32 to vector<16x8192xf32>
      %mul3A_666 = arith.mulf %mul3A_665, %pad3A_123 : vector<16x8192xf32>
      %add3A_667 = vector.broadcast %get3A_661 : f32 to vector<16x8192xf32>
      %add3A_668 = arith.addf %add3A_667, %mul3A_666 : vector<16x8192xf32>
      %get3A_669 = arith.constant 8 : index
      %get3A_670 = arith.constant 1 : index
      %get3A_671 = memref.load %arg2[%get3A_669, %get3A_670] : memref<16x5xf32, #tpu.memory_space<smem>>
      %mul3A_672 = vector.broadcast %get3A_671 : f32 to vector<16x8192xf32>
      %mul3A_673 = arith.mulf %mul3A_672, %pad3A_128 : vector<16x8192xf32>
      %add3A_674 = arith.addf %add3A_668, %mul3A_673 : vector<16x8192xf32>
      %get3A_675 = arith.constant 8 : index
      %get3A_676 = arith.constant 2 : index
      %get3A_677 = memref.load %arg2[%get3A_675, %get3A_676] : memref<16x5xf32, #tpu.memory_space<smem>>
      %mul3A_678 = vector.broadcast %get3A_677 : f32 to vector<16x8192xf32>
      %mul3A_679 = arith.mulf %mul3A_678, %sub3A_29 : vector<16x8192xf32>
      %add3A_680 = arith.addf %add3A_674, %mul3A_679 : vector<16x8192xf32>
      %get3A_681 = arith.constant 8 : index
      %get3A_682 = arith.constant 3 : index
      %get3A_683 = memref.load %arg2[%get3A_681, %get3A_682] : memref<16x5xf32, #tpu.memory_space<smem>>
      %mul3A_684 = vector.broadcast %get3A_683 : f32 to vector<16x8192xf32>
      %mul3A_685 = arith.mulf %mul3A_684, %pad3A_133 : vector<16x8192xf32>
      %add3A_686 = arith.addf %add3A_680, %mul3A_685 : vector<16x8192xf32>
      %get3A_687 = arith.constant 8 : index
      %get3A_688 = arith.constant 4 : index
      %get3A_689 = memref.load %arg2[%get3A_687, %get3A_688] : memref<16x5xf32, #tpu.memory_space<smem>>
      %mul3A_690 = vector.broadcast %get3A_689 : f32 to vector<16x8192xf32>
      %mul3A_691 = arith.mulf %mul3A_690, %pad3A_138 : vector<16x8192xf32>
      %add3A_692 = arith.addf %add3A_686, %mul3A_691 : vector<16x8192xf32>
      %max3A_693 = arith.constant 0.000000e+00 : f32
      %max3A_694 = vector.broadcast %max3A_693 : f32 to vector<16x8192xf32>
      %max3A_695 = arith.maximumf %add3A_692, %max3A_694 : vector<16x8192xf32>
      %get3A_696 = arith.constant 8 : index
      %get3A_697 = arith.constant 0 : index
      %get3A_698 = memref.load %arg4[%get3A_696, %get3A_697] : memref<16x5xf32, #tpu.memory_space<smem>>
      %mul3A_699 = vector.broadcast %get3A_698 : f32 to vector<16x8192xf32>
      %mul3A_700 = arith.mulf %mul3A_699, %max3A_695 : vector<16x8192xf32>
      %add3A_701 = arith.addf %add3A_635, %mul3A_700 : vector<16x8192xf32>
      %get3A_702 = arith.constant 8 : index
      %get3A_703 = arith.constant 1 : index
      %get3A_704 = memref.load %arg4[%get3A_702, %get3A_703] : memref<16x5xf32, #tpu.memory_space<smem>>
      %mul3A_705 = vector.broadcast %get3A_704 : f32 to vector<16x8192xf32>
      %mul3A_706 = arith.mulf %mul3A_705, %max3A_695 : vector<16x8192xf32>
      %add3A_707 = arith.addf %add3A_641, %mul3A_706 : vector<16x8192xf32>
      %get3A_708 = arith.constant 8 : index
      %get3A_709 = arith.constant 2 : index
      %get3A_710 = memref.load %arg4[%get3A_708, %get3A_709] : memref<16x5xf32, #tpu.memory_space<smem>>
      %mul3A_711 = vector.broadcast %get3A_710 : f32 to vector<16x8192xf32>
      %mul3A_712 = arith.mulf %mul3A_711, %max3A_695 : vector<16x8192xf32>
      %add3A_713 = arith.addf %add3A_647, %mul3A_712 : vector<16x8192xf32>
      %get3A_714 = arith.constant 8 : index
      %get3A_715 = arith.constant 3 : index
      %get3A_716 = memref.load %arg4[%get3A_714, %get3A_715] : memref<16x5xf32, #tpu.memory_space<smem>>
      %mul3A_717 = vector.broadcast %get3A_716 : f32 to vector<16x8192xf32>
      %mul3A_718 = arith.mulf %mul3A_717, %max3A_695 : vector<16x8192xf32>
      %add3A_719 = arith.addf %add3A_653, %mul3A_718 : vector<16x8192xf32>
      %get3A_720 = arith.constant 8 : index
      %get3A_721 = arith.constant 4 : index
      %get3A_722 = memref.load %arg4[%get3A_720, %get3A_721] : memref<16x5xf32, #tpu.memory_space<smem>>
      %mul3A_723 = vector.broadcast %get3A_722 : f32 to vector<16x8192xf32>
      %mul3A_724 = arith.mulf %mul3A_723, %max3A_695 : vector<16x8192xf32>
      %add3A_725 = arith.addf %add3A_659, %mul3A_724 : vector<16x8192xf32>
      %get3A_726 = arith.constant 9 : index
      %get3A_727 = memref.load %arg3[%get3A_726] : memref<16xf32, #tpu.memory_space<smem>>
      %get3A_728 = arith.constant 9 : index
      %get3A_729 = arith.constant 0 : index
      %get3A_730 = memref.load %arg2[%get3A_728, %get3A_729] : memref<16x5xf32, #tpu.memory_space<smem>>
      %mul3A_731 = vector.broadcast %get3A_730 : f32 to vector<16x8192xf32>
      %mul3A_732 = arith.mulf %mul3A_731, %pad3A_123 : vector<16x8192xf32>
      %add3A_733 = vector.broadcast %get3A_727 : f32 to vector<16x8192xf32>
      %add3A_734 = arith.addf %add3A_733, %mul3A_732 : vector<16x8192xf32>
      %get3A_735 = arith.constant 9 : index
      %get3A_736 = arith.constant 1 : index
      %get3A_737 = memref.load %arg2[%get3A_735, %get3A_736] : memref<16x5xf32, #tpu.memory_space<smem>>
      %mul3A_738 = vector.broadcast %get3A_737 : f32 to vector<16x8192xf32>
      %mul3A_739 = arith.mulf %mul3A_738, %pad3A_128 : vector<16x8192xf32>
      %add3A_740 = arith.addf %add3A_734, %mul3A_739 : vector<16x8192xf32>
      %get3A_741 = arith.constant 9 : index
      %get3A_742 = arith.constant 2 : index
      %get3A_743 = memref.load %arg2[%get3A_741, %get3A_742] : memref<16x5xf32, #tpu.memory_space<smem>>
      %mul3A_744 = vector.broadcast %get3A_743 : f32 to vector<16x8192xf32>
      %mul3A_745 = arith.mulf %mul3A_744, %sub3A_29 : vector<16x8192xf32>
      %add3A_746 = arith.addf %add3A_740, %mul3A_745 : vector<16x8192xf32>
      %get3A_747 = arith.constant 9 : index
      %get3A_748 = arith.constant 3 : index
      %get3A_749 = memref.load %arg2[%get3A_747, %get3A_748] : memref<16x5xf32, #tpu.memory_space<smem>>
      %mul3A_750 = vector.broadcast %get3A_749 : f32 to vector<16x8192xf32>
      %mul3A_751 = arith.mulf %mul3A_750, %pad3A_133 : vector<16x8192xf32>
      %add3A_752 = arith.addf %add3A_746, %mul3A_751 : vector<16x8192xf32>
      %get3A_753 = arith.constant 9 : index
      %get3A_754 = arith.constant 4 : index
      %get3A_755 = memref.load %arg2[%get3A_753, %get3A_754] : memref<16x5xf32, #tpu.memory_space<smem>>
      %mul3A_756 = vector.broadcast %get3A_755 : f32 to vector<16x8192xf32>
      %mul3A_757 = arith.mulf %mul3A_756, %pad3A_138 : vector<16x8192xf32>
      %add3A_758 = arith.addf %add3A_752, %mul3A_757 : vector<16x8192xf32>
      %max3A_759 = arith.constant 0.000000e+00 : f32
      %max3A_760 = vector.broadcast %max3A_759 : f32 to vector<16x8192xf32>
      %max3A_761 = arith.maximumf %add3A_758, %max3A_760 : vector<16x8192xf32>
      %get3A_762 = arith.constant 9 : index
      %get3A_763 = arith.constant 0 : index
      %get3A_764 = memref.load %arg4[%get3A_762, %get3A_763] : memref<16x5xf32, #tpu.memory_space<smem>>
      %mul3A_765 = vector.broadcast %get3A_764 : f32 to vector<16x8192xf32>
      %mul3A_766 = arith.mulf %mul3A_765, %max3A_761 : vector<16x8192xf32>
      %add3A_767 = arith.addf %add3A_701, %mul3A_766 : vector<16x8192xf32>
      %get3A_768 = arith.constant 9 : index
      %get3A_769 = arith.constant 1 : index
      %get3A_770 = memref.load %arg4[%get3A_768, %get3A_769] : memref<16x5xf32, #tpu.memory_space<smem>>
      %mul3A_771 = vector.broadcast %get3A_770 : f32 to vector<16x8192xf32>
      %mul3A_772 = arith.mulf %mul3A_771, %max3A_761 : vector<16x8192xf32>
      %add3A_773 = arith.addf %add3A_707, %mul3A_772 : vector<16x8192xf32>
      %get3A_774 = arith.constant 9 : index
      %get3A_775 = arith.constant 2 : index
      %get3A_776 = memref.load %arg4[%get3A_774, %get3A_775] : memref<16x5xf32, #tpu.memory_space<smem>>
      %mul3A_777 = vector.broadcast %get3A_776 : f32 to vector<16x8192xf32>
      %mul3A_778 = arith.mulf %mul3A_777, %max3A_761 : vector<16x8192xf32>
      %add3A_779 = arith.addf %add3A_713, %mul3A_778 : vector<16x8192xf32>
      %get3A_780 = arith.constant 9 : index
      %get3A_781 = arith.constant 3 : index
      %get3A_782 = memref.load %arg4[%get3A_780, %get3A_781] : memref<16x5xf32, #tpu.memory_space<smem>>
      %mul3A_783 = vector.broadcast %get3A_782 : f32 to vector<16x8192xf32>
      %mul3A_784 = arith.mulf %mul3A_783, %max3A_761 : vector<16x8192xf32>
      %add3A_785 = arith.addf %add3A_719, %mul3A_784 : vector<16x8192xf32>
      %get3A_786 = arith.constant 9 : index
      %get3A_787 = arith.constant 4 : index
      %get3A_788 = memref.load %arg4[%get3A_786, %get3A_787] : memref<16x5xf32, #tpu.memory_space<smem>>
      %mul3A_789 = vector.broadcast %get3A_788 : f32 to vector<16x8192xf32>
      %mul3A_790 = arith.mulf %mul3A_789, %max3A_761 : vector<16x8192xf32>
      %add3A_791 = arith.addf %add3A_725, %mul3A_790 : vector<16x8192xf32>
      %get3A_792 = arith.constant 10 : index
      %get3A_793 = memref.load %arg3[%get3A_792] : memref<16xf32, #tpu.memory_space<smem>>
      %get3A_794 = arith.constant 10 : index
      %get3A_795 = arith.constant 0 : index
      %get3A_796 = memref.load %arg2[%get3A_794, %get3A_795] : memref<16x5xf32, #tpu.memory_space<smem>>
      %mul3A_797 = vector.broadcast %get3A_796 : f32 to vector<16x8192xf32>
      %mul3A_798 = arith.mulf %mul3A_797, %pad3A_123 : vector<16x8192xf32>
      %add3A_799 = vector.broadcast %get3A_793 : f32 to vector<16x8192xf32>
      %add3A_800 = arith.addf %add3A_799, %mul3A_798 : vector<16x8192xf32>
      %get3A_801 = arith.constant 10 : index
      %get3A_802 = arith.constant 1 : index
      %get3A_803 = memref.load %arg2[%get3A_801, %get3A_802] : memref<16x5xf32, #tpu.memory_space<smem>>
      %mul3A_804 = vector.broadcast %get3A_803 : f32 to vector<16x8192xf32>
      %mul3A_805 = arith.mulf %mul3A_804, %pad3A_128 : vector<16x8192xf32>
      %add3A_806 = arith.addf %add3A_800, %mul3A_805 : vector<16x8192xf32>
      %get3A_807 = arith.constant 10 : index
      %get3A_808 = arith.constant 2 : index
      %get3A_809 = memref.load %arg2[%get3A_807, %get3A_808] : memref<16x5xf32, #tpu.memory_space<smem>>
      %mul3A_810 = vector.broadcast %get3A_809 : f32 to vector<16x8192xf32>
      %mul3A_811 = arith.mulf %mul3A_810, %sub3A_29 : vector<16x8192xf32>
      %add3A_812 = arith.addf %add3A_806, %mul3A_811 : vector<16x8192xf32>
      %get3A_813 = arith.constant 10 : index
      %get3A_814 = arith.constant 3 : index
      %get3A_815 = memref.load %arg2[%get3A_813, %get3A_814] : memref<16x5xf32, #tpu.memory_space<smem>>
      %mul3A_816 = vector.broadcast %get3A_815 : f32 to vector<16x8192xf32>
      %mul3A_817 = arith.mulf %mul3A_816, %pad3A_133 : vector<16x8192xf32>
      %add3A_818 = arith.addf %add3A_812, %mul3A_817 : vector<16x8192xf32>
      %get3A_819 = arith.constant 10 : index
      %get3A_820 = arith.constant 4 : index
      %get3A_821 = memref.load %arg2[%get3A_819, %get3A_820] : memref<16x5xf32, #tpu.memory_space<smem>>
      %mul3A_822 = vector.broadcast %get3A_821 : f32 to vector<16x8192xf32>
      %mul3A_823 = arith.mulf %mul3A_822, %pad3A_138 : vector<16x8192xf32>
      %add3A_824 = arith.addf %add3A_818, %mul3A_823 : vector<16x8192xf32>
      %max3A_825 = arith.constant 0.000000e+00 : f32
      %max3A_826 = vector.broadcast %max3A_825 : f32 to vector<16x8192xf32>
      %max3A_827 = arith.maximumf %add3A_824, %max3A_826 : vector<16x8192xf32>
      %get3A_828 = arith.constant 10 : index
      %get3A_829 = arith.constant 0 : index
      %get3A_830 = memref.load %arg4[%get3A_828, %get3A_829] : memref<16x5xf32, #tpu.memory_space<smem>>
      %mul3A_831 = vector.broadcast %get3A_830 : f32 to vector<16x8192xf32>
      %mul3A_832 = arith.mulf %mul3A_831, %max3A_827 : vector<16x8192xf32>
      %add3A_833 = arith.addf %add3A_767, %mul3A_832 : vector<16x8192xf32>
      %get3A_834 = arith.constant 10 : index
      %get3A_835 = arith.constant 1 : index
      %get3A_836 = memref.load %arg4[%get3A_834, %get3A_835] : memref<16x5xf32, #tpu.memory_space<smem>>
      %mul3A_837 = vector.broadcast %get3A_836 : f32 to vector<16x8192xf32>
      %mul3A_838 = arith.mulf %mul3A_837, %max3A_827 : vector<16x8192xf32>
      %add3A_839 = arith.addf %add3A_773, %mul3A_838 : vector<16x8192xf32>
      %get3A_840 = arith.constant 10 : index
      %get3A_841 = arith.constant 2 : index
      %get3A_842 = memref.load %arg4[%get3A_840, %get3A_841] : memref<16x5xf32, #tpu.memory_space<smem>>
      %mul3A_843 = vector.broadcast %get3A_842 : f32 to vector<16x8192xf32>
      %mul3A_844 = arith.mulf %mul3A_843, %max3A_827 : vector<16x8192xf32>
      %add3A_845 = arith.addf %add3A_779, %mul3A_844 : vector<16x8192xf32>
      %get3A_846 = arith.constant 10 : index
      %get3A_847 = arith.constant 3 : index
      %get3A_848 = memref.load %arg4[%get3A_846, %get3A_847] : memref<16x5xf32, #tpu.memory_space<smem>>
      %mul3A_849 = vector.broadcast %get3A_848 : f32 to vector<16x8192xf32>
      %mul3A_850 = arith.mulf %mul3A_849, %max3A_827 : vector<16x8192xf32>
      %add3A_851 = arith.addf %add3A_785, %mul3A_850 : vector<16x8192xf32>
      %get3A_852 = arith.constant 10 : index
      %get3A_853 = arith.constant 4 : index
      %get3A_854 = memref.load %arg4[%get3A_852, %get3A_853] : memref<16x5xf32, #tpu.memory_space<smem>>
      %mul3A_855 = vector.broadcast %get3A_854 : f32 to vector<16x8192xf32>
      %mul3A_856 = arith.mulf %mul3A_855, %max3A_827 : vector<16x8192xf32>
      %add3A_857 = arith.addf %add3A_791, %mul3A_856 : vector<16x8192xf32>
      %get3A_858 = arith.constant 11 : index
      %get3A_859 = memref.load %arg3[%get3A_858] : memref<16xf32, #tpu.memory_space<smem>>
      %get3A_860 = arith.constant 11 : index
      %get3A_861 = arith.constant 0 : index
      %get3A_862 = memref.load %arg2[%get3A_860, %get3A_861] : memref<16x5xf32, #tpu.memory_space<smem>>
      %mul3A_863 = vector.broadcast %get3A_862 : f32 to vector<16x8192xf32>
      %mul3A_864 = arith.mulf %mul3A_863, %pad3A_123 : vector<16x8192xf32>
      %add3A_865 = vector.broadcast %get3A_859 : f32 to vector<16x8192xf32>
      %add3A_866 = arith.addf %add3A_865, %mul3A_864 : vector<16x8192xf32>
      %get3A_867 = arith.constant 11 : index
      %get3A_868 = arith.constant 1 : index
      %get3A_869 = memref.load %arg2[%get3A_867, %get3A_868] : memref<16x5xf32, #tpu.memory_space<smem>>
      %mul3A_870 = vector.broadcast %get3A_869 : f32 to vector<16x8192xf32>
      %mul3A_871 = arith.mulf %mul3A_870, %pad3A_128 : vector<16x8192xf32>
      %add3A_872 = arith.addf %add3A_866, %mul3A_871 : vector<16x8192xf32>
      %get3A_873 = arith.constant 11 : index
      %get3A_874 = arith.constant 2 : index
      %get3A_875 = memref.load %arg2[%get3A_873, %get3A_874] : memref<16x5xf32, #tpu.memory_space<smem>>
      %mul3A_876 = vector.broadcast %get3A_875 : f32 to vector<16x8192xf32>
      %mul3A_877 = arith.mulf %mul3A_876, %sub3A_29 : vector<16x8192xf32>
      %add3A_878 = arith.addf %add3A_872, %mul3A_877 : vector<16x8192xf32>
      %get3A_879 = arith.constant 11 : index
      %get3A_880 = arith.constant 3 : index
      %get3A_881 = memref.load %arg2[%get3A_879, %get3A_880] : memref<16x5xf32, #tpu.memory_space<smem>>
      %mul3A_882 = vector.broadcast %get3A_881 : f32 to vector<16x8192xf32>
      %mul3A_883 = arith.mulf %mul3A_882, %pad3A_133 : vector<16x8192xf32>
      %add3A_884 = arith.addf %add3A_878, %mul3A_883 : vector<16x8192xf32>
      %get3A_885 = arith.constant 11 : index
      %get3A_886 = arith.constant 4 : index
      %get3A_887 = memref.load %arg2[%get3A_885, %get3A_886] : memref<16x5xf32, #tpu.memory_space<smem>>
      %mul3A_888 = vector.broadcast %get3A_887 : f32 to vector<16x8192xf32>
      %mul3A_889 = arith.mulf %mul3A_888, %pad3A_138 : vector<16x8192xf32>
      %add3A_890 = arith.addf %add3A_884, %mul3A_889 : vector<16x8192xf32>
      %max3A_891 = arith.constant 0.000000e+00 : f32
      %max3A_892 = vector.broadcast %max3A_891 : f32 to vector<16x8192xf32>
      %max3A_893 = arith.maximumf %add3A_890, %max3A_892 : vector<16x8192xf32>
      %get3A_894 = arith.constant 11 : index
      %get3A_895 = arith.constant 0 : index
      %get3A_896 = memref.load %arg4[%get3A_894, %get3A_895] : memref<16x5xf32, #tpu.memory_space<smem>>
      %mul3A_897 = vector.broadcast %get3A_896 : f32 to vector<16x8192xf32>
      %mul3A_898 = arith.mulf %mul3A_897, %max3A_893 : vector<16x8192xf32>
      %add3A_899 = arith.addf %add3A_833, %mul3A_898 : vector<16x8192xf32>
      %get3A_900 = arith.constant 11 : index
      %get3A_901 = arith.constant 1 : index
      %get3A_902 = memref.load %arg4[%get3A_900, %get3A_901] : memref<16x5xf32, #tpu.memory_space<smem>>
      %mul3A_903 = vector.broadcast %get3A_902 : f32 to vector<16x8192xf32>
      %mul3A_904 = arith.mulf %mul3A_903, %max3A_893 : vector<16x8192xf32>
      %add3A_905 = arith.addf %add3A_839, %mul3A_904 : vector<16x8192xf32>
      %get3A_906 = arith.constant 11 : index
      %get3A_907 = arith.constant 2 : index
      %get3A_908 = memref.load %arg4[%get3A_906, %get3A_907] : memref<16x5xf32, #tpu.memory_space<smem>>
      %mul3A_909 = vector.broadcast %get3A_908 : f32 to vector<16x8192xf32>
      %mul3A_910 = arith.mulf %mul3A_909, %max3A_893 : vector<16x8192xf32>
      %add3A_911 = arith.addf %add3A_845, %mul3A_910 : vector<16x8192xf32>
      %get3A_912 = arith.constant 11 : index
      %get3A_913 = arith.constant 3 : index
      %get3A_914 = memref.load %arg4[%get3A_912, %get3A_913] : memref<16x5xf32, #tpu.memory_space<smem>>
      %mul3A_915 = vector.broadcast %get3A_914 : f32 to vector<16x8192xf32>
      %mul3A_916 = arith.mulf %mul3A_915, %max3A_893 : vector<16x8192xf32>
      %add3A_917 = arith.addf %add3A_851, %mul3A_916 : vector<16x8192xf32>
      %get3A_918 = arith.constant 11 : index
      %get3A_919 = arith.constant 4 : index
      %get3A_920 = memref.load %arg4[%get3A_918, %get3A_919] : memref<16x5xf32, #tpu.memory_space<smem>>
      %mul3A_921 = vector.broadcast %get3A_920 : f32 to vector<16x8192xf32>
      %mul3A_922 = arith.mulf %mul3A_921, %max3A_893 : vector<16x8192xf32>
      %add3A_923 = arith.addf %add3A_857, %mul3A_922 : vector<16x8192xf32>
      %get3A_924 = arith.constant 12 : index
      %get3A_925 = memref.load %arg3[%get3A_924] : memref<16xf32, #tpu.memory_space<smem>>
      %get3A_926 = arith.constant 12 : index
      %get3A_927 = arith.constant 0 : index
      %get3A_928 = memref.load %arg2[%get3A_926, %get3A_927] : memref<16x5xf32, #tpu.memory_space<smem>>
      %mul3A_929 = vector.broadcast %get3A_928 : f32 to vector<16x8192xf32>
      %mul3A_930 = arith.mulf %mul3A_929, %pad3A_123 : vector<16x8192xf32>
      %add3A_931 = vector.broadcast %get3A_925 : f32 to vector<16x8192xf32>
      %add3A_932 = arith.addf %add3A_931, %mul3A_930 : vector<16x8192xf32>
      %get3A_933 = arith.constant 12 : index
      %get3A_934 = arith.constant 1 : index
      %get3A_935 = memref.load %arg2[%get3A_933, %get3A_934] : memref<16x5xf32, #tpu.memory_space<smem>>
      %mul3A_936 = vector.broadcast %get3A_935 : f32 to vector<16x8192xf32>
      %mul3A_937 = arith.mulf %mul3A_936, %pad3A_128 : vector<16x8192xf32>
      %add3A_938 = arith.addf %add3A_932, %mul3A_937 : vector<16x8192xf32>
      %get3A_939 = arith.constant 12 : index
      %get3A_940 = arith.constant 2 : index
      %get3A_941 = memref.load %arg2[%get3A_939, %get3A_940] : memref<16x5xf32, #tpu.memory_space<smem>>
      %mul3A_942 = vector.broadcast %get3A_941 : f32 to vector<16x8192xf32>
      %mul3A_943 = arith.mulf %mul3A_942, %sub3A_29 : vector<16x8192xf32>
      %add3A_944 = arith.addf %add3A_938, %mul3A_943 : vector<16x8192xf32>
      %get3A_945 = arith.constant 12 : index
      %get3A_946 = arith.constant 3 : index
      %get3A_947 = memref.load %arg2[%get3A_945, %get3A_946] : memref<16x5xf32, #tpu.memory_space<smem>>
      %mul3A_948 = vector.broadcast %get3A_947 : f32 to vector<16x8192xf32>
      %mul3A_949 = arith.mulf %mul3A_948, %pad3A_133 : vector<16x8192xf32>
      %add3A_950 = arith.addf %add3A_944, %mul3A_949 : vector<16x8192xf32>
      %get3A_951 = arith.constant 12 : index
      %get3A_952 = arith.constant 4 : index
      %get3A_953 = memref.load %arg2[%get3A_951, %get3A_952] : memref<16x5xf32, #tpu.memory_space<smem>>
      %mul3A_954 = vector.broadcast %get3A_953 : f32 to vector<16x8192xf32>
      %mul3A_955 = arith.mulf %mul3A_954, %pad3A_138 : vector<16x8192xf32>
      %add3A_956 = arith.addf %add3A_950, %mul3A_955 : vector<16x8192xf32>
      %max3A_957 = arith.constant 0.000000e+00 : f32
      %max3A_958 = vector.broadcast %max3A_957 : f32 to vector<16x8192xf32>
      %max3A_959 = arith.maximumf %add3A_956, %max3A_958 : vector<16x8192xf32>
      %get3A_960 = arith.constant 12 : index
      %get3A_961 = arith.constant 0 : index
      %get3A_962 = memref.load %arg4[%get3A_960, %get3A_961] : memref<16x5xf32, #tpu.memory_space<smem>>
      %mul3A_963 = vector.broadcast %get3A_962 : f32 to vector<16x8192xf32>
      %mul3A_964 = arith.mulf %mul3A_963, %max3A_959 : vector<16x8192xf32>
      %add3A_965 = arith.addf %add3A_899, %mul3A_964 : vector<16x8192xf32>
      %get3A_966 = arith.constant 12 : index
      %get3A_967 = arith.constant 1 : index
      %get3A_968 = memref.load %arg4[%get3A_966, %get3A_967] : memref<16x5xf32, #tpu.memory_space<smem>>
      %mul3A_969 = vector.broadcast %get3A_968 : f32 to vector<16x8192xf32>
      %mul3A_970 = arith.mulf %mul3A_969, %max3A_959 : vector<16x8192xf32>
      %add3A_971 = arith.addf %add3A_905, %mul3A_970 : vector<16x8192xf32>
      %get3A_972 = arith.constant 12 : index
      %get3A_973 = arith.constant 2 : index
      %get3A_974 = memref.load %arg4[%get3A_972, %get3A_973] : memref<16x5xf32, #tpu.memory_space<smem>>
      %mul3A_975 = vector.broadcast %get3A_974 : f32 to vector<16x8192xf32>
      %mul3A_976 = arith.mulf %mul3A_975, %max3A_959 : vector<16x8192xf32>
      %add3A_977 = arith.addf %add3A_911, %mul3A_976 : vector<16x8192xf32>
      %get3A_978 = arith.constant 12 : index
      %get3A_979 = arith.constant 3 : index
      %get3A_980 = memref.load %arg4[%get3A_978, %get3A_979] : memref<16x5xf32, #tpu.memory_space<smem>>
      %mul3A_981 = vector.broadcast %get3A_980 : f32 to vector<16x8192xf32>
      %mul3A_982 = arith.mulf %mul3A_981, %max3A_959 : vector<16x8192xf32>
      %add3A_983 = arith.addf %add3A_917, %mul3A_982 : vector<16x8192xf32>
      %get3A_984 = arith.constant 12 : index
      %get3A_985 = arith.constant 4 : index
      %get3A_986 = memref.load %arg4[%get3A_984, %get3A_985] : memref<16x5xf32, #tpu.memory_space<smem>>
      %mul3A_987 = vector.broadcast %get3A_986 : f32 to vector<16x8192xf32>
      %mul3A_988 = arith.mulf %mul3A_987, %max3A_959 : vector<16x8192xf32>
      %add3A_989 = arith.addf %add3A_923, %mul3A_988 : vector<16x8192xf32>
      %get3A_990 = arith.constant 13 : index
      %get3A_991 = memref.load %arg3[%get3A_990] : memref<16xf32, #tpu.memory_space<smem>>
      %get3A_992 = arith.constant 13 : index
      %get3A_993 = arith.constant 0 : index
      %get3A_994 = memref.load %arg2[%get3A_992, %get3A_993] : memref<16x5xf32, #tpu.memory_space<smem>>
      %mul3A_995 = vector.broadcast %get3A_994 : f32 to vector<16x8192xf32>
      %mul3A_996 = arith.mulf %mul3A_995, %pad3A_123 : vector<16x8192xf32>
      %add3A_997 = vector.broadcast %get3A_991 : f32 to vector<16x8192xf32>
      %add3A_998 = arith.addf %add3A_997, %mul3A_996 : vector<16x8192xf32>
      %get3A_999 = arith.constant 13 : index
      %get3A_1000 = arith.constant 1 : index
      %get3A_1001 = memref.load %arg2[%get3A_999, %get3A_1000] : memref<16x5xf32, #tpu.memory_space<smem>>
      %mul3A_1002 = vector.broadcast %get3A_1001 : f32 to vector<16x8192xf32>
      %mul3A_1003 = arith.mulf %mul3A_1002, %pad3A_128 : vector<16x8192xf32>
      %add3A_1004 = arith.addf %add3A_998, %mul3A_1003 : vector<16x8192xf32>
      %get3A_1005 = arith.constant 13 : index
      %get3A_1006 = arith.constant 2 : index
      %get3A_1007 = memref.load %arg2[%get3A_1005, %get3A_1006] : memref<16x5xf32, #tpu.memory_space<smem>>
      %mul3A_1008 = vector.broadcast %get3A_1007 : f32 to vector<16x8192xf32>
      %mul3A_1009 = arith.mulf %mul3A_1008, %sub3A_29 : vector<16x8192xf32>
      %add3A_1010 = arith.addf %add3A_1004, %mul3A_1009 : vector<16x8192xf32>
      %get3A_1011 = arith.constant 13 : index
      %get3A_1012 = arith.constant 3 : index
      %get3A_1013 = memref.load %arg2[%get3A_1011, %get3A_1012] : memref<16x5xf32, #tpu.memory_space<smem>>
      %mul3A_1014 = vector.broadcast %get3A_1013 : f32 to vector<16x8192xf32>
      %mul3A_1015 = arith.mulf %mul3A_1014, %pad3A_133 : vector<16x8192xf32>
      %add3A_1016 = arith.addf %add3A_1010, %mul3A_1015 : vector<16x8192xf32>
      %get3A_1017 = arith.constant 13 : index
      %get3A_1018 = arith.constant 4 : index
      %get3A_1019 = memref.load %arg2[%get3A_1017, %get3A_1018] : memref<16x5xf32, #tpu.memory_space<smem>>
      %mul3A_1020 = vector.broadcast %get3A_1019 : f32 to vector<16x8192xf32>
      %mul3A_1021 = arith.mulf %mul3A_1020, %pad3A_138 : vector<16x8192xf32>
      %add3A_1022 = arith.addf %add3A_1016, %mul3A_1021 : vector<16x8192xf32>
      %max3A_1023 = arith.constant 0.000000e+00 : f32
      %max3A_1024 = vector.broadcast %max3A_1023 : f32 to vector<16x8192xf32>
      %max3A_1025 = arith.maximumf %add3A_1022, %max3A_1024 : vector<16x8192xf32>
      %get3A_1026 = arith.constant 13 : index
      %get3A_1027 = arith.constant 0 : index
      %get3A_1028 = memref.load %arg4[%get3A_1026, %get3A_1027] : memref<16x5xf32, #tpu.memory_space<smem>>
      %mul3A_1029 = vector.broadcast %get3A_1028 : f32 to vector<16x8192xf32>
      %mul3A_1030 = arith.mulf %mul3A_1029, %max3A_1025 : vector<16x8192xf32>
      %add3A_1031 = arith.addf %add3A_965, %mul3A_1030 : vector<16x8192xf32>
      %get3A_1032 = arith.constant 13 : index
      %get3A_1033 = arith.constant 1 : index
      %get3A_1034 = memref.load %arg4[%get3A_1032, %get3A_1033] : memref<16x5xf32, #tpu.memory_space<smem>>
      %mul3A_1035 = vector.broadcast %get3A_1034 : f32 to vector<16x8192xf32>
      %mul3A_1036 = arith.mulf %mul3A_1035, %max3A_1025 : vector<16x8192xf32>
      %add3A_1037 = arith.addf %add3A_971, %mul3A_1036 : vector<16x8192xf32>
      %get3A_1038 = arith.constant 13 : index
      %get3A_1039 = arith.constant 2 : index
      %get3A_1040 = memref.load %arg4[%get3A_1038, %get3A_1039] : memref<16x5xf32, #tpu.memory_space<smem>>
      %mul3A_1041 = vector.broadcast %get3A_1040 : f32 to vector<16x8192xf32>
      %mul3A_1042 = arith.mulf %mul3A_1041, %max3A_1025 : vector<16x8192xf32>
      %add3A_1043 = arith.addf %add3A_977, %mul3A_1042 : vector<16x8192xf32>
      %get3A_1044 = arith.constant 13 : index
      %get3A_1045 = arith.constant 3 : index
      %get3A_1046 = memref.load %arg4[%get3A_1044, %get3A_1045] : memref<16x5xf32, #tpu.memory_space<smem>>
      %mul3A_1047 = vector.broadcast %get3A_1046 : f32 to vector<16x8192xf32>
      %mul3A_1048 = arith.mulf %mul3A_1047, %max3A_1025 : vector<16x8192xf32>
      %add3A_1049 = arith.addf %add3A_983, %mul3A_1048 : vector<16x8192xf32>
      %get3A_1050 = arith.constant 13 : index
      %get3A_1051 = arith.constant 4 : index
      %get3A_1052 = memref.load %arg4[%get3A_1050, %get3A_1051] : memref<16x5xf32, #tpu.memory_space<smem>>
      %mul3A_1053 = vector.broadcast %get3A_1052 : f32 to vector<16x8192xf32>
      %mul3A_1054 = arith.mulf %mul3A_1053, %max3A_1025 : vector<16x8192xf32>
      %add3A_1055 = arith.addf %add3A_989, %mul3A_1054 : vector<16x8192xf32>
      %get3A_1056 = arith.constant 14 : index
      %get3A_1057 = memref.load %arg3[%get3A_1056] : memref<16xf32, #tpu.memory_space<smem>>
      %get3A_1058 = arith.constant 14 : index
      %get3A_1059 = arith.constant 0 : index
      %get3A_1060 = memref.load %arg2[%get3A_1058, %get3A_1059] : memref<16x5xf32, #tpu.memory_space<smem>>
      %mul3A_1061 = vector.broadcast %get3A_1060 : f32 to vector<16x8192xf32>
      %mul3A_1062 = arith.mulf %mul3A_1061, %pad3A_123 : vector<16x8192xf32>
      %add3A_1063 = vector.broadcast %get3A_1057 : f32 to vector<16x8192xf32>
      %add3A_1064 = arith.addf %add3A_1063, %mul3A_1062 : vector<16x8192xf32>
      %get3A_1065 = arith.constant 14 : index
      %get3A_1066 = arith.constant 1 : index
      %get3A_1067 = memref.load %arg2[%get3A_1065, %get3A_1066] : memref<16x5xf32, #tpu.memory_space<smem>>
      %mul3A_1068 = vector.broadcast %get3A_1067 : f32 to vector<16x8192xf32>
      %mul3A_1069 = arith.mulf %mul3A_1068, %pad3A_128 : vector<16x8192xf32>
      %add3A_1070 = arith.addf %add3A_1064, %mul3A_1069 : vector<16x8192xf32>
      %get3A_1071 = arith.constant 14 : index
      %get3A_1072 = arith.constant 2 : index
      %get3A_1073 = memref.load %arg2[%get3A_1071, %get3A_1072] : memref<16x5xf32, #tpu.memory_space<smem>>
      %mul3A_1074 = vector.broadcast %get3A_1073 : f32 to vector<16x8192xf32>
      %mul3A_1075 = arith.mulf %mul3A_1074, %sub3A_29 : vector<16x8192xf32>
      %add3A_1076 = arith.addf %add3A_1070, %mul3A_1075 : vector<16x8192xf32>
      %get3A_1077 = arith.constant 14 : index
      %get3A_1078 = arith.constant 3 : index
      %get3A_1079 = memref.load %arg2[%get3A_1077, %get3A_1078] : memref<16x5xf32, #tpu.memory_space<smem>>
      %mul3A_1080 = vector.broadcast %get3A_1079 : f32 to vector<16x8192xf32>
      %mul3A_1081 = arith.mulf %mul3A_1080, %pad3A_133 : vector<16x8192xf32>
      %add3A_1082 = arith.addf %add3A_1076, %mul3A_1081 : vector<16x8192xf32>
      %get3A_1083 = arith.constant 14 : index
      %get3A_1084 = arith.constant 4 : index
      %get3A_1085 = memref.load %arg2[%get3A_1083, %get3A_1084] : memref<16x5xf32, #tpu.memory_space<smem>>
      %mul3A_1086 = vector.broadcast %get3A_1085 : f32 to vector<16x8192xf32>
      %mul3A_1087 = arith.mulf %mul3A_1086, %pad3A_138 : vector<16x8192xf32>
      %add3A_1088 = arith.addf %add3A_1082, %mul3A_1087 : vector<16x8192xf32>
      %max3A_1089 = arith.constant 0.000000e+00 : f32
      %max3A_1090 = vector.broadcast %max3A_1089 : f32 to vector<16x8192xf32>
      %max3A_1091 = arith.maximumf %add3A_1088, %max3A_1090 : vector<16x8192xf32>
      %get3A_1092 = arith.constant 14 : index
      %get3A_1093 = arith.constant 0 : index
      %get3A_1094 = memref.load %arg4[%get3A_1092, %get3A_1093] : memref<16x5xf32, #tpu.memory_space<smem>>
      %mul3A_1095 = vector.broadcast %get3A_1094 : f32 to vector<16x8192xf32>
      %mul3A_1096 = arith.mulf %mul3A_1095, %max3A_1091 : vector<16x8192xf32>
      %add3A_1097 = arith.addf %add3A_1031, %mul3A_1096 : vector<16x8192xf32>
      %get3A_1098 = arith.constant 14 : index
      %get3A_1099 = arith.constant 1 : index
      %get3A_1100 = memref.load %arg4[%get3A_1098, %get3A_1099] : memref<16x5xf32, #tpu.memory_space<smem>>
      %mul3A_1101 = vector.broadcast %get3A_1100 : f32 to vector<16x8192xf32>
      %mul3A_1102 = arith.mulf %mul3A_1101, %max3A_1091 : vector<16x8192xf32>
      %add3A_1103 = arith.addf %add3A_1037, %mul3A_1102 : vector<16x8192xf32>
      %get3A_1104 = arith.constant 14 : index
      %get3A_1105 = arith.constant 2 : index
      %get3A_1106 = memref.load %arg4[%get3A_1104, %get3A_1105] : memref<16x5xf32, #tpu.memory_space<smem>>
      %mul3A_1107 = vector.broadcast %get3A_1106 : f32 to vector<16x8192xf32>
      %mul3A_1108 = arith.mulf %mul3A_1107, %max3A_1091 : vector<16x8192xf32>
      %add3A_1109 = arith.addf %add3A_1043, %mul3A_1108 : vector<16x8192xf32>
      %get3A_1110 = arith.constant 14 : index
      %get3A_1111 = arith.constant 3 : index
      %get3A_1112 = memref.load %arg4[%get3A_1110, %get3A_1111] : memref<16x5xf32, #tpu.memory_space<smem>>
      %mul3A_1113 = vector.broadcast %get3A_1112 : f32 to vector<16x8192xf32>
      %mul3A_1114 = arith.mulf %mul3A_1113, %max3A_1091 : vector<16x8192xf32>
      %add3A_1115 = arith.addf %add3A_1049, %mul3A_1114 : vector<16x8192xf32>
      %get3A_1116 = arith.constant 14 : index
      %get3A_1117 = arith.constant 4 : index
      %get3A_1118 = memref.load %arg4[%get3A_1116, %get3A_1117] : memref<16x5xf32, #tpu.memory_space<smem>>
      %mul3A_1119 = vector.broadcast %get3A_1118 : f32 to vector<16x8192xf32>
      %mul3A_1120 = arith.mulf %mul3A_1119, %max3A_1091 : vector<16x8192xf32>
      %add3A_1121 = arith.addf %add3A_1055, %mul3A_1120 : vector<16x8192xf32>
      %get3A_1122 = arith.constant 15 : index
      %get3A_1123 = memref.load %arg3[%get3A_1122] : memref<16xf32, #tpu.memory_space<smem>>
      %get3A_1124 = arith.constant 15 : index
      %get3A_1125 = arith.constant 0 : index
      %get3A_1126 = memref.load %arg2[%get3A_1124, %get3A_1125] : memref<16x5xf32, #tpu.memory_space<smem>>
      %mul3A_1127 = vector.broadcast %get3A_1126 : f32 to vector<16x8192xf32>
      %mul3A_1128 = arith.mulf %mul3A_1127, %pad3A_123 : vector<16x8192xf32>
      %add3A_1129 = vector.broadcast %get3A_1123 : f32 to vector<16x8192xf32>
      %add3A_1130 = arith.addf %add3A_1129, %mul3A_1128 : vector<16x8192xf32>
      %get3A_1131 = arith.constant 15 : index
      %get3A_1132 = arith.constant 1 : index
      %get3A_1133 = memref.load %arg2[%get3A_1131, %get3A_1132] : memref<16x5xf32, #tpu.memory_space<smem>>
      %mul3A_1134 = vector.broadcast %get3A_1133 : f32 to vector<16x8192xf32>
      %mul3A_1135 = arith.mulf %mul3A_1134, %pad3A_128 : vector<16x8192xf32>
      %add3A_1136 = arith.addf %add3A_1130, %mul3A_1135 : vector<16x8192xf32>
      %get3A_1137 = arith.constant 15 : index
      %get3A_1138 = arith.constant 2 : index
      %get3A_1139 = memref.load %arg2[%get3A_1137, %get3A_1138] : memref<16x5xf32, #tpu.memory_space<smem>>
      %mul3A_1140 = vector.broadcast %get3A_1139 : f32 to vector<16x8192xf32>
      %mul3A_1141 = arith.mulf %mul3A_1140, %sub3A_29 : vector<16x8192xf32>
      %add3A_1142 = arith.addf %add3A_1136, %mul3A_1141 : vector<16x8192xf32>
      %get3A_1143 = arith.constant 15 : index
      %get3A_1144 = arith.constant 3 : index
      %get3A_1145 = memref.load %arg2[%get3A_1143, %get3A_1144] : memref<16x5xf32, #tpu.memory_space<smem>>
      %mul3A_1146 = vector.broadcast %get3A_1145 : f32 to vector<16x8192xf32>
      %mul3A_1147 = arith.mulf %mul3A_1146, %pad3A_133 : vector<16x8192xf32>
      %add3A_1148 = arith.addf %add3A_1142, %mul3A_1147 : vector<16x8192xf32>
      %get3A_1149 = arith.constant 15 : index
      %get3A_1150 = arith.constant 4 : index
      %get3A_1151 = memref.load %arg2[%get3A_1149, %get3A_1150] : memref<16x5xf32, #tpu.memory_space<smem>>
      %mul3A_1152 = vector.broadcast %get3A_1151 : f32 to vector<16x8192xf32>
      %mul3A_1153 = arith.mulf %mul3A_1152, %pad3A_138 : vector<16x8192xf32>
      %add3A_1154 = arith.addf %add3A_1148, %mul3A_1153 : vector<16x8192xf32>
      %max3A_1155 = arith.constant 0.000000e+00 : f32
      %max3A_1156 = vector.broadcast %max3A_1155 : f32 to vector<16x8192xf32>
      %max3A_1157 = arith.maximumf %add3A_1154, %max3A_1156 : vector<16x8192xf32>
      %get3A_1158 = arith.constant 15 : index
      %get3A_1159 = arith.constant 0 : index
      %get3A_1160 = memref.load %arg4[%get3A_1158, %get3A_1159] : memref<16x5xf32, #tpu.memory_space<smem>>
      %mul3A_1161 = vector.broadcast %get3A_1160 : f32 to vector<16x8192xf32>
      %mul3A_1162 = arith.mulf %mul3A_1161, %max3A_1157 : vector<16x8192xf32>
      %add3A_1163 = arith.addf %add3A_1097, %mul3A_1162 : vector<16x8192xf32>
      %get3A_1164 = arith.constant 15 : index
      %get3A_1165 = arith.constant 1 : index
      %get3A_1166 = memref.load %arg4[%get3A_1164, %get3A_1165] : memref<16x5xf32, #tpu.memory_space<smem>>
      %mul3A_1167 = vector.broadcast %get3A_1166 : f32 to vector<16x8192xf32>
      %mul3A_1168 = arith.mulf %mul3A_1167, %max3A_1157 : vector<16x8192xf32>
      %add3A_1169 = arith.addf %add3A_1103, %mul3A_1168 : vector<16x8192xf32>
      %get3A_1170 = arith.constant 15 : index
      %get3A_1171 = arith.constant 2 : index
      %get3A_1172 = memref.load %arg4[%get3A_1170, %get3A_1171] : memref<16x5xf32, #tpu.memory_space<smem>>
      %mul3A_1173 = vector.broadcast %get3A_1172 : f32 to vector<16x8192xf32>
      %mul3A_1174 = arith.mulf %mul3A_1173, %max3A_1157 : vector<16x8192xf32>
      %add3A_1175 = arith.addf %add3A_1109, %mul3A_1174 : vector<16x8192xf32>
      %get3A_1176 = arith.constant 15 : index
      %get3A_1177 = arith.constant 3 : index
      %get3A_1178 = memref.load %arg4[%get3A_1176, %get3A_1177] : memref<16x5xf32, #tpu.memory_space<smem>>
      %mul3A_1179 = vector.broadcast %get3A_1178 : f32 to vector<16x8192xf32>
      %mul3A_1180 = arith.mulf %mul3A_1179, %max3A_1157 : vector<16x8192xf32>
      %add3A_1181 = arith.addf %add3A_1115, %mul3A_1180 : vector<16x8192xf32>
      %get3A_1182 = arith.constant 15 : index
      %get3A_1183 = arith.constant 4 : index
      %get3A_1184 = memref.load %arg4[%get3A_1182, %get3A_1183] : memref<16x5xf32, #tpu.memory_space<smem>>
      %mul3A_1185 = vector.broadcast %get3A_1184 : f32 to vector<16x8192xf32>
      %mul3A_1186 = arith.mulf %mul3A_1185, %max3A_1157 : vector<16x8192xf32>
      %add3A_1187 = arith.addf %add3A_1121, %mul3A_1186 : vector<16x8192xf32>
      %get3A_1188 = arith.constant 0 : index
      %get3A_1189 = memref.load %arg5[%get3A_1188] : memref<1xf32, #tpu.memory_space<smem>>
      %slice3A_1190 = vector.extract_strided_slice %add3A_1163 {offsets = [0, 0], sizes = [16, 8190], strides = [1, 1]} : vector<16x8192xf32> to vector<16x8190xf32>
      %jit3A_1191 = arith.constant 0 : i32
      %convert_element_type3A_1192 = arith.sitofp %jit3A_1191 : i32 to f32
      %pad3A_1193 = vector.broadcast %convert_element_type3A_1192 : f32 to vector<16x2xf32>
      %pad3A_1194 = tpu.concatenate %pad3A_1193, %slice3A_1190 in 1 : vector<16x2xf32>, vector<16x8190xf32> -> vector<16x8192xf32>
      %add3A_1195 = vector.broadcast %get3A_1189 : f32 to vector<16x8192xf32>
      %add3A_1196 = arith.addf %add3A_1195, %pad3A_1194 : vector<16x8192xf32>
      %slice3A_1197 = vector.extract_strided_slice %add3A_1169 {offsets = [0, 0], sizes = [16, 8191], strides = [1, 1]} : vector<16x8192xf32> to vector<16x8191xf32>
      %jit3A_1198 = arith.constant 0 : i32
      %convert_element_type3A_1199 = arith.sitofp %jit3A_1198 : i32 to f32
      %pad3A_1200 = vector.broadcast %convert_element_type3A_1199 : f32 to vector<16x1xf32>
      %pad3A_1201 = tpu.concatenate %pad3A_1200, %slice3A_1197 in 1 : vector<16x1xf32>, vector<16x8191xf32> -> vector<16x8192xf32>
      %add3A_1202 = arith.addf %add3A_1196, %pad3A_1201 : vector<16x8192xf32>
      %add3A_1203 = arith.addf %add3A_1202, %add3A_1175 : vector<16x8192xf32>
      %slice3A_1204 = vector.extract_strided_slice %add3A_1181 {offsets = [0, 1], sizes = [16, 8191], strides = [1, 1]} : vector<16x8192xf32> to vector<16x8191xf32>
      %jit3A_1205 = arith.constant 0 : i32
      %convert_element_type3A_1206 = arith.sitofp %jit3A_1205 : i32 to f32
      %pad3A_1207 = vector.broadcast %convert_element_type3A_1206 : f32 to vector<16x1xf32>
      %pad3A_1208 = tpu.concatenate %slice3A_1204, %pad3A_1207 in 1 : vector<16x8191xf32>, vector<16x1xf32> -> vector<16x8192xf32>
      %add3A_1209 = arith.addf %add3A_1203, %pad3A_1208 : vector<16x8192xf32>
      %slice3A_1210 = vector.extract_strided_slice %add3A_1187 {offsets = [0, 2], sizes = [16, 8190], strides = [1, 1]} : vector<16x8192xf32> to vector<16x8190xf32>
      %jit3A_1211 = arith.constant 0 : i32
      %convert_element_type3A_1212 = arith.sitofp %jit3A_1211 : i32 to f32
      %pad3A_1213 = vector.broadcast %convert_element_type3A_1212 : f32 to vector<16x2xf32>
      %pad3A_1214 = tpu.concatenate %slice3A_1210, %pad3A_1213 in 1 : vector<16x8190xf32>, vector<16x2xf32> -> vector<16x8192xf32>
      %add3A_1215 = arith.addf %add3A_1209, %pad3A_1214 : vector<16x8192xf32>
      %add3A_1216 = arith.addf %cond3A_10, %add3A_1215 : vector<16x8192xf32>
      scf.yield %add3A_1216 : vector<16x8192xf32>
    } else {
      %mul3A_119 = arith.constant 7.452400e-09 : f32
      %mul3A_120 = vector.broadcast %mul3A_119 : f32 to vector<16x8192xf32>
      %mul3A_121 = arith.mulf %sub3A_29, %mul3A_120 : vector<16x8192xf32>
      %add3A = arith.addf %cond3A_10, %mul3A_121 : vector<16x8192xf32>
      scf.yield %add3A : vector<16x8192xf32>
    }
    %swap3A_41 = arith.constant 1 : index
    %swap3A_42 = arith.constant 0 : index
    %swap3A_43 = arith.constant 0 : index
    %swap3A_44 = vector.load %arg7[%swap3A_41, %swap3A_42, %swap3A_43] : memref<4x16x8192xf32, #tpu.memory_space<vmem>>, vector<1x16x8192xf32>
    %swap3A_45 = vector.shape_cast %swap3A_44 : vector<1x16x8192xf32> to vector<16x8192xf32>
    %swap3A_46 = vector.shape_cast %cond3A_40 : vector<16x8192xf32> to vector<1x16x8192xf32>
    tpu.vector_store %arg7[%swap3A_41, %swap3A_42, %swap3A_43], %swap3A_46 {strides = array<i32>} : memref<4x16x8192xf32, #tpu.memory_space<vmem>>, vector<1x16x8192xf32>,
    %mul3A_47 = arith.constant 2.000000e+00 : f32
    %mul3A_48 = vector.broadcast %mul3A_47 : f32 to vector<16x8192xf32>
    %mul3A_49 = arith.mulf %mul3A_48, %cond3A_40 : vector<16x8192xf32>
    %slice3A_50 = vector.extract_strided_slice %cond3A_40 {offsets = [0, 0], sizes = [16, 8191], strides = [1, 1]} : vector<16x8192xf32> to vector<16x8191xf32>
    %jit3A_51 = arith.constant 0 : i32
    %convert_element_type3A_52 = arith.sitofp %jit3A_51 : i32 to f32
    %pad3A_53 = vector.broadcast %convert_element_type3A_52 : f32 to vector<16x1xf32>
    %pad3A_54 = tpu.concatenate %pad3A_53, %slice3A_50 in 1 : vector<16x1xf32>, vector<16x8191xf32> -> vector<16x8192xf32>
    %sub3A_55 = arith.subf %mul3A_49, %pad3A_54 : vector<16x8192xf32>
    %slice3A_56 = vector.extract_strided_slice %cond3A_40 {offsets = [0, 1], sizes = [16, 8191], strides = [1, 1]} : vector<16x8192xf32> to vector<16x8191xf32>
    %jit3A_57 = arith.constant 0 : i32
    %convert_element_type3A_58 = arith.sitofp %jit3A_57 : i32 to f32
    %pad3A_59 = vector.broadcast %convert_element_type3A_58 : f32 to vector<16x1xf32>
    %pad3A_60 = tpu.concatenate %slice3A_56, %pad3A_59 in 1 : vector<16x8191xf32>, vector<16x1xf32> -> vector<16x8192xf32>
    %sub3A_61 = arith.subf %sub3A_55, %pad3A_60 : vector<16x8192xf32>
    %mul3A_62 = arith.constant 0x4C7FF000 : f32
    %mul3A_63 = vector.broadcast %mul3A_62 : f32 to vector<16x8192xf32>
    %mul3A_64 = arith.mulf %sub3A_61, %mul3A_63 : vector<16x8192xf32>
    %sub3A_65 = arith.subf %get3A_1, %mul3A_64 : vector<16x8192xf32>
    %get3A_66 = arith.constant 2 : index
    %get3A_67 = arith.constant 0 : index
    %get3A_68 = memref.load %arg1[%get3A_66, %get3A_67] : memref<4x2xf32, #tpu.memory_space<smem>>
    %get3A_69 = arith.constant 2 : index
    %get3A_70 = arith.constant 1 : index
    %get3A_71 = memref.load %arg1[%get3A_69, %get3A_70] : memref<4x2xf32, #tpu.memory_space<smem>>
    %gt3A_72 = arith.cmpf ogt, %get3A_71, %get3A_68 : f32
    %convert_element_type3A_73 = arith.extui %gt3A_72 : i1 to i32
    %cond3A_74 = arith.constant 0 : i32
    %cond3A_75 = arith.cmpi ne, %convert_element_type3A_73, %cond3A_74 : i32
    %cond3A_76 = scf.if %cond3A_75 -> (vector<16x8192xf32>) {
      %slice3A_119 = vector.extract_strided_slice %sub3A_65 {offsets = [0, 0], sizes = [16, 8190], strides = [1, 1]} : vector<16x8192xf32> to vector<16x8190xf32>
      %jit3A_120 = arith.constant 0 : i32
      %convert_element_type3A_121 = arith.sitofp %jit3A_120 : i32 to f32
      %pad3A_122 = vector.broadcast %convert_element_type3A_121 : f32 to vector<16x2xf32>
      %pad3A_123 = tpu.concatenate %pad3A_122, %slice3A_119 in 1 : vector<16x2xf32>, vector<16x8190xf32> -> vector<16x8192xf32>
      %slice3A_124 = vector.extract_strided_slice %sub3A_65 {offsets = [0, 0], sizes = [16, 8191], strides = [1, 1]} : vector<16x8192xf32> to vector<16x8191xf32>
      %jit3A_125 = arith.constant 0 : i32
      %convert_element_type3A_126 = arith.sitofp %jit3A_125 : i32 to f32
      %pad3A_127 = vector.broadcast %convert_element_type3A_126 : f32 to vector<16x1xf32>
      %pad3A_128 = tpu.concatenate %pad3A_127, %slice3A_124 in 1 : vector<16x1xf32>, vector<16x8191xf32> -> vector<16x8192xf32>
      %slice3A_129 = vector.extract_strided_slice %sub3A_65 {offsets = [0, 1], sizes = [16, 8191], strides = [1, 1]} : vector<16x8192xf32> to vector<16x8191xf32>
      %jit3A_130 = arith.constant 0 : i32
      %convert_element_type3A_131 = arith.sitofp %jit3A_130 : i32 to f32
      %pad3A_132 = vector.broadcast %convert_element_type3A_131 : f32 to vector<16x1xf32>
      %pad3A_133 = tpu.concatenate %slice3A_129, %pad3A_132 in 1 : vector<16x8191xf32>, vector<16x1xf32> -> vector<16x8192xf32>
      %slice3A_134 = vector.extract_strided_slice %sub3A_65 {offsets = [0, 2], sizes = [16, 8190], strides = [1, 1]} : vector<16x8192xf32> to vector<16x8190xf32>
      %jit3A_135 = arith.constant 0 : i32
      %convert_element_type3A_136 = arith.sitofp %jit3A_135 : i32 to f32
      %pad3A_137 = vector.broadcast %convert_element_type3A_136 : f32 to vector<16x2xf32>
      %pad3A_138 = tpu.concatenate %slice3A_134, %pad3A_137 in 1 : vector<16x8190xf32>, vector<16x2xf32> -> vector<16x8192xf32>
      %get3A_139 = arith.constant 0 : index
      %get3A_140 = memref.load %arg3[%get3A_139] : memref<16xf32, #tpu.memory_space<smem>>
      %get3A_141 = arith.constant 0 : index
      %get3A_142 = arith.constant 0 : index
      %get3A_143 = memref.load %arg2[%get3A_141, %get3A_142] : memref<16x5xf32, #tpu.memory_space<smem>>
      %mul3A_144 = vector.broadcast %get3A_143 : f32 to vector<16x8192xf32>
      %mul3A_145 = arith.mulf %mul3A_144, %pad3A_123 : vector<16x8192xf32>
      %add3A = vector.broadcast %get3A_140 : f32 to vector<16x8192xf32>
      %add3A_146 = arith.addf %add3A, %mul3A_145 : vector<16x8192xf32>
      %get3A_147 = arith.constant 0 : index
      %get3A_148 = arith.constant 1 : index
      %get3A_149 = memref.load %arg2[%get3A_147, %get3A_148] : memref<16x5xf32, #tpu.memory_space<smem>>
      %mul3A_150 = vector.broadcast %get3A_149 : f32 to vector<16x8192xf32>
      %mul3A_151 = arith.mulf %mul3A_150, %pad3A_128 : vector<16x8192xf32>
      %add3A_152 = arith.addf %add3A_146, %mul3A_151 : vector<16x8192xf32>
      %get3A_153 = arith.constant 0 : index
      %get3A_154 = arith.constant 2 : index
      %get3A_155 = memref.load %arg2[%get3A_153, %get3A_154] : memref<16x5xf32, #tpu.memory_space<smem>>
      %mul3A_156 = vector.broadcast %get3A_155 : f32 to vector<16x8192xf32>
      %mul3A_157 = arith.mulf %mul3A_156, %sub3A_65 : vector<16x8192xf32>
      %add3A_158 = arith.addf %add3A_152, %mul3A_157 : vector<16x8192xf32>
      %get3A_159 = arith.constant 0 : index
      %get3A_160 = arith.constant 3 : index
      %get3A_161 = memref.load %arg2[%get3A_159, %get3A_160] : memref<16x5xf32, #tpu.memory_space<smem>>
      %mul3A_162 = vector.broadcast %get3A_161 : f32 to vector<16x8192xf32>
      %mul3A_163 = arith.mulf %mul3A_162, %pad3A_133 : vector<16x8192xf32>
      %add3A_164 = arith.addf %add3A_158, %mul3A_163 : vector<16x8192xf32>
      %get3A_165 = arith.constant 0 : index
      %get3A_166 = arith.constant 4 : index
      %get3A_167 = memref.load %arg2[%get3A_165, %get3A_166] : memref<16x5xf32, #tpu.memory_space<smem>>
      %mul3A_168 = vector.broadcast %get3A_167 : f32 to vector<16x8192xf32>
      %mul3A_169 = arith.mulf %mul3A_168, %pad3A_138 : vector<16x8192xf32>
      %add3A_170 = arith.addf %add3A_164, %mul3A_169 : vector<16x8192xf32>
      %max3A = arith.constant 0.000000e+00 : f32
      %max3A_171 = vector.broadcast %max3A : f32 to vector<16x8192xf32>
      %max3A_172 = arith.maximumf %add3A_170, %max3A_171 : vector<16x8192xf32>
      %get3A_173 = arith.constant 0 : index
      %get3A_174 = arith.constant 0 : index
      %get3A_175 = memref.load %arg4[%get3A_173, %get3A_174] : memref<16x5xf32, #tpu.memory_space<smem>>
      %mul3A_176 = vector.broadcast %get3A_175 : f32 to vector<16x8192xf32>
      %mul3A_177 = arith.mulf %mul3A_176, %max3A_172 : vector<16x8192xf32>
      %get3A_178 = arith.constant 0 : index
      %get3A_179 = arith.constant 1 : index
      %get3A_180 = memref.load %arg4[%get3A_178, %get3A_179] : memref<16x5xf32, #tpu.memory_space<smem>>
      %mul3A_181 = vector.broadcast %get3A_180 : f32 to vector<16x8192xf32>
      %mul3A_182 = arith.mulf %mul3A_181, %max3A_172 : vector<16x8192xf32>
      %get3A_183 = arith.constant 0 : index
      %get3A_184 = arith.constant 2 : index
      %get3A_185 = memref.load %arg4[%get3A_183, %get3A_184] : memref<16x5xf32, #tpu.memory_space<smem>>
      %mul3A_186 = vector.broadcast %get3A_185 : f32 to vector<16x8192xf32>
      %mul3A_187 = arith.mulf %mul3A_186, %max3A_172 : vector<16x8192xf32>
      %get3A_188 = arith.constant 0 : index
      %get3A_189 = arith.constant 3 : index
      %get3A_190 = memref.load %arg4[%get3A_188, %get3A_189] : memref<16x5xf32, #tpu.memory_space<smem>>
      %mul3A_191 = vector.broadcast %get3A_190 : f32 to vector<16x8192xf32>
      %mul3A_192 = arith.mulf %mul3A_191, %max3A_172 : vector<16x8192xf32>
      %get3A_193 = arith.constant 0 : index
      %get3A_194 = arith.constant 4 : index
      %get3A_195 = memref.load %arg4[%get3A_193, %get3A_194] : memref<16x5xf32, #tpu.memory_space<smem>>
      %mul3A_196 = vector.broadcast %get3A_195 : f32 to vector<16x8192xf32>
      %mul3A_197 = arith.mulf %mul3A_196, %max3A_172 : vector<16x8192xf32>
      %get3A_198 = arith.constant 1 : index
      %get3A_199 = memref.load %arg3[%get3A_198] : memref<16xf32, #tpu.memory_space<smem>>
      %get3A_200 = arith.constant 1 : index
      %get3A_201 = arith.constant 0 : index
      %get3A_202 = memref.load %arg2[%get3A_200, %get3A_201] : memref<16x5xf32, #tpu.memory_space<smem>>
      %mul3A_203 = vector.broadcast %get3A_202 : f32 to vector<16x8192xf32>
      %mul3A_204 = arith.mulf %mul3A_203, %pad3A_123 : vector<16x8192xf32>
      %add3A_205 = vector.broadcast %get3A_199 : f32 to vector<16x8192xf32>
      %add3A_206 = arith.addf %add3A_205, %mul3A_204 : vector<16x8192xf32>
      %get3A_207 = arith.constant 1 : index
      %get3A_208 = arith.constant 1 : index
      %get3A_209 = memref.load %arg2[%get3A_207, %get3A_208] : memref<16x5xf32, #tpu.memory_space<smem>>
      %mul3A_210 = vector.broadcast %get3A_209 : f32 to vector<16x8192xf32>
      %mul3A_211 = arith.mulf %mul3A_210, %pad3A_128 : vector<16x8192xf32>
      %add3A_212 = arith.addf %add3A_206, %mul3A_211 : vector<16x8192xf32>
      %get3A_213 = arith.constant 1 : index
      %get3A_214 = arith.constant 2 : index
      %get3A_215 = memref.load %arg2[%get3A_213, %get3A_214] : memref<16x5xf32, #tpu.memory_space<smem>>
      %mul3A_216 = vector.broadcast %get3A_215 : f32 to vector<16x8192xf32>
      %mul3A_217 = arith.mulf %mul3A_216, %sub3A_65 : vector<16x8192xf32>
      %add3A_218 = arith.addf %add3A_212, %mul3A_217 : vector<16x8192xf32>
      %get3A_219 = arith.constant 1 : index
      %get3A_220 = arith.constant 3 : index
      %get3A_221 = memref.load %arg2[%get3A_219, %get3A_220] : memref<16x5xf32, #tpu.memory_space<smem>>
      %mul3A_222 = vector.broadcast %get3A_221 : f32 to vector<16x8192xf32>
      %mul3A_223 = arith.mulf %mul3A_222, %pad3A_133 : vector<16x8192xf32>
      %add3A_224 = arith.addf %add3A_218, %mul3A_223 : vector<16x8192xf32>
      %get3A_225 = arith.constant 1 : index
      %get3A_226 = arith.constant 4 : index
      %get3A_227 = memref.load %arg2[%get3A_225, %get3A_226] : memref<16x5xf32, #tpu.memory_space<smem>>
      %mul3A_228 = vector.broadcast %get3A_227 : f32 to vector<16x8192xf32>
      %mul3A_229 = arith.mulf %mul3A_228, %pad3A_138 : vector<16x8192xf32>
      %add3A_230 = arith.addf %add3A_224, %mul3A_229 : vector<16x8192xf32>
      %max3A_231 = arith.constant 0.000000e+00 : f32
      %max3A_232 = vector.broadcast %max3A_231 : f32 to vector<16x8192xf32>
      %max3A_233 = arith.maximumf %add3A_230, %max3A_232 : vector<16x8192xf32>
      %get3A_234 = arith.constant 1 : index
      %get3A_235 = arith.constant 0 : index
      %get3A_236 = memref.load %arg4[%get3A_234, %get3A_235] : memref<16x5xf32, #tpu.memory_space<smem>>
      %mul3A_237 = vector.broadcast %get3A_236 : f32 to vector<16x8192xf32>
      %mul3A_238 = arith.mulf %mul3A_237, %max3A_233 : vector<16x8192xf32>
      %add3A_239 = arith.addf %mul3A_177, %mul3A_238 : vector<16x8192xf32>
      %get3A_240 = arith.constant 1 : index
      %get3A_241 = arith.constant 1 : index
      %get3A_242 = memref.load %arg4[%get3A_240, %get3A_241] : memref<16x5xf32, #tpu.memory_space<smem>>
      %mul3A_243 = vector.broadcast %get3A_242 : f32 to vector<16x8192xf32>
      %mul3A_244 = arith.mulf %mul3A_243, %max3A_233 : vector<16x8192xf32>
      %add3A_245 = arith.addf %mul3A_182, %mul3A_244 : vector<16x8192xf32>
      %get3A_246 = arith.constant 1 : index
      %get3A_247 = arith.constant 2 : index
      %get3A_248 = memref.load %arg4[%get3A_246, %get3A_247] : memref<16x5xf32, #tpu.memory_space<smem>>
      %mul3A_249 = vector.broadcast %get3A_248 : f32 to vector<16x8192xf32>
      %mul3A_250 = arith.mulf %mul3A_249, %max3A_233 : vector<16x8192xf32>
      %add3A_251 = arith.addf %mul3A_187, %mul3A_250 : vector<16x8192xf32>
      %get3A_252 = arith.constant 1 : index
      %get3A_253 = arith.constant 3 : index
      %get3A_254 = memref.load %arg4[%get3A_252, %get3A_253] : memref<16x5xf32, #tpu.memory_space<smem>>
      %mul3A_255 = vector.broadcast %get3A_254 : f32 to vector<16x8192xf32>
      %mul3A_256 = arith.mulf %mul3A_255, %max3A_233 : vector<16x8192xf32>
      %add3A_257 = arith.addf %mul3A_192, %mul3A_256 : vector<16x8192xf32>
      %get3A_258 = arith.constant 1 : index
      %get3A_259 = arith.constant 4 : index
      %get3A_260 = memref.load %arg4[%get3A_258, %get3A_259] : memref<16x5xf32, #tpu.memory_space<smem>>
      %mul3A_261 = vector.broadcast %get3A_260 : f32 to vector<16x8192xf32>
      %mul3A_262 = arith.mulf %mul3A_261, %max3A_233 : vector<16x8192xf32>
      %add3A_263 = arith.addf %mul3A_197, %mul3A_262 : vector<16x8192xf32>
      %get3A_264 = arith.constant 2 : index
      %get3A_265 = memref.load %arg3[%get3A_264] : memref<16xf32, #tpu.memory_space<smem>>
      %get3A_266 = arith.constant 2 : index
      %get3A_267 = arith.constant 0 : index
      %get3A_268 = memref.load %arg2[%get3A_266, %get3A_267] : memref<16x5xf32, #tpu.memory_space<smem>>
      %mul3A_269 = vector.broadcast %get3A_268 : f32 to vector<16x8192xf32>
      %mul3A_270 = arith.mulf %mul3A_269, %pad3A_123 : vector<16x8192xf32>
      %add3A_271 = vector.broadcast %get3A_265 : f32 to vector<16x8192xf32>
      %add3A_272 = arith.addf %add3A_271, %mul3A_270 : vector<16x8192xf32>
      %get3A_273 = arith.constant 2 : index
      %get3A_274 = arith.constant 1 : index
      %get3A_275 = memref.load %arg2[%get3A_273, %get3A_274] : memref<16x5xf32, #tpu.memory_space<smem>>
      %mul3A_276 = vector.broadcast %get3A_275 : f32 to vector<16x8192xf32>
      %mul3A_277 = arith.mulf %mul3A_276, %pad3A_128 : vector<16x8192xf32>
      %add3A_278 = arith.addf %add3A_272, %mul3A_277 : vector<16x8192xf32>
      %get3A_279 = arith.constant 2 : index
      %get3A_280 = arith.constant 2 : index
      %get3A_281 = memref.load %arg2[%get3A_279, %get3A_280] : memref<16x5xf32, #tpu.memory_space<smem>>
      %mul3A_282 = vector.broadcast %get3A_281 : f32 to vector<16x8192xf32>
      %mul3A_283 = arith.mulf %mul3A_282, %sub3A_65 : vector<16x8192xf32>
      %add3A_284 = arith.addf %add3A_278, %mul3A_283 : vector<16x8192xf32>
      %get3A_285 = arith.constant 2 : index
      %get3A_286 = arith.constant 3 : index
      %get3A_287 = memref.load %arg2[%get3A_285, %get3A_286] : memref<16x5xf32, #tpu.memory_space<smem>>
      %mul3A_288 = vector.broadcast %get3A_287 : f32 to vector<16x8192xf32>
      %mul3A_289 = arith.mulf %mul3A_288, %pad3A_133 : vector<16x8192xf32>
      %add3A_290 = arith.addf %add3A_284, %mul3A_289 : vector<16x8192xf32>
      %get3A_291 = arith.constant 2 : index
      %get3A_292 = arith.constant 4 : index
      %get3A_293 = memref.load %arg2[%get3A_291, %get3A_292] : memref<16x5xf32, #tpu.memory_space<smem>>
      %mul3A_294 = vector.broadcast %get3A_293 : f32 to vector<16x8192xf32>
      %mul3A_295 = arith.mulf %mul3A_294, %pad3A_138 : vector<16x8192xf32>
      %add3A_296 = arith.addf %add3A_290, %mul3A_295 : vector<16x8192xf32>
      %max3A_297 = arith.constant 0.000000e+00 : f32
      %max3A_298 = vector.broadcast %max3A_297 : f32 to vector<16x8192xf32>
      %max3A_299 = arith.maximumf %add3A_296, %max3A_298 : vector<16x8192xf32>
      %get3A_300 = arith.constant 2 : index
      %get3A_301 = arith.constant 0 : index
      %get3A_302 = memref.load %arg4[%get3A_300, %get3A_301] : memref<16x5xf32, #tpu.memory_space<smem>>
      %mul3A_303 = vector.broadcast %get3A_302 : f32 to vector<16x8192xf32>
      %mul3A_304 = arith.mulf %mul3A_303, %max3A_299 : vector<16x8192xf32>
      %add3A_305 = arith.addf %add3A_239, %mul3A_304 : vector<16x8192xf32>
      %get3A_306 = arith.constant 2 : index
      %get3A_307 = arith.constant 1 : index
      %get3A_308 = memref.load %arg4[%get3A_306, %get3A_307] : memref<16x5xf32, #tpu.memory_space<smem>>
      %mul3A_309 = vector.broadcast %get3A_308 : f32 to vector<16x8192xf32>
      %mul3A_310 = arith.mulf %mul3A_309, %max3A_299 : vector<16x8192xf32>
      %add3A_311 = arith.addf %add3A_245, %mul3A_310 : vector<16x8192xf32>
      %get3A_312 = arith.constant 2 : index
      %get3A_313 = arith.constant 2 : index
      %get3A_314 = memref.load %arg4[%get3A_312, %get3A_313] : memref<16x5xf32, #tpu.memory_space<smem>>
      %mul3A_315 = vector.broadcast %get3A_314 : f32 to vector<16x8192xf32>
      %mul3A_316 = arith.mulf %mul3A_315, %max3A_299 : vector<16x8192xf32>
      %add3A_317 = arith.addf %add3A_251, %mul3A_316 : vector<16x8192xf32>
      %get3A_318 = arith.constant 2 : index
      %get3A_319 = arith.constant 3 : index
      %get3A_320 = memref.load %arg4[%get3A_318, %get3A_319] : memref<16x5xf32, #tpu.memory_space<smem>>
      %mul3A_321 = vector.broadcast %get3A_320 : f32 to vector<16x8192xf32>
      %mul3A_322 = arith.mulf %mul3A_321, %max3A_299 : vector<16x8192xf32>
      %add3A_323 = arith.addf %add3A_257, %mul3A_322 : vector<16x8192xf32>
      %get3A_324 = arith.constant 2 : index
      %get3A_325 = arith.constant 4 : index
      %get3A_326 = memref.load %arg4[%get3A_324, %get3A_325] : memref<16x5xf32, #tpu.memory_space<smem>>
      %mul3A_327 = vector.broadcast %get3A_326 : f32 to vector<16x8192xf32>
      %mul3A_328 = arith.mulf %mul3A_327, %max3A_299 : vector<16x8192xf32>
      %add3A_329 = arith.addf %add3A_263, %mul3A_328 : vector<16x8192xf32>
      %get3A_330 = arith.constant 3 : index
      %get3A_331 = memref.load %arg3[%get3A_330] : memref<16xf32, #tpu.memory_space<smem>>
      %get3A_332 = arith.constant 3 : index
      %get3A_333 = arith.constant 0 : index
      %get3A_334 = memref.load %arg2[%get3A_332, %get3A_333] : memref<16x5xf32, #tpu.memory_space<smem>>
      %mul3A_335 = vector.broadcast %get3A_334 : f32 to vector<16x8192xf32>
      %mul3A_336 = arith.mulf %mul3A_335, %pad3A_123 : vector<16x8192xf32>
      %add3A_337 = vector.broadcast %get3A_331 : f32 to vector<16x8192xf32>
      %add3A_338 = arith.addf %add3A_337, %mul3A_336 : vector<16x8192xf32>
      %get3A_339 = arith.constant 3 : index
      %get3A_340 = arith.constant 1 : index
      %get3A_341 = memref.load %arg2[%get3A_339, %get3A_340] : memref<16x5xf32, #tpu.memory_space<smem>>
      %mul3A_342 = vector.broadcast %get3A_341 : f32 to vector<16x8192xf32>
      %mul3A_343 = arith.mulf %mul3A_342, %pad3A_128 : vector<16x8192xf32>
      %add3A_344 = arith.addf %add3A_338, %mul3A_343 : vector<16x8192xf32>
      %get3A_345 = arith.constant 3 : index
      %get3A_346 = arith.constant 2 : index
      %get3A_347 = memref.load %arg2[%get3A_345, %get3A_346] : memref<16x5xf32, #tpu.memory_space<smem>>
      %mul3A_348 = vector.broadcast %get3A_347 : f32 to vector<16x8192xf32>
      %mul3A_349 = arith.mulf %mul3A_348, %sub3A_65 : vector<16x8192xf32>
      %add3A_350 = arith.addf %add3A_344, %mul3A_349 : vector<16x8192xf32>
      %get3A_351 = arith.constant 3 : index
      %get3A_352 = arith.constant 3 : index
      %get3A_353 = memref.load %arg2[%get3A_351, %get3A_352] : memref<16x5xf32, #tpu.memory_space<smem>>
      %mul3A_354 = vector.broadcast %get3A_353 : f32 to vector<16x8192xf32>
      %mul3A_355 = arith.mulf %mul3A_354, %pad3A_133 : vector<16x8192xf32>
      %add3A_356 = arith.addf %add3A_350, %mul3A_355 : vector<16x8192xf32>
      %get3A_357 = arith.constant 3 : index
      %get3A_358 = arith.constant 4 : index
      %get3A_359 = memref.load %arg2[%get3A_357, %get3A_358] : memref<16x5xf32, #tpu.memory_space<smem>>
      %mul3A_360 = vector.broadcast %get3A_359 : f32 to vector<16x8192xf32>
      %mul3A_361 = arith.mulf %mul3A_360, %pad3A_138 : vector<16x8192xf32>
      %add3A_362 = arith.addf %add3A_356, %mul3A_361 : vector<16x8192xf32>
      %max3A_363 = arith.constant 0.000000e+00 : f32
      %max3A_364 = vector.broadcast %max3A_363 : f32 to vector<16x8192xf32>
      %max3A_365 = arith.maximumf %add3A_362, %max3A_364 : vector<16x8192xf32>
      %get3A_366 = arith.constant 3 : index
      %get3A_367 = arith.constant 0 : index
      %get3A_368 = memref.load %arg4[%get3A_366, %get3A_367] : memref<16x5xf32, #tpu.memory_space<smem>>
      %mul3A_369 = vector.broadcast %get3A_368 : f32 to vector<16x8192xf32>
      %mul3A_370 = arith.mulf %mul3A_369, %max3A_365 : vector<16x8192xf32>
      %add3A_371 = arith.addf %add3A_305, %mul3A_370 : vector<16x8192xf32>
      %get3A_372 = arith.constant 3 : index
      %get3A_373 = arith.constant 1 : index
      %get3A_374 = memref.load %arg4[%get3A_372, %get3A_373] : memref<16x5xf32, #tpu.memory_space<smem>>
      %mul3A_375 = vector.broadcast %get3A_374 : f32 to vector<16x8192xf32>
      %mul3A_376 = arith.mulf %mul3A_375, %max3A_365 : vector<16x8192xf32>
      %add3A_377 = arith.addf %add3A_311, %mul3A_376 : vector<16x8192xf32>
      %get3A_378 = arith.constant 3 : index
      %get3A_379 = arith.constant 2 : index
      %get3A_380 = memref.load %arg4[%get3A_378, %get3A_379] : memref<16x5xf32, #tpu.memory_space<smem>>
      %mul3A_381 = vector.broadcast %get3A_380 : f32 to vector<16x8192xf32>
      %mul3A_382 = arith.mulf %mul3A_381, %max3A_365 : vector<16x8192xf32>
      %add3A_383 = arith.addf %add3A_317, %mul3A_382 : vector<16x8192xf32>
      %get3A_384 = arith.constant 3 : index
      %get3A_385 = arith.constant 3 : index
      %get3A_386 = memref.load %arg4[%get3A_384, %get3A_385] : memref<16x5xf32, #tpu.memory_space<smem>>
      %mul3A_387 = vector.broadcast %get3A_386 : f32 to vector<16x8192xf32>
      %mul3A_388 = arith.mulf %mul3A_387, %max3A_365 : vector<16x8192xf32>
      %add3A_389 = arith.addf %add3A_323, %mul3A_388 : vector<16x8192xf32>
      %get3A_390 = arith.constant 3 : index
      %get3A_391 = arith.constant 4 : index
      %get3A_392 = memref.load %arg4[%get3A_390, %get3A_391] : memref<16x5xf32, #tpu.memory_space<smem>>
      %mul3A_393 = vector.broadcast %get3A_392 : f32 to vector<16x8192xf32>
      %mul3A_394 = arith.mulf %mul3A_393, %max3A_365 : vector<16x8192xf32>
      %add3A_395 = arith.addf %add3A_329, %mul3A_394 : vector<16x8192xf32>
      %get3A_396 = arith.constant 4 : index
      %get3A_397 = memref.load %arg3[%get3A_396] : memref<16xf32, #tpu.memory_space<smem>>
      %get3A_398 = arith.constant 4 : index
      %get3A_399 = arith.constant 0 : index
      %get3A_400 = memref.load %arg2[%get3A_398, %get3A_399] : memref<16x5xf32, #tpu.memory_space<smem>>
      %mul3A_401 = vector.broadcast %get3A_400 : f32 to vector<16x8192xf32>
      %mul3A_402 = arith.mulf %mul3A_401, %pad3A_123 : vector<16x8192xf32>
      %add3A_403 = vector.broadcast %get3A_397 : f32 to vector<16x8192xf32>
      %add3A_404 = arith.addf %add3A_403, %mul3A_402 : vector<16x8192xf32>
      %get3A_405 = arith.constant 4 : index
      %get3A_406 = arith.constant 1 : index
      %get3A_407 = memref.load %arg2[%get3A_405, %get3A_406] : memref<16x5xf32, #tpu.memory_space<smem>>
      %mul3A_408 = vector.broadcast %get3A_407 : f32 to vector<16x8192xf32>
      %mul3A_409 = arith.mulf %mul3A_408, %pad3A_128 : vector<16x8192xf32>
      %add3A_410 = arith.addf %add3A_404, %mul3A_409 : vector<16x8192xf32>
      %get3A_411 = arith.constant 4 : index
      %get3A_412 = arith.constant 2 : index
      %get3A_413 = memref.load %arg2[%get3A_411, %get3A_412] : memref<16x5xf32, #tpu.memory_space<smem>>
      %mul3A_414 = vector.broadcast %get3A_413 : f32 to vector<16x8192xf32>
      %mul3A_415 = arith.mulf %mul3A_414, %sub3A_65 : vector<16x8192xf32>
      %add3A_416 = arith.addf %add3A_410, %mul3A_415 : vector<16x8192xf32>
      %get3A_417 = arith.constant 4 : index
      %get3A_418 = arith.constant 3 : index
      %get3A_419 = memref.load %arg2[%get3A_417, %get3A_418] : memref<16x5xf32, #tpu.memory_space<smem>>
      %mul3A_420 = vector.broadcast %get3A_419 : f32 to vector<16x8192xf32>
      %mul3A_421 = arith.mulf %mul3A_420, %pad3A_133 : vector<16x8192xf32>
      %add3A_422 = arith.addf %add3A_416, %mul3A_421 : vector<16x8192xf32>
      %get3A_423 = arith.constant 4 : index
      %get3A_424 = arith.constant 4 : index
      %get3A_425 = memref.load %arg2[%get3A_423, %get3A_424] : memref<16x5xf32, #tpu.memory_space<smem>>
      %mul3A_426 = vector.broadcast %get3A_425 : f32 to vector<16x8192xf32>
      %mul3A_427 = arith.mulf %mul3A_426, %pad3A_138 : vector<16x8192xf32>
      %add3A_428 = arith.addf %add3A_422, %mul3A_427 : vector<16x8192xf32>
      %max3A_429 = arith.constant 0.000000e+00 : f32
      %max3A_430 = vector.broadcast %max3A_429 : f32 to vector<16x8192xf32>
      %max3A_431 = arith.maximumf %add3A_428, %max3A_430 : vector<16x8192xf32>
      %get3A_432 = arith.constant 4 : index
      %get3A_433 = arith.constant 0 : index
      %get3A_434 = memref.load %arg4[%get3A_432, %get3A_433] : memref<16x5xf32, #tpu.memory_space<smem>>
      %mul3A_435 = vector.broadcast %get3A_434 : f32 to vector<16x8192xf32>
      %mul3A_436 = arith.mulf %mul3A_435, %max3A_431 : vector<16x8192xf32>
      %add3A_437 = arith.addf %add3A_371, %mul3A_436 : vector<16x8192xf32>
      %get3A_438 = arith.constant 4 : index
      %get3A_439 = arith.constant 1 : index
      %get3A_440 = memref.load %arg4[%get3A_438, %get3A_439] : memref<16x5xf32, #tpu.memory_space<smem>>
      %mul3A_441 = vector.broadcast %get3A_440 : f32 to vector<16x8192xf32>
      %mul3A_442 = arith.mulf %mul3A_441, %max3A_431 : vector<16x8192xf32>
      %add3A_443 = arith.addf %add3A_377, %mul3A_442 : vector<16x8192xf32>
      %get3A_444 = arith.constant 4 : index
      %get3A_445 = arith.constant 2 : index
      %get3A_446 = memref.load %arg4[%get3A_444, %get3A_445] : memref<16x5xf32, #tpu.memory_space<smem>>
      %mul3A_447 = vector.broadcast %get3A_446 : f32 to vector<16x8192xf32>
      %mul3A_448 = arith.mulf %mul3A_447, %max3A_431 : vector<16x8192xf32>
      %add3A_449 = arith.addf %add3A_383, %mul3A_448 : vector<16x8192xf32>
      %get3A_450 = arith.constant 4 : index
      %get3A_451 = arith.constant 3 : index
      %get3A_452 = memref.load %arg4[%get3A_450, %get3A_451] : memref<16x5xf32, #tpu.memory_space<smem>>
      %mul3A_453 = vector.broadcast %get3A_452 : f32 to vector<16x8192xf32>
      %mul3A_454 = arith.mulf %mul3A_453, %max3A_431 : vector<16x8192xf32>
      %add3A_455 = arith.addf %add3A_389, %mul3A_454 : vector<16x8192xf32>
      %get3A_456 = arith.constant 4 : index
      %get3A_457 = arith.constant 4 : index
      %get3A_458 = memref.load %arg4[%get3A_456, %get3A_457] : memref<16x5xf32, #tpu.memory_space<smem>>
      %mul3A_459 = vector.broadcast %get3A_458 : f32 to vector<16x8192xf32>
      %mul3A_460 = arith.mulf %mul3A_459, %max3A_431 : vector<16x8192xf32>
      %add3A_461 = arith.addf %add3A_395, %mul3A_460 : vector<16x8192xf32>
      %get3A_462 = arith.constant 5 : index
      %get3A_463 = memref.load %arg3[%get3A_462] : memref<16xf32, #tpu.memory_space<smem>>
      %get3A_464 = arith.constant 5 : index
      %get3A_465 = arith.constant 0 : index
      %get3A_466 = memref.load %arg2[%get3A_464, %get3A_465] : memref<16x5xf32, #tpu.memory_space<smem>>
      %mul3A_467 = vector.broadcast %get3A_466 : f32 to vector<16x8192xf32>
      %mul3A_468 = arith.mulf %mul3A_467, %pad3A_123 : vector<16x8192xf32>
      %add3A_469 = vector.broadcast %get3A_463 : f32 to vector<16x8192xf32>
      %add3A_470 = arith.addf %add3A_469, %mul3A_468 : vector<16x8192xf32>
      %get3A_471 = arith.constant 5 : index
      %get3A_472 = arith.constant 1 : index
      %get3A_473 = memref.load %arg2[%get3A_471, %get3A_472] : memref<16x5xf32, #tpu.memory_space<smem>>
      %mul3A_474 = vector.broadcast %get3A_473 : f32 to vector<16x8192xf32>
      %mul3A_475 = arith.mulf %mul3A_474, %pad3A_128 : vector<16x8192xf32>
      %add3A_476 = arith.addf %add3A_470, %mul3A_475 : vector<16x8192xf32>
      %get3A_477 = arith.constant 5 : index
      %get3A_478 = arith.constant 2 : index
      %get3A_479 = memref.load %arg2[%get3A_477, %get3A_478] : memref<16x5xf32, #tpu.memory_space<smem>>
      %mul3A_480 = vector.broadcast %get3A_479 : f32 to vector<16x8192xf32>
      %mul3A_481 = arith.mulf %mul3A_480, %sub3A_65 : vector<16x8192xf32>
      %add3A_482 = arith.addf %add3A_476, %mul3A_481 : vector<16x8192xf32>
      %get3A_483 = arith.constant 5 : index
      %get3A_484 = arith.constant 3 : index
      %get3A_485 = memref.load %arg2[%get3A_483, %get3A_484] : memref<16x5xf32, #tpu.memory_space<smem>>
      %mul3A_486 = vector.broadcast %get3A_485 : f32 to vector<16x8192xf32>
      %mul3A_487 = arith.mulf %mul3A_486, %pad3A_133 : vector<16x8192xf32>
      %add3A_488 = arith.addf %add3A_482, %mul3A_487 : vector<16x8192xf32>
      %get3A_489 = arith.constant 5 : index
      %get3A_490 = arith.constant 4 : index
      %get3A_491 = memref.load %arg2[%get3A_489, %get3A_490] : memref<16x5xf32, #tpu.memory_space<smem>>
      %mul3A_492 = vector.broadcast %get3A_491 : f32 to vector<16x8192xf32>
      %mul3A_493 = arith.mulf %mul3A_492, %pad3A_138 : vector<16x8192xf32>
      %add3A_494 = arith.addf %add3A_488, %mul3A_493 : vector<16x8192xf32>
      %max3A_495 = arith.constant 0.000000e+00 : f32
      %max3A_496 = vector.broadcast %max3A_495 : f32 to vector<16x8192xf32>
      %max3A_497 = arith.maximumf %add3A_494, %max3A_496 : vector<16x8192xf32>
      %get3A_498 = arith.constant 5 : index
      %get3A_499 = arith.constant 0 : index
      %get3A_500 = memref.load %arg4[%get3A_498, %get3A_499] : memref<16x5xf32, #tpu.memory_space<smem>>
      %mul3A_501 = vector.broadcast %get3A_500 : f32 to vector<16x8192xf32>
      %mul3A_502 = arith.mulf %mul3A_501, %max3A_497 : vector<16x8192xf32>
      %add3A_503 = arith.addf %add3A_437, %mul3A_502 : vector<16x8192xf32>
      %get3A_504 = arith.constant 5 : index
      %get3A_505 = arith.constant 1 : index
      %get3A_506 = memref.load %arg4[%get3A_504, %get3A_505] : memref<16x5xf32, #tpu.memory_space<smem>>
      %mul3A_507 = vector.broadcast %get3A_506 : f32 to vector<16x8192xf32>
      %mul3A_508 = arith.mulf %mul3A_507, %max3A_497 : vector<16x8192xf32>
      %add3A_509 = arith.addf %add3A_443, %mul3A_508 : vector<16x8192xf32>
      %get3A_510 = arith.constant 5 : index
      %get3A_511 = arith.constant 2 : index
      %get3A_512 = memref.load %arg4[%get3A_510, %get3A_511] : memref<16x5xf32, #tpu.memory_space<smem>>
      %mul3A_513 = vector.broadcast %get3A_512 : f32 to vector<16x8192xf32>
      %mul3A_514 = arith.mulf %mul3A_513, %max3A_497 : vector<16x8192xf32>
      %add3A_515 = arith.addf %add3A_449, %mul3A_514 : vector<16x8192xf32>
      %get3A_516 = arith.constant 5 : index
      %get3A_517 = arith.constant 3 : index
      %get3A_518 = memref.load %arg4[%get3A_516, %get3A_517] : memref<16x5xf32, #tpu.memory_space<smem>>
      %mul3A_519 = vector.broadcast %get3A_518 : f32 to vector<16x8192xf32>
      %mul3A_520 = arith.mulf %mul3A_519, %max3A_497 : vector<16x8192xf32>
      %add3A_521 = arith.addf %add3A_455, %mul3A_520 : vector<16x8192xf32>
      %get3A_522 = arith.constant 5 : index
      %get3A_523 = arith.constant 4 : index
      %get3A_524 = memref.load %arg4[%get3A_522, %get3A_523] : memref<16x5xf32, #tpu.memory_space<smem>>
      %mul3A_525 = vector.broadcast %get3A_524 : f32 to vector<16x8192xf32>
      %mul3A_526 = arith.mulf %mul3A_525, %max3A_497 : vector<16x8192xf32>
      %add3A_527 = arith.addf %add3A_461, %mul3A_526 : vector<16x8192xf32>
      %get3A_528 = arith.constant 6 : index
      %get3A_529 = memref.load %arg3[%get3A_528] : memref<16xf32, #tpu.memory_space<smem>>
      %get3A_530 = arith.constant 6 : index
      %get3A_531 = arith.constant 0 : index
      %get3A_532 = memref.load %arg2[%get3A_530, %get3A_531] : memref<16x5xf32, #tpu.memory_space<smem>>
      %mul3A_533 = vector.broadcast %get3A_532 : f32 to vector<16x8192xf32>
      %mul3A_534 = arith.mulf %mul3A_533, %pad3A_123 : vector<16x8192xf32>
      %add3A_535 = vector.broadcast %get3A_529 : f32 to vector<16x8192xf32>
      %add3A_536 = arith.addf %add3A_535, %mul3A_534 : vector<16x8192xf32>
      %get3A_537 = arith.constant 6 : index
      %get3A_538 = arith.constant 1 : index
      %get3A_539 = memref.load %arg2[%get3A_537, %get3A_538] : memref<16x5xf32, #tpu.memory_space<smem>>
      %mul3A_540 = vector.broadcast %get3A_539 : f32 to vector<16x8192xf32>
      %mul3A_541 = arith.mulf %mul3A_540, %pad3A_128 : vector<16x8192xf32>
      %add3A_542 = arith.addf %add3A_536, %mul3A_541 : vector<16x8192xf32>
      %get3A_543 = arith.constant 6 : index
      %get3A_544 = arith.constant 2 : index
      %get3A_545 = memref.load %arg2[%get3A_543, %get3A_544] : memref<16x5xf32, #tpu.memory_space<smem>>
      %mul3A_546 = vector.broadcast %get3A_545 : f32 to vector<16x8192xf32>
      %mul3A_547 = arith.mulf %mul3A_546, %sub3A_65 : vector<16x8192xf32>
      %add3A_548 = arith.addf %add3A_542, %mul3A_547 : vector<16x8192xf32>
      %get3A_549 = arith.constant 6 : index
      %get3A_550 = arith.constant 3 : index
      %get3A_551 = memref.load %arg2[%get3A_549, %get3A_550] : memref<16x5xf32, #tpu.memory_space<smem>>
      %mul3A_552 = vector.broadcast %get3A_551 : f32 to vector<16x8192xf32>
      %mul3A_553 = arith.mulf %mul3A_552, %pad3A_133 : vector<16x8192xf32>
      %add3A_554 = arith.addf %add3A_548, %mul3A_553 : vector<16x8192xf32>
      %get3A_555 = arith.constant 6 : index
      %get3A_556 = arith.constant 4 : index
      %get3A_557 = memref.load %arg2[%get3A_555, %get3A_556] : memref<16x5xf32, #tpu.memory_space<smem>>
      %mul3A_558 = vector.broadcast %get3A_557 : f32 to vector<16x8192xf32>
      %mul3A_559 = arith.mulf %mul3A_558, %pad3A_138 : vector<16x8192xf32>
      %add3A_560 = arith.addf %add3A_554, %mul3A_559 : vector<16x8192xf32>
      %max3A_561 = arith.constant 0.000000e+00 : f32
      %max3A_562 = vector.broadcast %max3A_561 : f32 to vector<16x8192xf32>
      %max3A_563 = arith.maximumf %add3A_560, %max3A_562 : vector<16x8192xf32>
      %get3A_564 = arith.constant 6 : index
      %get3A_565 = arith.constant 0 : index
      %get3A_566 = memref.load %arg4[%get3A_564, %get3A_565] : memref<16x5xf32, #tpu.memory_space<smem>>
      %mul3A_567 = vector.broadcast %get3A_566 : f32 to vector<16x8192xf32>
      %mul3A_568 = arith.mulf %mul3A_567, %max3A_563 : vector<16x8192xf32>
      %add3A_569 = arith.addf %add3A_503, %mul3A_568 : vector<16x8192xf32>
      %get3A_570 = arith.constant 6 : index
      %get3A_571 = arith.constant 1 : index
      %get3A_572 = memref.load %arg4[%get3A_570, %get3A_571] : memref<16x5xf32, #tpu.memory_space<smem>>
      %mul3A_573 = vector.broadcast %get3A_572 : f32 to vector<16x8192xf32>
      %mul3A_574 = arith.mulf %mul3A_573, %max3A_563 : vector<16x8192xf32>
      %add3A_575 = arith.addf %add3A_509, %mul3A_574 : vector<16x8192xf32>
      %get3A_576 = arith.constant 6 : index
      %get3A_577 = arith.constant 2 : index
      %get3A_578 = memref.load %arg4[%get3A_576, %get3A_577] : memref<16x5xf32, #tpu.memory_space<smem>>
      %mul3A_579 = vector.broadcast %get3A_578 : f32 to vector<16x8192xf32>
      %mul3A_580 = arith.mulf %mul3A_579, %max3A_563 : vector<16x8192xf32>
      %add3A_581 = arith.addf %add3A_515, %mul3A_580 : vector<16x8192xf32>
      %get3A_582 = arith.constant 6 : index
      %get3A_583 = arith.constant 3 : index
      %get3A_584 = memref.load %arg4[%get3A_582, %get3A_583] : memref<16x5xf32, #tpu.memory_space<smem>>
      %mul3A_585 = vector.broadcast %get3A_584 : f32 to vector<16x8192xf32>
      %mul3A_586 = arith.mulf %mul3A_585, %max3A_563 : vector<16x8192xf32>
      %add3A_587 = arith.addf %add3A_521, %mul3A_586 : vector<16x8192xf32>
      %get3A_588 = arith.constant 6 : index
      %get3A_589 = arith.constant 4 : index
      %get3A_590 = memref.load %arg4[%get3A_588, %get3A_589] : memref<16x5xf32, #tpu.memory_space<smem>>
      %mul3A_591 = vector.broadcast %get3A_590 : f32 to vector<16x8192xf32>
      %mul3A_592 = arith.mulf %mul3A_591, %max3A_563 : vector<16x8192xf32>
      %add3A_593 = arith.addf %add3A_527, %mul3A_592 : vector<16x8192xf32>
      %get3A_594 = arith.constant 7 : index
      %get3A_595 = memref.load %arg3[%get3A_594] : memref<16xf32, #tpu.memory_space<smem>>
      %get3A_596 = arith.constant 7 : index
      %get3A_597 = arith.constant 0 : index
      %get3A_598 = memref.load %arg2[%get3A_596, %get3A_597] : memref<16x5xf32, #tpu.memory_space<smem>>
      %mul3A_599 = vector.broadcast %get3A_598 : f32 to vector<16x8192xf32>
      %mul3A_600 = arith.mulf %mul3A_599, %pad3A_123 : vector<16x8192xf32>
      %add3A_601 = vector.broadcast %get3A_595 : f32 to vector<16x8192xf32>
      %add3A_602 = arith.addf %add3A_601, %mul3A_600 : vector<16x8192xf32>
      %get3A_603 = arith.constant 7 : index
      %get3A_604 = arith.constant 1 : index
      %get3A_605 = memref.load %arg2[%get3A_603, %get3A_604] : memref<16x5xf32, #tpu.memory_space<smem>>
      %mul3A_606 = vector.broadcast %get3A_605 : f32 to vector<16x8192xf32>
      %mul3A_607 = arith.mulf %mul3A_606, %pad3A_128 : vector<16x8192xf32>
      %add3A_608 = arith.addf %add3A_602, %mul3A_607 : vector<16x8192xf32>
      %get3A_609 = arith.constant 7 : index
      %get3A_610 = arith.constant 2 : index
      %get3A_611 = memref.load %arg2[%get3A_609, %get3A_610] : memref<16x5xf32, #tpu.memory_space<smem>>
      %mul3A_612 = vector.broadcast %get3A_611 : f32 to vector<16x8192xf32>
      %mul3A_613 = arith.mulf %mul3A_612, %sub3A_65 : vector<16x8192xf32>
      %add3A_614 = arith.addf %add3A_608, %mul3A_613 : vector<16x8192xf32>
      %get3A_615 = arith.constant 7 : index
      %get3A_616 = arith.constant 3 : index
      %get3A_617 = memref.load %arg2[%get3A_615, %get3A_616] : memref<16x5xf32, #tpu.memory_space<smem>>
      %mul3A_618 = vector.broadcast %get3A_617 : f32 to vector<16x8192xf32>
      %mul3A_619 = arith.mulf %mul3A_618, %pad3A_133 : vector<16x8192xf32>
      %add3A_620 = arith.addf %add3A_614, %mul3A_619 : vector<16x8192xf32>
      %get3A_621 = arith.constant 7 : index
      %get3A_622 = arith.constant 4 : index
      %get3A_623 = memref.load %arg2[%get3A_621, %get3A_622] : memref<16x5xf32, #tpu.memory_space<smem>>
      %mul3A_624 = vector.broadcast %get3A_623 : f32 to vector<16x8192xf32>
      %mul3A_625 = arith.mulf %mul3A_624, %pad3A_138 : vector<16x8192xf32>
      %add3A_626 = arith.addf %add3A_620, %mul3A_625 : vector<16x8192xf32>
      %max3A_627 = arith.constant 0.000000e+00 : f32
      %max3A_628 = vector.broadcast %max3A_627 : f32 to vector<16x8192xf32>
      %max3A_629 = arith.maximumf %add3A_626, %max3A_628 : vector<16x8192xf32>
      %get3A_630 = arith.constant 7 : index
      %get3A_631 = arith.constant 0 : index
      %get3A_632 = memref.load %arg4[%get3A_630, %get3A_631] : memref<16x5xf32, #tpu.memory_space<smem>>
      %mul3A_633 = vector.broadcast %get3A_632 : f32 to vector<16x8192xf32>
      %mul3A_634 = arith.mulf %mul3A_633, %max3A_629 : vector<16x8192xf32>
      %add3A_635 = arith.addf %add3A_569, %mul3A_634 : vector<16x8192xf32>
      %get3A_636 = arith.constant 7 : index
      %get3A_637 = arith.constant 1 : index
      %get3A_638 = memref.load %arg4[%get3A_636, %get3A_637] : memref<16x5xf32, #tpu.memory_space<smem>>
      %mul3A_639 = vector.broadcast %get3A_638 : f32 to vector<16x8192xf32>
      %mul3A_640 = arith.mulf %mul3A_639, %max3A_629 : vector<16x8192xf32>
      %add3A_641 = arith.addf %add3A_575, %mul3A_640 : vector<16x8192xf32>
      %get3A_642 = arith.constant 7 : index
      %get3A_643 = arith.constant 2 : index
      %get3A_644 = memref.load %arg4[%get3A_642, %get3A_643] : memref<16x5xf32, #tpu.memory_space<smem>>
      %mul3A_645 = vector.broadcast %get3A_644 : f32 to vector<16x8192xf32>
      %mul3A_646 = arith.mulf %mul3A_645, %max3A_629 : vector<16x8192xf32>
      %add3A_647 = arith.addf %add3A_581, %mul3A_646 : vector<16x8192xf32>
      %get3A_648 = arith.constant 7 : index
      %get3A_649 = arith.constant 3 : index
      %get3A_650 = memref.load %arg4[%get3A_648, %get3A_649] : memref<16x5xf32, #tpu.memory_space<smem>>
      %mul3A_651 = vector.broadcast %get3A_650 : f32 to vector<16x8192xf32>
      %mul3A_652 = arith.mulf %mul3A_651, %max3A_629 : vector<16x8192xf32>
      %add3A_653 = arith.addf %add3A_587, %mul3A_652 : vector<16x8192xf32>
      %get3A_654 = arith.constant 7 : index
      %get3A_655 = arith.constant 4 : index
      %get3A_656 = memref.load %arg4[%get3A_654, %get3A_655] : memref<16x5xf32, #tpu.memory_space<smem>>
      %mul3A_657 = vector.broadcast %get3A_656 : f32 to vector<16x8192xf32>
      %mul3A_658 = arith.mulf %mul3A_657, %max3A_629 : vector<16x8192xf32>
      %add3A_659 = arith.addf %add3A_593, %mul3A_658 : vector<16x8192xf32>
      %get3A_660 = arith.constant 8 : index
      %get3A_661 = memref.load %arg3[%get3A_660] : memref<16xf32, #tpu.memory_space<smem>>
      %get3A_662 = arith.constant 8 : index
      %get3A_663 = arith.constant 0 : index
      %get3A_664 = memref.load %arg2[%get3A_662, %get3A_663] : memref<16x5xf32, #tpu.memory_space<smem>>
      %mul3A_665 = vector.broadcast %get3A_664 : f32 to vector<16x8192xf32>
      %mul3A_666 = arith.mulf %mul3A_665, %pad3A_123 : vector<16x8192xf32>
      %add3A_667 = vector.broadcast %get3A_661 : f32 to vector<16x8192xf32>
      %add3A_668 = arith.addf %add3A_667, %mul3A_666 : vector<16x8192xf32>
      %get3A_669 = arith.constant 8 : index
      %get3A_670 = arith.constant 1 : index
      %get3A_671 = memref.load %arg2[%get3A_669, %get3A_670] : memref<16x5xf32, #tpu.memory_space<smem>>
      %mul3A_672 = vector.broadcast %get3A_671 : f32 to vector<16x8192xf32>
      %mul3A_673 = arith.mulf %mul3A_672, %pad3A_128 : vector<16x8192xf32>
      %add3A_674 = arith.addf %add3A_668, %mul3A_673 : vector<16x8192xf32>
      %get3A_675 = arith.constant 8 : index
      %get3A_676 = arith.constant 2 : index
      %get3A_677 = memref.load %arg2[%get3A_675, %get3A_676] : memref<16x5xf32, #tpu.memory_space<smem>>
      %mul3A_678 = vector.broadcast %get3A_677 : f32 to vector<16x8192xf32>
      %mul3A_679 = arith.mulf %mul3A_678, %sub3A_65 : vector<16x8192xf32>
      %add3A_680 = arith.addf %add3A_674, %mul3A_679 : vector<16x8192xf32>
      %get3A_681 = arith.constant 8 : index
      %get3A_682 = arith.constant 3 : index
      %get3A_683 = memref.load %arg2[%get3A_681, %get3A_682] : memref<16x5xf32, #tpu.memory_space<smem>>
      %mul3A_684 = vector.broadcast %get3A_683 : f32 to vector<16x8192xf32>
      %mul3A_685 = arith.mulf %mul3A_684, %pad3A_133 : vector<16x8192xf32>
      %add3A_686 = arith.addf %add3A_680, %mul3A_685 : vector<16x8192xf32>
      %get3A_687 = arith.constant 8 : index
      %get3A_688 = arith.constant 4 : index
      %get3A_689 = memref.load %arg2[%get3A_687, %get3A_688] : memref<16x5xf32, #tpu.memory_space<smem>>
      %mul3A_690 = vector.broadcast %get3A_689 : f32 to vector<16x8192xf32>
      %mul3A_691 = arith.mulf %mul3A_690, %pad3A_138 : vector<16x8192xf32>
      %add3A_692 = arith.addf %add3A_686, %mul3A_691 : vector<16x8192xf32>
      %max3A_693 = arith.constant 0.000000e+00 : f32
      %max3A_694 = vector.broadcast %max3A_693 : f32 to vector<16x8192xf32>
      %max3A_695 = arith.maximumf %add3A_692, %max3A_694 : vector<16x8192xf32>
      %get3A_696 = arith.constant 8 : index
      %get3A_697 = arith.constant 0 : index
      %get3A_698 = memref.load %arg4[%get3A_696, %get3A_697] : memref<16x5xf32, #tpu.memory_space<smem>>
      %mul3A_699 = vector.broadcast %get3A_698 : f32 to vector<16x8192xf32>
      %mul3A_700 = arith.mulf %mul3A_699, %max3A_695 : vector<16x8192xf32>
      %add3A_701 = arith.addf %add3A_635, %mul3A_700 : vector<16x8192xf32>
      %get3A_702 = arith.constant 8 : index
      %get3A_703 = arith.constant 1 : index
      %get3A_704 = memref.load %arg4[%get3A_702, %get3A_703] : memref<16x5xf32, #tpu.memory_space<smem>>
      %mul3A_705 = vector.broadcast %get3A_704 : f32 to vector<16x8192xf32>
      %mul3A_706 = arith.mulf %mul3A_705, %max3A_695 : vector<16x8192xf32>
      %add3A_707 = arith.addf %add3A_641, %mul3A_706 : vector<16x8192xf32>
      %get3A_708 = arith.constant 8 : index
      %get3A_709 = arith.constant 2 : index
      %get3A_710 = memref.load %arg4[%get3A_708, %get3A_709] : memref<16x5xf32, #tpu.memory_space<smem>>
      %mul3A_711 = vector.broadcast %get3A_710 : f32 to vector<16x8192xf32>
      %mul3A_712 = arith.mulf %mul3A_711, %max3A_695 : vector<16x8192xf32>
      %add3A_713 = arith.addf %add3A_647, %mul3A_712 : vector<16x8192xf32>
      %get3A_714 = arith.constant 8 : index
      %get3A_715 = arith.constant 3 : index
      %get3A_716 = memref.load %arg4[%get3A_714, %get3A_715] : memref<16x5xf32, #tpu.memory_space<smem>>
      %mul3A_717 = vector.broadcast %get3A_716 : f32 to vector<16x8192xf32>
      %mul3A_718 = arith.mulf %mul3A_717, %max3A_695 : vector<16x8192xf32>
      %add3A_719 = arith.addf %add3A_653, %mul3A_718 : vector<16x8192xf32>
      %get3A_720 = arith.constant 8 : index
      %get3A_721 = arith.constant 4 : index
      %get3A_722 = memref.load %arg4[%get3A_720, %get3A_721] : memref<16x5xf32, #tpu.memory_space<smem>>
      %mul3A_723 = vector.broadcast %get3A_722 : f32 to vector<16x8192xf32>
      %mul3A_724 = arith.mulf %mul3A_723, %max3A_695 : vector<16x8192xf32>
      %add3A_725 = arith.addf %add3A_659, %mul3A_724 : vector<16x8192xf32>
      %get3A_726 = arith.constant 9 : index
      %get3A_727 = memref.load %arg3[%get3A_726] : memref<16xf32, #tpu.memory_space<smem>>
      %get3A_728 = arith.constant 9 : index
      %get3A_729 = arith.constant 0 : index
      %get3A_730 = memref.load %arg2[%get3A_728, %get3A_729] : memref<16x5xf32, #tpu.memory_space<smem>>
      %mul3A_731 = vector.broadcast %get3A_730 : f32 to vector<16x8192xf32>
      %mul3A_732 = arith.mulf %mul3A_731, %pad3A_123 : vector<16x8192xf32>
      %add3A_733 = vector.broadcast %get3A_727 : f32 to vector<16x8192xf32>
      %add3A_734 = arith.addf %add3A_733, %mul3A_732 : vector<16x8192xf32>
      %get3A_735 = arith.constant 9 : index
      %get3A_736 = arith.constant 1 : index
      %get3A_737 = memref.load %arg2[%get3A_735, %get3A_736] : memref<16x5xf32, #tpu.memory_space<smem>>
      %mul3A_738 = vector.broadcast %get3A_737 : f32 to vector<16x8192xf32>
      %mul3A_739 = arith.mulf %mul3A_738, %pad3A_128 : vector<16x8192xf32>
      %add3A_740 = arith.addf %add3A_734, %mul3A_739 : vector<16x8192xf32>
      %get3A_741 = arith.constant 9 : index
      %get3A_742 = arith.constant 2 : index
      %get3A_743 = memref.load %arg2[%get3A_741, %get3A_742] : memref<16x5xf32, #tpu.memory_space<smem>>
      %mul3A_744 = vector.broadcast %get3A_743 : f32 to vector<16x8192xf32>
      %mul3A_745 = arith.mulf %mul3A_744, %sub3A_65 : vector<16x8192xf32>
      %add3A_746 = arith.addf %add3A_740, %mul3A_745 : vector<16x8192xf32>
      %get3A_747 = arith.constant 9 : index
      %get3A_748 = arith.constant 3 : index
      %get3A_749 = memref.load %arg2[%get3A_747, %get3A_748] : memref<16x5xf32, #tpu.memory_space<smem>>
      %mul3A_750 = vector.broadcast %get3A_749 : f32 to vector<16x8192xf32>
      %mul3A_751 = arith.mulf %mul3A_750, %pad3A_133 : vector<16x8192xf32>
      %add3A_752 = arith.addf %add3A_746, %mul3A_751 : vector<16x8192xf32>
      %get3A_753 = arith.constant 9 : index
      %get3A_754 = arith.constant 4 : index
      %get3A_755 = memref.load %arg2[%get3A_753, %get3A_754] : memref<16x5xf32, #tpu.memory_space<smem>>
      %mul3A_756 = vector.broadcast %get3A_755 : f32 to vector<16x8192xf32>
      %mul3A_757 = arith.mulf %mul3A_756, %pad3A_138 : vector<16x8192xf32>
      %add3A_758 = arith.addf %add3A_752, %mul3A_757 : vector<16x8192xf32>
      %max3A_759 = arith.constant 0.000000e+00 : f32
      %max3A_760 = vector.broadcast %max3A_759 : f32 to vector<16x8192xf32>
      %max3A_761 = arith.maximumf %add3A_758, %max3A_760 : vector<16x8192xf32>
      %get3A_762 = arith.constant 9 : index
      %get3A_763 = arith.constant 0 : index
      %get3A_764 = memref.load %arg4[%get3A_762, %get3A_763] : memref<16x5xf32, #tpu.memory_space<smem>>
      %mul3A_765 = vector.broadcast %get3A_764 : f32 to vector<16x8192xf32>
      %mul3A_766 = arith.mulf %mul3A_765, %max3A_761 : vector<16x8192xf32>
      %add3A_767 = arith.addf %add3A_701, %mul3A_766 : vector<16x8192xf32>
      %get3A_768 = arith.constant 9 : index
      %get3A_769 = arith.constant 1 : index
      %get3A_770 = memref.load %arg4[%get3A_768, %get3A_769] : memref<16x5xf32, #tpu.memory_space<smem>>
      %mul3A_771 = vector.broadcast %get3A_770 : f32 to vector<16x8192xf32>
      %mul3A_772 = arith.mulf %mul3A_771, %max3A_761 : vector<16x8192xf32>
      %add3A_773 = arith.addf %add3A_707, %mul3A_772 : vector<16x8192xf32>
      %get3A_774 = arith.constant 9 : index
      %get3A_775 = arith.constant 2 : index
      %get3A_776 = memref.load %arg4[%get3A_774, %get3A_775] : memref<16x5xf32, #tpu.memory_space<smem>>
      %mul3A_777 = vector.broadcast %get3A_776 : f32 to vector<16x8192xf32>
      %mul3A_778 = arith.mulf %mul3A_777, %max3A_761 : vector<16x8192xf32>
      %add3A_779 = arith.addf %add3A_713, %mul3A_778 : vector<16x8192xf32>
      %get3A_780 = arith.constant 9 : index
      %get3A_781 = arith.constant 3 : index
      %get3A_782 = memref.load %arg4[%get3A_780, %get3A_781] : memref<16x5xf32, #tpu.memory_space<smem>>
      %mul3A_783 = vector.broadcast %get3A_782 : f32 to vector<16x8192xf32>
      %mul3A_784 = arith.mulf %mul3A_783, %max3A_761 : vector<16x8192xf32>
      %add3A_785 = arith.addf %add3A_719, %mul3A_784 : vector<16x8192xf32>
      %get3A_786 = arith.constant 9 : index
      %get3A_787 = arith.constant 4 : index
      %get3A_788 = memref.load %arg4[%get3A_786, %get3A_787] : memref<16x5xf32, #tpu.memory_space<smem>>
      %mul3A_789 = vector.broadcast %get3A_788 : f32 to vector<16x8192xf32>
      %mul3A_790 = arith.mulf %mul3A_789, %max3A_761 : vector<16x8192xf32>
      %add3A_791 = arith.addf %add3A_725, %mul3A_790 : vector<16x8192xf32>
      %get3A_792 = arith.constant 10 : index
      %get3A_793 = memref.load %arg3[%get3A_792] : memref<16xf32, #tpu.memory_space<smem>>
      %get3A_794 = arith.constant 10 : index
      %get3A_795 = arith.constant 0 : index
      %get3A_796 = memref.load %arg2[%get3A_794, %get3A_795] : memref<16x5xf32, #tpu.memory_space<smem>>
      %mul3A_797 = vector.broadcast %get3A_796 : f32 to vector<16x8192xf32>
      %mul3A_798 = arith.mulf %mul3A_797, %pad3A_123 : vector<16x8192xf32>
      %add3A_799 = vector.broadcast %get3A_793 : f32 to vector<16x8192xf32>
      %add3A_800 = arith.addf %add3A_799, %mul3A_798 : vector<16x8192xf32>
      %get3A_801 = arith.constant 10 : index
      %get3A_802 = arith.constant 1 : index
      %get3A_803 = memref.load %arg2[%get3A_801, %get3A_802] : memref<16x5xf32, #tpu.memory_space<smem>>
      %mul3A_804 = vector.broadcast %get3A_803 : f32 to vector<16x8192xf32>
      %mul3A_805 = arith.mulf %mul3A_804, %pad3A_128 : vector<16x8192xf32>
      %add3A_806 = arith.addf %add3A_800, %mul3A_805 : vector<16x8192xf32>
      %get3A_807 = arith.constant 10 : index
      %get3A_808 = arith.constant 2 : index
      %get3A_809 = memref.load %arg2[%get3A_807, %get3A_808] : memref<16x5xf32, #tpu.memory_space<smem>>
      %mul3A_810 = vector.broadcast %get3A_809 : f32 to vector<16x8192xf32>
      %mul3A_811 = arith.mulf %mul3A_810, %sub3A_65 : vector<16x8192xf32>
      %add3A_812 = arith.addf %add3A_806, %mul3A_811 : vector<16x8192xf32>
      %get3A_813 = arith.constant 10 : index
      %get3A_814 = arith.constant 3 : index
      %get3A_815 = memref.load %arg2[%get3A_813, %get3A_814] : memref<16x5xf32, #tpu.memory_space<smem>>
      %mul3A_816 = vector.broadcast %get3A_815 : f32 to vector<16x8192xf32>
      %mul3A_817 = arith.mulf %mul3A_816, %pad3A_133 : vector<16x8192xf32>
      %add3A_818 = arith.addf %add3A_812, %mul3A_817 : vector<16x8192xf32>
      %get3A_819 = arith.constant 10 : index
      %get3A_820 = arith.constant 4 : index
      %get3A_821 = memref.load %arg2[%get3A_819, %get3A_820] : memref<16x5xf32, #tpu.memory_space<smem>>
      %mul3A_822 = vector.broadcast %get3A_821 : f32 to vector<16x8192xf32>
      %mul3A_823 = arith.mulf %mul3A_822, %pad3A_138 : vector<16x8192xf32>
      %add3A_824 = arith.addf %add3A_818, %mul3A_823 : vector<16x8192xf32>
      %max3A_825 = arith.constant 0.000000e+00 : f32
      %max3A_826 = vector.broadcast %max3A_825 : f32 to vector<16x8192xf32>
      %max3A_827 = arith.maximumf %add3A_824, %max3A_826 : vector<16x8192xf32>
      %get3A_828 = arith.constant 10 : index
      %get3A_829 = arith.constant 0 : index
      %get3A_830 = memref.load %arg4[%get3A_828, %get3A_829] : memref<16x5xf32, #tpu.memory_space<smem>>
      %mul3A_831 = vector.broadcast %get3A_830 : f32 to vector<16x8192xf32>
      %mul3A_832 = arith.mulf %mul3A_831, %max3A_827 : vector<16x8192xf32>
      %add3A_833 = arith.addf %add3A_767, %mul3A_832 : vector<16x8192xf32>
      %get3A_834 = arith.constant 10 : index
      %get3A_835 = arith.constant 1 : index
      %get3A_836 = memref.load %arg4[%get3A_834, %get3A_835] : memref<16x5xf32, #tpu.memory_space<smem>>
      %mul3A_837 = vector.broadcast %get3A_836 : f32 to vector<16x8192xf32>
      %mul3A_838 = arith.mulf %mul3A_837, %max3A_827 : vector<16x8192xf32>
      %add3A_839 = arith.addf %add3A_773, %mul3A_838 : vector<16x8192xf32>
      %get3A_840 = arith.constant 10 : index
      %get3A_841 = arith.constant 2 : index
      %get3A_842 = memref.load %arg4[%get3A_840, %get3A_841] : memref<16x5xf32, #tpu.memory_space<smem>>
      %mul3A_843 = vector.broadcast %get3A_842 : f32 to vector<16x8192xf32>
      %mul3A_844 = arith.mulf %mul3A_843, %max3A_827 : vector<16x8192xf32>
      %add3A_845 = arith.addf %add3A_779, %mul3A_844 : vector<16x8192xf32>
      %get3A_846 = arith.constant 10 : index
      %get3A_847 = arith.constant 3 : index
      %get3A_848 = memref.load %arg4[%get3A_846, %get3A_847] : memref<16x5xf32, #tpu.memory_space<smem>>
      %mul3A_849 = vector.broadcast %get3A_848 : f32 to vector<16x8192xf32>
      %mul3A_850 = arith.mulf %mul3A_849, %max3A_827 : vector<16x8192xf32>
      %add3A_851 = arith.addf %add3A_785, %mul3A_850 : vector<16x8192xf32>
      %get3A_852 = arith.constant 10 : index
      %get3A_853 = arith.constant 4 : index
      %get3A_854 = memref.load %arg4[%get3A_852, %get3A_853] : memref<16x5xf32, #tpu.memory_space<smem>>
      %mul3A_855 = vector.broadcast %get3A_854 : f32 to vector<16x8192xf32>
      %mul3A_856 = arith.mulf %mul3A_855, %max3A_827 : vector<16x8192xf32>
      %add3A_857 = arith.addf %add3A_791, %mul3A_856 : vector<16x8192xf32>
      %get3A_858 = arith.constant 11 : index
      %get3A_859 = memref.load %arg3[%get3A_858] : memref<16xf32, #tpu.memory_space<smem>>
      %get3A_860 = arith.constant 11 : index
      %get3A_861 = arith.constant 0 : index
      %get3A_862 = memref.load %arg2[%get3A_860, %get3A_861] : memref<16x5xf32, #tpu.memory_space<smem>>
      %mul3A_863 = vector.broadcast %get3A_862 : f32 to vector<16x8192xf32>
      %mul3A_864 = arith.mulf %mul3A_863, %pad3A_123 : vector<16x8192xf32>
      %add3A_865 = vector.broadcast %get3A_859 : f32 to vector<16x8192xf32>
      %add3A_866 = arith.addf %add3A_865, %mul3A_864 : vector<16x8192xf32>
      %get3A_867 = arith.constant 11 : index
      %get3A_868 = arith.constant 1 : index
      %get3A_869 = memref.load %arg2[%get3A_867, %get3A_868] : memref<16x5xf32, #tpu.memory_space<smem>>
      %mul3A_870 = vector.broadcast %get3A_869 : f32 to vector<16x8192xf32>
      %mul3A_871 = arith.mulf %mul3A_870, %pad3A_128 : vector<16x8192xf32>
      %add3A_872 = arith.addf %add3A_866, %mul3A_871 : vector<16x8192xf32>
      %get3A_873 = arith.constant 11 : index
      %get3A_874 = arith.constant 2 : index
      %get3A_875 = memref.load %arg2[%get3A_873, %get3A_874] : memref<16x5xf32, #tpu.memory_space<smem>>
      %mul3A_876 = vector.broadcast %get3A_875 : f32 to vector<16x8192xf32>
      %mul3A_877 = arith.mulf %mul3A_876, %sub3A_65 : vector<16x8192xf32>
      %add3A_878 = arith.addf %add3A_872, %mul3A_877 : vector<16x8192xf32>
      %get3A_879 = arith.constant 11 : index
      %get3A_880 = arith.constant 3 : index
      %get3A_881 = memref.load %arg2[%get3A_879, %get3A_880] : memref<16x5xf32, #tpu.memory_space<smem>>
      %mul3A_882 = vector.broadcast %get3A_881 : f32 to vector<16x8192xf32>
      %mul3A_883 = arith.mulf %mul3A_882, %pad3A_133 : vector<16x8192xf32>
      %add3A_884 = arith.addf %add3A_878, %mul3A_883 : vector<16x8192xf32>
      %get3A_885 = arith.constant 11 : index
      %get3A_886 = arith.constant 4 : index
      %get3A_887 = memref.load %arg2[%get3A_885, %get3A_886] : memref<16x5xf32, #tpu.memory_space<smem>>
      %mul3A_888 = vector.broadcast %get3A_887 : f32 to vector<16x8192xf32>
      %mul3A_889 = arith.mulf %mul3A_888, %pad3A_138 : vector<16x8192xf32>
      %add3A_890 = arith.addf %add3A_884, %mul3A_889 : vector<16x8192xf32>
      %max3A_891 = arith.constant 0.000000e+00 : f32
      %max3A_892 = vector.broadcast %max3A_891 : f32 to vector<16x8192xf32>
      %max3A_893 = arith.maximumf %add3A_890, %max3A_892 : vector<16x8192xf32>
      %get3A_894 = arith.constant 11 : index
      %get3A_895 = arith.constant 0 : index
      %get3A_896 = memref.load %arg4[%get3A_894, %get3A_895] : memref<16x5xf32, #tpu.memory_space<smem>>
      %mul3A_897 = vector.broadcast %get3A_896 : f32 to vector<16x8192xf32>
      %mul3A_898 = arith.mulf %mul3A_897, %max3A_893 : vector<16x8192xf32>
      %add3A_899 = arith.addf %add3A_833, %mul3A_898 : vector<16x8192xf32>
      %get3A_900 = arith.constant 11 : index
      %get3A_901 = arith.constant 1 : index
      %get3A_902 = memref.load %arg4[%get3A_900, %get3A_901] : memref<16x5xf32, #tpu.memory_space<smem>>
      %mul3A_903 = vector.broadcast %get3A_902 : f32 to vector<16x8192xf32>
      %mul3A_904 = arith.mulf %mul3A_903, %max3A_893 : vector<16x8192xf32>
      %add3A_905 = arith.addf %add3A_839, %mul3A_904 : vector<16x8192xf32>
      %get3A_906 = arith.constant 11 : index
      %get3A_907 = arith.constant 2 : index
      %get3A_908 = memref.load %arg4[%get3A_906, %get3A_907] : memref<16x5xf32, #tpu.memory_space<smem>>
      %mul3A_909 = vector.broadcast %get3A_908 : f32 to vector<16x8192xf32>
      %mul3A_910 = arith.mulf %mul3A_909, %max3A_893 : vector<16x8192xf32>
      %add3A_911 = arith.addf %add3A_845, %mul3A_910 : vector<16x8192xf32>
      %get3A_912 = arith.constant 11 : index
      %get3A_913 = arith.constant 3 : index
      %get3A_914 = memref.load %arg4[%get3A_912, %get3A_913] : memref<16x5xf32, #tpu.memory_space<smem>>
      %mul3A_915 = vector.broadcast %get3A_914 : f32 to vector<16x8192xf32>
      %mul3A_916 = arith.mulf %mul3A_915, %max3A_893 : vector<16x8192xf32>
      %add3A_917 = arith.addf %add3A_851, %mul3A_916 : vector<16x8192xf32>
      %get3A_918 = arith.constant 11 : index
      %get3A_919 = arith.constant 4 : index
      %get3A_920 = memref.load %arg4[%get3A_918, %get3A_919] : memref<16x5xf32, #tpu.memory_space<smem>>
      %mul3A_921 = vector.broadcast %get3A_920 : f32 to vector<16x8192xf32>
      %mul3A_922 = arith.mulf %mul3A_921, %max3A_893 : vector<16x8192xf32>
      %add3A_923 = arith.addf %add3A_857, %mul3A_922 : vector<16x8192xf32>
      %get3A_924 = arith.constant 12 : index
      %get3A_925 = memref.load %arg3[%get3A_924] : memref<16xf32, #tpu.memory_space<smem>>
      %get3A_926 = arith.constant 12 : index
      %get3A_927 = arith.constant 0 : index
      %get3A_928 = memref.load %arg2[%get3A_926, %get3A_927] : memref<16x5xf32, #tpu.memory_space<smem>>
      %mul3A_929 = vector.broadcast %get3A_928 : f32 to vector<16x8192xf32>
      %mul3A_930 = arith.mulf %mul3A_929, %pad3A_123 : vector<16x8192xf32>
      %add3A_931 = vector.broadcast %get3A_925 : f32 to vector<16x8192xf32>
      %add3A_932 = arith.addf %add3A_931, %mul3A_930 : vector<16x8192xf32>
      %get3A_933 = arith.constant 12 : index
      %get3A_934 = arith.constant 1 : index
      %get3A_935 = memref.load %arg2[%get3A_933, %get3A_934] : memref<16x5xf32, #tpu.memory_space<smem>>
      %mul3A_936 = vector.broadcast %get3A_935 : f32 to vector<16x8192xf32>
      %mul3A_937 = arith.mulf %mul3A_936, %pad3A_128 : vector<16x8192xf32>
      %add3A_938 = arith.addf %add3A_932, %mul3A_937 : vector<16x8192xf32>
      %get3A_939 = arith.constant 12 : index
      %get3A_940 = arith.constant 2 : index
      %get3A_941 = memref.load %arg2[%get3A_939, %get3A_940] : memref<16x5xf32, #tpu.memory_space<smem>>
      %mul3A_942 = vector.broadcast %get3A_941 : f32 to vector<16x8192xf32>
      %mul3A_943 = arith.mulf %mul3A_942, %sub3A_65 : vector<16x8192xf32>
      %add3A_944 = arith.addf %add3A_938, %mul3A_943 : vector<16x8192xf32>
      %get3A_945 = arith.constant 12 : index
      %get3A_946 = arith.constant 3 : index
      %get3A_947 = memref.load %arg2[%get3A_945, %get3A_946] : memref<16x5xf32, #tpu.memory_space<smem>>
      %mul3A_948 = vector.broadcast %get3A_947 : f32 to vector<16x8192xf32>
      %mul3A_949 = arith.mulf %mul3A_948, %pad3A_133 : vector<16x8192xf32>
      %add3A_950 = arith.addf %add3A_944, %mul3A_949 : vector<16x8192xf32>
      %get3A_951 = arith.constant 12 : index
      %get3A_952 = arith.constant 4 : index
      %get3A_953 = memref.load %arg2[%get3A_951, %get3A_952] : memref<16x5xf32, #tpu.memory_space<smem>>
      %mul3A_954 = vector.broadcast %get3A_953 : f32 to vector<16x8192xf32>
      %mul3A_955 = arith.mulf %mul3A_954, %pad3A_138 : vector<16x8192xf32>
      %add3A_956 = arith.addf %add3A_950, %mul3A_955 : vector<16x8192xf32>
      %max3A_957 = arith.constant 0.000000e+00 : f32
      %max3A_958 = vector.broadcast %max3A_957 : f32 to vector<16x8192xf32>
      %max3A_959 = arith.maximumf %add3A_956, %max3A_958 : vector<16x8192xf32>
      %get3A_960 = arith.constant 12 : index
      %get3A_961 = arith.constant 0 : index
      %get3A_962 = memref.load %arg4[%get3A_960, %get3A_961] : memref<16x5xf32, #tpu.memory_space<smem>>
      %mul3A_963 = vector.broadcast %get3A_962 : f32 to vector<16x8192xf32>
      %mul3A_964 = arith.mulf %mul3A_963, %max3A_959 : vector<16x8192xf32>
      %add3A_965 = arith.addf %add3A_899, %mul3A_964 : vector<16x8192xf32>
      %get3A_966 = arith.constant 12 : index
      %get3A_967 = arith.constant 1 : index
      %get3A_968 = memref.load %arg4[%get3A_966, %get3A_967] : memref<16x5xf32, #tpu.memory_space<smem>>
      %mul3A_969 = vector.broadcast %get3A_968 : f32 to vector<16x8192xf32>
      %mul3A_970 = arith.mulf %mul3A_969, %max3A_959 : vector<16x8192xf32>
      %add3A_971 = arith.addf %add3A_905, %mul3A_970 : vector<16x8192xf32>
      %get3A_972 = arith.constant 12 : index
      %get3A_973 = arith.constant 2 : index
      %get3A_974 = memref.load %arg4[%get3A_972, %get3A_973] : memref<16x5xf32, #tpu.memory_space<smem>>
      %mul3A_975 = vector.broadcast %get3A_974 : f32 to vector<16x8192xf32>
      %mul3A_976 = arith.mulf %mul3A_975, %max3A_959 : vector<16x8192xf32>
      %add3A_977 = arith.addf %add3A_911, %mul3A_976 : vector<16x8192xf32>
      %get3A_978 = arith.constant 12 : index
      %get3A_979 = arith.constant 3 : index
      %get3A_980 = memref.load %arg4[%get3A_978, %get3A_979] : memref<16x5xf32, #tpu.memory_space<smem>>
      %mul3A_981 = vector.broadcast %get3A_980 : f32 to vector<16x8192xf32>
      %mul3A_982 = arith.mulf %mul3A_981, %max3A_959 : vector<16x8192xf32>
      %add3A_983 = arith.addf %add3A_917, %mul3A_982 : vector<16x8192xf32>
      %get3A_984 = arith.constant 12 : index
      %get3A_985 = arith.constant 4 : index
      %get3A_986 = memref.load %arg4[%get3A_984, %get3A_985] : memref<16x5xf32, #tpu.memory_space<smem>>
      %mul3A_987 = vector.broadcast %get3A_986 : f32 to vector<16x8192xf32>
      %mul3A_988 = arith.mulf %mul3A_987, %max3A_959 : vector<16x8192xf32>
      %add3A_989 = arith.addf %add3A_923, %mul3A_988 : vector<16x8192xf32>
      %get3A_990 = arith.constant 13 : index
      %get3A_991 = memref.load %arg3[%get3A_990] : memref<16xf32, #tpu.memory_space<smem>>
      %get3A_992 = arith.constant 13 : index
      %get3A_993 = arith.constant 0 : index
      %get3A_994 = memref.load %arg2[%get3A_992, %get3A_993] : memref<16x5xf32, #tpu.memory_space<smem>>
      %mul3A_995 = vector.broadcast %get3A_994 : f32 to vector<16x8192xf32>
      %mul3A_996 = arith.mulf %mul3A_995, %pad3A_123 : vector<16x8192xf32>
      %add3A_997 = vector.broadcast %get3A_991 : f32 to vector<16x8192xf32>
      %add3A_998 = arith.addf %add3A_997, %mul3A_996 : vector<16x8192xf32>
      %get3A_999 = arith.constant 13 : index
      %get3A_1000 = arith.constant 1 : index
      %get3A_1001 = memref.load %arg2[%get3A_999, %get3A_1000] : memref<16x5xf32, #tpu.memory_space<smem>>
      %mul3A_1002 = vector.broadcast %get3A_1001 : f32 to vector<16x8192xf32>
      %mul3A_1003 = arith.mulf %mul3A_1002, %pad3A_128 : vector<16x8192xf32>
      %add3A_1004 = arith.addf %add3A_998, %mul3A_1003 : vector<16x8192xf32>
      %get3A_1005 = arith.constant 13 : index
      %get3A_1006 = arith.constant 2 : index
      %get3A_1007 = memref.load %arg2[%get3A_1005, %get3A_1006] : memref<16x5xf32, #tpu.memory_space<smem>>
      %mul3A_1008 = vector.broadcast %get3A_1007 : f32 to vector<16x8192xf32>
      %mul3A_1009 = arith.mulf %mul3A_1008, %sub3A_65 : vector<16x8192xf32>
      %add3A_1010 = arith.addf %add3A_1004, %mul3A_1009 : vector<16x8192xf32>
      %get3A_1011 = arith.constant 13 : index
      %get3A_1012 = arith.constant 3 : index
      %get3A_1013 = memref.load %arg2[%get3A_1011, %get3A_1012] : memref<16x5xf32, #tpu.memory_space<smem>>
      %mul3A_1014 = vector.broadcast %get3A_1013 : f32 to vector<16x8192xf32>
      %mul3A_1015 = arith.mulf %mul3A_1014, %pad3A_133 : vector<16x8192xf32>
      %add3A_1016 = arith.addf %add3A_1010, %mul3A_1015 : vector<16x8192xf32>
      %get3A_1017 = arith.constant 13 : index
      %get3A_1018 = arith.constant 4 : index
      %get3A_1019 = memref.load %arg2[%get3A_1017, %get3A_1018] : memref<16x5xf32, #tpu.memory_space<smem>>
      %mul3A_1020 = vector.broadcast %get3A_1019 : f32 to vector<16x8192xf32>
      %mul3A_1021 = arith.mulf %mul3A_1020, %pad3A_138 : vector<16x8192xf32>
      %add3A_1022 = arith.addf %add3A_1016, %mul3A_1021 : vector<16x8192xf32>
      %max3A_1023 = arith.constant 0.000000e+00 : f32
      %max3A_1024 = vector.broadcast %max3A_1023 : f32 to vector<16x8192xf32>
      %max3A_1025 = arith.maximumf %add3A_1022, %max3A_1024 : vector<16x8192xf32>
      %get3A_1026 = arith.constant 13 : index
      %get3A_1027 = arith.constant 0 : index
      %get3A_1028 = memref.load %arg4[%get3A_1026, %get3A_1027] : memref<16x5xf32, #tpu.memory_space<smem>>
      %mul3A_1029 = vector.broadcast %get3A_1028 : f32 to vector<16x8192xf32>
      %mul3A_1030 = arith.mulf %mul3A_1029, %max3A_1025 : vector<16x8192xf32>
      %add3A_1031 = arith.addf %add3A_965, %mul3A_1030 : vector<16x8192xf32>
      %get3A_1032 = arith.constant 13 : index
      %get3A_1033 = arith.constant 1 : index
      %get3A_1034 = memref.load %arg4[%get3A_1032, %get3A_1033] : memref<16x5xf32, #tpu.memory_space<smem>>
      %mul3A_1035 = vector.broadcast %get3A_1034 : f32 to vector<16x8192xf32>
      %mul3A_1036 = arith.mulf %mul3A_1035, %max3A_1025 : vector<16x8192xf32>
      %add3A_1037 = arith.addf %add3A_971, %mul3A_1036 : vector<16x8192xf32>
      %get3A_1038 = arith.constant 13 : index
      %get3A_1039 = arith.constant 2 : index
      %get3A_1040 = memref.load %arg4[%get3A_1038, %get3A_1039] : memref<16x5xf32, #tpu.memory_space<smem>>
      %mul3A_1041 = vector.broadcast %get3A_1040 : f32 to vector<16x8192xf32>
      %mul3A_1042 = arith.mulf %mul3A_1041, %max3A_1025 : vector<16x8192xf32>
      %add3A_1043 = arith.addf %add3A_977, %mul3A_1042 : vector<16x8192xf32>
      %get3A_1044 = arith.constant 13 : index
      %get3A_1045 = arith.constant 3 : index
      %get3A_1046 = memref.load %arg4[%get3A_1044, %get3A_1045] : memref<16x5xf32, #tpu.memory_space<smem>>
      %mul3A_1047 = vector.broadcast %get3A_1046 : f32 to vector<16x8192xf32>
      %mul3A_1048 = arith.mulf %mul3A_1047, %max3A_1025 : vector<16x8192xf32>
      %add3A_1049 = arith.addf %add3A_983, %mul3A_1048 : vector<16x8192xf32>
      %get3A_1050 = arith.constant 13 : index
      %get3A_1051 = arith.constant 4 : index
      %get3A_1052 = memref.load %arg4[%get3A_1050, %get3A_1051] : memref<16x5xf32, #tpu.memory_space<smem>>
      %mul3A_1053 = vector.broadcast %get3A_1052 : f32 to vector<16x8192xf32>
      %mul3A_1054 = arith.mulf %mul3A_1053, %max3A_1025 : vector<16x8192xf32>
      %add3A_1055 = arith.addf %add3A_989, %mul3A_1054 : vector<16x8192xf32>
      %get3A_1056 = arith.constant 14 : index
      %get3A_1057 = memref.load %arg3[%get3A_1056] : memref<16xf32, #tpu.memory_space<smem>>
      %get3A_1058 = arith.constant 14 : index
      %get3A_1059 = arith.constant 0 : index
      %get3A_1060 = memref.load %arg2[%get3A_1058, %get3A_1059] : memref<16x5xf32, #tpu.memory_space<smem>>
      %mul3A_1061 = vector.broadcast %get3A_1060 : f32 to vector<16x8192xf32>
      %mul3A_1062 = arith.mulf %mul3A_1061, %pad3A_123 : vector<16x8192xf32>
      %add3A_1063 = vector.broadcast %get3A_1057 : f32 to vector<16x8192xf32>
      %add3A_1064 = arith.addf %add3A_1063, %mul3A_1062 : vector<16x8192xf32>
      %get3A_1065 = arith.constant 14 : index
      %get3A_1066 = arith.constant 1 : index
      %get3A_1067 = memref.load %arg2[%get3A_1065, %get3A_1066] : memref<16x5xf32, #tpu.memory_space<smem>>
      %mul3A_1068 = vector.broadcast %get3A_1067 : f32 to vector<16x8192xf32>
      %mul3A_1069 = arith.mulf %mul3A_1068, %pad3A_128 : vector<16x8192xf32>
      %add3A_1070 = arith.addf %add3A_1064, %mul3A_1069 : vector<16x8192xf32>
      %get3A_1071 = arith.constant 14 : index
      %get3A_1072 = arith.constant 2 : index
      %get3A_1073 = memref.load %arg2[%get3A_1071, %get3A_1072] : memref<16x5xf32, #tpu.memory_space<smem>>
      %mul3A_1074 = vector.broadcast %get3A_1073 : f32 to vector<16x8192xf32>
      %mul3A_1075 = arith.mulf %mul3A_1074, %sub3A_65 : vector<16x8192xf32>
      %add3A_1076 = arith.addf %add3A_1070, %mul3A_1075 : vector<16x8192xf32>
      %get3A_1077 = arith.constant 14 : index
      %get3A_1078 = arith.constant 3 : index
      %get3A_1079 = memref.load %arg2[%get3A_1077, %get3A_1078] : memref<16x5xf32, #tpu.memory_space<smem>>
      %mul3A_1080 = vector.broadcast %get3A_1079 : f32 to vector<16x8192xf32>
      %mul3A_1081 = arith.mulf %mul3A_1080, %pad3A_133 : vector<16x8192xf32>
      %add3A_1082 = arith.addf %add3A_1076, %mul3A_1081 : vector<16x8192xf32>
      %get3A_1083 = arith.constant 14 : index
      %get3A_1084 = arith.constant 4 : index
      %get3A_1085 = memref.load %arg2[%get3A_1083, %get3A_1084] : memref<16x5xf32, #tpu.memory_space<smem>>
      %mul3A_1086 = vector.broadcast %get3A_1085 : f32 to vector<16x8192xf32>
      %mul3A_1087 = arith.mulf %mul3A_1086, %pad3A_138 : vector<16x8192xf32>
      %add3A_1088 = arith.addf %add3A_1082, %mul3A_1087 : vector<16x8192xf32>
      %max3A_1089 = arith.constant 0.000000e+00 : f32
      %max3A_1090 = vector.broadcast %max3A_1089 : f32 to vector<16x8192xf32>
      %max3A_1091 = arith.maximumf %add3A_1088, %max3A_1090 : vector<16x8192xf32>
      %get3A_1092 = arith.constant 14 : index
      %get3A_1093 = arith.constant 0 : index
      %get3A_1094 = memref.load %arg4[%get3A_1092, %get3A_1093] : memref<16x5xf32, #tpu.memory_space<smem>>
      %mul3A_1095 = vector.broadcast %get3A_1094 : f32 to vector<16x8192xf32>
      %mul3A_1096 = arith.mulf %mul3A_1095, %max3A_1091 : vector<16x8192xf32>
      %add3A_1097 = arith.addf %add3A_1031, %mul3A_1096 : vector<16x8192xf32>
      %get3A_1098 = arith.constant 14 : index
      %get3A_1099 = arith.constant 1 : index
      %get3A_1100 = memref.load %arg4[%get3A_1098, %get3A_1099] : memref<16x5xf32, #tpu.memory_space<smem>>
      %mul3A_1101 = vector.broadcast %get3A_1100 : f32 to vector<16x8192xf32>
      %mul3A_1102 = arith.mulf %mul3A_1101, %max3A_1091 : vector<16x8192xf32>
      %add3A_1103 = arith.addf %add3A_1037, %mul3A_1102 : vector<16x8192xf32>
      %get3A_1104 = arith.constant 14 : index
      %get3A_1105 = arith.constant 2 : index
      %get3A_1106 = memref.load %arg4[%get3A_1104, %get3A_1105] : memref<16x5xf32, #tpu.memory_space<smem>>
      %mul3A_1107 = vector.broadcast %get3A_1106 : f32 to vector<16x8192xf32>
      %mul3A_1108 = arith.mulf %mul3A_1107, %max3A_1091 : vector<16x8192xf32>
      %add3A_1109 = arith.addf %add3A_1043, %mul3A_1108 : vector<16x8192xf32>
      %get3A_1110 = arith.constant 14 : index
      %get3A_1111 = arith.constant 3 : index
      %get3A_1112 = memref.load %arg4[%get3A_1110, %get3A_1111] : memref<16x5xf32, #tpu.memory_space<smem>>
      %mul3A_1113 = vector.broadcast %get3A_1112 : f32 to vector<16x8192xf32>
      %mul3A_1114 = arith.mulf %mul3A_1113, %max3A_1091 : vector<16x8192xf32>
      %add3A_1115 = arith.addf %add3A_1049, %mul3A_1114 : vector<16x8192xf32>
      %get3A_1116 = arith.constant 14 : index
      %get3A_1117 = arith.constant 4 : index
      %get3A_1118 = memref.load %arg4[%get3A_1116, %get3A_1117] : memref<16x5xf32, #tpu.memory_space<smem>>
      %mul3A_1119 = vector.broadcast %get3A_1118 : f32 to vector<16x8192xf32>
      %mul3A_1120 = arith.mulf %mul3A_1119, %max3A_1091 : vector<16x8192xf32>
      %add3A_1121 = arith.addf %add3A_1055, %mul3A_1120 : vector<16x8192xf32>
      %get3A_1122 = arith.constant 15 : index
      %get3A_1123 = memref.load %arg3[%get3A_1122] : memref<16xf32, #tpu.memory_space<smem>>
      %get3A_1124 = arith.constant 15 : index
      %get3A_1125 = arith.constant 0 : index
      %get3A_1126 = memref.load %arg2[%get3A_1124, %get3A_1125] : memref<16x5xf32, #tpu.memory_space<smem>>
      %mul3A_1127 = vector.broadcast %get3A_1126 : f32 to vector<16x8192xf32>
      %mul3A_1128 = arith.mulf %mul3A_1127, %pad3A_123 : vector<16x8192xf32>
      %add3A_1129 = vector.broadcast %get3A_1123 : f32 to vector<16x8192xf32>
      %add3A_1130 = arith.addf %add3A_1129, %mul3A_1128 : vector<16x8192xf32>
      %get3A_1131 = arith.constant 15 : index
      %get3A_1132 = arith.constant 1 : index
      %get3A_1133 = memref.load %arg2[%get3A_1131, %get3A_1132] : memref<16x5xf32, #tpu.memory_space<smem>>
      %mul3A_1134 = vector.broadcast %get3A_1133 : f32 to vector<16x8192xf32>
      %mul3A_1135 = arith.mulf %mul3A_1134, %pad3A_128 : vector<16x8192xf32>
      %add3A_1136 = arith.addf %add3A_1130, %mul3A_1135 : vector<16x8192xf32>
      %get3A_1137 = arith.constant 15 : index
      %get3A_1138 = arith.constant 2 : index
      %get3A_1139 = memref.load %arg2[%get3A_1137, %get3A_1138] : memref<16x5xf32, #tpu.memory_space<smem>>
      %mul3A_1140 = vector.broadcast %get3A_1139 : f32 to vector<16x8192xf32>
      %mul3A_1141 = arith.mulf %mul3A_1140, %sub3A_65 : vector<16x8192xf32>
      %add3A_1142 = arith.addf %add3A_1136, %mul3A_1141 : vector<16x8192xf32>
      %get3A_1143 = arith.constant 15 : index
      %get3A_1144 = arith.constant 3 : index
      %get3A_1145 = memref.load %arg2[%get3A_1143, %get3A_1144] : memref<16x5xf32, #tpu.memory_space<smem>>
      %mul3A_1146 = vector.broadcast %get3A_1145 : f32 to vector<16x8192xf32>
      %mul3A_1147 = arith.mulf %mul3A_1146, %pad3A_133 : vector<16x8192xf32>
      %add3A_1148 = arith.addf %add3A_1142, %mul3A_1147 : vector<16x8192xf32>
      %get3A_1149 = arith.constant 15 : index
      %get3A_1150 = arith.constant 4 : index
      %get3A_1151 = memref.load %arg2[%get3A_1149, %get3A_1150] : memref<16x5xf32, #tpu.memory_space<smem>>
      %mul3A_1152 = vector.broadcast %get3A_1151 : f32 to vector<16x8192xf32>
      %mul3A_1153 = arith.mulf %mul3A_1152, %pad3A_138 : vector<16x8192xf32>
      %add3A_1154 = arith.addf %add3A_1148, %mul3A_1153 : vector<16x8192xf32>
      %max3A_1155 = arith.constant 0.000000e+00 : f32
      %max3A_1156 = vector.broadcast %max3A_1155 : f32 to vector<16x8192xf32>
      %max3A_1157 = arith.maximumf %add3A_1154, %max3A_1156 : vector<16x8192xf32>
      %get3A_1158 = arith.constant 15 : index
      %get3A_1159 = arith.constant 0 : index
      %get3A_1160 = memref.load %arg4[%get3A_1158, %get3A_1159] : memref<16x5xf32, #tpu.memory_space<smem>>
      %mul3A_1161 = vector.broadcast %get3A_1160 : f32 to vector<16x8192xf32>
      %mul3A_1162 = arith.mulf %mul3A_1161, %max3A_1157 : vector<16x8192xf32>
      %add3A_1163 = arith.addf %add3A_1097, %mul3A_1162 : vector<16x8192xf32>
      %get3A_1164 = arith.constant 15 : index
      %get3A_1165 = arith.constant 1 : index
      %get3A_1166 = memref.load %arg4[%get3A_1164, %get3A_1165] : memref<16x5xf32, #tpu.memory_space<smem>>
      %mul3A_1167 = vector.broadcast %get3A_1166 : f32 to vector<16x8192xf32>
      %mul3A_1168 = arith.mulf %mul3A_1167, %max3A_1157 : vector<16x8192xf32>
      %add3A_1169 = arith.addf %add3A_1103, %mul3A_1168 : vector<16x8192xf32>
      %get3A_1170 = arith.constant 15 : index
      %get3A_1171 = arith.constant 2 : index
      %get3A_1172 = memref.load %arg4[%get3A_1170, %get3A_1171] : memref<16x5xf32, #tpu.memory_space<smem>>
      %mul3A_1173 = vector.broadcast %get3A_1172 : f32 to vector<16x8192xf32>
      %mul3A_1174 = arith.mulf %mul3A_1173, %max3A_1157 : vector<16x8192xf32>
      %add3A_1175 = arith.addf %add3A_1109, %mul3A_1174 : vector<16x8192xf32>
      %get3A_1176 = arith.constant 15 : index
      %get3A_1177 = arith.constant 3 : index
      %get3A_1178 = memref.load %arg4[%get3A_1176, %get3A_1177] : memref<16x5xf32, #tpu.memory_space<smem>>
      %mul3A_1179 = vector.broadcast %get3A_1178 : f32 to vector<16x8192xf32>
      %mul3A_1180 = arith.mulf %mul3A_1179, %max3A_1157 : vector<16x8192xf32>
      %add3A_1181 = arith.addf %add3A_1115, %mul3A_1180 : vector<16x8192xf32>
      %get3A_1182 = arith.constant 15 : index
      %get3A_1183 = arith.constant 4 : index
      %get3A_1184 = memref.load %arg4[%get3A_1182, %get3A_1183] : memref<16x5xf32, #tpu.memory_space<smem>>
      %mul3A_1185 = vector.broadcast %get3A_1184 : f32 to vector<16x8192xf32>
      %mul3A_1186 = arith.mulf %mul3A_1185, %max3A_1157 : vector<16x8192xf32>
      %add3A_1187 = arith.addf %add3A_1121, %mul3A_1186 : vector<16x8192xf32>
      %get3A_1188 = arith.constant 0 : index
      %get3A_1189 = memref.load %arg5[%get3A_1188] : memref<1xf32, #tpu.memory_space<smem>>
      %slice3A_1190 = vector.extract_strided_slice %add3A_1163 {offsets = [0, 0], sizes = [16, 8190], strides = [1, 1]} : vector<16x8192xf32> to vector<16x8190xf32>
      %jit3A_1191 = arith.constant 0 : i32
      %convert_element_type3A_1192 = arith.sitofp %jit3A_1191 : i32 to f32
      %pad3A_1193 = vector.broadcast %convert_element_type3A_1192 : f32 to vector<16x2xf32>
      %pad3A_1194 = tpu.concatenate %pad3A_1193, %slice3A_1190 in 1 : vector<16x2xf32>, vector<16x8190xf32> -> vector<16x8192xf32>
      %add3A_1195 = vector.broadcast %get3A_1189 : f32 to vector<16x8192xf32>
      %add3A_1196 = arith.addf %add3A_1195, %pad3A_1194 : vector<16x8192xf32>
      %slice3A_1197 = vector.extract_strided_slice %add3A_1169 {offsets = [0, 0], sizes = [16, 8191], strides = [1, 1]} : vector<16x8192xf32> to vector<16x8191xf32>
      %jit3A_1198 = arith.constant 0 : i32
      %convert_element_type3A_1199 = arith.sitofp %jit3A_1198 : i32 to f32
      %pad3A_1200 = vector.broadcast %convert_element_type3A_1199 : f32 to vector<16x1xf32>
      %pad3A_1201 = tpu.concatenate %pad3A_1200, %slice3A_1197 in 1 : vector<16x1xf32>, vector<16x8191xf32> -> vector<16x8192xf32>
      %add3A_1202 = arith.addf %add3A_1196, %pad3A_1201 : vector<16x8192xf32>
      %add3A_1203 = arith.addf %add3A_1202, %add3A_1175 : vector<16x8192xf32>
      %slice3A_1204 = vector.extract_strided_slice %add3A_1181 {offsets = [0, 1], sizes = [16, 8191], strides = [1, 1]} : vector<16x8192xf32> to vector<16x8191xf32>
      %jit3A_1205 = arith.constant 0 : i32
      %convert_element_type3A_1206 = arith.sitofp %jit3A_1205 : i32 to f32
      %pad3A_1207 = vector.broadcast %convert_element_type3A_1206 : f32 to vector<16x1xf32>
      %pad3A_1208 = tpu.concatenate %slice3A_1204, %pad3A_1207 in 1 : vector<16x8191xf32>, vector<16x1xf32> -> vector<16x8192xf32>
      %add3A_1209 = arith.addf %add3A_1203, %pad3A_1208 : vector<16x8192xf32>
      %slice3A_1210 = vector.extract_strided_slice %add3A_1187 {offsets = [0, 2], sizes = [16, 8190], strides = [1, 1]} : vector<16x8192xf32> to vector<16x8190xf32>
      %jit3A_1211 = arith.constant 0 : i32
      %convert_element_type3A_1212 = arith.sitofp %jit3A_1211 : i32 to f32
      %pad3A_1213 = vector.broadcast %convert_element_type3A_1212 : f32 to vector<16x2xf32>
      %pad3A_1214 = tpu.concatenate %slice3A_1210, %pad3A_1213 in 1 : vector<16x8190xf32>, vector<16x2xf32> -> vector<16x8192xf32>
      %add3A_1215 = arith.addf %add3A_1209, %pad3A_1214 : vector<16x8192xf32>
      %add3A_1216 = arith.addf %cond3A_40, %add3A_1215 : vector<16x8192xf32>
      scf.yield %add3A_1216 : vector<16x8192xf32>
    } else {
      %mul3A_119 = arith.constant 7.452400e-09 : f32
      %mul3A_120 = vector.broadcast %mul3A_119 : f32 to vector<16x8192xf32>
      %mul3A_121 = arith.mulf %sub3A_65, %mul3A_120 : vector<16x8192xf32>
      %add3A = arith.addf %cond3A_40, %mul3A_121 : vector<16x8192xf32>
      scf.yield %add3A : vector<16x8192xf32>
    }
    %swap3A_77 = arith.constant 2 : index
    %swap3A_78 = arith.constant 0 : index
    %swap3A_79 = arith.constant 0 : index
    %swap3A_80 = vector.load %arg7[%swap3A_77, %swap3A_78, %swap3A_79] : memref<4x16x8192xf32, #tpu.memory_space<vmem>>, vector<1x16x8192xf32>
    %swap3A_81 = vector.shape_cast %swap3A_80 : vector<1x16x8192xf32> to vector<16x8192xf32>
    %swap3A_82 = vector.shape_cast %cond3A_76 : vector<16x8192xf32> to vector<1x16x8192xf32>
    tpu.vector_store %arg7[%swap3A_77, %swap3A_78, %swap3A_79], %swap3A_82 {strides = array<i32>} : memref<4x16x8192xf32, #tpu.memory_space<vmem>>, vector<1x16x8192xf32>,
    %mul3A_83 = arith.constant 2.000000e+00 : f32
    %mul3A_84 = vector.broadcast %mul3A_83 : f32 to vector<16x8192xf32>
    %mul3A_85 = arith.mulf %mul3A_84, %cond3A_76 : vector<16x8192xf32>
    %slice3A_86 = vector.extract_strided_slice %cond3A_76 {offsets = [0, 0], sizes = [16, 8191], strides = [1, 1]} : vector<16x8192xf32> to vector<16x8191xf32>
    %jit3A_87 = arith.constant 0 : i32
    %convert_element_type3A_88 = arith.sitofp %jit3A_87 : i32 to f32
    %pad3A_89 = vector.broadcast %convert_element_type3A_88 : f32 to vector<16x1xf32>
    %pad3A_90 = tpu.concatenate %pad3A_89, %slice3A_86 in 1 : vector<16x1xf32>, vector<16x8191xf32> -> vector<16x8192xf32>
    %sub3A_91 = arith.subf %mul3A_85, %pad3A_90 : vector<16x8192xf32>
    %slice3A_92 = vector.extract_strided_slice %cond3A_76 {offsets = [0, 1], sizes = [16, 8191], strides = [1, 1]} : vector<16x8192xf32> to vector<16x8191xf32>
    %jit3A_93 = arith.constant 0 : i32
    %convert_element_type3A_94 = arith.sitofp %jit3A_93 : i32 to f32
    %pad3A_95 = vector.broadcast %convert_element_type3A_94 : f32 to vector<16x1xf32>
    %pad3A_96 = tpu.concatenate %slice3A_92, %pad3A_95 in 1 : vector<16x8191xf32>, vector<16x1xf32> -> vector<16x8192xf32>
    %sub3A_97 = arith.subf %sub3A_91, %pad3A_96 : vector<16x8192xf32>
    %mul3A_98 = arith.constant 0x4C7FF000 : f32
    %mul3A_99 = vector.broadcast %mul3A_98 : f32 to vector<16x8192xf32>
    %mul3A_100 = arith.mulf %sub3A_97, %mul3A_99 : vector<16x8192xf32>
    %sub3A_101 = arith.subf %get3A_1, %mul3A_100 : vector<16x8192xf32>
    %get3A_102 = arith.constant 3 : index
    %get3A_103 = arith.constant 0 : index
    %get3A_104 = memref.load %arg1[%get3A_102, %get3A_103] : memref<4x2xf32, #tpu.memory_space<smem>>
    %get3A_105 = arith.constant 3 : index
    %get3A_106 = arith.constant 1 : index
    %get3A_107 = memref.load %arg1[%get3A_105, %get3A_106] : memref<4x2xf32, #tpu.memory_space<smem>>
    %gt3A_108 = arith.cmpf ogt, %get3A_107, %get3A_104 : f32
    %convert_element_type3A_109 = arith.extui %gt3A_108 : i1 to i32
    %cond3A_110 = arith.constant 0 : i32
    %cond3A_111 = arith.cmpi ne, %convert_element_type3A_109, %cond3A_110 : i32
    %cond3A_112 = scf.if %cond3A_111 -> (vector<16x8192xf32>) {
      %slice3A_119 = vector.extract_strided_slice %sub3A_101 {offsets = [0, 0], sizes = [16, 8190], strides = [1, 1]} : vector<16x8192xf32> to vector<16x8190xf32>
      %jit3A_120 = arith.constant 0 : i32
      %convert_element_type3A_121 = arith.sitofp %jit3A_120 : i32 to f32
      %pad3A_122 = vector.broadcast %convert_element_type3A_121 : f32 to vector<16x2xf32>
      %pad3A_123 = tpu.concatenate %pad3A_122, %slice3A_119 in 1 : vector<16x2xf32>, vector<16x8190xf32> -> vector<16x8192xf32>
      %slice3A_124 = vector.extract_strided_slice %sub3A_101 {offsets = [0, 0], sizes = [16, 8191], strides = [1, 1]} : vector<16x8192xf32> to vector<16x8191xf32>
      %jit3A_125 = arith.constant 0 : i32
      %convert_element_type3A_126 = arith.sitofp %jit3A_125 : i32 to f32
      %pad3A_127 = vector.broadcast %convert_element_type3A_126 : f32 to vector<16x1xf32>
      %pad3A_128 = tpu.concatenate %pad3A_127, %slice3A_124 in 1 : vector<16x1xf32>, vector<16x8191xf32> -> vector<16x8192xf32>
      %slice3A_129 = vector.extract_strided_slice %sub3A_101 {offsets = [0, 1], sizes = [16, 8191], strides = [1, 1]} : vector<16x8192xf32> to vector<16x8191xf32>
      %jit3A_130 = arith.constant 0 : i32
      %convert_element_type3A_131 = arith.sitofp %jit3A_130 : i32 to f32
      %pad3A_132 = vector.broadcast %convert_element_type3A_131 : f32 to vector<16x1xf32>
      %pad3A_133 = tpu.concatenate %slice3A_129, %pad3A_132 in 1 : vector<16x8191xf32>, vector<16x1xf32> -> vector<16x8192xf32>
      %slice3A_134 = vector.extract_strided_slice %sub3A_101 {offsets = [0, 2], sizes = [16, 8190], strides = [1, 1]} : vector<16x8192xf32> to vector<16x8190xf32>
      %jit3A_135 = arith.constant 0 : i32
      %convert_element_type3A_136 = arith.sitofp %jit3A_135 : i32 to f32
      %pad3A_137 = vector.broadcast %convert_element_type3A_136 : f32 to vector<16x2xf32>
      %pad3A_138 = tpu.concatenate %slice3A_134, %pad3A_137 in 1 : vector<16x8190xf32>, vector<16x2xf32> -> vector<16x8192xf32>
      %get3A_139 = arith.constant 0 : index
      %get3A_140 = memref.load %arg3[%get3A_139] : memref<16xf32, #tpu.memory_space<smem>>
      %get3A_141 = arith.constant 0 : index
      %get3A_142 = arith.constant 0 : index
      %get3A_143 = memref.load %arg2[%get3A_141, %get3A_142] : memref<16x5xf32, #tpu.memory_space<smem>>
      %mul3A_144 = vector.broadcast %get3A_143 : f32 to vector<16x8192xf32>
      %mul3A_145 = arith.mulf %mul3A_144, %pad3A_123 : vector<16x8192xf32>
      %add3A = vector.broadcast %get3A_140 : f32 to vector<16x8192xf32>
      %add3A_146 = arith.addf %add3A, %mul3A_145 : vector<16x8192xf32>
      %get3A_147 = arith.constant 0 : index
      %get3A_148 = arith.constant 1 : index
      %get3A_149 = memref.load %arg2[%get3A_147, %get3A_148] : memref<16x5xf32, #tpu.memory_space<smem>>
      %mul3A_150 = vector.broadcast %get3A_149 : f32 to vector<16x8192xf32>
      %mul3A_151 = arith.mulf %mul3A_150, %pad3A_128 : vector<16x8192xf32>
      %add3A_152 = arith.addf %add3A_146, %mul3A_151 : vector<16x8192xf32>
      %get3A_153 = arith.constant 0 : index
      %get3A_154 = arith.constant 2 : index
      %get3A_155 = memref.load %arg2[%get3A_153, %get3A_154] : memref<16x5xf32, #tpu.memory_space<smem>>
      %mul3A_156 = vector.broadcast %get3A_155 : f32 to vector<16x8192xf32>
      %mul3A_157 = arith.mulf %mul3A_156, %sub3A_101 : vector<16x8192xf32>
      %add3A_158 = arith.addf %add3A_152, %mul3A_157 : vector<16x8192xf32>
      %get3A_159 = arith.constant 0 : index
      %get3A_160 = arith.constant 3 : index
      %get3A_161 = memref.load %arg2[%get3A_159, %get3A_160] : memref<16x5xf32, #tpu.memory_space<smem>>
      %mul3A_162 = vector.broadcast %get3A_161 : f32 to vector<16x8192xf32>
      %mul3A_163 = arith.mulf %mul3A_162, %pad3A_133 : vector<16x8192xf32>
      %add3A_164 = arith.addf %add3A_158, %mul3A_163 : vector<16x8192xf32>
      %get3A_165 = arith.constant 0 : index
      %get3A_166 = arith.constant 4 : index
      %get3A_167 = memref.load %arg2[%get3A_165, %get3A_166] : memref<16x5xf32, #tpu.memory_space<smem>>
      %mul3A_168 = vector.broadcast %get3A_167 : f32 to vector<16x8192xf32>
      %mul3A_169 = arith.mulf %mul3A_168, %pad3A_138 : vector<16x8192xf32>
      %add3A_170 = arith.addf %add3A_164, %mul3A_169 : vector<16x8192xf32>
      %max3A = arith.constant 0.000000e+00 : f32
      %max3A_171 = vector.broadcast %max3A : f32 to vector<16x8192xf32>
      %max3A_172 = arith.maximumf %add3A_170, %max3A_171 : vector<16x8192xf32>
      %get3A_173 = arith.constant 0 : index
      %get3A_174 = arith.constant 0 : index
      %get3A_175 = memref.load %arg4[%get3A_173, %get3A_174] : memref<16x5xf32, #tpu.memory_space<smem>>
      %mul3A_176 = vector.broadcast %get3A_175 : f32 to vector<16x8192xf32>
      %mul3A_177 = arith.mulf %mul3A_176, %max3A_172 : vector<16x8192xf32>
      %get3A_178 = arith.constant 0 : index
      %get3A_179 = arith.constant 1 : index
      %get3A_180 = memref.load %arg4[%get3A_178, %get3A_179] : memref<16x5xf32, #tpu.memory_space<smem>>
      %mul3A_181 = vector.broadcast %get3A_180 : f32 to vector<16x8192xf32>
      %mul3A_182 = arith.mulf %mul3A_181, %max3A_172 : vector<16x8192xf32>
      %get3A_183 = arith.constant 0 : index
      %get3A_184 = arith.constant 2 : index
      %get3A_185 = memref.load %arg4[%get3A_183, %get3A_184] : memref<16x5xf32, #tpu.memory_space<smem>>
      %mul3A_186 = vector.broadcast %get3A_185 : f32 to vector<16x8192xf32>
      %mul3A_187 = arith.mulf %mul3A_186, %max3A_172 : vector<16x8192xf32>
      %get3A_188 = arith.constant 0 : index
      %get3A_189 = arith.constant 3 : index
      %get3A_190 = memref.load %arg4[%get3A_188, %get3A_189] : memref<16x5xf32, #tpu.memory_space<smem>>
      %mul3A_191 = vector.broadcast %get3A_190 : f32 to vector<16x8192xf32>
      %mul3A_192 = arith.mulf %mul3A_191, %max3A_172 : vector<16x8192xf32>
      %get3A_193 = arith.constant 0 : index
      %get3A_194 = arith.constant 4 : index
      %get3A_195 = memref.load %arg4[%get3A_193, %get3A_194] : memref<16x5xf32, #tpu.memory_space<smem>>
      %mul3A_196 = vector.broadcast %get3A_195 : f32 to vector<16x8192xf32>
      %mul3A_197 = arith.mulf %mul3A_196, %max3A_172 : vector<16x8192xf32>
      %get3A_198 = arith.constant 1 : index
      %get3A_199 = memref.load %arg3[%get3A_198] : memref<16xf32, #tpu.memory_space<smem>>
      %get3A_200 = arith.constant 1 : index
      %get3A_201 = arith.constant 0 : index
      %get3A_202 = memref.load %arg2[%get3A_200, %get3A_201] : memref<16x5xf32, #tpu.memory_space<smem>>
      %mul3A_203 = vector.broadcast %get3A_202 : f32 to vector<16x8192xf32>
      %mul3A_204 = arith.mulf %mul3A_203, %pad3A_123 : vector<16x8192xf32>
      %add3A_205 = vector.broadcast %get3A_199 : f32 to vector<16x8192xf32>
      %add3A_206 = arith.addf %add3A_205, %mul3A_204 : vector<16x8192xf32>
      %get3A_207 = arith.constant 1 : index
      %get3A_208 = arith.constant 1 : index
      %get3A_209 = memref.load %arg2[%get3A_207, %get3A_208] : memref<16x5xf32, #tpu.memory_space<smem>>
      %mul3A_210 = vector.broadcast %get3A_209 : f32 to vector<16x8192xf32>
      %mul3A_211 = arith.mulf %mul3A_210, %pad3A_128 : vector<16x8192xf32>
      %add3A_212 = arith.addf %add3A_206, %mul3A_211 : vector<16x8192xf32>
      %get3A_213 = arith.constant 1 : index
      %get3A_214 = arith.constant 2 : index
      %get3A_215 = memref.load %arg2[%get3A_213, %get3A_214] : memref<16x5xf32, #tpu.memory_space<smem>>
      %mul3A_216 = vector.broadcast %get3A_215 : f32 to vector<16x8192xf32>
      %mul3A_217 = arith.mulf %mul3A_216, %sub3A_101 : vector<16x8192xf32>
      %add3A_218 = arith.addf %add3A_212, %mul3A_217 : vector<16x8192xf32>
      %get3A_219 = arith.constant 1 : index
      %get3A_220 = arith.constant 3 : index
      %get3A_221 = memref.load %arg2[%get3A_219, %get3A_220] : memref<16x5xf32, #tpu.memory_space<smem>>
      %mul3A_222 = vector.broadcast %get3A_221 : f32 to vector<16x8192xf32>
      %mul3A_223 = arith.mulf %mul3A_222, %pad3A_133 : vector<16x8192xf32>
      %add3A_224 = arith.addf %add3A_218, %mul3A_223 : vector<16x8192xf32>
      %get3A_225 = arith.constant 1 : index
      %get3A_226 = arith.constant 4 : index
      %get3A_227 = memref.load %arg2[%get3A_225, %get3A_226] : memref<16x5xf32, #tpu.memory_space<smem>>
      %mul3A_228 = vector.broadcast %get3A_227 : f32 to vector<16x8192xf32>
      %mul3A_229 = arith.mulf %mul3A_228, %pad3A_138 : vector<16x8192xf32>
      %add3A_230 = arith.addf %add3A_224, %mul3A_229 : vector<16x8192xf32>
      %max3A_231 = arith.constant 0.000000e+00 : f32
      %max3A_232 = vector.broadcast %max3A_231 : f32 to vector<16x8192xf32>
      %max3A_233 = arith.maximumf %add3A_230, %max3A_232 : vector<16x8192xf32>
      %get3A_234 = arith.constant 1 : index
      %get3A_235 = arith.constant 0 : index
      %get3A_236 = memref.load %arg4[%get3A_234, %get3A_235] : memref<16x5xf32, #tpu.memory_space<smem>>
      %mul3A_237 = vector.broadcast %get3A_236 : f32 to vector<16x8192xf32>
      %mul3A_238 = arith.mulf %mul3A_237, %max3A_233 : vector<16x8192xf32>
      %add3A_239 = arith.addf %mul3A_177, %mul3A_238 : vector<16x8192xf32>
      %get3A_240 = arith.constant 1 : index
      %get3A_241 = arith.constant 1 : index
      %get3A_242 = memref.load %arg4[%get3A_240, %get3A_241] : memref<16x5xf32, #tpu.memory_space<smem>>
      %mul3A_243 = vector.broadcast %get3A_242 : f32 to vector<16x8192xf32>
      %mul3A_244 = arith.mulf %mul3A_243, %max3A_233 : vector<16x8192xf32>
      %add3A_245 = arith.addf %mul3A_182, %mul3A_244 : vector<16x8192xf32>
      %get3A_246 = arith.constant 1 : index
      %get3A_247 = arith.constant 2 : index
      %get3A_248 = memref.load %arg4[%get3A_246, %get3A_247] : memref<16x5xf32, #tpu.memory_space<smem>>
      %mul3A_249 = vector.broadcast %get3A_248 : f32 to vector<16x8192xf32>
      %mul3A_250 = arith.mulf %mul3A_249, %max3A_233 : vector<16x8192xf32>
      %add3A_251 = arith.addf %mul3A_187, %mul3A_250 : vector<16x8192xf32>
      %get3A_252 = arith.constant 1 : index
      %get3A_253 = arith.constant 3 : index
      %get3A_254 = memref.load %arg4[%get3A_252, %get3A_253] : memref<16x5xf32, #tpu.memory_space<smem>>
      %mul3A_255 = vector.broadcast %get3A_254 : f32 to vector<16x8192xf32>
      %mul3A_256 = arith.mulf %mul3A_255, %max3A_233 : vector<16x8192xf32>
      %add3A_257 = arith.addf %mul3A_192, %mul3A_256 : vector<16x8192xf32>
      %get3A_258 = arith.constant 1 : index
      %get3A_259 = arith.constant 4 : index
      %get3A_260 = memref.load %arg4[%get3A_258, %get3A_259] : memref<16x5xf32, #tpu.memory_space<smem>>
      %mul3A_261 = vector.broadcast %get3A_260 : f32 to vector<16x8192xf32>
      %mul3A_262 = arith.mulf %mul3A_261, %max3A_233 : vector<16x8192xf32>
      %add3A_263 = arith.addf %mul3A_197, %mul3A_262 : vector<16x8192xf32>
      %get3A_264 = arith.constant 2 : index
      %get3A_265 = memref.load %arg3[%get3A_264] : memref<16xf32, #tpu.memory_space<smem>>
      %get3A_266 = arith.constant 2 : index
      %get3A_267 = arith.constant 0 : index
      %get3A_268 = memref.load %arg2[%get3A_266, %get3A_267] : memref<16x5xf32, #tpu.memory_space<smem>>
      %mul3A_269 = vector.broadcast %get3A_268 : f32 to vector<16x8192xf32>
      %mul3A_270 = arith.mulf %mul3A_269, %pad3A_123 : vector<16x8192xf32>
      %add3A_271 = vector.broadcast %get3A_265 : f32 to vector<16x8192xf32>
      %add3A_272 = arith.addf %add3A_271, %mul3A_270 : vector<16x8192xf32>
      %get3A_273 = arith.constant 2 : index
      %get3A_274 = arith.constant 1 : index
      %get3A_275 = memref.load %arg2[%get3A_273, %get3A_274] : memref<16x5xf32, #tpu.memory_space<smem>>
      %mul3A_276 = vector.broadcast %get3A_275 : f32 to vector<16x8192xf32>
      %mul3A_277 = arith.mulf %mul3A_276, %pad3A_128 : vector<16x8192xf32>
      %add3A_278 = arith.addf %add3A_272, %mul3A_277 : vector<16x8192xf32>
      %get3A_279 = arith.constant 2 : index
      %get3A_280 = arith.constant 2 : index
      %get3A_281 = memref.load %arg2[%get3A_279, %get3A_280] : memref<16x5xf32, #tpu.memory_space<smem>>
      %mul3A_282 = vector.broadcast %get3A_281 : f32 to vector<16x8192xf32>
      %mul3A_283 = arith.mulf %mul3A_282, %sub3A_101 : vector<16x8192xf32>
      %add3A_284 = arith.addf %add3A_278, %mul3A_283 : vector<16x8192xf32>
      %get3A_285 = arith.constant 2 : index
      %get3A_286 = arith.constant 3 : index
      %get3A_287 = memref.load %arg2[%get3A_285, %get3A_286] : memref<16x5xf32, #tpu.memory_space<smem>>
      %mul3A_288 = vector.broadcast %get3A_287 : f32 to vector<16x8192xf32>
      %mul3A_289 = arith.mulf %mul3A_288, %pad3A_133 : vector<16x8192xf32>
      %add3A_290 = arith.addf %add3A_284, %mul3A_289 : vector<16x8192xf32>
      %get3A_291 = arith.constant 2 : index
      %get3A_292 = arith.constant 4 : index
      %get3A_293 = memref.load %arg2[%get3A_291, %get3A_292] : memref<16x5xf32, #tpu.memory_space<smem>>
      %mul3A_294 = vector.broadcast %get3A_293 : f32 to vector<16x8192xf32>
      %mul3A_295 = arith.mulf %mul3A_294, %pad3A_138 : vector<16x8192xf32>
      %add3A_296 = arith.addf %add3A_290, %mul3A_295 : vector<16x8192xf32>
      %max3A_297 = arith.constant 0.000000e+00 : f32
      %max3A_298 = vector.broadcast %max3A_297 : f32 to vector<16x8192xf32>
      %max3A_299 = arith.maximumf %add3A_296, %max3A_298 : vector<16x8192xf32>
      %get3A_300 = arith.constant 2 : index
      %get3A_301 = arith.constant 0 : index
      %get3A_302 = memref.load %arg4[%get3A_300, %get3A_301] : memref<16x5xf32, #tpu.memory_space<smem>>
      %mul3A_303 = vector.broadcast %get3A_302 : f32 to vector<16x8192xf32>
      %mul3A_304 = arith.mulf %mul3A_303, %max3A_299 : vector<16x8192xf32>
      %add3A_305 = arith.addf %add3A_239, %mul3A_304 : vector<16x8192xf32>
      %get3A_306 = arith.constant 2 : index
      %get3A_307 = arith.constant 1 : index
      %get3A_308 = memref.load %arg4[%get3A_306, %get3A_307] : memref<16x5xf32, #tpu.memory_space<smem>>
      %mul3A_309 = vector.broadcast %get3A_308 : f32 to vector<16x8192xf32>
      %mul3A_310 = arith.mulf %mul3A_309, %max3A_299 : vector<16x8192xf32>
      %add3A_311 = arith.addf %add3A_245, %mul3A_310 : vector<16x8192xf32>
      %get3A_312 = arith.constant 2 : index
      %get3A_313 = arith.constant 2 : index
      %get3A_314 = memref.load %arg4[%get3A_312, %get3A_313] : memref<16x5xf32, #tpu.memory_space<smem>>
      %mul3A_315 = vector.broadcast %get3A_314 : f32 to vector<16x8192xf32>
      %mul3A_316 = arith.mulf %mul3A_315, %max3A_299 : vector<16x8192xf32>
      %add3A_317 = arith.addf %add3A_251, %mul3A_316 : vector<16x8192xf32>
      %get3A_318 = arith.constant 2 : index
      %get3A_319 = arith.constant 3 : index
      %get3A_320 = memref.load %arg4[%get3A_318, %get3A_319] : memref<16x5xf32, #tpu.memory_space<smem>>
      %mul3A_321 = vector.broadcast %get3A_320 : f32 to vector<16x8192xf32>
      %mul3A_322 = arith.mulf %mul3A_321, %max3A_299 : vector<16x8192xf32>
      %add3A_323 = arith.addf %add3A_257, %mul3A_322 : vector<16x8192xf32>
      %get3A_324 = arith.constant 2 : index
      %get3A_325 = arith.constant 4 : index
      %get3A_326 = memref.load %arg4[%get3A_324, %get3A_325] : memref<16x5xf32, #tpu.memory_space<smem>>
      %mul3A_327 = vector.broadcast %get3A_326 : f32 to vector<16x8192xf32>
      %mul3A_328 = arith.mulf %mul3A_327, %max3A_299 : vector<16x8192xf32>
      %add3A_329 = arith.addf %add3A_263, %mul3A_328 : vector<16x8192xf32>
      %get3A_330 = arith.constant 3 : index
      %get3A_331 = memref.load %arg3[%get3A_330] : memref<16xf32, #tpu.memory_space<smem>>
      %get3A_332 = arith.constant 3 : index
      %get3A_333 = arith.constant 0 : index
      %get3A_334 = memref.load %arg2[%get3A_332, %get3A_333] : memref<16x5xf32, #tpu.memory_space<smem>>
      %mul3A_335 = vector.broadcast %get3A_334 : f32 to vector<16x8192xf32>
      %mul3A_336 = arith.mulf %mul3A_335, %pad3A_123 : vector<16x8192xf32>
      %add3A_337 = vector.broadcast %get3A_331 : f32 to vector<16x8192xf32>
      %add3A_338 = arith.addf %add3A_337, %mul3A_336 : vector<16x8192xf32>
      %get3A_339 = arith.constant 3 : index
      %get3A_340 = arith.constant 1 : index
      %get3A_341 = memref.load %arg2[%get3A_339, %get3A_340] : memref<16x5xf32, #tpu.memory_space<smem>>
      %mul3A_342 = vector.broadcast %get3A_341 : f32 to vector<16x8192xf32>
      %mul3A_343 = arith.mulf %mul3A_342, %pad3A_128 : vector<16x8192xf32>
      %add3A_344 = arith.addf %add3A_338, %mul3A_343 : vector<16x8192xf32>
      %get3A_345 = arith.constant 3 : index
      %get3A_346 = arith.constant 2 : index
      %get3A_347 = memref.load %arg2[%get3A_345, %get3A_346] : memref<16x5xf32, #tpu.memory_space<smem>>
      %mul3A_348 = vector.broadcast %get3A_347 : f32 to vector<16x8192xf32>
      %mul3A_349 = arith.mulf %mul3A_348, %sub3A_101 : vector<16x8192xf32>
      %add3A_350 = arith.addf %add3A_344, %mul3A_349 : vector<16x8192xf32>
      %get3A_351 = arith.constant 3 : index
      %get3A_352 = arith.constant 3 : index
      %get3A_353 = memref.load %arg2[%get3A_351, %get3A_352] : memref<16x5xf32, #tpu.memory_space<smem>>
      %mul3A_354 = vector.broadcast %get3A_353 : f32 to vector<16x8192xf32>
      %mul3A_355 = arith.mulf %mul3A_354, %pad3A_133 : vector<16x8192xf32>
      %add3A_356 = arith.addf %add3A_350, %mul3A_355 : vector<16x8192xf32>
      %get3A_357 = arith.constant 3 : index
      %get3A_358 = arith.constant 4 : index
      %get3A_359 = memref.load %arg2[%get3A_357, %get3A_358] : memref<16x5xf32, #tpu.memory_space<smem>>
      %mul3A_360 = vector.broadcast %get3A_359 : f32 to vector<16x8192xf32>
      %mul3A_361 = arith.mulf %mul3A_360, %pad3A_138 : vector<16x8192xf32>
      %add3A_362 = arith.addf %add3A_356, %mul3A_361 : vector<16x8192xf32>
      %max3A_363 = arith.constant 0.000000e+00 : f32
      %max3A_364 = vector.broadcast %max3A_363 : f32 to vector<16x8192xf32>
      %max3A_365 = arith.maximumf %add3A_362, %max3A_364 : vector<16x8192xf32>
      %get3A_366 = arith.constant 3 : index
      %get3A_367 = arith.constant 0 : index
      %get3A_368 = memref.load %arg4[%get3A_366, %get3A_367] : memref<16x5xf32, #tpu.memory_space<smem>>
      %mul3A_369 = vector.broadcast %get3A_368 : f32 to vector<16x8192xf32>
      %mul3A_370 = arith.mulf %mul3A_369, %max3A_365 : vector<16x8192xf32>
      %add3A_371 = arith.addf %add3A_305, %mul3A_370 : vector<16x8192xf32>
      %get3A_372 = arith.constant 3 : index
      %get3A_373 = arith.constant 1 : index
      %get3A_374 = memref.load %arg4[%get3A_372, %get3A_373] : memref<16x5xf32, #tpu.memory_space<smem>>
      %mul3A_375 = vector.broadcast %get3A_374 : f32 to vector<16x8192xf32>
      %mul3A_376 = arith.mulf %mul3A_375, %max3A_365 : vector<16x8192xf32>
      %add3A_377 = arith.addf %add3A_311, %mul3A_376 : vector<16x8192xf32>
      %get3A_378 = arith.constant 3 : index
      %get3A_379 = arith.constant 2 : index
      %get3A_380 = memref.load %arg4[%get3A_378, %get3A_379] : memref<16x5xf32, #tpu.memory_space<smem>>
      %mul3A_381 = vector.broadcast %get3A_380 : f32 to vector<16x8192xf32>
      %mul3A_382 = arith.mulf %mul3A_381, %max3A_365 : vector<16x8192xf32>
      %add3A_383 = arith.addf %add3A_317, %mul3A_382 : vector<16x8192xf32>
      %get3A_384 = arith.constant 3 : index
      %get3A_385 = arith.constant 3 : index
      %get3A_386 = memref.load %arg4[%get3A_384, %get3A_385] : memref<16x5xf32, #tpu.memory_space<smem>>
      %mul3A_387 = vector.broadcast %get3A_386 : f32 to vector<16x8192xf32>
      %mul3A_388 = arith.mulf %mul3A_387, %max3A_365 : vector<16x8192xf32>
      %add3A_389 = arith.addf %add3A_323, %mul3A_388 : vector<16x8192xf32>
      %get3A_390 = arith.constant 3 : index
      %get3A_391 = arith.constant 4 : index
      %get3A_392 = memref.load %arg4[%get3A_390, %get3A_391] : memref<16x5xf32, #tpu.memory_space<smem>>
      %mul3A_393 = vector.broadcast %get3A_392 : f32 to vector<16x8192xf32>
      %mul3A_394 = arith.mulf %mul3A_393, %max3A_365 : vector<16x8192xf32>
      %add3A_395 = arith.addf %add3A_329, %mul3A_394 : vector<16x8192xf32>
      %get3A_396 = arith.constant 4 : index
      %get3A_397 = memref.load %arg3[%get3A_396] : memref<16xf32, #tpu.memory_space<smem>>
      %get3A_398 = arith.constant 4 : index
      %get3A_399 = arith.constant 0 : index
      %get3A_400 = memref.load %arg2[%get3A_398, %get3A_399] : memref<16x5xf32, #tpu.memory_space<smem>>
      %mul3A_401 = vector.broadcast %get3A_400 : f32 to vector<16x8192xf32>
      %mul3A_402 = arith.mulf %mul3A_401, %pad3A_123 : vector<16x8192xf32>
      %add3A_403 = vector.broadcast %get3A_397 : f32 to vector<16x8192xf32>
      %add3A_404 = arith.addf %add3A_403, %mul3A_402 : vector<16x8192xf32>
      %get3A_405 = arith.constant 4 : index
      %get3A_406 = arith.constant 1 : index
      %get3A_407 = memref.load %arg2[%get3A_405, %get3A_406] : memref<16x5xf32, #tpu.memory_space<smem>>
      %mul3A_408 = vector.broadcast %get3A_407 : f32 to vector<16x8192xf32>
      %mul3A_409 = arith.mulf %mul3A_408, %pad3A_128 : vector<16x8192xf32>
      %add3A_410 = arith.addf %add3A_404, %mul3A_409 : vector<16x8192xf32>
      %get3A_411 = arith.constant 4 : index
      %get3A_412 = arith.constant 2 : index
      %get3A_413 = memref.load %arg2[%get3A_411, %get3A_412] : memref<16x5xf32, #tpu.memory_space<smem>>
      %mul3A_414 = vector.broadcast %get3A_413 : f32 to vector<16x8192xf32>
      %mul3A_415 = arith.mulf %mul3A_414, %sub3A_101 : vector<16x8192xf32>
      %add3A_416 = arith.addf %add3A_410, %mul3A_415 : vector<16x8192xf32>
      %get3A_417 = arith.constant 4 : index
      %get3A_418 = arith.constant 3 : index
      %get3A_419 = memref.load %arg2[%get3A_417, %get3A_418] : memref<16x5xf32, #tpu.memory_space<smem>>
      %mul3A_420 = vector.broadcast %get3A_419 : f32 to vector<16x8192xf32>
      %mul3A_421 = arith.mulf %mul3A_420, %pad3A_133 : vector<16x8192xf32>
      %add3A_422 = arith.addf %add3A_416, %mul3A_421 : vector<16x8192xf32>
      %get3A_423 = arith.constant 4 : index
      %get3A_424 = arith.constant 4 : index
      %get3A_425 = memref.load %arg2[%get3A_423, %get3A_424] : memref<16x5xf32, #tpu.memory_space<smem>>
      %mul3A_426 = vector.broadcast %get3A_425 : f32 to vector<16x8192xf32>
      %mul3A_427 = arith.mulf %mul3A_426, %pad3A_138 : vector<16x8192xf32>
      %add3A_428 = arith.addf %add3A_422, %mul3A_427 : vector<16x8192xf32>
      %max3A_429 = arith.constant 0.000000e+00 : f32
      %max3A_430 = vector.broadcast %max3A_429 : f32 to vector<16x8192xf32>
      %max3A_431 = arith.maximumf %add3A_428, %max3A_430 : vector<16x8192xf32>
      %get3A_432 = arith.constant 4 : index
      %get3A_433 = arith.constant 0 : index
      %get3A_434 = memref.load %arg4[%get3A_432, %get3A_433] : memref<16x5xf32, #tpu.memory_space<smem>>
      %mul3A_435 = vector.broadcast %get3A_434 : f32 to vector<16x8192xf32>
      %mul3A_436 = arith.mulf %mul3A_435, %max3A_431 : vector<16x8192xf32>
      %add3A_437 = arith.addf %add3A_371, %mul3A_436 : vector<16x8192xf32>
      %get3A_438 = arith.constant 4 : index
      %get3A_439 = arith.constant 1 : index
      %get3A_440 = memref.load %arg4[%get3A_438, %get3A_439] : memref<16x5xf32, #tpu.memory_space<smem>>
      %mul3A_441 = vector.broadcast %get3A_440 : f32 to vector<16x8192xf32>
      %mul3A_442 = arith.mulf %mul3A_441, %max3A_431 : vector<16x8192xf32>
      %add3A_443 = arith.addf %add3A_377, %mul3A_442 : vector<16x8192xf32>
      %get3A_444 = arith.constant 4 : index
      %get3A_445 = arith.constant 2 : index
      %get3A_446 = memref.load %arg4[%get3A_444, %get3A_445] : memref<16x5xf32, #tpu.memory_space<smem>>
      %mul3A_447 = vector.broadcast %get3A_446 : f32 to vector<16x8192xf32>
      %mul3A_448 = arith.mulf %mul3A_447, %max3A_431 : vector<16x8192xf32>
      %add3A_449 = arith.addf %add3A_383, %mul3A_448 : vector<16x8192xf32>
      %get3A_450 = arith.constant 4 : index
      %get3A_451 = arith.constant 3 : index
      %get3A_452 = memref.load %arg4[%get3A_450, %get3A_451] : memref<16x5xf32, #tpu.memory_space<smem>>
      %mul3A_453 = vector.broadcast %get3A_452 : f32 to vector<16x8192xf32>
      %mul3A_454 = arith.mulf %mul3A_453, %max3A_431 : vector<16x8192xf32>
      %add3A_455 = arith.addf %add3A_389, %mul3A_454 : vector<16x8192xf32>
      %get3A_456 = arith.constant 4 : index
      %get3A_457 = arith.constant 4 : index
      %get3A_458 = memref.load %arg4[%get3A_456, %get3A_457] : memref<16x5xf32, #tpu.memory_space<smem>>
      %mul3A_459 = vector.broadcast %get3A_458 : f32 to vector<16x8192xf32>
      %mul3A_460 = arith.mulf %mul3A_459, %max3A_431 : vector<16x8192xf32>
      %add3A_461 = arith.addf %add3A_395, %mul3A_460 : vector<16x8192xf32>
      %get3A_462 = arith.constant 5 : index
      %get3A_463 = memref.load %arg3[%get3A_462] : memref<16xf32, #tpu.memory_space<smem>>
      %get3A_464 = arith.constant 5 : index
      %get3A_465 = arith.constant 0 : index
      %get3A_466 = memref.load %arg2[%get3A_464, %get3A_465] : memref<16x5xf32, #tpu.memory_space<smem>>
      %mul3A_467 = vector.broadcast %get3A_466 : f32 to vector<16x8192xf32>
      %mul3A_468 = arith.mulf %mul3A_467, %pad3A_123 : vector<16x8192xf32>
      %add3A_469 = vector.broadcast %get3A_463 : f32 to vector<16x8192xf32>
      %add3A_470 = arith.addf %add3A_469, %mul3A_468 : vector<16x8192xf32>
      %get3A_471 = arith.constant 5 : index
      %get3A_472 = arith.constant 1 : index
      %get3A_473 = memref.load %arg2[%get3A_471, %get3A_472] : memref<16x5xf32, #tpu.memory_space<smem>>
      %mul3A_474 = vector.broadcast %get3A_473 : f32 to vector<16x8192xf32>
      %mul3A_475 = arith.mulf %mul3A_474, %pad3A_128 : vector<16x8192xf32>
      %add3A_476 = arith.addf %add3A_470, %mul3A_475 : vector<16x8192xf32>
      %get3A_477 = arith.constant 5 : index
      %get3A_478 = arith.constant 2 : index
      %get3A_479 = memref.load %arg2[%get3A_477, %get3A_478] : memref<16x5xf32, #tpu.memory_space<smem>>
      %mul3A_480 = vector.broadcast %get3A_479 : f32 to vector<16x8192xf32>
      %mul3A_481 = arith.mulf %mul3A_480, %sub3A_101 : vector<16x8192xf32>
      %add3A_482 = arith.addf %add3A_476, %mul3A_481 : vector<16x8192xf32>
      %get3A_483 = arith.constant 5 : index
      %get3A_484 = arith.constant 3 : index
      %get3A_485 = memref.load %arg2[%get3A_483, %get3A_484] : memref<16x5xf32, #tpu.memory_space<smem>>
      %mul3A_486 = vector.broadcast %get3A_485 : f32 to vector<16x8192xf32>
      %mul3A_487 = arith.mulf %mul3A_486, %pad3A_133 : vector<16x8192xf32>
      %add3A_488 = arith.addf %add3A_482, %mul3A_487 : vector<16x8192xf32>
      %get3A_489 = arith.constant 5 : index
      %get3A_490 = arith.constant 4 : index
      %get3A_491 = memref.load %arg2[%get3A_489, %get3A_490] : memref<16x5xf32, #tpu.memory_space<smem>>
      %mul3A_492 = vector.broadcast %get3A_491 : f32 to vector<16x8192xf32>
      %mul3A_493 = arith.mulf %mul3A_492, %pad3A_138 : vector<16x8192xf32>
      %add3A_494 = arith.addf %add3A_488, %mul3A_493 : vector<16x8192xf32>
      %max3A_495 = arith.constant 0.000000e+00 : f32
      %max3A_496 = vector.broadcast %max3A_495 : f32 to vector<16x8192xf32>
      %max3A_497 = arith.maximumf %add3A_494, %max3A_496 : vector<16x8192xf32>
      %get3A_498 = arith.constant 5 : index
      %get3A_499 = arith.constant 0 : index
      %get3A_500 = memref.load %arg4[%get3A_498, %get3A_499] : memref<16x5xf32, #tpu.memory_space<smem>>
      %mul3A_501 = vector.broadcast %get3A_500 : f32 to vector<16x8192xf32>
      %mul3A_502 = arith.mulf %mul3A_501, %max3A_497 : vector<16x8192xf32>
      %add3A_503 = arith.addf %add3A_437, %mul3A_502 : vector<16x8192xf32>
      %get3A_504 = arith.constant 5 : index
      %get3A_505 = arith.constant 1 : index
      %get3A_506 = memref.load %arg4[%get3A_504, %get3A_505] : memref<16x5xf32, #tpu.memory_space<smem>>
      %mul3A_507 = vector.broadcast %get3A_506 : f32 to vector<16x8192xf32>
      %mul3A_508 = arith.mulf %mul3A_507, %max3A_497 : vector<16x8192xf32>
      %add3A_509 = arith.addf %add3A_443, %mul3A_508 : vector<16x8192xf32>
      %get3A_510 = arith.constant 5 : index
      %get3A_511 = arith.constant 2 : index
      %get3A_512 = memref.load %arg4[%get3A_510, %get3A_511] : memref<16x5xf32, #tpu.memory_space<smem>>
      %mul3A_513 = vector.broadcast %get3A_512 : f32 to vector<16x8192xf32>
      %mul3A_514 = arith.mulf %mul3A_513, %max3A_497 : vector<16x8192xf32>
      %add3A_515 = arith.addf %add3A_449, %mul3A_514 : vector<16x8192xf32>
      %get3A_516 = arith.constant 5 : index
      %get3A_517 = arith.constant 3 : index
      %get3A_518 = memref.load %arg4[%get3A_516, %get3A_517] : memref<16x5xf32, #tpu.memory_space<smem>>
      %mul3A_519 = vector.broadcast %get3A_518 : f32 to vector<16x8192xf32>
      %mul3A_520 = arith.mulf %mul3A_519, %max3A_497 : vector<16x8192xf32>
      %add3A_521 = arith.addf %add3A_455, %mul3A_520 : vector<16x8192xf32>
      %get3A_522 = arith.constant 5 : index
      %get3A_523 = arith.constant 4 : index
      %get3A_524 = memref.load %arg4[%get3A_522, %get3A_523] : memref<16x5xf32, #tpu.memory_space<smem>>
      %mul3A_525 = vector.broadcast %get3A_524 : f32 to vector<16x8192xf32>
      %mul3A_526 = arith.mulf %mul3A_525, %max3A_497 : vector<16x8192xf32>
      %add3A_527 = arith.addf %add3A_461, %mul3A_526 : vector<16x8192xf32>
      %get3A_528 = arith.constant 6 : index
      %get3A_529 = memref.load %arg3[%get3A_528] : memref<16xf32, #tpu.memory_space<smem>>
      %get3A_530 = arith.constant 6 : index
      %get3A_531 = arith.constant 0 : index
      %get3A_532 = memref.load %arg2[%get3A_530, %get3A_531] : memref<16x5xf32, #tpu.memory_space<smem>>
      %mul3A_533 = vector.broadcast %get3A_532 : f32 to vector<16x8192xf32>
      %mul3A_534 = arith.mulf %mul3A_533, %pad3A_123 : vector<16x8192xf32>
      %add3A_535 = vector.broadcast %get3A_529 : f32 to vector<16x8192xf32>
      %add3A_536 = arith.addf %add3A_535, %mul3A_534 : vector<16x8192xf32>
      %get3A_537 = arith.constant 6 : index
      %get3A_538 = arith.constant 1 : index
      %get3A_539 = memref.load %arg2[%get3A_537, %get3A_538] : memref<16x5xf32, #tpu.memory_space<smem>>
      %mul3A_540 = vector.broadcast %get3A_539 : f32 to vector<16x8192xf32>
      %mul3A_541 = arith.mulf %mul3A_540, %pad3A_128 : vector<16x8192xf32>
      %add3A_542 = arith.addf %add3A_536, %mul3A_541 : vector<16x8192xf32>
      %get3A_543 = arith.constant 6 : index
      %get3A_544 = arith.constant 2 : index
      %get3A_545 = memref.load %arg2[%get3A_543, %get3A_544] : memref<16x5xf32, #tpu.memory_space<smem>>
      %mul3A_546 = vector.broadcast %get3A_545 : f32 to vector<16x8192xf32>
      %mul3A_547 = arith.mulf %mul3A_546, %sub3A_101 : vector<16x8192xf32>
      %add3A_548 = arith.addf %add3A_542, %mul3A_547 : vector<16x8192xf32>
      %get3A_549 = arith.constant 6 : index
      %get3A_550 = arith.constant 3 : index
      %get3A_551 = memref.load %arg2[%get3A_549, %get3A_550] : memref<16x5xf32, #tpu.memory_space<smem>>
      %mul3A_552 = vector.broadcast %get3A_551 : f32 to vector<16x8192xf32>
      %mul3A_553 = arith.mulf %mul3A_552, %pad3A_133 : vector<16x8192xf32>
      %add3A_554 = arith.addf %add3A_548, %mul3A_553 : vector<16x8192xf32>
      %get3A_555 = arith.constant 6 : index
      %get3A_556 = arith.constant 4 : index
      %get3A_557 = memref.load %arg2[%get3A_555, %get3A_556] : memref<16x5xf32, #tpu.memory_space<smem>>
      %mul3A_558 = vector.broadcast %get3A_557 : f32 to vector<16x8192xf32>
      %mul3A_559 = arith.mulf %mul3A_558, %pad3A_138 : vector<16x8192xf32>
      %add3A_560 = arith.addf %add3A_554, %mul3A_559 : vector<16x8192xf32>
      %max3A_561 = arith.constant 0.000000e+00 : f32
      %max3A_562 = vector.broadcast %max3A_561 : f32 to vector<16x8192xf32>
      %max3A_563 = arith.maximumf %add3A_560, %max3A_562 : vector<16x8192xf32>
      %get3A_564 = arith.constant 6 : index
      %get3A_565 = arith.constant 0 : index
      %get3A_566 = memref.load %arg4[%get3A_564, %get3A_565] : memref<16x5xf32, #tpu.memory_space<smem>>
      %mul3A_567 = vector.broadcast %get3A_566 : f32 to vector<16x8192xf32>
      %mul3A_568 = arith.mulf %mul3A_567, %max3A_563 : vector<16x8192xf32>
      %add3A_569 = arith.addf %add3A_503, %mul3A_568 : vector<16x8192xf32>
      %get3A_570 = arith.constant 6 : index
      %get3A_571 = arith.constant 1 : index
      %get3A_572 = memref.load %arg4[%get3A_570, %get3A_571] : memref<16x5xf32, #tpu.memory_space<smem>>
      %mul3A_573 = vector.broadcast %get3A_572 : f32 to vector<16x8192xf32>
      %mul3A_574 = arith.mulf %mul3A_573, %max3A_563 : vector<16x8192xf32>
      %add3A_575 = arith.addf %add3A_509, %mul3A_574 : vector<16x8192xf32>
      %get3A_576 = arith.constant 6 : index
      %get3A_577 = arith.constant 2 : index
      %get3A_578 = memref.load %arg4[%get3A_576, %get3A_577] : memref<16x5xf32, #tpu.memory_space<smem>>
      %mul3A_579 = vector.broadcast %get3A_578 : f32 to vector<16x8192xf32>
      %mul3A_580 = arith.mulf %mul3A_579, %max3A_563 : vector<16x8192xf32>
      %add3A_581 = arith.addf %add3A_515, %mul3A_580 : vector<16x8192xf32>
      %get3A_582 = arith.constant 6 : index
      %get3A_583 = arith.constant 3 : index
      %get3A_584 = memref.load %arg4[%get3A_582, %get3A_583] : memref<16x5xf32, #tpu.memory_space<smem>>
      %mul3A_585 = vector.broadcast %get3A_584 : f32 to vector<16x8192xf32>
      %mul3A_586 = arith.mulf %mul3A_585, %max3A_563 : vector<16x8192xf32>
      %add3A_587 = arith.addf %add3A_521, %mul3A_586 : vector<16x8192xf32>
      %get3A_588 = arith.constant 6 : index
      %get3A_589 = arith.constant 4 : index
      %get3A_590 = memref.load %arg4[%get3A_588, %get3A_589] : memref<16x5xf32, #tpu.memory_space<smem>>
      %mul3A_591 = vector.broadcast %get3A_590 : f32 to vector<16x8192xf32>
      %mul3A_592 = arith.mulf %mul3A_591, %max3A_563 : vector<16x8192xf32>
      %add3A_593 = arith.addf %add3A_527, %mul3A_592 : vector<16x8192xf32>
      %get3A_594 = arith.constant 7 : index
      %get3A_595 = memref.load %arg3[%get3A_594] : memref<16xf32, #tpu.memory_space<smem>>
      %get3A_596 = arith.constant 7 : index
      %get3A_597 = arith.constant 0 : index
      %get3A_598 = memref.load %arg2[%get3A_596, %get3A_597] : memref<16x5xf32, #tpu.memory_space<smem>>
      %mul3A_599 = vector.broadcast %get3A_598 : f32 to vector<16x8192xf32>
      %mul3A_600 = arith.mulf %mul3A_599, %pad3A_123 : vector<16x8192xf32>
      %add3A_601 = vector.broadcast %get3A_595 : f32 to vector<16x8192xf32>
      %add3A_602 = arith.addf %add3A_601, %mul3A_600 : vector<16x8192xf32>
      %get3A_603 = arith.constant 7 : index
      %get3A_604 = arith.constant 1 : index
      %get3A_605 = memref.load %arg2[%get3A_603, %get3A_604] : memref<16x5xf32, #tpu.memory_space<smem>>
      %mul3A_606 = vector.broadcast %get3A_605 : f32 to vector<16x8192xf32>
      %mul3A_607 = arith.mulf %mul3A_606, %pad3A_128 : vector<16x8192xf32>
      %add3A_608 = arith.addf %add3A_602, %mul3A_607 : vector<16x8192xf32>
      %get3A_609 = arith.constant 7 : index
      %get3A_610 = arith.constant 2 : index
      %get3A_611 = memref.load %arg2[%get3A_609, %get3A_610] : memref<16x5xf32, #tpu.memory_space<smem>>
      %mul3A_612 = vector.broadcast %get3A_611 : f32 to vector<16x8192xf32>
      %mul3A_613 = arith.mulf %mul3A_612, %sub3A_101 : vector<16x8192xf32>
      %add3A_614 = arith.addf %add3A_608, %mul3A_613 : vector<16x8192xf32>
      %get3A_615 = arith.constant 7 : index
      %get3A_616 = arith.constant 3 : index
      %get3A_617 = memref.load %arg2[%get3A_615, %get3A_616] : memref<16x5xf32, #tpu.memory_space<smem>>
      %mul3A_618 = vector.broadcast %get3A_617 : f32 to vector<16x8192xf32>
      %mul3A_619 = arith.mulf %mul3A_618, %pad3A_133 : vector<16x8192xf32>
      %add3A_620 = arith.addf %add3A_614, %mul3A_619 : vector<16x8192xf32>
      %get3A_621 = arith.constant 7 : index
      %get3A_622 = arith.constant 4 : index
      %get3A_623 = memref.load %arg2[%get3A_621, %get3A_622] : memref<16x5xf32, #tpu.memory_space<smem>>
      %mul3A_624 = vector.broadcast %get3A_623 : f32 to vector<16x8192xf32>
      %mul3A_625 = arith.mulf %mul3A_624, %pad3A_138 : vector<16x8192xf32>
      %add3A_626 = arith.addf %add3A_620, %mul3A_625 : vector<16x8192xf32>
      %max3A_627 = arith.constant 0.000000e+00 : f32
      %max3A_628 = vector.broadcast %max3A_627 : f32 to vector<16x8192xf32>
      %max3A_629 = arith.maximumf %add3A_626, %max3A_628 : vector<16x8192xf32>
      %get3A_630 = arith.constant 7 : index
      %get3A_631 = arith.constant 0 : index
      %get3A_632 = memref.load %arg4[%get3A_630, %get3A_631] : memref<16x5xf32, #tpu.memory_space<smem>>
      %mul3A_633 = vector.broadcast %get3A_632 : f32 to vector<16x8192xf32>
      %mul3A_634 = arith.mulf %mul3A_633, %max3A_629 : vector<16x8192xf32>
      %add3A_635 = arith.addf %add3A_569, %mul3A_634 : vector<16x8192xf32>
      %get3A_636 = arith.constant 7 : index
      %get3A_637 = arith.constant 1 : index
      %get3A_638 = memref.load %arg4[%get3A_636, %get3A_637] : memref<16x5xf32, #tpu.memory_space<smem>>
      %mul3A_639 = vector.broadcast %get3A_638 : f32 to vector<16x8192xf32>
      %mul3A_640 = arith.mulf %mul3A_639, %max3A_629 : vector<16x8192xf32>
      %add3A_641 = arith.addf %add3A_575, %mul3A_640 : vector<16x8192xf32>
      %get3A_642 = arith.constant 7 : index
      %get3A_643 = arith.constant 2 : index
      %get3A_644 = memref.load %arg4[%get3A_642, %get3A_643] : memref<16x5xf32, #tpu.memory_space<smem>>
      %mul3A_645 = vector.broadcast %get3A_644 : f32 to vector<16x8192xf32>
      %mul3A_646 = arith.mulf %mul3A_645, %max3A_629 : vector<16x8192xf32>
      %add3A_647 = arith.addf %add3A_581, %mul3A_646 : vector<16x8192xf32>
      %get3A_648 = arith.constant 7 : index
      %get3A_649 = arith.constant 3 : index
      %get3A_650 = memref.load %arg4[%get3A_648, %get3A_649] : memref<16x5xf32, #tpu.memory_space<smem>>
      %mul3A_651 = vector.broadcast %get3A_650 : f32 to vector<16x8192xf32>
      %mul3A_652 = arith.mulf %mul3A_651, %max3A_629 : vector<16x8192xf32>
      %add3A_653 = arith.addf %add3A_587, %mul3A_652 : vector<16x8192xf32>
      %get3A_654 = arith.constant 7 : index
      %get3A_655 = arith.constant 4 : index
      %get3A_656 = memref.load %arg4[%get3A_654, %get3A_655] : memref<16x5xf32, #tpu.memory_space<smem>>
      %mul3A_657 = vector.broadcast %get3A_656 : f32 to vector<16x8192xf32>
      %mul3A_658 = arith.mulf %mul3A_657, %max3A_629 : vector<16x8192xf32>
      %add3A_659 = arith.addf %add3A_593, %mul3A_658 : vector<16x8192xf32>
      %get3A_660 = arith.constant 8 : index
      %get3A_661 = memref.load %arg3[%get3A_660] : memref<16xf32, #tpu.memory_space<smem>>
      %get3A_662 = arith.constant 8 : index
      %get3A_663 = arith.constant 0 : index
      %get3A_664 = memref.load %arg2[%get3A_662, %get3A_663] : memref<16x5xf32, #tpu.memory_space<smem>>
      %mul3A_665 = vector.broadcast %get3A_664 : f32 to vector<16x8192xf32>
      %mul3A_666 = arith.mulf %mul3A_665, %pad3A_123 : vector<16x8192xf32>
      %add3A_667 = vector.broadcast %get3A_661 : f32 to vector<16x8192xf32>
      %add3A_668 = arith.addf %add3A_667, %mul3A_666 : vector<16x8192xf32>
      %get3A_669 = arith.constant 8 : index
      %get3A_670 = arith.constant 1 : index
      %get3A_671 = memref.load %arg2[%get3A_669, %get3A_670] : memref<16x5xf32, #tpu.memory_space<smem>>
      %mul3A_672 = vector.broadcast %get3A_671 : f32 to vector<16x8192xf32>
      %mul3A_673 = arith.mulf %mul3A_672, %pad3A_128 : vector<16x8192xf32>
      %add3A_674 = arith.addf %add3A_668, %mul3A_673 : vector<16x8192xf32>
      %get3A_675 = arith.constant 8 : index
      %get3A_676 = arith.constant 2 : index
      %get3A_677 = memref.load %arg2[%get3A_675, %get3A_676] : memref<16x5xf32, #tpu.memory_space<smem>>
      %mul3A_678 = vector.broadcast %get3A_677 : f32 to vector<16x8192xf32>
      %mul3A_679 = arith.mulf %mul3A_678, %sub3A_101 : vector<16x8192xf32>
      %add3A_680 = arith.addf %add3A_674, %mul3A_679 : vector<16x8192xf32>
      %get3A_681 = arith.constant 8 : index
      %get3A_682 = arith.constant 3 : index
      %get3A_683 = memref.load %arg2[%get3A_681, %get3A_682] : memref<16x5xf32, #tpu.memory_space<smem>>
      %mul3A_684 = vector.broadcast %get3A_683 : f32 to vector<16x8192xf32>
      %mul3A_685 = arith.mulf %mul3A_684, %pad3A_133 : vector<16x8192xf32>
      %add3A_686 = arith.addf %add3A_680, %mul3A_685 : vector<16x8192xf32>
      %get3A_687 = arith.constant 8 : index
      %get3A_688 = arith.constant 4 : index
      %get3A_689 = memref.load %arg2[%get3A_687, %get3A_688] : memref<16x5xf32, #tpu.memory_space<smem>>
      %mul3A_690 = vector.broadcast %get3A_689 : f32 to vector<16x8192xf32>
      %mul3A_691 = arith.mulf %mul3A_690, %pad3A_138 : vector<16x8192xf32>
      %add3A_692 = arith.addf %add3A_686, %mul3A_691 : vector<16x8192xf32>
      %max3A_693 = arith.constant 0.000000e+00 : f32
      %max3A_694 = vector.broadcast %max3A_693 : f32 to vector<16x8192xf32>
      %max3A_695 = arith.maximumf %add3A_692, %max3A_694 : vector<16x8192xf32>
      %get3A_696 = arith.constant 8 : index
      %get3A_697 = arith.constant 0 : index
      %get3A_698 = memref.load %arg4[%get3A_696, %get3A_697] : memref<16x5xf32, #tpu.memory_space<smem>>
      %mul3A_699 = vector.broadcast %get3A_698 : f32 to vector<16x8192xf32>
      %mul3A_700 = arith.mulf %mul3A_699, %max3A_695 : vector<16x8192xf32>
      %add3A_701 = arith.addf %add3A_635, %mul3A_700 : vector<16x8192xf32>
      %get3A_702 = arith.constant 8 : index
      %get3A_703 = arith.constant 1 : index
      %get3A_704 = memref.load %arg4[%get3A_702, %get3A_703] : memref<16x5xf32, #tpu.memory_space<smem>>
      %mul3A_705 = vector.broadcast %get3A_704 : f32 to vector<16x8192xf32>
      %mul3A_706 = arith.mulf %mul3A_705, %max3A_695 : vector<16x8192xf32>
      %add3A_707 = arith.addf %add3A_641, %mul3A_706 : vector<16x8192xf32>
      %get3A_708 = arith.constant 8 : index
      %get3A_709 = arith.constant 2 : index
      %get3A_710 = memref.load %arg4[%get3A_708, %get3A_709] : memref<16x5xf32, #tpu.memory_space<smem>>
      %mul3A_711 = vector.broadcast %get3A_710 : f32 to vector<16x8192xf32>
      %mul3A_712 = arith.mulf %mul3A_711, %max3A_695 : vector<16x8192xf32>
      %add3A_713 = arith.addf %add3A_647, %mul3A_712 : vector<16x8192xf32>
      %get3A_714 = arith.constant 8 : index
      %get3A_715 = arith.constant 3 : index
      %get3A_716 = memref.load %arg4[%get3A_714, %get3A_715] : memref<16x5xf32, #tpu.memory_space<smem>>
      %mul3A_717 = vector.broadcast %get3A_716 : f32 to vector<16x8192xf32>
      %mul3A_718 = arith.mulf %mul3A_717, %max3A_695 : vector<16x8192xf32>
      %add3A_719 = arith.addf %add3A_653, %mul3A_718 : vector<16x8192xf32>
      %get3A_720 = arith.constant 8 : index
      %get3A_721 = arith.constant 4 : index
      %get3A_722 = memref.load %arg4[%get3A_720, %get3A_721] : memref<16x5xf32, #tpu.memory_space<smem>>
      %mul3A_723 = vector.broadcast %get3A_722 : f32 to vector<16x8192xf32>
      %mul3A_724 = arith.mulf %mul3A_723, %max3A_695 : vector<16x8192xf32>
      %add3A_725 = arith.addf %add3A_659, %mul3A_724 : vector<16x8192xf32>
      %get3A_726 = arith.constant 9 : index
      %get3A_727 = memref.load %arg3[%get3A_726] : memref<16xf32, #tpu.memory_space<smem>>
      %get3A_728 = arith.constant 9 : index
      %get3A_729 = arith.constant 0 : index
      %get3A_730 = memref.load %arg2[%get3A_728, %get3A_729] : memref<16x5xf32, #tpu.memory_space<smem>>
      %mul3A_731 = vector.broadcast %get3A_730 : f32 to vector<16x8192xf32>
      %mul3A_732 = arith.mulf %mul3A_731, %pad3A_123 : vector<16x8192xf32>
      %add3A_733 = vector.broadcast %get3A_727 : f32 to vector<16x8192xf32>
      %add3A_734 = arith.addf %add3A_733, %mul3A_732 : vector<16x8192xf32>
      %get3A_735 = arith.constant 9 : index
      %get3A_736 = arith.constant 1 : index
      %get3A_737 = memref.load %arg2[%get3A_735, %get3A_736] : memref<16x5xf32, #tpu.memory_space<smem>>
      %mul3A_738 = vector.broadcast %get3A_737 : f32 to vector<16x8192xf32>
      %mul3A_739 = arith.mulf %mul3A_738, %pad3A_128 : vector<16x8192xf32>
      %add3A_740 = arith.addf %add3A_734, %mul3A_739 : vector<16x8192xf32>
      %get3A_741 = arith.constant 9 : index
      %get3A_742 = arith.constant 2 : index
      %get3A_743 = memref.load %arg2[%get3A_741, %get3A_742] : memref<16x5xf32, #tpu.memory_space<smem>>
      %mul3A_744 = vector.broadcast %get3A_743 : f32 to vector<16x8192xf32>
      %mul3A_745 = arith.mulf %mul3A_744, %sub3A_101 : vector<16x8192xf32>
      %add3A_746 = arith.addf %add3A_740, %mul3A_745 : vector<16x8192xf32>
      %get3A_747 = arith.constant 9 : index
      %get3A_748 = arith.constant 3 : index
      %get3A_749 = memref.load %arg2[%get3A_747, %get3A_748] : memref<16x5xf32, #tpu.memory_space<smem>>
      %mul3A_750 = vector.broadcast %get3A_749 : f32 to vector<16x8192xf32>
      %mul3A_751 = arith.mulf %mul3A_750, %pad3A_133 : vector<16x8192xf32>
      %add3A_752 = arith.addf %add3A_746, %mul3A_751 : vector<16x8192xf32>
      %get3A_753 = arith.constant 9 : index
      %get3A_754 = arith.constant 4 : index
      %get3A_755 = memref.load %arg2[%get3A_753, %get3A_754] : memref<16x5xf32, #tpu.memory_space<smem>>
      %mul3A_756 = vector.broadcast %get3A_755 : f32 to vector<16x8192xf32>
      %mul3A_757 = arith.mulf %mul3A_756, %pad3A_138 : vector<16x8192xf32>
      %add3A_758 = arith.addf %add3A_752, %mul3A_757 : vector<16x8192xf32>
      %max3A_759 = arith.constant 0.000000e+00 : f32
      %max3A_760 = vector.broadcast %max3A_759 : f32 to vector<16x8192xf32>
      %max3A_761 = arith.maximumf %add3A_758, %max3A_760 : vector<16x8192xf32>
      %get3A_762 = arith.constant 9 : index
      %get3A_763 = arith.constant 0 : index
      %get3A_764 = memref.load %arg4[%get3A_762, %get3A_763] : memref<16x5xf32, #tpu.memory_space<smem>>
      %mul3A_765 = vector.broadcast %get3A_764 : f32 to vector<16x8192xf32>
      %mul3A_766 = arith.mulf %mul3A_765, %max3A_761 : vector<16x8192xf32>
      %add3A_767 = arith.addf %add3A_701, %mul3A_766 : vector<16x8192xf32>
      %get3A_768 = arith.constant 9 : index
      %get3A_769 = arith.constant 1 : index
      %get3A_770 = memref.load %arg4[%get3A_768, %get3A_769] : memref<16x5xf32, #tpu.memory_space<smem>>
      %mul3A_771 = vector.broadcast %get3A_770 : f32 to vector<16x8192xf32>
      %mul3A_772 = arith.mulf %mul3A_771, %max3A_761 : vector<16x8192xf32>
      %add3A_773 = arith.addf %add3A_707, %mul3A_772 : vector<16x8192xf32>
      %get3A_774 = arith.constant 9 : index
      %get3A_775 = arith.constant 2 : index
      %get3A_776 = memref.load %arg4[%get3A_774, %get3A_775] : memref<16x5xf32, #tpu.memory_space<smem>>
      %mul3A_777 = vector.broadcast %get3A_776 : f32 to vector<16x8192xf32>
      %mul3A_778 = arith.mulf %mul3A_777, %max3A_761 : vector<16x8192xf32>
      %add3A_779 = arith.addf %add3A_713, %mul3A_778 : vector<16x8192xf32>
      %get3A_780 = arith.constant 9 : index
      %get3A_781 = arith.constant 3 : index
      %get3A_782 = memref.load %arg4[%get3A_780, %get3A_781] : memref<16x5xf32, #tpu.memory_space<smem>>
      %mul3A_783 = vector.broadcast %get3A_782 : f32 to vector<16x8192xf32>
      %mul3A_784 = arith.mulf %mul3A_783, %max3A_761 : vector<16x8192xf32>
      %add3A_785 = arith.addf %add3A_719, %mul3A_784 : vector<16x8192xf32>
      %get3A_786 = arith.constant 9 : index
      %get3A_787 = arith.constant 4 : index
      %get3A_788 = memref.load %arg4[%get3A_786, %get3A_787] : memref<16x5xf32, #tpu.memory_space<smem>>
      %mul3A_789 = vector.broadcast %get3A_788 : f32 to vector<16x8192xf32>
      %mul3A_790 = arith.mulf %mul3A_789, %max3A_761 : vector<16x8192xf32>
      %add3A_791 = arith.addf %add3A_725, %mul3A_790 : vector<16x8192xf32>
      %get3A_792 = arith.constant 10 : index
      %get3A_793 = memref.load %arg3[%get3A_792] : memref<16xf32, #tpu.memory_space<smem>>
      %get3A_794 = arith.constant 10 : index
      %get3A_795 = arith.constant 0 : index
      %get3A_796 = memref.load %arg2[%get3A_794, %get3A_795] : memref<16x5xf32, #tpu.memory_space<smem>>
      %mul3A_797 = vector.broadcast %get3A_796 : f32 to vector<16x8192xf32>
      %mul3A_798 = arith.mulf %mul3A_797, %pad3A_123 : vector<16x8192xf32>
      %add3A_799 = vector.broadcast %get3A_793 : f32 to vector<16x8192xf32>
      %add3A_800 = arith.addf %add3A_799, %mul3A_798 : vector<16x8192xf32>
      %get3A_801 = arith.constant 10 : index
      %get3A_802 = arith.constant 1 : index
      %get3A_803 = memref.load %arg2[%get3A_801, %get3A_802] : memref<16x5xf32, #tpu.memory_space<smem>>
      %mul3A_804 = vector.broadcast %get3A_803 : f32 to vector<16x8192xf32>
      %mul3A_805 = arith.mulf %mul3A_804, %pad3A_128 : vector<16x8192xf32>
      %add3A_806 = arith.addf %add3A_800, %mul3A_805 : vector<16x8192xf32>
      %get3A_807 = arith.constant 10 : index
      %get3A_808 = arith.constant 2 : index
      %get3A_809 = memref.load %arg2[%get3A_807, %get3A_808] : memref<16x5xf32, #tpu.memory_space<smem>>
      %mul3A_810 = vector.broadcast %get3A_809 : f32 to vector<16x8192xf32>
      %mul3A_811 = arith.mulf %mul3A_810, %sub3A_101 : vector<16x8192xf32>
      %add3A_812 = arith.addf %add3A_806, %mul3A_811 : vector<16x8192xf32>
      %get3A_813 = arith.constant 10 : index
      %get3A_814 = arith.constant 3 : index
      %get3A_815 = memref.load %arg2[%get3A_813, %get3A_814] : memref<16x5xf32, #tpu.memory_space<smem>>
      %mul3A_816 = vector.broadcast %get3A_815 : f32 to vector<16x8192xf32>
      %mul3A_817 = arith.mulf %mul3A_816, %pad3A_133 : vector<16x8192xf32>
      %add3A_818 = arith.addf %add3A_812, %mul3A_817 : vector<16x8192xf32>
      %get3A_819 = arith.constant 10 : index
      %get3A_820 = arith.constant 4 : index
      %get3A_821 = memref.load %arg2[%get3A_819, %get3A_820] : memref<16x5xf32, #tpu.memory_space<smem>>
      %mul3A_822 = vector.broadcast %get3A_821 : f32 to vector<16x8192xf32>
      %mul3A_823 = arith.mulf %mul3A_822, %pad3A_138 : vector<16x8192xf32>
      %add3A_824 = arith.addf %add3A_818, %mul3A_823 : vector<16x8192xf32>
      %max3A_825 = arith.constant 0.000000e+00 : f32
      %max3A_826 = vector.broadcast %max3A_825 : f32 to vector<16x8192xf32>
      %max3A_827 = arith.maximumf %add3A_824, %max3A_826 : vector<16x8192xf32>
      %get3A_828 = arith.constant 10 : index
      %get3A_829 = arith.constant 0 : index
      %get3A_830 = memref.load %arg4[%get3A_828, %get3A_829] : memref<16x5xf32, #tpu.memory_space<smem>>
      %mul3A_831 = vector.broadcast %get3A_830 : f32 to vector<16x8192xf32>
      %mul3A_832 = arith.mulf %mul3A_831, %max3A_827 : vector<16x8192xf32>
      %add3A_833 = arith.addf %add3A_767, %mul3A_832 : vector<16x8192xf32>
      %get3A_834 = arith.constant 10 : index
      %get3A_835 = arith.constant 1 : index
      %get3A_836 = memref.load %arg4[%get3A_834, %get3A_835] : memref<16x5xf32, #tpu.memory_space<smem>>
      %mul3A_837 = vector.broadcast %get3A_836 : f32 to vector<16x8192xf32>
      %mul3A_838 = arith.mulf %mul3A_837, %max3A_827 : vector<16x8192xf32>
      %add3A_839 = arith.addf %add3A_773, %mul3A_838 : vector<16x8192xf32>
      %get3A_840 = arith.constant 10 : index
      %get3A_841 = arith.constant 2 : index
      %get3A_842 = memref.load %arg4[%get3A_840, %get3A_841] : memref<16x5xf32, #tpu.memory_space<smem>>
      %mul3A_843 = vector.broadcast %get3A_842 : f32 to vector<16x8192xf32>
      %mul3A_844 = arith.mulf %mul3A_843, %max3A_827 : vector<16x8192xf32>
      %add3A_845 = arith.addf %add3A_779, %mul3A_844 : vector<16x8192xf32>
      %get3A_846 = arith.constant 10 : index
      %get3A_847 = arith.constant 3 : index
      %get3A_848 = memref.load %arg4[%get3A_846, %get3A_847] : memref<16x5xf32, #tpu.memory_space<smem>>
      %mul3A_849 = vector.broadcast %get3A_848 : f32 to vector<16x8192xf32>
      %mul3A_850 = arith.mulf %mul3A_849, %max3A_827 : vector<16x8192xf32>
      %add3A_851 = arith.addf %add3A_785, %mul3A_850 : vector<16x8192xf32>
      %get3A_852 = arith.constant 10 : index
      %get3A_853 = arith.constant 4 : index
      %get3A_854 = memref.load %arg4[%get3A_852, %get3A_853] : memref<16x5xf32, #tpu.memory_space<smem>>
      %mul3A_855 = vector.broadcast %get3A_854 : f32 to vector<16x8192xf32>
      %mul3A_856 = arith.mulf %mul3A_855, %max3A_827 : vector<16x8192xf32>
      %add3A_857 = arith.addf %add3A_791, %mul3A_856 : vector<16x8192xf32>
      %get3A_858 = arith.constant 11 : index
      %get3A_859 = memref.load %arg3[%get3A_858] : memref<16xf32, #tpu.memory_space<smem>>
      %get3A_860 = arith.constant 11 : index
      %get3A_861 = arith.constant 0 : index
      %get3A_862 = memref.load %arg2[%get3A_860, %get3A_861] : memref<16x5xf32, #tpu.memory_space<smem>>
      %mul3A_863 = vector.broadcast %get3A_862 : f32 to vector<16x8192xf32>
      %mul3A_864 = arith.mulf %mul3A_863, %pad3A_123 : vector<16x8192xf32>
      %add3A_865 = vector.broadcast %get3A_859 : f32 to vector<16x8192xf32>
      %add3A_866 = arith.addf %add3A_865, %mul3A_864 : vector<16x8192xf32>
      %get3A_867 = arith.constant 11 : index
      %get3A_868 = arith.constant 1 : index
      %get3A_869 = memref.load %arg2[%get3A_867, %get3A_868] : memref<16x5xf32, #tpu.memory_space<smem>>
      %mul3A_870 = vector.broadcast %get3A_869 : f32 to vector<16x8192xf32>
      %mul3A_871 = arith.mulf %mul3A_870, %pad3A_128 : vector<16x8192xf32>
      %add3A_872 = arith.addf %add3A_866, %mul3A_871 : vector<16x8192xf32>
      %get3A_873 = arith.constant 11 : index
      %get3A_874 = arith.constant 2 : index
      %get3A_875 = memref.load %arg2[%get3A_873, %get3A_874] : memref<16x5xf32, #tpu.memory_space<smem>>
      %mul3A_876 = vector.broadcast %get3A_875 : f32 to vector<16x8192xf32>
      %mul3A_877 = arith.mulf %mul3A_876, %sub3A_101 : vector<16x8192xf32>
      %add3A_878 = arith.addf %add3A_872, %mul3A_877 : vector<16x8192xf32>
      %get3A_879 = arith.constant 11 : index
      %get3A_880 = arith.constant 3 : index
      %get3A_881 = memref.load %arg2[%get3A_879, %get3A_880] : memref<16x5xf32, #tpu.memory_space<smem>>
      %mul3A_882 = vector.broadcast %get3A_881 : f32 to vector<16x8192xf32>
      %mul3A_883 = arith.mulf %mul3A_882, %pad3A_133 : vector<16x8192xf32>
      %add3A_884 = arith.addf %add3A_878, %mul3A_883 : vector<16x8192xf32>
      %get3A_885 = arith.constant 11 : index
      %get3A_886 = arith.constant 4 : index
      %get3A_887 = memref.load %arg2[%get3A_885, %get3A_886] : memref<16x5xf32, #tpu.memory_space<smem>>
      %mul3A_888 = vector.broadcast %get3A_887 : f32 to vector<16x8192xf32>
      %mul3A_889 = arith.mulf %mul3A_888, %pad3A_138 : vector<16x8192xf32>
      %add3A_890 = arith.addf %add3A_884, %mul3A_889 : vector<16x8192xf32>
      %max3A_891 = arith.constant 0.000000e+00 : f32
      %max3A_892 = vector.broadcast %max3A_891 : f32 to vector<16x8192xf32>
      %max3A_893 = arith.maximumf %add3A_890, %max3A_892 : vector<16x8192xf32>
      %get3A_894 = arith.constant 11 : index
      %get3A_895 = arith.constant 0 : index
      %get3A_896 = memref.load %arg4[%get3A_894, %get3A_895] : memref<16x5xf32, #tpu.memory_space<smem>>
      %mul3A_897 = vector.broadcast %get3A_896 : f32 to vector<16x8192xf32>
      %mul3A_898 = arith.mulf %mul3A_897, %max3A_893 : vector<16x8192xf32>
      %add3A_899 = arith.addf %add3A_833, %mul3A_898 : vector<16x8192xf32>
      %get3A_900 = arith.constant 11 : index
      %get3A_901 = arith.constant 1 : index
      %get3A_902 = memref.load %arg4[%get3A_900, %get3A_901] : memref<16x5xf32, #tpu.memory_space<smem>>
      %mul3A_903 = vector.broadcast %get3A_902 : f32 to vector<16x8192xf32>
      %mul3A_904 = arith.mulf %mul3A_903, %max3A_893 : vector<16x8192xf32>
      %add3A_905 = arith.addf %add3A_839, %mul3A_904 : vector<16x8192xf32>
      %get3A_906 = arith.constant 11 : index
      %get3A_907 = arith.constant 2 : index
      %get3A_908 = memref.load %arg4[%get3A_906, %get3A_907] : memref<16x5xf32, #tpu.memory_space<smem>>
      %mul3A_909 = vector.broadcast %get3A_908 : f32 to vector<16x8192xf32>
      %mul3A_910 = arith.mulf %mul3A_909, %max3A_893 : vector<16x8192xf32>
      %add3A_911 = arith.addf %add3A_845, %mul3A_910 : vector<16x8192xf32>
      %get3A_912 = arith.constant 11 : index
      %get3A_913 = arith.constant 3 : index
      %get3A_914 = memref.load %arg4[%get3A_912, %get3A_913] : memref<16x5xf32, #tpu.memory_space<smem>>
      %mul3A_915 = vector.broadcast %get3A_914 : f32 to vector<16x8192xf32>
      %mul3A_916 = arith.mulf %mul3A_915, %max3A_893 : vector<16x8192xf32>
      %add3A_917 = arith.addf %add3A_851, %mul3A_916 : vector<16x8192xf32>
      %get3A_918 = arith.constant 11 : index
      %get3A_919 = arith.constant 4 : index
      %get3A_920 = memref.load %arg4[%get3A_918, %get3A_919] : memref<16x5xf32, #tpu.memory_space<smem>>
      %mul3A_921 = vector.broadcast %get3A_920 : f32 to vector<16x8192xf32>
      %mul3A_922 = arith.mulf %mul3A_921, %max3A_893 : vector<16x8192xf32>
      %add3A_923 = arith.addf %add3A_857, %mul3A_922 : vector<16x8192xf32>
      %get3A_924 = arith.constant 12 : index
      %get3A_925 = memref.load %arg3[%get3A_924] : memref<16xf32, #tpu.memory_space<smem>>
      %get3A_926 = arith.constant 12 : index
      %get3A_927 = arith.constant 0 : index
      %get3A_928 = memref.load %arg2[%get3A_926, %get3A_927] : memref<16x5xf32, #tpu.memory_space<smem>>
      %mul3A_929 = vector.broadcast %get3A_928 : f32 to vector<16x8192xf32>
      %mul3A_930 = arith.mulf %mul3A_929, %pad3A_123 : vector<16x8192xf32>
      %add3A_931 = vector.broadcast %get3A_925 : f32 to vector<16x8192xf32>
      %add3A_932 = arith.addf %add3A_931, %mul3A_930 : vector<16x8192xf32>
      %get3A_933 = arith.constant 12 : index
      %get3A_934 = arith.constant 1 : index
      %get3A_935 = memref.load %arg2[%get3A_933, %get3A_934] : memref<16x5xf32, #tpu.memory_space<smem>>
      %mul3A_936 = vector.broadcast %get3A_935 : f32 to vector<16x8192xf32>
      %mul3A_937 = arith.mulf %mul3A_936, %pad3A_128 : vector<16x8192xf32>
      %add3A_938 = arith.addf %add3A_932, %mul3A_937 : vector<16x8192xf32>
      %get3A_939 = arith.constant 12 : index
      %get3A_940 = arith.constant 2 : index
      %get3A_941 = memref.load %arg2[%get3A_939, %get3A_940] : memref<16x5xf32, #tpu.memory_space<smem>>
      %mul3A_942 = vector.broadcast %get3A_941 : f32 to vector<16x8192xf32>
      %mul3A_943 = arith.mulf %mul3A_942, %sub3A_101 : vector<16x8192xf32>
      %add3A_944 = arith.addf %add3A_938, %mul3A_943 : vector<16x8192xf32>
      %get3A_945 = arith.constant 12 : index
      %get3A_946 = arith.constant 3 : index
      %get3A_947 = memref.load %arg2[%get3A_945, %get3A_946] : memref<16x5xf32, #tpu.memory_space<smem>>
      %mul3A_948 = vector.broadcast %get3A_947 : f32 to vector<16x8192xf32>
      %mul3A_949 = arith.mulf %mul3A_948, %pad3A_133 : vector<16x8192xf32>
      %add3A_950 = arith.addf %add3A_944, %mul3A_949 : vector<16x8192xf32>
      %get3A_951 = arith.constant 12 : index
      %get3A_952 = arith.constant 4 : index
      %get3A_953 = memref.load %arg2[%get3A_951, %get3A_952] : memref<16x5xf32, #tpu.memory_space<smem>>
      %mul3A_954 = vector.broadcast %get3A_953 : f32 to vector<16x8192xf32>
      %mul3A_955 = arith.mulf %mul3A_954, %pad3A_138 : vector<16x8192xf32>
      %add3A_956 = arith.addf %add3A_950, %mul3A_955 : vector<16x8192xf32>
      %max3A_957 = arith.constant 0.000000e+00 : f32
      %max3A_958 = vector.broadcast %max3A_957 : f32 to vector<16x8192xf32>
      %max3A_959 = arith.maximumf %add3A_956, %max3A_958 : vector<16x8192xf32>
      %get3A_960 = arith.constant 12 : index
      %get3A_961 = arith.constant 0 : index
      %get3A_962 = memref.load %arg4[%get3A_960, %get3A_961] : memref<16x5xf32, #tpu.memory_space<smem>>
      %mul3A_963 = vector.broadcast %get3A_962 : f32 to vector<16x8192xf32>
      %mul3A_964 = arith.mulf %mul3A_963, %max3A_959 : vector<16x8192xf32>
      %add3A_965 = arith.addf %add3A_899, %mul3A_964 : vector<16x8192xf32>
      %get3A_966 = arith.constant 12 : index
      %get3A_967 = arith.constant 1 : index
      %get3A_968 = memref.load %arg4[%get3A_966, %get3A_967] : memref<16x5xf32, #tpu.memory_space<smem>>
      %mul3A_969 = vector.broadcast %get3A_968 : f32 to vector<16x8192xf32>
      %mul3A_970 = arith.mulf %mul3A_969, %max3A_959 : vector<16x8192xf32>
      %add3A_971 = arith.addf %add3A_905, %mul3A_970 : vector<16x8192xf32>
      %get3A_972 = arith.constant 12 : index
      %get3A_973 = arith.constant 2 : index
      %get3A_974 = memref.load %arg4[%get3A_972, %get3A_973] : memref<16x5xf32, #tpu.memory_space<smem>>
      %mul3A_975 = vector.broadcast %get3A_974 : f32 to vector<16x8192xf32>
      %mul3A_976 = arith.mulf %mul3A_975, %max3A_959 : vector<16x8192xf32>
      %add3A_977 = arith.addf %add3A_911, %mul3A_976 : vector<16x8192xf32>
      %get3A_978 = arith.constant 12 : index
      %get3A_979 = arith.constant 3 : index
      %get3A_980 = memref.load %arg4[%get3A_978, %get3A_979] : memref<16x5xf32, #tpu.memory_space<smem>>
      %mul3A_981 = vector.broadcast %get3A_980 : f32 to vector<16x8192xf32>
      %mul3A_982 = arith.mulf %mul3A_981, %max3A_959 : vector<16x8192xf32>
      %add3A_983 = arith.addf %add3A_917, %mul3A_982 : vector<16x8192xf32>
      %get3A_984 = arith.constant 12 : index
      %get3A_985 = arith.constant 4 : index
      %get3A_986 = memref.load %arg4[%get3A_984, %get3A_985] : memref<16x5xf32, #tpu.memory_space<smem>>
      %mul3A_987 = vector.broadcast %get3A_986 : f32 to vector<16x8192xf32>
      %mul3A_988 = arith.mulf %mul3A_987, %max3A_959 : vector<16x8192xf32>
      %add3A_989 = arith.addf %add3A_923, %mul3A_988 : vector<16x8192xf32>
      %get3A_990 = arith.constant 13 : index
      %get3A_991 = memref.load %arg3[%get3A_990] : memref<16xf32, #tpu.memory_space<smem>>
      %get3A_992 = arith.constant 13 : index
      %get3A_993 = arith.constant 0 : index
      %get3A_994 = memref.load %arg2[%get3A_992, %get3A_993] : memref<16x5xf32, #tpu.memory_space<smem>>
      %mul3A_995 = vector.broadcast %get3A_994 : f32 to vector<16x8192xf32>
      %mul3A_996 = arith.mulf %mul3A_995, %pad3A_123 : vector<16x8192xf32>
      %add3A_997 = vector.broadcast %get3A_991 : f32 to vector<16x8192xf32>
      %add3A_998 = arith.addf %add3A_997, %mul3A_996 : vector<16x8192xf32>
      %get3A_999 = arith.constant 13 : index
      %get3A_1000 = arith.constant 1 : index
      %get3A_1001 = memref.load %arg2[%get3A_999, %get3A_1000] : memref<16x5xf32, #tpu.memory_space<smem>>
      %mul3A_1002 = vector.broadcast %get3A_1001 : f32 to vector<16x8192xf32>
      %mul3A_1003 = arith.mulf %mul3A_1002, %pad3A_128 : vector<16x8192xf32>
      %add3A_1004 = arith.addf %add3A_998, %mul3A_1003 : vector<16x8192xf32>
      %get3A_1005 = arith.constant 13 : index
      %get3A_1006 = arith.constant 2 : index
      %get3A_1007 = memref.load %arg2[%get3A_1005, %get3A_1006] : memref<16x5xf32, #tpu.memory_space<smem>>
      %mul3A_1008 = vector.broadcast %get3A_1007 : f32 to vector<16x8192xf32>
      %mul3A_1009 = arith.mulf %mul3A_1008, %sub3A_101 : vector<16x8192xf32>
      %add3A_1010 = arith.addf %add3A_1004, %mul3A_1009 : vector<16x8192xf32>
      %get3A_1011 = arith.constant 13 : index
      %get3A_1012 = arith.constant 3 : index
      %get3A_1013 = memref.load %arg2[%get3A_1011, %get3A_1012] : memref<16x5xf32, #tpu.memory_space<smem>>
      %mul3A_1014 = vector.broadcast %get3A_1013 : f32 to vector<16x8192xf32>
      %mul3A_1015 = arith.mulf %mul3A_1014, %pad3A_133 : vector<16x8192xf32>
      %add3A_1016 = arith.addf %add3A_1010, %mul3A_1015 : vector<16x8192xf32>
      %get3A_1017 = arith.constant 13 : index
      %get3A_1018 = arith.constant 4 : index
      %get3A_1019 = memref.load %arg2[%get3A_1017, %get3A_1018] : memref<16x5xf32, #tpu.memory_space<smem>>
      %mul3A_1020 = vector.broadcast %get3A_1019 : f32 to vector<16x8192xf32>
      %mul3A_1021 = arith.mulf %mul3A_1020, %pad3A_138 : vector<16x8192xf32>
      %add3A_1022 = arith.addf %add3A_1016, %mul3A_1021 : vector<16x8192xf32>
      %max3A_1023 = arith.constant 0.000000e+00 : f32
      %max3A_1024 = vector.broadcast %max3A_1023 : f32 to vector<16x8192xf32>
      %max3A_1025 = arith.maximumf %add3A_1022, %max3A_1024 : vector<16x8192xf32>
      %get3A_1026 = arith.constant 13 : index
      %get3A_1027 = arith.constant 0 : index
      %get3A_1028 = memref.load %arg4[%get3A_1026, %get3A_1027] : memref<16x5xf32, #tpu.memory_space<smem>>
      %mul3A_1029 = vector.broadcast %get3A_1028 : f32 to vector<16x8192xf32>
      %mul3A_1030 = arith.mulf %mul3A_1029, %max3A_1025 : vector<16x8192xf32>
      %add3A_1031 = arith.addf %add3A_965, %mul3A_1030 : vector<16x8192xf32>
      %get3A_1032 = arith.constant 13 : index
      %get3A_1033 = arith.constant 1 : index
      %get3A_1034 = memref.load %arg4[%get3A_1032, %get3A_1033] : memref<16x5xf32, #tpu.memory_space<smem>>
      %mul3A_1035 = vector.broadcast %get3A_1034 : f32 to vector<16x8192xf32>
      %mul3A_1036 = arith.mulf %mul3A_1035, %max3A_1025 : vector<16x8192xf32>
      %add3A_1037 = arith.addf %add3A_971, %mul3A_1036 : vector<16x8192xf32>
      %get3A_1038 = arith.constant 13 : index
      %get3A_1039 = arith.constant 2 : index
      %get3A_1040 = memref.load %arg4[%get3A_1038, %get3A_1039] : memref<16x5xf32, #tpu.memory_space<smem>>
      %mul3A_1041 = vector.broadcast %get3A_1040 : f32 to vector<16x8192xf32>
      %mul3A_1042 = arith.mulf %mul3A_1041, %max3A_1025 : vector<16x8192xf32>
      %add3A_1043 = arith.addf %add3A_977, %mul3A_1042 : vector<16x8192xf32>
      %get3A_1044 = arith.constant 13 : index
      %get3A_1045 = arith.constant 3 : index
      %get3A_1046 = memref.load %arg4[%get3A_1044, %get3A_1045] : memref<16x5xf32, #tpu.memory_space<smem>>
      %mul3A_1047 = vector.broadcast %get3A_1046 : f32 to vector<16x8192xf32>
      %mul3A_1048 = arith.mulf %mul3A_1047, %max3A_1025 : vector<16x8192xf32>
      %add3A_1049 = arith.addf %add3A_983, %mul3A_1048 : vector<16x8192xf32>
      %get3A_1050 = arith.constant 13 : index
      %get3A_1051 = arith.constant 4 : index
      %get3A_1052 = memref.load %arg4[%get3A_1050, %get3A_1051] : memref<16x5xf32, #tpu.memory_space<smem>>
      %mul3A_1053 = vector.broadcast %get3A_1052 : f32 to vector<16x8192xf32>
      %mul3A_1054 = arith.mulf %mul3A_1053, %max3A_1025 : vector<16x8192xf32>
      %add3A_1055 = arith.addf %add3A_989, %mul3A_1054 : vector<16x8192xf32>
      %get3A_1056 = arith.constant 14 : index
      %get3A_1057 = memref.load %arg3[%get3A_1056] : memref<16xf32, #tpu.memory_space<smem>>
      %get3A_1058 = arith.constant 14 : index
      %get3A_1059 = arith.constant 0 : index
      %get3A_1060 = memref.load %arg2[%get3A_1058, %get3A_1059] : memref<16x5xf32, #tpu.memory_space<smem>>
      %mul3A_1061 = vector.broadcast %get3A_1060 : f32 to vector<16x8192xf32>
      %mul3A_1062 = arith.mulf %mul3A_1061, %pad3A_123 : vector<16x8192xf32>
      %add3A_1063 = vector.broadcast %get3A_1057 : f32 to vector<16x8192xf32>
      %add3A_1064 = arith.addf %add3A_1063, %mul3A_1062 : vector<16x8192xf32>
      %get3A_1065 = arith.constant 14 : index
      %get3A_1066 = arith.constant 1 : index
      %get3A_1067 = memref.load %arg2[%get3A_1065, %get3A_1066] : memref<16x5xf32, #tpu.memory_space<smem>>
      %mul3A_1068 = vector.broadcast %get3A_1067 : f32 to vector<16x8192xf32>
      %mul3A_1069 = arith.mulf %mul3A_1068, %pad3A_128 : vector<16x8192xf32>
      %add3A_1070 = arith.addf %add3A_1064, %mul3A_1069 : vector<16x8192xf32>
      %get3A_1071 = arith.constant 14 : index
      %get3A_1072 = arith.constant 2 : index
      %get3A_1073 = memref.load %arg2[%get3A_1071, %get3A_1072] : memref<16x5xf32, #tpu.memory_space<smem>>
      %mul3A_1074 = vector.broadcast %get3A_1073 : f32 to vector<16x8192xf32>
      %mul3A_1075 = arith.mulf %mul3A_1074, %sub3A_101 : vector<16x8192xf32>
      %add3A_1076 = arith.addf %add3A_1070, %mul3A_1075 : vector<16x8192xf32>
      %get3A_1077 = arith.constant 14 : index
      %get3A_1078 = arith.constant 3 : index
      %get3A_1079 = memref.load %arg2[%get3A_1077, %get3A_1078] : memref<16x5xf32, #tpu.memory_space<smem>>
      %mul3A_1080 = vector.broadcast %get3A_1079 : f32 to vector<16x8192xf32>
      %mul3A_1081 = arith.mulf %mul3A_1080, %pad3A_133 : vector<16x8192xf32>
      %add3A_1082 = arith.addf %add3A_1076, %mul3A_1081 : vector<16x8192xf32>
      %get3A_1083 = arith.constant 14 : index
      %get3A_1084 = arith.constant 4 : index
      %get3A_1085 = memref.load %arg2[%get3A_1083, %get3A_1084] : memref<16x5xf32, #tpu.memory_space<smem>>
      %mul3A_1086 = vector.broadcast %get3A_1085 : f32 to vector<16x8192xf32>
      %mul3A_1087 = arith.mulf %mul3A_1086, %pad3A_138 : vector<16x8192xf32>
      %add3A_1088 = arith.addf %add3A_1082, %mul3A_1087 : vector<16x8192xf32>
      %max3A_1089 = arith.constant 0.000000e+00 : f32
      %max3A_1090 = vector.broadcast %max3A_1089 : f32 to vector<16x8192xf32>
      %max3A_1091 = arith.maximumf %add3A_1088, %max3A_1090 : vector<16x8192xf32>
      %get3A_1092 = arith.constant 14 : index
      %get3A_1093 = arith.constant 0 : index
      %get3A_1094 = memref.load %arg4[%get3A_1092, %get3A_1093] : memref<16x5xf32, #tpu.memory_space<smem>>
      %mul3A_1095 = vector.broadcast %get3A_1094 : f32 to vector<16x8192xf32>
      %mul3A_1096 = arith.mulf %mul3A_1095, %max3A_1091 : vector<16x8192xf32>
      %add3A_1097 = arith.addf %add3A_1031, %mul3A_1096 : vector<16x8192xf32>
      %get3A_1098 = arith.constant 14 : index
      %get3A_1099 = arith.constant 1 : index
      %get3A_1100 = memref.load %arg4[%get3A_1098, %get3A_1099] : memref<16x5xf32, #tpu.memory_space<smem>>
      %mul3A_1101 = vector.broadcast %get3A_1100 : f32 to vector<16x8192xf32>
      %mul3A_1102 = arith.mulf %mul3A_1101, %max3A_1091 : vector<16x8192xf32>
      %add3A_1103 = arith.addf %add3A_1037, %mul3A_1102 : vector<16x8192xf32>
      %get3A_1104 = arith.constant 14 : index
      %get3A_1105 = arith.constant 2 : index
      %get3A_1106 = memref.load %arg4[%get3A_1104, %get3A_1105] : memref<16x5xf32, #tpu.memory_space<smem>>
      %mul3A_1107 = vector.broadcast %get3A_1106 : f32 to vector<16x8192xf32>
      %mul3A_1108 = arith.mulf %mul3A_1107, %max3A_1091 : vector<16x8192xf32>
      %add3A_1109 = arith.addf %add3A_1043, %mul3A_1108 : vector<16x8192xf32>
      %get3A_1110 = arith.constant 14 : index
      %get3A_1111 = arith.constant 3 : index
      %get3A_1112 = memref.load %arg4[%get3A_1110, %get3A_1111] : memref<16x5xf32, #tpu.memory_space<smem>>
      %mul3A_1113 = vector.broadcast %get3A_1112 : f32 to vector<16x8192xf32>
      %mul3A_1114 = arith.mulf %mul3A_1113, %max3A_1091 : vector<16x8192xf32>
      %add3A_1115 = arith.addf %add3A_1049, %mul3A_1114 : vector<16x8192xf32>
      %get3A_1116 = arith.constant 14 : index
      %get3A_1117 = arith.constant 4 : index
      %get3A_1118 = memref.load %arg4[%get3A_1116, %get3A_1117] : memref<16x5xf32, #tpu.memory_space<smem>>
      %mul3A_1119 = vector.broadcast %get3A_1118 : f32 to vector<16x8192xf32>
      %mul3A_1120 = arith.mulf %mul3A_1119, %max3A_1091 : vector<16x8192xf32>
      %add3A_1121 = arith.addf %add3A_1055, %mul3A_1120 : vector<16x8192xf32>
      %get3A_1122 = arith.constant 15 : index
      %get3A_1123 = memref.load %arg3[%get3A_1122] : memref<16xf32, #tpu.memory_space<smem>>
      %get3A_1124 = arith.constant 15 : index
      %get3A_1125 = arith.constant 0 : index
      %get3A_1126 = memref.load %arg2[%get3A_1124, %get3A_1125] : memref<16x5xf32, #tpu.memory_space<smem>>
      %mul3A_1127 = vector.broadcast %get3A_1126 : f32 to vector<16x8192xf32>
      %mul3A_1128 = arith.mulf %mul3A_1127, %pad3A_123 : vector<16x8192xf32>
      %add3A_1129 = vector.broadcast %get3A_1123 : f32 to vector<16x8192xf32>
      %add3A_1130 = arith.addf %add3A_1129, %mul3A_1128 : vector<16x8192xf32>
      %get3A_1131 = arith.constant 15 : index
      %get3A_1132 = arith.constant 1 : index
      %get3A_1133 = memref.load %arg2[%get3A_1131, %get3A_1132] : memref<16x5xf32, #tpu.memory_space<smem>>
      %mul3A_1134 = vector.broadcast %get3A_1133 : f32 to vector<16x8192xf32>
      %mul3A_1135 = arith.mulf %mul3A_1134, %pad3A_128 : vector<16x8192xf32>
      %add3A_1136 = arith.addf %add3A_1130, %mul3A_1135 : vector<16x8192xf32>
      %get3A_1137 = arith.constant 15 : index
      %get3A_1138 = arith.constant 2 : index
      %get3A_1139 = memref.load %arg2[%get3A_1137, %get3A_1138] : memref<16x5xf32, #tpu.memory_space<smem>>
      %mul3A_1140 = vector.broadcast %get3A_1139 : f32 to vector<16x8192xf32>
      %mul3A_1141 = arith.mulf %mul3A_1140, %sub3A_101 : vector<16x8192xf32>
      %add3A_1142 = arith.addf %add3A_1136, %mul3A_1141 : vector<16x8192xf32>
      %get3A_1143 = arith.constant 15 : index
      %get3A_1144 = arith.constant 3 : index
      %get3A_1145 = memref.load %arg2[%get3A_1143, %get3A_1144] : memref<16x5xf32, #tpu.memory_space<smem>>
      %mul3A_1146 = vector.broadcast %get3A_1145 : f32 to vector<16x8192xf32>
      %mul3A_1147 = arith.mulf %mul3A_1146, %pad3A_133 : vector<16x8192xf32>
      %add3A_1148 = arith.addf %add3A_1142, %mul3A_1147 : vector<16x8192xf32>
      %get3A_1149 = arith.constant 15 : index
      %get3A_1150 = arith.constant 4 : index
      %get3A_1151 = memref.load %arg2[%get3A_1149, %get3A_1150] : memref<16x5xf32, #tpu.memory_space<smem>>
      %mul3A_1152 = vector.broadcast %get3A_1151 : f32 to vector<16x8192xf32>
      %mul3A_1153 = arith.mulf %mul3A_1152, %pad3A_138 : vector<16x8192xf32>
      %add3A_1154 = arith.addf %add3A_1148, %mul3A_1153 : vector<16x8192xf32>
      %max3A_1155 = arith.constant 0.000000e+00 : f32
      %max3A_1156 = vector.broadcast %max3A_1155 : f32 to vector<16x8192xf32>
      %max3A_1157 = arith.maximumf %add3A_1154, %max3A_1156 : vector<16x8192xf32>
      %get3A_1158 = arith.constant 15 : index
      %get3A_1159 = arith.constant 0 : index
      %get3A_1160 = memref.load %arg4[%get3A_1158, %get3A_1159] : memref<16x5xf32, #tpu.memory_space<smem>>
      %mul3A_1161 = vector.broadcast %get3A_1160 : f32 to vector<16x8192xf32>
      %mul3A_1162 = arith.mulf %mul3A_1161, %max3A_1157 : vector<16x8192xf32>
      %add3A_1163 = arith.addf %add3A_1097, %mul3A_1162 : vector<16x8192xf32>
      %get3A_1164 = arith.constant 15 : index
      %get3A_1165 = arith.constant 1 : index
      %get3A_1166 = memref.load %arg4[%get3A_1164, %get3A_1165] : memref<16x5xf32, #tpu.memory_space<smem>>
      %mul3A_1167 = vector.broadcast %get3A_1166 : f32 to vector<16x8192xf32>
      %mul3A_1168 = arith.mulf %mul3A_1167, %max3A_1157 : vector<16x8192xf32>
      %add3A_1169 = arith.addf %add3A_1103, %mul3A_1168 : vector<16x8192xf32>
      %get3A_1170 = arith.constant 15 : index
      %get3A_1171 = arith.constant 2 : index
      %get3A_1172 = memref.load %arg4[%get3A_1170, %get3A_1171] : memref<16x5xf32, #tpu.memory_space<smem>>
      %mul3A_1173 = vector.broadcast %get3A_1172 : f32 to vector<16x8192xf32>
      %mul3A_1174 = arith.mulf %mul3A_1173, %max3A_1157 : vector<16x8192xf32>
      %add3A_1175 = arith.addf %add3A_1109, %mul3A_1174 : vector<16x8192xf32>
      %get3A_1176 = arith.constant 15 : index
      %get3A_1177 = arith.constant 3 : index
      %get3A_1178 = memref.load %arg4[%get3A_1176, %get3A_1177] : memref<16x5xf32, #tpu.memory_space<smem>>
      %mul3A_1179 = vector.broadcast %get3A_1178 : f32 to vector<16x8192xf32>
      %mul3A_1180 = arith.mulf %mul3A_1179, %max3A_1157 : vector<16x8192xf32>
      %add3A_1181 = arith.addf %add3A_1115, %mul3A_1180 : vector<16x8192xf32>
      %get3A_1182 = arith.constant 15 : index
      %get3A_1183 = arith.constant 4 : index
      %get3A_1184 = memref.load %arg4[%get3A_1182, %get3A_1183] : memref<16x5xf32, #tpu.memory_space<smem>>
      %mul3A_1185 = vector.broadcast %get3A_1184 : f32 to vector<16x8192xf32>
      %mul3A_1186 = arith.mulf %mul3A_1185, %max3A_1157 : vector<16x8192xf32>
      %add3A_1187 = arith.addf %add3A_1121, %mul3A_1186 : vector<16x8192xf32>
      %get3A_1188 = arith.constant 0 : index
      %get3A_1189 = memref.load %arg5[%get3A_1188] : memref<1xf32, #tpu.memory_space<smem>>
      %slice3A_1190 = vector.extract_strided_slice %add3A_1163 {offsets = [0, 0], sizes = [16, 8190], strides = [1, 1]} : vector<16x8192xf32> to vector<16x8190xf32>
      %jit3A_1191 = arith.constant 0 : i32
      %convert_element_type3A_1192 = arith.sitofp %jit3A_1191 : i32 to f32
      %pad3A_1193 = vector.broadcast %convert_element_type3A_1192 : f32 to vector<16x2xf32>
      %pad3A_1194 = tpu.concatenate %pad3A_1193, %slice3A_1190 in 1 : vector<16x2xf32>, vector<16x8190xf32> -> vector<16x8192xf32>
      %add3A_1195 = vector.broadcast %get3A_1189 : f32 to vector<16x8192xf32>
      %add3A_1196 = arith.addf %add3A_1195, %pad3A_1194 : vector<16x8192xf32>
      %slice3A_1197 = vector.extract_strided_slice %add3A_1169 {offsets = [0, 0], sizes = [16, 8191], strides = [1, 1]} : vector<16x8192xf32> to vector<16x8191xf32>
      %jit3A_1198 = arith.constant 0 : i32
      %convert_element_type3A_1199 = arith.sitofp %jit3A_1198 : i32 to f32
      %pad3A_1200 = vector.broadcast %convert_element_type3A_1199 : f32 to vector<16x1xf32>
      %pad3A_1201 = tpu.concatenate %pad3A_1200, %slice3A_1197 in 1 : vector<16x1xf32>, vector<16x8191xf32> -> vector<16x8192xf32>
      %add3A_1202 = arith.addf %add3A_1196, %pad3A_1201 : vector<16x8192xf32>
      %add3A_1203 = arith.addf %add3A_1202, %add3A_1175 : vector<16x8192xf32>
      %slice3A_1204 = vector.extract_strided_slice %add3A_1181 {offsets = [0, 1], sizes = [16, 8191], strides = [1, 1]} : vector<16x8192xf32> to vector<16x8191xf32>
      %jit3A_1205 = arith.constant 0 : i32
      %convert_element_type3A_1206 = arith.sitofp %jit3A_1205 : i32 to f32
      %pad3A_1207 = vector.broadcast %convert_element_type3A_1206 : f32 to vector<16x1xf32>
      %pad3A_1208 = tpu.concatenate %slice3A_1204, %pad3A_1207 in 1 : vector<16x8191xf32>, vector<16x1xf32> -> vector<16x8192xf32>
      %add3A_1209 = arith.addf %add3A_1203, %pad3A_1208 : vector<16x8192xf32>
      %slice3A_1210 = vector.extract_strided_slice %add3A_1187 {offsets = [0, 2], sizes = [16, 8190], strides = [1, 1]} : vector<16x8192xf32> to vector<16x8190xf32>
      %jit3A_1211 = arith.constant 0 : i32
      %convert_element_type3A_1212 = arith.sitofp %jit3A_1211 : i32 to f32
      %pad3A_1213 = vector.broadcast %convert_element_type3A_1212 : f32 to vector<16x2xf32>
      %pad3A_1214 = tpu.concatenate %slice3A_1210, %pad3A_1213 in 1 : vector<16x8190xf32>, vector<16x2xf32> -> vector<16x8192xf32>
      %add3A_1215 = arith.addf %add3A_1209, %pad3A_1214 : vector<16x8192xf32>
      %add3A_1216 = arith.addf %cond3A_76, %add3A_1215 : vector<16x8192xf32>
      scf.yield %add3A_1216 : vector<16x8192xf32>
    } else {
      %mul3A_119 = arith.constant 7.452400e-09 : f32
      %mul3A_120 = vector.broadcast %mul3A_119 : f32 to vector<16x8192xf32>
      %mul3A_121 = arith.mulf %sub3A_101, %mul3A_120 : vector<16x8192xf32>
      %add3A = arith.addf %cond3A_76, %mul3A_121 : vector<16x8192xf32>
      scf.yield %add3A : vector<16x8192xf32>
    }
    %swap3A_113 = arith.constant 3 : index
    %swap3A_114 = arith.constant 0 : index
    %swap3A_115 = arith.constant 0 : index
    %swap3A_116 = vector.load %arg7[%swap3A_113, %swap3A_114, %swap3A_115] : memref<4x16x8192xf32, #tpu.memory_space<vmem>>, vector<1x16x8192xf32>
    %swap3A_117 = vector.shape_cast %swap3A_116 : vector<1x16x8192xf32> to vector<16x8192xf32>
    %swap3A_118 = vector.shape_cast %cond3A_112 : vector<16x8192xf32> to vector<1x16x8192xf32>
    tpu.vector_store %arg7[%swap3A_113, %swap3A_114, %swap3A_115], %swap3A_118 {strides = array<i32>} : memref<4x16x8192xf32, #tpu.memory_space<vmem>>, vector<1x16x8192xf32>,
    return
  }
  func.func @transform_0(%arg0: i32) -> (i32, i32) {
    %c0_i32 = arith.constant 0 : i32
    %c0_i32_0 = arith.constant 0 : i32
    %c0_i32_1 = arith.constant 0 : i32
    return %c0_i32, %c0_i32_0 : i32, i32
  }
  func.func @transform_1(%arg0: i32) -> (i32, i32) {
    %c0_i32 = arith.constant 0 : i32
    %c0_i32_0 = arith.constant 0 : i32
    %c0_i32_1 = arith.constant 0 : i32
    return %c0_i32, %c0_i32_0 : i32, i32
  }
  func.func @transform_2(%arg0: i32) -> i32 {
    %c0_i32 = arith.constant 0 : i32
    %c0_i32_0 = arith.constant 0 : i32
    return %c0_i32 : i32
  }
  func.func @transform_3(%arg0: i32) -> (i32, i32) {
    %c0_i32 = arith.constant 0 : i32
    %c0_i32_0 = arith.constant 0 : i32
    %c0_i32_1 = arith.constant 0 : i32
    return %c0_i32, %c0_i32_0 : i32, i32
  }
  func.func @transform_4(%arg0: i32) -> i32 {
    %c0_i32 = arith.constant 0 : i32
    %c0_i32_0 = arith.constant 0 : i32
    return %c0_i32 : i32
  }
  func.func @transform_5(%arg0: i32) -> (i32, i32) {
    %c0_i32 = arith.constant 0 : i32
    %c0_i32_0 = arith.constant 0 : i32
    return %arg0, %c0_i32 : i32, i32
  }
  func.func @transform_6(%arg0: i32) -> (i32, i32, i32) {
    %c0_i32 = arith.constant 0 : i32
    %c0_i32_0 = arith.constant 0 : i32
    %c0_i32_1 = arith.constant 0 : i32
    return %c0_i32, %arg0, %c0_i32_0 : i32, i32, i32
  }
}

</mosaic_0001>

<sc_bundles>
// kernel: kernel.4.cloned.1.call-start
scs
__scs_entry_jumppad:
0x0: {  	(pc) =	sbr.rel $0x88, $3  }
0x1: {  	(tag) =	ssettag $0x0;
	lr =	simm.s32 $0x1  }
0x2: {  	[smem:$0x3F9B] =	sst lr;
	_ =	strace $0xD0000000  }
0x3: {  	_ = 	snop  }
0x4: {  	_ = 	snop  }
0x5: {  	_ = 	snop  }
0x6: {  	_ = 	snop  }
0x7: {  	_ = 	snop  }
__scs_overlays_trampoline_lowered:
0x8: {  	[smem:$0x3FAA] =	sst s0  }
0x9: {  	[smem:$0x3FAB] =	sst s1  }
0xa: {  	[smem:$0x3FAC] =	sst s2  }
0xb: {  	[smem:$0x3FAD] =	sst s3  }
0xc: {  	[smem:$0x3FAE] =	sst s4  }
0xd: {  	[smem:$0x3FAF] =	sst s5  }
0xe: {  	[smem:$0x3FB0] =	sst s6  }
0xf: {  	[smem:$0x3FB1] =	sst s7  }
0x10: {  	[smem:$0x3FB2] =	sst s8  }
0x11: {  	[smem:$0x3FB3] =	sst s9;
	s0 =	simm.s32 @!p0 $0x0  }
0x12: {  	s1 =	sld [smem:$0x3F99];
	s0 =	simm.s32 @p0 $0x1  }
0x13: {  	[smem:$0x3FB4] =	sst s0;
	s0 =	simm.s32 @!p1 $0x0  }
0x14: {  	s2 =	sld [smem:$0x3F98];
	s0 =	simm.s32 @p1 $0x1  }
0x15: {  	[smem:$0x3FB5] =	sst s0;
	s0 =	simm.s32 @!p2 $0x0  }
0x16: {  	s3 =	sld [smem:$0x3FDB];
	s0 =	simm.s32 @p2 $0x1  }
0x17: {  	s4 =	simm.s32 $0x1BF5;
	[smem:$0x3FB7] =	sst s0  }
0x18: {  	s0 =	sld [smem:$0x3F9A];
	_ =	swait.ge [sflag:s4], $0x0  }
0x19: {  	s7 =	sld [smem:$0x3F9B]  }
0x1a: {  	s8 =	sadd.s32 $0xFFFFE003, lr  }
0x1b: {  	s9 =	sadd.s32 $0xFFFFFEF7, lr;
	s5 =	simm.s32 $0xFFFFFFFF;
	p2 =	slt.u32 s8, $0xFFFFF086  }
0x1c: {  	p1 =	slt.u32 s9, $0xF7A;
	s5 =	simm.s32 @!p2 $0x0  }
0x1d: {  	s5 =	simm.s32 @p1 $0x1;
	p0 =	seq.s32 s7, s2  }
0x1e: {  	s7 =	smul.u32 @!p0 $0xF7A, s2;
	p2 =	seq.s32 @!p0 s5, $0x0  }
0x1f: {  	s9 =	smul.u32 $0xF7A, s1;
	s8 =	simm.s32 @!p0 $0x1BF5;
	p2 =	por !p2, p0  }
0x20: {  	[sflag:s8] =	ssyncset.s32 @!p0 $0xFFFFF086;
	s6 =	sadd.s32 @!p0 s3, s7;
	s7 =	simm.s32 @!p0 $0x108  }
0x21: {  	s3 =	sadd.s32 s3, s9;
	s6 =	sadd.s32 @!p0 $0x88, s6;
	s7 =	simm.s32 @p2 $0x1082  }
0x22: {  	[simem:s7], [sflag:s8] =	dma.local @!p0 [hbm:s6], $0xF7A  }
0x23: {  	s9 =	sor.u32 $0xD0000000, s2;
	s6 =	simm.s32 $0x108;
	_ =	swait.ge @!p0 [sflag:s8], $0x0  }
0x24: {  	s3 =	sadd.s32 $0x88, s3;
	s6 =	simm.s32 @!p1 $0x1082;
	[sflag:s4] =	ssyncset.s32 $0xFFFFF086  }
0x25: {  	[simem:s6], [sflag:s4] =	dma.local [hbm:s3], $0xF7A  }
0x26: {  	[smem:$0x3F9B] =	sst s1;
	(tag) =	ssettag s2;
	_ =	strace s9  }
0x27: {  	s1 =	sld [smem:$0x3FAB]  }
0x28: {  	s2 =	sld [smem:$0x3FAC]  }
0x29: {  	s4 =	sld [smem:$0x3FAE]  }
0x2a: {  	p0 =	seq.s32 s5, $0x0;
	s5 =	sld [smem:$0x3FAF]  }
0x2b: {  	s6 =	sld [smem:$0x3FB0]  }
0x2c: {  	s7 =	sld [smem:$0x3FB1]  }
0x2d: {  	s3 =	simm.s32 $0x108;
	s8 =	sld [smem:$0x3FB2]  }
0x2e: {  	s3 =	simm.s32 @!p0 $0x1082;
	s9 =	sld [smem:$0x3FB3]  }
0x2f: {  	lr =	sadd.s32 s0, s3;
	s0 =	sld [smem:$0x3FAA]  }
0x30: {  	s3 =	sld [smem:$0x3FAD]  }
0x31: {  	[smem:$0x3FB6] =	sst s10  }
0x32: {  	s10 =	sld [smem:$0x3FB4];
	_ =	sdelay $0x3  }
0x33: {  	p0 =	seq.s32 s10, $0x1;
	s10 =	sld [smem:$0x3FB6];
	_ =	sdelay $0x3  }
0x34: {  	[smem:$0x3FB6] =	sst s10  }
0x35: {  	s10 =	sld [smem:$0x3FB5];
	_ =	sdelay $0x3  }
0x36: {  	p1 =	seq.s32 s10, $0x1;
	s10 =	sld [smem:$0x3FB6];
	_ =	sdelay $0x3  }
0x37: {  	[smem:$0x3FB6] =	sst s10  }
0x38: {  	s10 =	sld [smem:$0x3FB7]  }
0x39: {  	_ = 	snop;
	(pc) =	sbr.ind lr, $3  }
0x3a: {  	_ = 	snop  }
0x3b: {  	_ = 	snop  }
0x3c: {  	p2 =	seq.s32 s10, $0x1;
	s10 =	sld [smem:$0x3FB6]  }
0x3d: {  	_ =	shalt  }
0x3e: {  	_ =	shalt  }
0x3f: {  	_ =	shalt  }
0x40: {  	_ =	shalt  }
0x41: {  	_ =	shalt  }
0x42: {  	_ =	shalt  }
0x43: {  	_ =	shalt  }
0x44: {  	_ =	shalt  }
0x45: {  	_ =	shalt  }
0x46: {  	_ =	shalt  }
0x47: {  	_ =	shalt  }
0x48: {  	_ =	shalt  }
0x49: {  	_ =	shalt  }
0x4a: {  	_ =	shalt  }
0x4b: {  	_ =	shalt  }
0x4c: {  	_ =	shalt  }
0x4d: {  	_ =	shalt  }
0x4e: {  	_ =	shalt  }
0x4f: {  	_ =	shalt  }
0x50: {  	_ =	shalt  }
0x51: {  	_ =	shalt  }
0x52: {  	_ =	shalt  }
0x53: {  	_ =	shalt  }
0x54: {  	_ =	shalt  }
0x55: {  	_ =	shalt  }
0x56: {  	_ =	shalt  }
0x57: {  	_ =	shalt  }
0x58: {  	_ =	shalt  }
0x59: {  	_ =	shalt  }
0x5a: {  	_ =	shalt  }
0x5b: {  	_ =	shalt  }
0x5c: {  	_ =	shalt  }
0x5d: {  	_ =	shalt  }
0x5e: {  	_ =	shalt  }
0x5f: {  	_ =	shalt  }
0x60: {  	_ =	shalt  }
0x61: {  	_ =	shalt  }
0x62: {  	_ =	shalt  }
0x63: {  	_ =	shalt  }
0x64: {  	_ =	shalt  }
0x65: {  	_ =	shalt  }
0x66: {  	_ =	shalt  }
0x67: {  	_ =	shalt  }
0x68: {  	_ =	shalt  }
0x69: {  	_ =	shalt  }
0x6a: {  	_ =	shalt  }
0x6b: {  	_ =	shalt  }
0x6c: {  	_ =	shalt  }
0x6d: {  	_ =	shalt  }
0x6e: {  	_ =	shalt  }
0x6f: {  	_ =	shalt  }
0x70: {  	_ =	shalt  }
0x71: {  	_ =	shalt  }
0x72: {  	_ =	shalt  }
0x73: {  	_ =	shalt  }
0x74: {  	_ =	shalt  }
0x75: {  	_ =	shalt  }
0x76: {  	_ =	shalt  }
0x77: {  	_ =	shalt  }
0x78: {  	_ =	shalt  }
0x79: {  	_ =	shalt  }
0x7a: {  	_ =	shalt  }
0x7b: {  	_ =	shalt  }
0x7c: {  	_ =	shalt  }
0x7d: {  	_ =	shalt  }
0x7e: {  	_ =	shalt  }
0x7f: {  	_ =	shalt  }
0x80: {  	_ =	shalt  }
0x81: {  	_ =	shalt  }
0x82: {  	_ =	shalt  }
0x83: {  	_ =	shalt  }
0x84: {  	_ =	shalt  }
0x85: {  	_ =	shalt  }
0x86: {  	_ =	shalt  }
0x87: {  	_ =	shalt  }
.Lfunc_end0:
.L_simem_size_0:
called_computation_lowered:
.L_overlay_start_0:
0x88: {  	s2 =	sld [smem:$0x3FD9]  }
0x89: {  	s3 =	sld [smem:$0x3FFE];
	_ =	sdelay $0x1  }
0x8a: {  	s1 =	srdreg.scid  }
0x8b: {  	s0 =	sand.u32 $0x1, s1  }
0x8c: {  	s14 =	sshll.u32 s0, $0xA;
	s2 =	sadd.s32 s3, s2  }
0x8d: {  	s2 =	sadd.s32 s2, s14  }
0x8e: {  	[smem:$0x3FC2] =	sst s2  }
0x8f: {  	_ = 	snop  }
0x90: {  	s2 =	sld [smem:$0x3FD0];
	_ =	sdelay $0x2  }
0x91: {  	s15 =	simm.s32 $0xA;
	s4 =	simm.s32 $0x10  }
0x92: {  	[smem:s4], [sflag:s15] =	dma.local [hbm:s2], $0x1  }
0x93: {  	_ =	swait.eq [sflag:s15], $0x1  }
0x94: {  	[sflag:s15] =	ssyncset.done $0x0  }
0x95: {  	[sflag:s15] =	ssyncadd.s32 $0xFFFFFFFF  }
0x96: {  	s16 =	sld [smem:$0x11];
	(tm) =	ssettm $0x1  }
0x97: {  	s17 =	sld [smem:$0x3FFB];
	_ =	sdelay $0x3  }
0x98: {  	_ =	strace s17  }
0x99: {  	s3 =	sld [smem:$0x3FFC];
	_ =	sdelay $0x3  }
0x9a: {  	_ =	strace s3  }
0x9b: {  	s3 =	sld [smem:$0x3FFD];
	_ =	sdelay $0x3  }
0x9c: {  	_ =	strace s3  }
0x9d: {  	_ =	strace $0x8FFFFFFF  }
0x9e: {  	s18 =	sld [smem:$0x3FDB];
	_ =	sdelay $0x1  }
0x9f: {  	s19 =	simm.s32 $_scs_section_size  }
0xa0: {  	s5 =	simm.s32 $_size__tile_overlayer_lowered;
	s6 =	simm.s32 $_tile_overlayer_lowered  }
0xa1: {  	s22 =	simm.s32 $0x1BFF;
	s21 =	sshll.u32 s6, $0x1;
	s3 =	sadd.s32 s19, s18  }
0xa2: {  	s7 =	simm.s32 $0x0;
	s20 =	sshll.u32 s5, $0x1;
	s5 =	sadd.s32 s21, s3  }
0xa3: {  	[timem:s7], [sflag:s22] =	dma.local [hbm:s5], s20  }
0xa4: {  	_ =	swait.ge [sflag:s22], s20  }
0xa5: {  	s4 =	ssub.s32 $0x0, s20;
	[sflag:s22] =	ssyncset.done $0x0  }
0xa6: {  	[sflag:s22] =	ssyncadd.s32 s4;
	_ =	sdelay $0x1  }
0xa7: {  	s23 =	simm.s32 $0x1B8B  }
0xa8: {  	_ =	swait.ge [sflag:s23], $0x1  }
0xa9: {  	[sflag:s23] =	ssyncset.done $0x0  }
0xaa: {  	s25 =	simm.s32 $0x1B8E;
	s24 =	sld [smem:$0x3FFE];
	[sflag:s23] =	ssyncadd.s32 $0xFFFFFFFF  }
0xab: {  	s26 =	simm.s32 $execute0_lowered;
	[smem:$0x3FD2] =	sst s25  }
0xac: {  	s5 =	sshll.u32 s26, $0x1;
	_ =	strace $0x80000046;
	[dreg:$0x1] =	wrdreg $0xFFFFFFFF  }
0xad: {  	s28 =	simm.s32 $_size_execute0_lowered;
	s3 =	sadd.s32 s3, s5;
	[dreg:$0x0] =	wrdreg $0x0  }
0xae: {  	s5 =	sshll.u32 s28, $0x1;
	[dreg:$0x2] =	wrdreg s3  }
0xaf: {  	[dreg:$0x3] =	wrdreg s5  }
0xb0: {  	[dreg:$0x4] =	wrdreg $0xC0  }
0xb1: {  	_ =	task [dreg:s7], $0x5FFFF  }
0xb2: {  	[dreg:$0x1] =	wrdreg $0xFFFFFFFF  }
0xb3: {  	[dreg:$0x0] =	wrdreg $0x60  }
0xb4: {  	[dreg:$0x2] =	wrdreg s16  }
0xb5: {  	[dreg:$0x3] =	wrdreg s24  }
0xb6: {  	[dreg:$0x4] =	wrdreg $0x9  }
0xb7: {  	_ =	task.clear_ibuf [dreg:s7], $0x5FFFF;
	_ =	strace $0x90000046  }
0xb8: {  	s29 =	simm.s32 $0x9;
	_ =	strace $0x80000048  }
0xb9: {  	_ =	swait.ge [sflag:s29], $0x1  }
0xba: {  	[sflag:s29] =	ssyncadd.s32 $0xFFFFFFFF  }
0xbb: {  	_ =	strace $0x90000048  }
0xbc: {  	_ =	sfence  }
0xbd: {  	s30 =	sld [smem:$0x0];
	_ =	sdelay $0x2  }
0xbe: {  	s31 =	sshll.u32 s1, $0xD;
	s1 =	sshrl.u32 s1, $0x2  }
0xbf: {  	s3 =	sand.u32 $0x4000, s31;
	s1 =	sadd.s32 s1, s30  }
0xc0: {  	s0 =	sor.u32 s3, s0;
	s1 =	sshll.u32 s1, $0x11  }
0xc1: {  	s0 =	sor.u32 s1, s0  }
0xc2: {  	s0 =	sadd.s32 $0x8F2B, s0  }
0xc3: {  	[sflag:s0] =	ssyncadd.remote.s32 $0x1  }
0xc4: {  	_ =	sfence.sel $0xFFFF  }
0xc5: {  	[dreg:$0x0] =	wrdreg $0xFFFFFFFF;
	(pc) =	sbr.abs _section_cstart, $3  }
0xc6: {  	[dreg:$0x1] =	wrdreg $0xFFFFFFFF  }
0xc7: {  	_ =	task.clear_ibuf [dreg:s7], $0x2FFFF;
	_ =	strace $0x9FFFFFFF  }
0xc8: {  	(tm) =	ssettm $0x7FFFFFFF  }
0xc9: {  	_ =	shalt  }
tec
execute0_lowered:
.L_overlay_start_1:
0x0: {  	(tag) =	ssettag $0x1  }
0x1: {  	s0 =	srdreg.scid  }
0x2: {  	s4 =	sand.u32 $0x1, s0;
	s0 =	stileid.u32  }
0x3: {  	s5 =	sor.u32 s0, s4  }
0x4: {  	p0 =	sne.s32 s5, $0x0  }
.Ltmp0:
0x5: {  	_ = 	snop;
	(pc) =	sbr.rel @p0 .LBB2_3-.Ltmp0, $4  }
0x6: {  	_ = 	snop  }
0x7: {  	s2 =	rddreg [dreg:$0x0]  }
0x8: {  	s3 =	rddreg [dreg:$0x1]  }
0x9: {  	s1 =	rddreg [dreg:$0x2];
	_ =	strace $0x80000047  }
0xa: {  	s4 =	ssub.s32 $0x2, s4  }
0xb: {  	s3 =	sadd.s32 $0x800, s3;
	s6 =	simm.s32 $0x1;
	s5 =	sshrl.u32 s4, $0x1  }
0xc: {  	s7 =	simm.s32 $0x400;
	s4 =	ssub.s32 s4, s5;
	s5 =	simm.s32 $0x0  }
.LBB2_2:
0xd: {  	[tilespmem:s5], [sflag:$0x1] =	stream.linear.gather [hbm4b:s2+s5], $0x400, $0x38;
	[tilespmem:$0x800] =	vst v63  }
0xe: {  	_ =	swait.ge [sflag:s6], $0x400  }
0xf: {  	[sflag:s6] =	ssyncset.done $0x0  }
0x10: {  	[sflag:s6] =	ssyncadd.s32 $0xFFFFFC00  }
0x11: {  	v0 =	vld [tilespmem:$0x0]  }
0x12: {  	v1 =	vld [tilespmem:$0x200];
	_ =	sdelay $0x4  }
0x13: {  	v2 =	vmax.f32 v0, v1  }
0x14: {  	v0 =	vsub.f32 v0, v2  }
0x15: {  	v1 =	vsub.f32 v1, v2  }
0x16: {  	v0 =	vmul.f32 $1.442695020e+00, v0  }
0x17: {  	v1 =	vmul.f32 $1.442695020e+00, v1  }
0x18: {  	(erf) = vpow2.f32 v0  }
0x19: {  	(erf) = vpow2.f32 v1;
	_ =	sdelay $0x3  }
0x1a: {  	v46 =	vld [tilespmem:$0x80]  }
0x1b: {  	v47 =	vld [tilespmem:$0x280];
	_ =	sdelay $0x2  }
0x1c: {  	v48 =	vpop (erf)  }
0x1d: {  	v3 =	vpop (erf)  }
0x1e: {  	v4 =	vmax.f32 v46, v47;
	v3 =	vadd.f32 v3, v48  }
0x1f: {  	v0 =	vsub.f32 v46, v4  }
0x20: {  	v1 =	vsub.f32 v47, v4;
	(erf) = vrcp.f32 v3  }
0x21: {  	v0 =	vmul.f32 $1.442695020e+00, v0  }
0x22: {  	v1 =	vmul.f32 $1.442695020e+00, v1  }
0x23: {  	(erf) = vpow2.f32 v0  }
0x24: {  	(erf) = vpow2.f32 v1;
	_ =	sdelay $0x3  }
0x25: {  	v49 =	vld [tilespmem:$0x100]  }
0x26: {  	v51 =	vld [tilespmem:$0x300];
	v50 =	vpop (erf)  }
0x27: {  	v1 =	vmul.f32 v50, v48;
	_ =	sdelay $0x1  }
0x28: {  	v52 =	vpop (erf);
	[tilespmem:$0x400] =	vst v1  }
0x29: {  	v53 =	vpop (erf);
	[tilespmem:$0x410] =	vst v1  }
0x2a: {  	v5 =	vmax.f32 v49, v51;
	[tilespmem:$0x420] =	vst v1;
	v4 =	vadd.f32 v53, v52  }
0x2b: {  	v0 =	vsub.f32 v49, v5;
	[tilespmem:$0x430] =	vst v1  }
0x2c: {  	v3 =	vsub.f32 v51, v5;
	[tilespmem:$0x440] =	vst v1;
	(erf) = vrcp.f32 v4  }
0x2d: {  	v0 =	vmul.f32 $1.442695020e+00, v0;
	[tilespmem:$0x450] =	vst v1  }
0x2e: {  	v3 =	vmul.f32 $1.442695020e+00, v3;
	[tilespmem:$0x460] =	vst v1  }
0x2f: {  	[tilespmem:$0x470] =	vst v1;
	(erf) = vpow2.f32 v0  }
0x30: {  	[tilespmem:$0x480] =	vst v1;
	(erf) = vpow2.f32 v3  }
0x31: {  	[tilespmem:$0x490] =	vst v1  }
0x32: {  	[tilespmem:$0x4A0] =	vst v1  }
0x33: {  	[tilespmem:$0x4B0] =	vst v1  }
0x34: {  	v54 =	vld [tilespmem:$0x180];
	[tilespmem:$0x4C0] =	vst v1  }
0x35: {  	v56 =	vld [tilespmem:$0x380];
	[tilespmem:$0x4D0] =	vst v1;
	v55 =	vpop (erf)  }
0x36: {  	[tilespmem:$0x4E0] =	vst v1;
	v2 =	vmul.f32 v55, v52  }
0x37: {  	[tilespmem:$0x4F0] =	vst v1  }
0x38: {  	v57 =	vpop (erf);
	[tilespmem:$0x500] =	vst v2  }
0x39: {  	v58 =	vpop (erf);
	[tilespmem:$0x510] =	vst v2  }
0x3a: {  	v59 =	vmax.f32 v54, v56;
	[tilespmem:$0x520] =	vst v2;
	v3 =	vadd.f32 v58, v57  }
0x3b: {  	v0 =	vsub.f32 v54, v59;
	[tilespmem:$0x530] =	vst v2  }
0x3c: {  	v60 =	vsub.f32 v56, v59;
	[tilespmem:$0x540] =	vst v2;
	(erf) = vrcp.f32 v3  }
0x3d: {  	v0 =	vmul.f32 $1.442695020e+00, v0;
	[tilespmem:$0x550] =	vst v2  }
0x3e: {  	[tilespmem:$0x560] =	vst v2;
	v3 =	vmul.f32 $1.442695020e+00, v60  }
0x3f: {  	[tilespmem:$0x570] =	vst v2;
	(erf) = vpow2.f32 v0  }
0x40: {  	[tilespmem:$0x580] =	vst v2;
	(erf) = vpow2.f32 v3  }
0x41: {  	[tilespmem:$0x590] =	vst v2  }
0x42: {  	[tilespmem:$0x5A0] =	vst v2  }
0x43: {  	[tilespmem:$0x5B0] =	vst v2  }
0x44: {  	[tilespmem:$0x5C0] =	vst v2  }
0x45: {  	[tilespmem:$0x5D0] =	vst v2;
	v61 =	vpop (erf)  }
0x46: {  	[tilespmem:$0x5E0] =	vst v2;
	v0 =	vmul.f32 v61, v57  }
0x47: {  	[tilespmem:$0x5F0] =	vst v2  }
0x48: {  	v62 =	vpop (erf);
	[tilespmem:$0x600] =	vst v0  }
0x49: {  	v63 =	vpop (erf);
	[tilespmem:$0x610] =	vst v0  }
0x4a: {  	[tilespmem:$0x620] =	vst v0;
	v2 =	vadd.f32 v63, v62  }
0x4b: {  	[tilespmem:$0x630] =	vst v0  }
0x4c: {  	[tilespmem:$0x640] =	vst v0;
	(erf) = vrcp.f32 v2  }
0x4d: {  	[tilespmem:$0x650] =	vst v0  }
0x4e: {  	[tilespmem:$0x660] =	vst v0  }
0x4f: {  	[tilespmem:$0x670] =	vst v0  }
0x50: {  	[tilespmem:$0x680] =	vst v0  }
0x51: {  	[tilespmem:$0x690] =	vst v0  }
0x52: {  	[tilespmem:$0x6A0] =	vst v0  }
0x53: {  	[tilespmem:$0x6B0] =	vst v0  }
0x54: {  	[tilespmem:$0x6C0] =	vst v0  }
0x55: {  	[tilespmem:$0x6D0] =	vst v0;
	v2 =	vpop (erf)  }
0x56: {  	[tilespmem:$0x6E0] =	vst v0;
	v1 =	vmul.f32 v2, v62  }
0x57: {  	[tilespmem:$0x6F0] =	vst v0  }
0x58: {  	[tilespmem:$0x700] =	vst v1  }
0x59: {  	[tilespmem:$0x710] =	vst v1  }
0x5a: {  	[tilespmem:$0x720] =	vst v1  }
0x5b: {  	[tilespmem:$0x730] =	vst v1  }
0x5c: {  	[tilespmem:$0x740] =	vst v1  }
0x5d: {  	[tilespmem:$0x750] =	vst v1  }
0x5e: {  	[tilespmem:$0x760] =	vst v1  }
0x5f: {  	[tilespmem:$0x770] =	vst v1  }
0x60: {  	[tilespmem:$0x780] =	vst v1  }
0x61: {  	[tilespmem:$0x790] =	vst v1  }
0x62: {  	[tilespmem:$0x7A0] =	vst v1  }
0x63: {  	[tilespmem:$0x7B0] =	vst v1  }
0x64: {  	[tilespmem:$0x7C0] =	vst v1  }
0x65: {  	[tilespmem:$0x7D0] =	vst v1  }
0x66: {  	p0 =	sne.s32 s4, $0x1;
	[tilespmem:$0x7E0] =	vst v1  }
.Ltmp1:
0x67: {  	[tilespmem:$0x7F0] =	vst v1;
	(pc) =	sbr.rel @p0 .LBB2_2-.Ltmp1, $4  }
0x68: {  	[hbm4b:s3+s5] =	stream.linear.scatter [tilespmem:s7], [sflag:$0x1], $0x400, $0x38;
	[tilespmem:$0x800] =	vst v63  }
0x69: {  	_ =	swait.ge [sflag:s6], $0x400  }
0x6a: {  	[sflag:s6] =	ssyncset.done $0x0  }
0x6b: {  	s4 =	sadd.s32 $0xFFFFFFFF, s4;
	[sflag:s6] =	ssyncadd.s32 $0xFFFFFC00  }
.LBB2_3:
0x6c: {  	_ =	sfence.sel $0x180000  }
0x6d: {  	[bflag:$0x0] =	sbarrier.arrive $0xFFFF  }
0x6e: {  	p0 =	sne.s32 s0, $0x0;
	_ =	strace $0x90000047  }
0x6f: {  	s0 =	sadd.s32 @!p0 $0x100000, s1;
	[bflag:$0x2] =	sbarrier.arrive $0xFFFF  }
0x70: {  	[sflag:s0] =	ssyncadd.tile.s32 @!p0 $0x1;
	_ =	shalt  }
.Lfunc_end2:
_tile_overlayer_lowered:
.L_overlay_start_2:
0x71: {  	(tag) =	ssettag $0x2  }
0x72: {  	s0 =	rddreg [dreg:$0x0];
	s2 =	stileid.u32  }
0x73: {  	s1 =	rddreg [dreg:$0x1];
	p0 =	sne.s32 s2, $0x0  }
0x74: {  	s3 =	rddreg [dreg:$0x2];
	[bflag:$0x3] =	sbarrier.arrive $0xFFFF;
	s2 =	simm.s32 @!p0 $0x1C01  }
0x75: {  	[timem:s3], [sflag:s2] =	dma.local @!p0 [hbm:s0], s1  }
0x76: {  	s0 =	simm.s32 @!p0 $0x1  }
0x77: {  	_ =	swait.ge @!p0 [sflag:s0], s1  }
0x78: {  	s1 =	ssub.s32 @!p0 $0x0, s1;
	[sflag:s0] =	ssyncset.done @!p0 $0x0  }
0x79: {  	[sflag:s0] =	ssyncadd.s32 @!p0 s1  }
0x7a: {  	[bflag:$0x3] =	sbarrier.arrive $0xFFFF  }
0x7b: {  	_ =	shalt  }

</sc_bundles>
